<compile_context>
chip_gen: v7x
topology: tpu7x:2x2x1
jax: 0.10.2.dev20260603
libtpu: 0.0.44.dev20260713+nightly
codegen_flags: <defaults>
</compile_context>

<pallas_src>
import jax
import jax.numpy as jnp
from jax import lax
from jax.experimental import pallas as pl
from jax.experimental.pallas import tpu as pltpu
from jax.experimental.pallas import tpu_sc as plsc

B = 16384
D = 128
NC = 2
NS = 16
NW = NC * NS
PER_W = B // NW
CHUNK = 128
NCH = PER_W // CHUNK
NLANE = 16
NACC = D // NLANE
NGRP = CHUNK // NLANE
NUM_ROWS8 = 12500
NBUF = 3


def _sc_body(idx_h, ue_h, be_h, bias_h,
             partials_o, sbg_o,
             idx_v, idx8_v, ubuf, bbuf,
             ubias8, bbias8, sbias_f, acc_v,
             emb_sem, bias_sem, out_sem):
    wid = lax.axis_index("s") * NC + lax.axis_index("c")
    base = wid * PER_W

    pltpu.sync_copy(idx_h.at[wid], idx_v)

    for r in range(2 * NCH):
        off = 0 if r < NCH else NUM_ROWS8
        for g in range(NGRP):
            v = idx_v[r, pl.ds(g * NLANE, NLANE)]
            idx8_v[r, pl.ds(g * NLANE, NLANE)] = (
                lax.shift_right_logical(v, 3) + off)

    def issue(j, p):
        return (
            pltpu.async_copy(ue_h.at[idx_v.at[j]], ubuf.at[p], emb_sem.at[p]),
            pltpu.async_copy(be_h.at[idx_v.at[NCH + j]], bbuf.at[p],
                             emb_sem.at[p]),
            pltpu.async_copy(bias_h.at[idx8_v.at[j]], ubias8.at[p],
                             bias_sem.at[p]),
            pltpu.async_copy(bias_h.at[idx8_v.at[NCH + j]], bbias8.at[p],
                             bias_sem.at[p]),
        )

    accs = [jnp.zeros((NLANE,), jnp.float32) for _ in range(2 * NACC)]
    outcps = []
    pend = [issue(0, 0), issue(1, 1), issue(2, 2)]
    for j in range(NCH):
        p = j % NBUF
        cps = pend[0]
        cps[2].wait()
        cps[3].wait()
        for g in range(NGRP):
            pos = lax.iota(jnp.int32, NLANE) + (g * NLANE)
            ui = idx_v[j, pl.ds(g * NLANE, NLANE)]
            bi = idx_v[NCH + j, pl.ds(g * NLANE, NLANE)]
            uv = plsc.load_gather(ubias8.at[p], [pos, jnp.bitwise_and(ui, 7)])
            bv = plsc.load_gather(bbias8.at[p], [pos, jnp.bitwise_and(bi, 7)])
            sbias_f[p, pl.ds(g * NLANE, NLANE)] = uv + bv
        off = base + j * CHUNK
        outcps.append(pltpu.async_copy(
            sbias_f.at[p], sbg_o.at[pl.ds(off, CHUNK)], out_sem))

        cps[0].wait()
        cps[1].wait()
        ub_j, bb_j = ubuf.at[p], bbuf.at[p]

        def row_body(r, accs, ub_j=ub_j, bb_j=bb_j):
            out = []
            for k in range(2):
                for c in range(NACC):
                    u = ub_j[2 * r + k, pl.ds(c * NLANE, NLANE)]
                    b = bb_j[2 * r + k, pl.ds(c * NLANE, NLANE)]
                    out.append(accs[k * NACC + c] + u * b)
            return tuple(out)

        accs = list(lax.fori_loop(0, CHUNK // 2, row_body, tuple(accs)))
        pend.pop(0)
        if j + NBUF < NCH:
            pend.append(issue(j + NBUF, p))

    total = accs[0]
    for c in range(1, 2 * NACC):
        total = total + accs[c]
    acc_v[...] = total
    for cp in outcps:
        cp.wait()
    pltpu.sync_copy(acc_v, partials_o.at[pl.ds(wid * NLANE, NLANE)])


def _tc_body(p_ref, s_ref, o_ref):
    total = jnp.sum(p_ref[...])
    o_ref[...] = jax.nn.sigmoid(total + s_ref[...])


def kernel(inputs, user_embedding, user_bias, book_embedding, book_bias):
    uidx = inputs[:, 0].reshape(NW, NCH, CHUNK)
    bidx = inputs[:, 1].reshape(NW, NCH, CHUNK)
    idx_all = jnp.concatenate([uidx, bidx], axis=1)
    bias_all = jnp.concatenate(
        [user_bias.T, book_bias.T], axis=0).reshape(2 * NUM_ROWS8, 8)

    mesh = plsc.VectorSubcoreMesh(
        core_axis_name="c", subcore_axis_name="s",
        num_cores=NC, num_subcores=NS)

    sc = pl.kernel(
        _sc_body,
        out_type=(
            jax.ShapeDtypeStruct((NW * NLANE,), jnp.float32),
            jax.ShapeDtypeStruct((B,), jnp.float32),
        ),
        mesh=mesh,
        scratch_types=[
            pltpu.VMEM((2 * NCH, CHUNK), jnp.int32),
            pltpu.VMEM((2 * NCH, CHUNK), jnp.int32),
            pltpu.VMEM((NBUF, CHUNK, D), jnp.float32),
            pltpu.VMEM((NBUF, CHUNK, D), jnp.float32),
            pltpu.VMEM((NBUF, CHUNK, 8), jnp.float32),
            pltpu.VMEM((NBUF, CHUNK, 8), jnp.float32),
            pltpu.VMEM((NBUF, CHUNK), jnp.float32),
            pltpu.VMEM((NLANE,), jnp.float32),
            pltpu.SemaphoreType.DMA((NBUF,)),
            pltpu.SemaphoreType.DMA((NBUF,)),
            pltpu.SemaphoreType.DMA,
        ],
        compiler_params=pltpu.CompilerParams(
            use_tc_tiling_on_sc=False, needs_layout_passes=False),
    )
    partials, sbg = sc(idx_all, user_embedding, book_embedding, bias_all)

    out = pl.pallas_call(
        _tc_body,
        out_shape=jax.ShapeDtypeStruct((B // D, D), jnp.float32),
    )(partials.reshape(NW * NLANE // D, D), sbg.reshape(B // D, D))
    return out.reshape(B, 1)

# --- scband reference (transcript-rebuilt; emitter-appended) ---
"""Pipeline reference for scband-recommender-net-29961691857418 (READ-ONLY COPY).

The authoritative reference and input builder live on the scoring server;
editing this copy changes nothing except your own understanding.
"""

import jax, jax.numpy as jnp
import numpy as np

NUM_USERS = 100000
NUM_BOOKS = 100000
EMBED_DIM = 128
BATCH = 16384


def setup_inputs(seed: int = 0) -> dict:
    key = jax.random.key(seed)
    k1, k2, k3, k4, k5 = jax.random.split(key, 5)
    inputs = jax.random.randint(k1, (BATCH, 2), 0, NUM_USERS, dtype=jnp.int64 if jax.config.jax_enable_x64 else jnp.int32)
    # he_normal initializer: stddev = sqrt(2 / fan_in); for Embedding fan_in = embedding_dim
    he_std = float(np.sqrt(2.0 / EMBED_DIM))
    user_embedding = jax.random.normal(k2, (NUM_USERS, EMBED_DIM), dtype=jnp.float32) * he_std
    book_embedding = jax.random.normal(k3, (NUM_BOOKS, EMBED_DIM), dtype=jnp.float32) * he_std
    user_bias = jax.random.normal(k4, (NUM_USERS, 1), dtype=jnp.float32) * 0.05
    book_bias = jax.random.normal(k5, (NUM_BOOKS, 1), dtype=jnp.float32) * 0.05
    return {
        "inputs": inputs,
        "user_embedding": user_embedding,
        "user_bias": user_bias,
        "book_embedding": book_embedding,
        "book_bias": book_bias,
    }


def reference(inputs, user_embedding, user_bias, book_embedding, book_bias):
    # user/book embedding lookups (SparseCore gather)
    user_vector = jnp.take(user_embedding, inputs[:, 0], axis=0)      # [B, D]
    # dropout is identity at inference time
    ub = jnp.take(user_bias, inputs[:, 0], axis=0)                    # [B, 1]
    book_vector = jnp.take(book_embedding, inputs[:, 1], axis=0)     # [B, D]
    bb = jnp.take(book_bias, inputs[:, 1], axis=0)                    # [B, 1]
    # Faithful to the original: tf.tensordot(a, b, 2) contracts BOTH axes
    # of [B, D] with [B, D], yielding a scalar.
    dot_user_book = jnp.tensordot(user_vector, book_vector, 2)        # scalar
    x = dot_user_book + ub + bb                                       # [B, 1] via broadcast
    return jax.nn.sigmoid(x)

if __name__ == "__main__":
    import jax
    _d = setup_inputs()
    print(jax.jit(kernel)(*tuple(_d.values())))

</pallas_src>

<mosaic_0001>
#map = affine_map<(d0, d1) -> (0, 0, 0)>
#map1 = affine_map<(d0, d1) -> (0, 0)>
#map2 = affine_map<(d0, d1) -> (0)>
module attributes {stable_mosaic.version = 14 : i64} {
  func.func @_sc_body(%arg0: i32, %arg1: i32, %arg2: memref<32x8x128xi32, #tpu.memory_space<hbm>>, %arg3: memref<100000x128xf32, #tpu.memory_space<hbm>>, %arg4: memref<100000x128xf32, #tpu.memory_space<hbm>>, %arg5: memref<25000x8xf32, #tpu.memory_space<hbm>>, %arg6: memref<512xf32, #tpu.memory_space<hbm>>, %arg7: memref<16384xf32, #tpu.memory_space<hbm>>, %arg8: memref<8x128xi32, #tpu.memory_space<vmem>>, %arg9: memref<8x128xi32, #tpu.memory_space<vmem>>, %arg10: memref<3x128x128xf32, #tpu.memory_space<vmem>>, %arg11: memref<3x128x128xf32, #tpu.memory_space<vmem>>, %arg12: memref<3x128x8xf32, #tpu.memory_space<vmem>>, %arg13: memref<3x128x8xf32, #tpu.memory_space<vmem>>, %arg14: memref<3x128xf32, #tpu.memory_space<vmem>>, %arg15: memref<16xf32, #tpu.memory_space<vmem>>, %arg16: memref<3x!tpu.dma_semaphore, #tpu.memory_space<semaphore_mem>>, %arg17: memref<3x!tpu.dma_semaphore, #tpu.memory_space<semaphore_mem>>, %arg18: memref<!tpu.dma_semaphore, #tpu.memory_space<semaphore_mem>>) attributes {dimension_semantics = [#tpu.dimension_semantics<core_parallel>, #tpu.dimension_semantics<subcore_parallel>], iteration_bounds = array<i64: 2, 16>, scalar_prefetch = 0 : i64, scratch_operands = 11 : i64, tpu.core_type = #tpu.core_type<sc_vector_subcore>, window_params = [{transform_indices = #map}, {transform_indices = #map1}, {transform_indices = #map1}, {transform_indices = #map1}, {transform_indices = #map2}, {transform_indices = #map2}]} {
    %mul3A = arith.constant 2 : i32
    %mul3A_0 = arith.muli %arg1, %mul3A : i32
    %add3A = arith.addi %mul3A_0, %arg0 : i32
    %mul3A_1 = arith.constant 512 : i32
    %mul3A_2 = arith.muli %add3A, %mul3A_1 : i32
    "tpu.region"() ({
      %run_scoped3A = tpu.sem_alloc : memref<!tpu.dma_semaphore, #tpu.memory_space<semaphore_mem>>
      %dma_start3A_2652 = arith.constant 0 : i32
      %dma_start3A_2653 = arith.constant 0 : i32
      %dma_start3A_2654 = tpu.memref_slice %arg2[%add3A, %dma_start3A_2652, %dma_start3A_2653] : memref<32x8x128xi32, #tpu.memory_space<hbm>> -> memref<1x8x128xi32, #tpu.memory_space<hbm>>
      %dma_start3A_2655 = tpu.memref_squeeze %dma_start3A_2654 : memref<1x8x128xi32, #tpu.memory_space<hbm>> -> memref<8x128xi32, #tpu.memory_space<hbm>>
      %dma_start3A_2656 = arith.constant 0 : i32
      %dma_start3A_2657 = arith.constant 0 : i32
      %dma_start3A_2658 = tpu.memref_slice %arg2[%add3A, %dma_start3A_2656, %dma_start3A_2657] : memref<32x8x128xi32, #tpu.memory_space<hbm>> -> memref<1x8x128xi32, #tpu.memory_space<hbm>>
      %dma_start3A_2659 = tpu.memref_squeeze %dma_start3A_2658 : memref<1x8x128xi32, #tpu.memory_space<hbm>> -> memref<8x128xi32, #tpu.memory_space<hbm>>
      tpu.enqueue_dma source(%dma_start3A_2659 : memref<8x128xi32, #tpu.memory_space<hbm>>) target(%arg8 : memref<8x128xi32, #tpu.memory_space<vmem>>) target_semaphore(%run_scoped3A : memref<!tpu.dma_semaphore, #tpu.memory_space<semaphore_mem>>)
      %dma_wait3A_2660 = arith.constant 0 : i32
      %dma_wait3A_2661 = arith.constant 0 : i32
      %dma_wait3A_2662 = tpu.memref_slice %arg2[%add3A, %dma_wait3A_2660, %dma_wait3A_2661] : memref<32x8x128xi32, #tpu.memory_space<hbm>> -> memref<1x8x128xi32, #tpu.memory_space<hbm>>
      %dma_wait3A_2663 = tpu.memref_squeeze %dma_wait3A_2662 : memref<1x8x128xi32, #tpu.memory_space<hbm>> -> memref<8x128xi32, #tpu.memory_space<hbm>>
      %dma_wait3A_2664 = arith.constant 0 : i32
      %dma_wait3A_2665 = arith.constant 0 : i32
      %dma_wait3A_2666 = tpu.memref_slice %arg2[%add3A, %dma_wait3A_2664, %dma_wait3A_2665] : memref<32x8x128xi32, #tpu.memory_space<hbm>> -> memref<1x8x128xi32, #tpu.memory_space<hbm>>
      %dma_wait3A_2667 = tpu.memref_squeeze %dma_wait3A_2666 : memref<1x8x128xi32, #tpu.memory_space<hbm>> -> memref<8x128xi32, #tpu.memory_space<hbm>>
      tpu.wait_dma2 semaphore(%run_scoped3A : memref<!tpu.dma_semaphore, #tpu.memory_space<semaphore_mem>>) src(%dma_wait3A_2667 : memref<8x128xi32, #tpu.memory_space<hbm>>) dst(%arg8 : memref<8x128xi32, #tpu.memory_space<vmem>>)
      tpu.yield
    }) : () -> ()
    %get3A = arith.constant 0 : i32
    %get3A_3 = arith.index_cast %get3A : i32 to index
    %get3A_4 = arith.constant 0 : index
    %get3A_5 = tpu.vector_load %arg8[%get3A_3, %get3A_4] {strides = array<i32>} : memref<8x128xi32, #tpu.memory_space<vmem>>, vector<16xi32>,
    %shift_right_logical3A = arith.constant 3 : i32
    %shift_right_logical3A_6 = vector.broadcast %shift_right_logical3A : i32 to vector<16xi32>
    %shift_right_logical3A_7 = arith.shrui %get3A_5, %shift_right_logical3A_6 : vector<16xi32>
    %add3A_8 = arith.constant 0 : i32
    %add3A_9 = vector.broadcast %add3A_8 : i32 to vector<16xi32>
    %add3A_10 = arith.addi %shift_right_logical3A_7, %add3A_9 : vector<16xi32>
    %swap3A = arith.constant 0 : i32
    %swap3A_11 = arith.index_cast %swap3A : i32 to index
    %swap3A_12 = arith.constant 0 : index
    %swap3A_13 = tpu.vector_load %arg9[%swap3A_11, %swap3A_12] {strides = array<i32>} : memref<8x128xi32, #tpu.memory_space<vmem>>, vector<16xi32>,
    tpu.vector_store %arg9[%swap3A_11, %swap3A_12], %add3A_10 {strides = array<i32>} : memref<8x128xi32, #tpu.memory_space<vmem>>, vector<16xi32>,
    %get3A_14 = arith.constant 0 : i32
    %get3A_15 = arith.index_cast %get3A_14 : i32 to index
    %get3A_16 = arith.constant 16 : index
    %get3A_17 = tpu.vector_load %arg8[%get3A_15, %get3A_16] {strides = array<i32>} : memref<8x128xi32, #tpu.memory_space<vmem>>, vector<16xi32>,
    %shift_right_logical3A_18 = arith.constant 3 : i32
    %shift_right_logical3A_19 = vector.broadcast %shift_right_logical3A_18 : i32 to vector<16xi32>
    %shift_right_logical3A_20 = arith.shrui %get3A_17, %shift_right_logical3A_19 : vector<16xi32>
    %add3A_21 = arith.constant 0 : i32
    %add3A_22 = vector.broadcast %add3A_21 : i32 to vector<16xi32>
    %add3A_23 = arith.addi %shift_right_logical3A_20, %add3A_22 : vector<16xi32>
    %swap3A_24 = arith.constant 0 : i32
    %swap3A_25 = arith.index_cast %swap3A_24 : i32 to index
    %swap3A_26 = arith.constant 16 : index
    %swap3A_27 = tpu.vector_load %arg9[%swap3A_25, %swap3A_26] {strides = array<i32>} : memref<8x128xi32, #tpu.memory_space<vmem>>, vector<16xi32>,
    tpu.vector_store %arg9[%swap3A_25, %swap3A_26], %add3A_23 {strides = array<i32>} : memref<8x128xi32, #tpu.memory_space<vmem>>, vector<16xi32>,
    %get3A_28 = arith.constant 0 : i32
    %get3A_29 = arith.index_cast %get3A_28 : i32 to index
    %get3A_30 = arith.constant 32 : index
    %get3A_31 = tpu.vector_load %arg8[%get3A_29, %get3A_30] {strides = array<i32>} : memref<8x128xi32, #tpu.memory_space<vmem>>, vector<16xi32>,
    %shift_right_logical3A_32 = arith.constant 3 : i32
    %shift_right_logical3A_33 = vector.broadcast %shift_right_logical3A_32 : i32 to vector<16xi32>
    %shift_right_logical3A_34 = arith.shrui %get3A_31, %shift_right_logical3A_33 : vector<16xi32>
    %add3A_35 = arith.constant 0 : i32
    %add3A_36 = vector.broadcast %add3A_35 : i32 to vector<16xi32>
    %add3A_37 = arith.addi %shift_right_logical3A_34, %add3A_36 : vector<16xi32>
    %swap3A_38 = arith.constant 0 : i32
    %swap3A_39 = arith.index_cast %swap3A_38 : i32 to index
    %swap3A_40 = arith.constant 32 : index
    %swap3A_41 = tpu.vector_load %arg9[%swap3A_39, %swap3A_40] {strides = array<i32>} : memref<8x128xi32, #tpu.memory_space<vmem>>, vector<16xi32>,
    tpu.vector_store %arg9[%swap3A_39, %swap3A_40], %add3A_37 {strides = array<i32>} : memref<8x128xi32, #tpu.memory_space<vmem>>, vector<16xi32>,
    %get3A_42 = arith.constant 0 : i32
    %get3A_43 = arith.index_cast %get3A_42 : i32 to index
    %get3A_44 = arith.constant 48 : index
    %get3A_45 = tpu.vector_load %arg8[%get3A_43, %get3A_44] {strides = array<i32>} : memref<8x128xi32, #tpu.memory_space<vmem>>, vector<16xi32>,
    %shift_right_logical3A_46 = arith.constant 3 : i32
    %shift_right_logical3A_47 = vector.broadcast %shift_right_logical3A_46 : i32 to vector<16xi32>
    %shift_right_logical3A_48 = arith.shrui %get3A_45, %shift_right_logical3A_47 : vector<16xi32>
    %add3A_49 = arith.constant 0 : i32
    %add3A_50 = vector.broadcast %add3A_49 : i32 to vector<16xi32>
    %add3A_51 = arith.addi %shift_right_logical3A_48, %add3A_50 : vector<16xi32>
    %swap3A_52 = arith.constant 0 : i32
    %swap3A_53 = arith.index_cast %swap3A_52 : i32 to index
    %swap3A_54 = arith.constant 48 : index
    %swap3A_55 = tpu.vector_load %arg9[%swap3A_53, %swap3A_54] {strides = array<i32>} : memref<8x128xi32, #tpu.memory_space<vmem>>, vector<16xi32>,
    tpu.vector_store %arg9[%swap3A_53, %swap3A_54], %add3A_51 {strides = array<i32>} : memref<8x128xi32, #tpu.memory_space<vmem>>, vector<16xi32>,
    %get3A_56 = arith.constant 0 : i32
    %get3A_57 = arith.index_cast %get3A_56 : i32 to index
    %get3A_58 = arith.constant 64 : index
    %get3A_59 = tpu.vector_load %arg8[%get3A_57, %get3A_58] {strides = array<i32>} : memref<8x128xi32, #tpu.memory_space<vmem>>, vector<16xi32>,
    %shift_right_logical3A_60 = arith.constant 3 : i32
    %shift_right_logical3A_61 = vector.broadcast %shift_right_logical3A_60 : i32 to vector<16xi32>
    %shift_right_logical3A_62 = arith.shrui %get3A_59, %shift_right_logical3A_61 : vector<16xi32>
    %add3A_63 = arith.constant 0 : i32
    %add3A_64 = vector.broadcast %add3A_63 : i32 to vector<16xi32>
    %add3A_65 = arith.addi %shift_right_logical3A_62, %add3A_64 : vector<16xi32>
    %swap3A_66 = arith.constant 0 : i32
    %swap3A_67 = arith.index_cast %swap3A_66 : i32 to index
    %swap3A_68 = arith.constant 64 : index
    %swap3A_69 = tpu.vector_load %arg9[%swap3A_67, %swap3A_68] {strides = array<i32>} : memref<8x128xi32, #tpu.memory_space<vmem>>, vector<16xi32>,
    tpu.vector_store %arg9[%swap3A_67, %swap3A_68], %add3A_65 {strides = array<i32>} : memref<8x128xi32, #tpu.memory_space<vmem>>, vector<16xi32>,
    %get3A_70 = arith.constant 0 : i32
    %get3A_71 = arith.index_cast %get3A_70 : i32 to index
    %get3A_72 = arith.constant 80 : index
    %get3A_73 = tpu.vector_load %arg8[%get3A_71, %get3A_72] {strides = array<i32>} : memref<8x128xi32, #tpu.memory_space<vmem>>, vector<16xi32>,
    %shift_right_logical3A_74 = arith.constant 3 : i32
    %shift_right_logical3A_75 = vector.broadcast %shift_right_logical3A_74 : i32 to vector<16xi32>
    %shift_right_logical3A_76 = arith.shrui %get3A_73, %shift_right_logical3A_75 : vector<16xi32>
    %add3A_77 = arith.constant 0 : i32
    %add3A_78 = vector.broadcast %add3A_77 : i32 to vector<16xi32>
    %add3A_79 = arith.addi %shift_right_logical3A_76, %add3A_78 : vector<16xi32>
    %swap3A_80 = arith.constant 0 : i32
    %swap3A_81 = arith.index_cast %swap3A_80 : i32 to index
    %swap3A_82 = arith.constant 80 : index
    %swap3A_83 = tpu.vector_load %arg9[%swap3A_81, %swap3A_82] {strides = array<i32>} : memref<8x128xi32, #tpu.memory_space<vmem>>, vector<16xi32>,
    tpu.vector_store %arg9[%swap3A_81, %swap3A_82], %add3A_79 {strides = array<i32>} : memref<8x128xi32, #tpu.memory_space<vmem>>, vector<16xi32>,
    %get3A_84 = arith.constant 0 : i32
    %get3A_85 = arith.index_cast %get3A_84 : i32 to index
    %get3A_86 = arith.constant 96 : index
    %get3A_87 = tpu.vector_load %arg8[%get3A_85, %get3A_86] {strides = array<i32>} : memref<8x128xi32, #tpu.memory_space<vmem>>, vector<16xi32>,
    %shift_right_logical3A_88 = arith.constant 3 : i32
    %shift_right_logical3A_89 = vector.broadcast %shift_right_logical3A_88 : i32 to vector<16xi32>
    %shift_right_logical3A_90 = arith.shrui %get3A_87, %shift_right_logical3A_89 : vector<16xi32>
    %add3A_91 = arith.constant 0 : i32
    %add3A_92 = vector.broadcast %add3A_91 : i32 to vector<16xi32>
    %add3A_93 = arith.addi %shift_right_logical3A_90, %add3A_92 : vector<16xi32>
    %swap3A_94 = arith.constant 0 : i32
    %swap3A_95 = arith.index_cast %swap3A_94 : i32 to index
    %swap3A_96 = arith.constant 96 : index
    %swap3A_97 = tpu.vector_load %arg9[%swap3A_95, %swap3A_96] {strides = array<i32>} : memref<8x128xi32, #tpu.memory_space<vmem>>, vector<16xi32>,
    tpu.vector_store %arg9[%swap3A_95, %swap3A_96], %add3A_93 {strides = array<i32>} : memref<8x128xi32, #tpu.memory_space<vmem>>, vector<16xi32>,
    %get3A_98 = arith.constant 0 : i32
    %get3A_99 = arith.index_cast %get3A_98 : i32 to index
    %get3A_100 = arith.constant 112 : index
    %get3A_101 = tpu.vector_load %arg8[%get3A_99, %get3A_100] {strides = array<i32>} : memref<8x128xi32, #tpu.memory_space<vmem>>, vector<16xi32>,
    %shift_right_logical3A_102 = arith.constant 3 : i32
    %shift_right_logical3A_103 = vector.broadcast %shift_right_logical3A_102 : i32 to vector<16xi32>
    %shift_right_logical3A_104 = arith.shrui %get3A_101, %shift_right_logical3A_103 : vector<16xi32>
    %add3A_105 = arith.constant 0 : i32
    %add3A_106 = vector.broadcast %add3A_105 : i32 to vector<16xi32>
    %add3A_107 = arith.addi %shift_right_logical3A_104, %add3A_106 : vector<16xi32>
    %swap3A_108 = arith.constant 0 : i32
    %swap3A_109 = arith.index_cast %swap3A_108 : i32 to index
    %swap3A_110 = arith.constant 112 : index
    %swap3A_111 = tpu.vector_load %arg9[%swap3A_109, %swap3A_110] {strides = array<i32>} : memref<8x128xi32, #tpu.memory_space<vmem>>, vector<16xi32>,
    tpu.vector_store %arg9[%swap3A_109, %swap3A_110], %add3A_107 {strides = array<i32>} : memref<8x128xi32, #tpu.memory_space<vmem>>, vector<16xi32>,
    %get3A_112 = arith.constant 1 : i32
    %get3A_113 = arith.index_cast %get3A_112 : i32 to index
    %get3A_114 = arith.constant 0 : index
    %get3A_115 = tpu.vector_load %arg8[%get3A_113, %get3A_114] {strides = array<i32>} : memref<8x128xi32, #tpu.memory_space<vmem>>, vector<16xi32>,
    %shift_right_logical3A_116 = arith.constant 3 : i32
    %shift_right_logical3A_117 = vector.broadcast %shift_right_logical3A_116 : i32 to vector<16xi32>
    %shift_right_logical3A_118 = arith.shrui %get3A_115, %shift_right_logical3A_117 : vector<16xi32>
    %add3A_119 = arith.constant 0 : i32
    %add3A_120 = vector.broadcast %add3A_119 : i32 to vector<16xi32>
    %add3A_121 = arith.addi %shift_right_logical3A_118, %add3A_120 : vector<16xi32>
    %swap3A_122 = arith.constant 1 : i32
    %swap3A_123 = arith.index_cast %swap3A_122 : i32 to index
    %swap3A_124 = arith.constant 0 : index
    %swap3A_125 = tpu.vector_load %arg9[%swap3A_123, %swap3A_124] {strides = array<i32>} : memref<8x128xi32, #tpu.memory_space<vmem>>, vector<16xi32>,
    tpu.vector_store %arg9[%swap3A_123, %swap3A_124], %add3A_121 {strides = array<i32>} : memref<8x128xi32, #tpu.memory_space<vmem>>, vector<16xi32>,
    %get3A_126 = arith.constant 1 : i32
    %get3A_127 = arith.index_cast %get3A_126 : i32 to index
    %get3A_128 = arith.constant 16 : index
    %get3A_129 = tpu.vector_load %arg8[%get3A_127, %get3A_128] {strides = array<i32>} : memref<8x128xi32, #tpu.memory_space<vmem>>, vector<16xi32>,
    %shift_right_logical3A_130 = arith.constant 3 : i32
    %shift_right_logical3A_131 = vector.broadcast %shift_right_logical3A_130 : i32 to vector<16xi32>
    %shift_right_logical3A_132 = arith.shrui %get3A_129, %shift_right_logical3A_131 : vector<16xi32>
    %add3A_133 = arith.constant 0 : i32
    %add3A_134 = vector.broadcast %add3A_133 : i32 to vector<16xi32>
    %add3A_135 = arith.addi %shift_right_logical3A_132, %add3A_134 : vector<16xi32>
    %swap3A_136 = arith.constant 1 : i32
    %swap3A_137 = arith.index_cast %swap3A_136 : i32 to index
    %swap3A_138 = arith.constant 16 : index
    %swap3A_139 = tpu.vector_load %arg9[%swap3A_137, %swap3A_138] {strides = array<i32>} : memref<8x128xi32, #tpu.memory_space<vmem>>, vector<16xi32>,
    tpu.vector_store %arg9[%swap3A_137, %swap3A_138], %add3A_135 {strides = array<i32>} : memref<8x128xi32, #tpu.memory_space<vmem>>, vector<16xi32>,
    %get3A_140 = arith.constant 1 : i32
    %get3A_141 = arith.index_cast %get3A_140 : i32 to index
    %get3A_142 = arith.constant 32 : index
    %get3A_143 = tpu.vector_load %arg8[%get3A_141, %get3A_142] {strides = array<i32>} : memref<8x128xi32, #tpu.memory_space<vmem>>, vector<16xi32>,
    %shift_right_logical3A_144 = arith.constant 3 : i32
    %shift_right_logical3A_145 = vector.broadcast %shift_right_logical3A_144 : i32 to vector<16xi32>
    %shift_right_logical3A_146 = arith.shrui %get3A_143, %shift_right_logical3A_145 : vector<16xi32>
    %add3A_147 = arith.constant 0 : i32
    %add3A_148 = vector.broadcast %add3A_147 : i32 to vector<16xi32>
    %add3A_149 = arith.addi %shift_right_logical3A_146, %add3A_148 : vector<16xi32>
    %swap3A_150 = arith.constant 1 : i32
    %swap3A_151 = arith.index_cast %swap3A_150 : i32 to index
    %swap3A_152 = arith.constant 32 : index
    %swap3A_153 = tpu.vector_load %arg9[%swap3A_151, %swap3A_152] {strides = array<i32>} : memref<8x128xi32, #tpu.memory_space<vmem>>, vector<16xi32>,
    tpu.vector_store %arg9[%swap3A_151, %swap3A_152], %add3A_149 {strides = array<i32>} : memref<8x128xi32, #tpu.memory_space<vmem>>, vector<16xi32>,
    %get3A_154 = arith.constant 1 : i32
    %get3A_155 = arith.index_cast %get3A_154 : i32 to index
    %get3A_156 = arith.constant 48 : index
    %get3A_157 = tpu.vector_load %arg8[%get3A_155, %get3A_156] {strides = array<i32>} : memref<8x128xi32, #tpu.memory_space<vmem>>, vector<16xi32>,
    %shift_right_logical3A_158 = arith.constant 3 : i32
    %shift_right_logical3A_159 = vector.broadcast %shift_right_logical3A_158 : i32 to vector<16xi32>
    %shift_right_logical3A_160 = arith.shrui %get3A_157, %shift_right_logical3A_159 : vector<16xi32>
    %add3A_161 = arith.constant 0 : i32
    %add3A_162 = vector.broadcast %add3A_161 : i32 to vector<16xi32>
    %add3A_163 = arith.addi %shift_right_logical3A_160, %add3A_162 : vector<16xi32>
    %swap3A_164 = arith.constant 1 : i32
    %swap3A_165 = arith.index_cast %swap3A_164 : i32 to index
    %swap3A_166 = arith.constant 48 : index
    %swap3A_167 = tpu.vector_load %arg9[%swap3A_165, %swap3A_166] {strides = array<i32>} : memref<8x128xi32, #tpu.memory_space<vmem>>, vector<16xi32>,
    tpu.vector_store %arg9[%swap3A_165, %swap3A_166], %add3A_163 {strides = array<i32>} : memref<8x128xi32, #tpu.memory_space<vmem>>, vector<16xi32>,
    %get3A_168 = arith.constant 1 : i32
    %get3A_169 = arith.index_cast %get3A_168 : i32 to index
    %get3A_170 = arith.constant 64 : index
    %get3A_171 = tpu.vector_load %arg8[%get3A_169, %get3A_170] {strides = array<i32>} : memref<8x128xi32, #tpu.memory_space<vmem>>, vector<16xi32>,
    %shift_right_logical3A_172 = arith.constant 3 : i32
    %shift_right_logical3A_173 = vector.broadcast %shift_right_logical3A_172 : i32 to vector<16xi32>
    %shift_right_logical3A_174 = arith.shrui %get3A_171, %shift_right_logical3A_173 : vector<16xi32>
    %add3A_175 = arith.constant 0 : i32
    %add3A_176 = vector.broadcast %add3A_175 : i32 to vector<16xi32>
    %add3A_177 = arith.addi %shift_right_logical3A_174, %add3A_176 : vector<16xi32>
    %swap3A_178 = arith.constant 1 : i32
    %swap3A_179 = arith.index_cast %swap3A_178 : i32 to index
    %swap3A_180 = arith.constant 64 : index
    %swap3A_181 = tpu.vector_load %arg9[%swap3A_179, %swap3A_180] {strides = array<i32>} : memref<8x128xi32, #tpu.memory_space<vmem>>, vector<16xi32>,
    tpu.vector_store %arg9[%swap3A_179, %swap3A_180], %add3A_177 {strides = array<i32>} : memref<8x128xi32, #tpu.memory_space<vmem>>, vector<16xi32>,
    %get3A_182 = arith.constant 1 : i32
    %get3A_183 = arith.index_cast %get3A_182 : i32 to index
    %get3A_184 = arith.constant 80 : index
    %get3A_185 = tpu.vector_load %arg8[%get3A_183, %get3A_184] {strides = array<i32>} : memref<8x128xi32, #tpu.memory_space<vmem>>, vector<16xi32>,
    %shift_right_logical3A_186 = arith.constant 3 : i32
    %shift_right_logical3A_187 = vector.broadcast %shift_right_logical3A_186 : i32 to vector<16xi32>
    %shift_right_logical3A_188 = arith.shrui %get3A_185, %shift_right_logical3A_187 : vector<16xi32>
    %add3A_189 = arith.constant 0 : i32
    %add3A_190 = vector.broadcast %add3A_189 : i32 to vector<16xi32>
    %add3A_191 = arith.addi %shift_right_logical3A_188, %add3A_190 : vector<16xi32>
    %swap3A_192 = arith.constant 1 : i32
    %swap3A_193 = arith.index_cast %swap3A_192 : i32 to index
    %swap3A_194 = arith.constant 80 : index
    %swap3A_195 = tpu.vector_load %arg9[%swap3A_193, %swap3A_194] {strides = array<i32>} : memref<8x128xi32, #tpu.memory_space<vmem>>, vector<16xi32>,
    tpu.vector_store %arg9[%swap3A_193, %swap3A_194], %add3A_191 {strides = array<i32>} : memref<8x128xi32, #tpu.memory_space<vmem>>, vector<16xi32>,
    %get3A_196 = arith.constant 1 : i32
    %get3A_197 = arith.index_cast %get3A_196 : i32 to index
    %get3A_198 = arith.constant 96 : index
    %get3A_199 = tpu.vector_load %arg8[%get3A_197, %get3A_198] {strides = array<i32>} : memref<8x128xi32, #tpu.memory_space<vmem>>, vector<16xi32>,
    %shift_right_logical3A_200 = arith.constant 3 : i32
    %shift_right_logical3A_201 = vector.broadcast %shift_right_logical3A_200 : i32 to vector<16xi32>
    %shift_right_logical3A_202 = arith.shrui %get3A_199, %shift_right_logical3A_201 : vector<16xi32>
    %add3A_203 = arith.constant 0 : i32
    %add3A_204 = vector.broadcast %add3A_203 : i32 to vector<16xi32>
    %add3A_205 = arith.addi %shift_right_logical3A_202, %add3A_204 : vector<16xi32>
    %swap3A_206 = arith.constant 1 : i32
    %swap3A_207 = arith.index_cast %swap3A_206 : i32 to index
    %swap3A_208 = arith.constant 96 : index
    %swap3A_209 = tpu.vector_load %arg9[%swap3A_207, %swap3A_208] {strides = array<i32>} : memref<8x128xi32, #tpu.memory_space<vmem>>, vector<16xi32>,
    tpu.vector_store %arg9[%swap3A_207, %swap3A_208], %add3A_205 {strides = array<i32>} : memref<8x128xi32, #tpu.memory_space<vmem>>, vector<16xi32>,
    %get3A_210 = arith.constant 1 : i32
    %get3A_211 = arith.index_cast %get3A_210 : i32 to index
    %get3A_212 = arith.constant 112 : index
    %get3A_213 = tpu.vector_load %arg8[%get3A_211, %get3A_212] {strides = array<i32>} : memref<8x128xi32, #tpu.memory_space<vmem>>, vector<16xi32>,
    %shift_right_logical3A_214 = arith.constant 3 : i32
    %shift_right_logical3A_215 = vector.broadcast %shift_right_logical3A_214 : i32 to vector<16xi32>
    %shift_right_logical3A_216 = arith.shrui %get3A_213, %shift_right_logical3A_215 : vector<16xi32>
    %add3A_217 = arith.constant 0 : i32
    %add3A_218 = vector.broadcast %add3A_217 : i32 to vector<16xi32>
    %add3A_219 = arith.addi %shift_right_logical3A_216, %add3A_218 : vector<16xi32>
    %swap3A_220 = arith.constant 1 : i32
    %swap3A_221 = arith.index_cast %swap3A_220 : i32 to index
    %swap3A_222 = arith.constant 112 : index
    %swap3A_223 = tpu.vector_load %arg9[%swap3A_221, %swap3A_222] {strides = array<i32>} : memref<8x128xi32, #tpu.memory_space<vmem>>, vector<16xi32>,
    tpu.vector_store %arg9[%swap3A_221, %swap3A_222], %add3A_219 {strides = array<i32>} : memref<8x128xi32, #tpu.memory_space<vmem>>, vector<16xi32>,
    %get3A_224 = arith.constant 2 : i32
    %get3A_225 = arith.index_cast %get3A_224 : i32 to index
    %get3A_226 = arith.constant 0 : index
    %get3A_227 = tpu.vector_load %arg8[%get3A_225, %get3A_226] {strides = array<i32>} : memref<8x128xi32, #tpu.memory_space<vmem>>, vector<16xi32>,
    %shift_right_logical3A_228 = arith.constant 3 : i32
    %shift_right_logical3A_229 = vector.broadcast %shift_right_logical3A_228 : i32 to vector<16xi32>
    %shift_right_logical3A_230 = arith.shrui %get3A_227, %shift_right_logical3A_229 : vector<16xi32>
    %add3A_231 = arith.constant 0 : i32
    %add3A_232 = vector.broadcast %add3A_231 : i32 to vector<16xi32>
    %add3A_233 = arith.addi %shift_right_logical3A_230, %add3A_232 : vector<16xi32>
    %swap3A_234 = arith.constant 2 : i32
    %swap3A_235 = arith.index_cast %swap3A_234 : i32 to index
    %swap3A_236 = arith.constant 0 : index
    %swap3A_237 = tpu.vector_load %arg9[%swap3A_235, %swap3A_236] {strides = array<i32>} : memref<8x128xi32, #tpu.memory_space<vmem>>, vector<16xi32>,
    tpu.vector_store %arg9[%swap3A_235, %swap3A_236], %add3A_233 {strides = array<i32>} : memref<8x128xi32, #tpu.memory_space<vmem>>, vector<16xi32>,
    %get3A_238 = arith.constant 2 : i32
    %get3A_239 = arith.index_cast %get3A_238 : i32 to index
    %get3A_240 = arith.constant 16 : index
    %get3A_241 = tpu.vector_load %arg8[%get3A_239, %get3A_240] {strides = array<i32>} : memref<8x128xi32, #tpu.memory_space<vmem>>, vector<16xi32>,
    %shift_right_logical3A_242 = arith.constant 3 : i32
    %shift_right_logical3A_243 = vector.broadcast %shift_right_logical3A_242 : i32 to vector<16xi32>
    %shift_right_logical3A_244 = arith.shrui %get3A_241, %shift_right_logical3A_243 : vector<16xi32>
    %add3A_245 = arith.constant 0 : i32
    %add3A_246 = vector.broadcast %add3A_245 : i32 to vector<16xi32>
    %add3A_247 = arith.addi %shift_right_logical3A_244, %add3A_246 : vector<16xi32>
    %swap3A_248 = arith.constant 2 : i32
    %swap3A_249 = arith.index_cast %swap3A_248 : i32 to index
    %swap3A_250 = arith.constant 16 : index
    %swap3A_251 = tpu.vector_load %arg9[%swap3A_249, %swap3A_250] {strides = array<i32>} : memref<8x128xi32, #tpu.memory_space<vmem>>, vector<16xi32>,
    tpu.vector_store %arg9[%swap3A_249, %swap3A_250], %add3A_247 {strides = array<i32>} : memref<8x128xi32, #tpu.memory_space<vmem>>, vector<16xi32>,
    %get3A_252 = arith.constant 2 : i32
    %get3A_253 = arith.index_cast %get3A_252 : i32 to index
    %get3A_254 = arith.constant 32 : index
    %get3A_255 = tpu.vector_load %arg8[%get3A_253, %get3A_254] {strides = array<i32>} : memref<8x128xi32, #tpu.memory_space<vmem>>, vector<16xi32>,
    %shift_right_logical3A_256 = arith.constant 3 : i32
    %shift_right_logical3A_257 = vector.broadcast %shift_right_logical3A_256 : i32 to vector<16xi32>
    %shift_right_logical3A_258 = arith.shrui %get3A_255, %shift_right_logical3A_257 : vector<16xi32>
    %add3A_259 = arith.constant 0 : i32
    %add3A_260 = vector.broadcast %add3A_259 : i32 to vector<16xi32>
    %add3A_261 = arith.addi %shift_right_logical3A_258, %add3A_260 : vector<16xi32>
    %swap3A_262 = arith.constant 2 : i32
    %swap3A_263 = arith.index_cast %swap3A_262 : i32 to index
    %swap3A_264 = arith.constant 32 : index
    %swap3A_265 = tpu.vector_load %arg9[%swap3A_263, %swap3A_264] {strides = array<i32>} : memref<8x128xi32, #tpu.memory_space<vmem>>, vector<16xi32>,
    tpu.vector_store %arg9[%swap3A_263, %swap3A_264], %add3A_261 {strides = array<i32>} : memref<8x128xi32, #tpu.memory_space<vmem>>, vector<16xi32>,
    %get3A_266 = arith.constant 2 : i32
    %get3A_267 = arith.index_cast %get3A_266 : i32 to index
    %get3A_268 = arith.constant 48 : index
    %get3A_269 = tpu.vector_load %arg8[%get3A_267, %get3A_268] {strides = array<i32>} : memref<8x128xi32, #tpu.memory_space<vmem>>, vector<16xi32>,
    %shift_right_logical3A_270 = arith.constant 3 : i32
    %shift_right_logical3A_271 = vector.broadcast %shift_right_logical3A_270 : i32 to vector<16xi32>
    %shift_right_logical3A_272 = arith.shrui %get3A_269, %shift_right_logical3A_271 : vector<16xi32>
    %add3A_273 = arith.constant 0 : i32
    %add3A_274 = vector.broadcast %add3A_273 : i32 to vector<16xi32>
    %add3A_275 = arith.addi %shift_right_logical3A_272, %add3A_274 : vector<16xi32>
    %swap3A_276 = arith.constant 2 : i32
    %swap3A_277 = arith.index_cast %swap3A_276 : i32 to index
    %swap3A_278 = arith.constant 48 : index
    %swap3A_279 = tpu.vector_load %arg9[%swap3A_277, %swap3A_278] {strides = array<i32>} : memref<8x128xi32, #tpu.memory_space<vmem>>, vector<16xi32>,
    tpu.vector_store %arg9[%swap3A_277, %swap3A_278], %add3A_275 {strides = array<i32>} : memref<8x128xi32, #tpu.memory_space<vmem>>, vector<16xi32>,
    %get3A_280 = arith.constant 2 : i32
    %get3A_281 = arith.index_cast %get3A_280 : i32 to index
    %get3A_282 = arith.constant 64 : index
    %get3A_283 = tpu.vector_load %arg8[%get3A_281, %get3A_282] {strides = array<i32>} : memref<8x128xi32, #tpu.memory_space<vmem>>, vector<16xi32>,
    %shift_right_logical3A_284 = arith.constant 3 : i32
    %shift_right_logical3A_285 = vector.broadcast %shift_right_logical3A_284 : i32 to vector<16xi32>
    %shift_right_logical3A_286 = arith.shrui %get3A_283, %shift_right_logical3A_285 : vector<16xi32>
    %add3A_287 = arith.constant 0 : i32
    %add3A_288 = vector.broadcast %add3A_287 : i32 to vector<16xi32>
    %add3A_289 = arith.addi %shift_right_logical3A_286, %add3A_288 : vector<16xi32>
    %swap3A_290 = arith.constant 2 : i32
    %swap3A_291 = arith.index_cast %swap3A_290 : i32 to index
    %swap3A_292 = arith.constant 64 : index
    %swap3A_293 = tpu.vector_load %arg9[%swap3A_291, %swap3A_292] {strides = array<i32>} : memref<8x128xi32, #tpu.memory_space<vmem>>, vector<16xi32>,
    tpu.vector_store %arg9[%swap3A_291, %swap3A_292], %add3A_289 {strides = array<i32>} : memref<8x128xi32, #tpu.memory_space<vmem>>, vector<16xi32>,
    %get3A_294 = arith.constant 2 : i32
    %get3A_295 = arith.index_cast %get3A_294 : i32 to index
    %get3A_296 = arith.constant 80 : index
    %get3A_297 = tpu.vector_load %arg8[%get3A_295, %get3A_296] {strides = array<i32>} : memref<8x128xi32, #tpu.memory_space<vmem>>, vector<16xi32>,
    %shift_right_logical3A_298 = arith.constant 3 : i32
    %shift_right_logical3A_299 = vector.broadcast %shift_right_logical3A_298 : i32 to vector<16xi32>
    %shift_right_logical3A_300 = arith.shrui %get3A_297, %shift_right_logical3A_299 : vector<16xi32>
    %add3A_301 = arith.constant 0 : i32
    %add3A_302 = vector.broadcast %add3A_301 : i32 to vector<16xi32>
    %add3A_303 = arith.addi %shift_right_logical3A_300, %add3A_302 : vector<16xi32>
    %swap3A_304 = arith.constant 2 : i32
    %swap3A_305 = arith.index_cast %swap3A_304 : i32 to index
    %swap3A_306 = arith.constant 80 : index
    %swap3A_307 = tpu.vector_load %arg9[%swap3A_305, %swap3A_306] {strides = array<i32>} : memref<8x128xi32, #tpu.memory_space<vmem>>, vector<16xi32>,
    tpu.vector_store %arg9[%swap3A_305, %swap3A_306], %add3A_303 {strides = array<i32>} : memref<8x128xi32, #tpu.memory_space<vmem>>, vector<16xi32>,
    %get3A_308 = arith.constant 2 : i32
    %get3A_309 = arith.index_cast %get3A_308 : i32 to index
    %get3A_310 = arith.constant 96 : index
    %get3A_311 = tpu.vector_load %arg8[%get3A_309, %get3A_310] {strides = array<i32>} : memref<8x128xi32, #tpu.memory_space<vmem>>, vector<16xi32>,
    %shift_right_logical3A_312 = arith.constant 3 : i32
    %shift_right_logical3A_313 = vector.broadcast %shift_right_logical3A_312 : i32 to vector<16xi32>
    %shift_right_logical3A_314 = arith.shrui %get3A_311, %shift_right_logical3A_313 : vector<16xi32>
    %add3A_315 = arith.constant 0 : i32
    %add3A_316 = vector.broadcast %add3A_315 : i32 to vector<16xi32>
    %add3A_317 = arith.addi %shift_right_logical3A_314, %add3A_316 : vector<16xi32>
    %swap3A_318 = arith.constant 2 : i32
    %swap3A_319 = arith.index_cast %swap3A_318 : i32 to index
    %swap3A_320 = arith.constant 96 : index
    %swap3A_321 = tpu.vector_load %arg9[%swap3A_319, %swap3A_320] {strides = array<i32>} : memref<8x128xi32, #tpu.memory_space<vmem>>, vector<16xi32>,
    tpu.vector_store %arg9[%swap3A_319, %swap3A_320], %add3A_317 {strides = array<i32>} : memref<8x128xi32, #tpu.memory_space<vmem>>, vector<16xi32>,
    %get3A_322 = arith.constant 2 : i32
    %get3A_323 = arith.index_cast %get3A_322 : i32 to index
    %get3A_324 = arith.constant 112 : index
    %get3A_325 = tpu.vector_load %arg8[%get3A_323, %get3A_324] {strides = array<i32>} : memref<8x128xi32, #tpu.memory_space<vmem>>, vector<16xi32>,
    %shift_right_logical3A_326 = arith.constant 3 : i32
    %shift_right_logical3A_327 = vector.broadcast %shift_right_logical3A_326 : i32 to vector<16xi32>
    %shift_right_logical3A_328 = arith.shrui %get3A_325, %shift_right_logical3A_327 : vector<16xi32>
    %add3A_329 = arith.constant 0 : i32
    %add3A_330 = vector.broadcast %add3A_329 : i32 to vector<16xi32>
    %add3A_331 = arith.addi %shift_right_logical3A_328, %add3A_330 : vector<16xi32>
    %swap3A_332 = arith.constant 2 : i32
    %swap3A_333 = arith.index_cast %swap3A_332 : i32 to index
    %swap3A_334 = arith.constant 112 : index
    %swap3A_335 = tpu.vector_load %arg9[%swap3A_333, %swap3A_334] {strides = array<i32>} : memref<8x128xi32, #tpu.memory_space<vmem>>, vector<16xi32>,
    tpu.vector_store %arg9[%swap3A_333, %swap3A_334], %add3A_331 {strides = array<i32>} : memref<8x128xi32, #tpu.memory_space<vmem>>, vector<16xi32>,
    %get3A_336 = arith.constant 3 : i32
    %get3A_337 = arith.index_cast %get3A_336 : i32 to index
    %get3A_338 = arith.constant 0 : index
    %get3A_339 = tpu.vector_load %arg8[%get3A_337, %get3A_338] {strides = array<i32>} : memref<8x128xi32, #tpu.memory_space<vmem>>, vector<16xi32>,
    %shift_right_logical3A_340 = arith.constant 3 : i32
    %shift_right_logical3A_341 = vector.broadcast %shift_right_logical3A_340 : i32 to vector<16xi32>
    %shift_right_logical3A_342 = arith.shrui %get3A_339, %shift_right_logical3A_341 : vector<16xi32>
    %add3A_343 = arith.constant 0 : i32
    %add3A_344 = vector.broadcast %add3A_343 : i32 to vector<16xi32>
    %add3A_345 = arith.addi %shift_right_logical3A_342, %add3A_344 : vector<16xi32>
    %swap3A_346 = arith.constant 3 : i32
    %swap3A_347 = arith.index_cast %swap3A_346 : i32 to index
    %swap3A_348 = arith.constant 0 : index
    %swap3A_349 = tpu.vector_load %arg9[%swap3A_347, %swap3A_348] {strides = array<i32>} : memref<8x128xi32, #tpu.memory_space<vmem>>, vector<16xi32>,
    tpu.vector_store %arg9[%swap3A_347, %swap3A_348], %add3A_345 {strides = array<i32>} : memref<8x128xi32, #tpu.memory_space<vmem>>, vector<16xi32>,
    %get3A_350 = arith.constant 3 : i32
    %get3A_351 = arith.index_cast %get3A_350 : i32 to index
    %get3A_352 = arith.constant 16 : index
    %get3A_353 = tpu.vector_load %arg8[%get3A_351, %get3A_352] {strides = array<i32>} : memref<8x128xi32, #tpu.memory_space<vmem>>, vector<16xi32>,
    %shift_right_logical3A_354 = arith.constant 3 : i32
    %shift_right_logical3A_355 = vector.broadcast %shift_right_logical3A_354 : i32 to vector<16xi32>
    %shift_right_logical3A_356 = arith.shrui %get3A_353, %shift_right_logical3A_355 : vector<16xi32>
    %add3A_357 = arith.constant 0 : i32
    %add3A_358 = vector.broadcast %add3A_357 : i32 to vector<16xi32>
    %add3A_359 = arith.addi %shift_right_logical3A_356, %add3A_358 : vector<16xi32>
    %swap3A_360 = arith.constant 3 : i32
    %swap3A_361 = arith.index_cast %swap3A_360 : i32 to index
    %swap3A_362 = arith.constant 16 : index
    %swap3A_363 = tpu.vector_load %arg9[%swap3A_361, %swap3A_362] {strides = array<i32>} : memref<8x128xi32, #tpu.memory_space<vmem>>, vector<16xi32>,
    tpu.vector_store %arg9[%swap3A_361, %swap3A_362], %add3A_359 {strides = array<i32>} : memref<8x128xi32, #tpu.memory_space<vmem>>, vector<16xi32>,
    %get3A_364 = arith.constant 3 : i32
    %get3A_365 = arith.index_cast %get3A_364 : i32 to index
    %get3A_366 = arith.constant 32 : index
    %get3A_367 = tpu.vector_load %arg8[%get3A_365, %get3A_366] {strides = array<i32>} : memref<8x128xi32, #tpu.memory_space<vmem>>, vector<16xi32>,
    %shift_right_logical3A_368 = arith.constant 3 : i32
    %shift_right_logical3A_369 = vector.broadcast %shift_right_logical3A_368 : i32 to vector<16xi32>
    %shift_right_logical3A_370 = arith.shrui %get3A_367, %shift_right_logical3A_369 : vector<16xi32>
    %add3A_371 = arith.constant 0 : i32
    %add3A_372 = vector.broadcast %add3A_371 : i32 to vector<16xi32>
    %add3A_373 = arith.addi %shift_right_logical3A_370, %add3A_372 : vector<16xi32>
    %swap3A_374 = arith.constant 3 : i32
    %swap3A_375 = arith.index_cast %swap3A_374 : i32 to index
    %swap3A_376 = arith.constant 32 : index
    %swap3A_377 = tpu.vector_load %arg9[%swap3A_375, %swap3A_376] {strides = array<i32>} : memref<8x128xi32, #tpu.memory_space<vmem>>, vector<16xi32>,
    tpu.vector_store %arg9[%swap3A_375, %swap3A_376], %add3A_373 {strides = array<i32>} : memref<8x128xi32, #tpu.memory_space<vmem>>, vector<16xi32>,
    %get3A_378 = arith.constant 3 : i32
    %get3A_379 = arith.index_cast %get3A_378 : i32 to index
    %get3A_380 = arith.constant 48 : index
    %get3A_381 = tpu.vector_load %arg8[%get3A_379, %get3A_380] {strides = array<i32>} : memref<8x128xi32, #tpu.memory_space<vmem>>, vector<16xi32>,
    %shift_right_logical3A_382 = arith.constant 3 : i32
    %shift_right_logical3A_383 = vector.broadcast %shift_right_logical3A_382 : i32 to vector<16xi32>
    %shift_right_logical3A_384 = arith.shrui %get3A_381, %shift_right_logical3A_383 : vector<16xi32>
    %add3A_385 = arith.constant 0 : i32
    %add3A_386 = vector.broadcast %add3A_385 : i32 to vector<16xi32>
    %add3A_387 = arith.addi %shift_right_logical3A_384, %add3A_386 : vector<16xi32>
    %swap3A_388 = arith.constant 3 : i32
    %swap3A_389 = arith.index_cast %swap3A_388 : i32 to index
    %swap3A_390 = arith.constant 48 : index
    %swap3A_391 = tpu.vector_load %arg9[%swap3A_389, %swap3A_390] {strides = array<i32>} : memref<8x128xi32, #tpu.memory_space<vmem>>, vector<16xi32>,
    tpu.vector_store %arg9[%swap3A_389, %swap3A_390], %add3A_387 {strides = array<i32>} : memref<8x128xi32, #tpu.memory_space<vmem>>, vector<16xi32>,
    %get3A_392 = arith.constant 3 : i32
    %get3A_393 = arith.index_cast %get3A_392 : i32 to index
    %get3A_394 = arith.constant 64 : index
    %get3A_395 = tpu.vector_load %arg8[%get3A_393, %get3A_394] {strides = array<i32>} : memref<8x128xi32, #tpu.memory_space<vmem>>, vector<16xi32>,
    %shift_right_logical3A_396 = arith.constant 3 : i32
    %shift_right_logical3A_397 = vector.broadcast %shift_right_logical3A_396 : i32 to vector<16xi32>
    %shift_right_logical3A_398 = arith.shrui %get3A_395, %shift_right_logical3A_397 : vector<16xi32>
    %add3A_399 = arith.constant 0 : i32
    %add3A_400 = vector.broadcast %add3A_399 : i32 to vector<16xi32>
    %add3A_401 = arith.addi %shift_right_logical3A_398, %add3A_400 : vector<16xi32>
    %swap3A_402 = arith.constant 3 : i32
    %swap3A_403 = arith.index_cast %swap3A_402 : i32 to index
    %swap3A_404 = arith.constant 64 : index
    %swap3A_405 = tpu.vector_load %arg9[%swap3A_403, %swap3A_404] {strides = array<i32>} : memref<8x128xi32, #tpu.memory_space<vmem>>, vector<16xi32>,
    tpu.vector_store %arg9[%swap3A_403, %swap3A_404], %add3A_401 {strides = array<i32>} : memref<8x128xi32, #tpu.memory_space<vmem>>, vector<16xi32>,
    %get3A_406 = arith.constant 3 : i32
    %get3A_407 = arith.index_cast %get3A_406 : i32 to index
    %get3A_408 = arith.constant 80 : index
    %get3A_409 = tpu.vector_load %arg8[%get3A_407, %get3A_408] {strides = array<i32>} : memref<8x128xi32, #tpu.memory_space<vmem>>, vector<16xi32>,
    %shift_right_logical3A_410 = arith.constant 3 : i32
    %shift_right_logical3A_411 = vector.broadcast %shift_right_logical3A_410 : i32 to vector<16xi32>
    %shift_right_logical3A_412 = arith.shrui %get3A_409, %shift_right_logical3A_411 : vector<16xi32>
    %add3A_413 = arith.constant 0 : i32
    %add3A_414 = vector.broadcast %add3A_413 : i32 to vector<16xi32>
    %add3A_415 = arith.addi %shift_right_logical3A_412, %add3A_414 : vector<16xi32>
    %swap3A_416 = arith.constant 3 : i32
    %swap3A_417 = arith.index_cast %swap3A_416 : i32 to index
    %swap3A_418 = arith.constant 80 : index
    %swap3A_419 = tpu.vector_load %arg9[%swap3A_417, %swap3A_418] {strides = array<i32>} : memref<8x128xi32, #tpu.memory_space<vmem>>, vector<16xi32>,
    tpu.vector_store %arg9[%swap3A_417, %swap3A_418], %add3A_415 {strides = array<i32>} : memref<8x128xi32, #tpu.memory_space<vmem>>, vector<16xi32>,
    %get3A_420 = arith.constant 3 : i32
    %get3A_421 = arith.index_cast %get3A_420 : i32 to index
    %get3A_422 = arith.constant 96 : index
    %get3A_423 = tpu.vector_load %arg8[%get3A_421, %get3A_422] {strides = array<i32>} : memref<8x128xi32, #tpu.memory_space<vmem>>, vector<16xi32>,
    %shift_right_logical3A_424 = arith.constant 3 : i32
    %shift_right_logical3A_425 = vector.broadcast %shift_right_logical3A_424 : i32 to vector<16xi32>
    %shift_right_logical3A_426 = arith.shrui %get3A_423, %shift_right_logical3A_425 : vector<16xi32>
    %add3A_427 = arith.constant 0 : i32
    %add3A_428 = vector.broadcast %add3A_427 : i32 to vector<16xi32>
    %add3A_429 = arith.addi %shift_right_logical3A_426, %add3A_428 : vector<16xi32>
    %swap3A_430 = arith.constant 3 : i32
    %swap3A_431 = arith.index_cast %swap3A_430 : i32 to index
    %swap3A_432 = arith.constant 96 : index
    %swap3A_433 = tpu.vector_load %arg9[%swap3A_431, %swap3A_432] {strides = array<i32>} : memref<8x128xi32, #tpu.memory_space<vmem>>, vector<16xi32>,
    tpu.vector_store %arg9[%swap3A_431, %swap3A_432], %add3A_429 {strides = array<i32>} : memref<8x128xi32, #tpu.memory_space<vmem>>, vector<16xi32>,
    %get3A_434 = arith.constant 3 : i32
    %get3A_435 = arith.index_cast %get3A_434 : i32 to index
    %get3A_436 = arith.constant 112 : index
    %get3A_437 = tpu.vector_load %arg8[%get3A_435, %get3A_436] {strides = array<i32>} : memref<8x128xi32, #tpu.memory_space<vmem>>, vector<16xi32>,
    %shift_right_logical3A_438 = arith.constant 3 : i32
    %shift_right_logical3A_439 = vector.broadcast %shift_right_logical3A_438 : i32 to vector<16xi32>
    %shift_right_logical3A_440 = arith.shrui %get3A_437, %shift_right_logical3A_439 : vector<16xi32>
    %add3A_441 = arith.constant 0 : i32
    %add3A_442 = vector.broadcast %add3A_441 : i32 to vector<16xi32>
    %add3A_443 = arith.addi %shift_right_logical3A_440, %add3A_442 : vector<16xi32>
    %swap3A_444 = arith.constant 3 : i32
    %swap3A_445 = arith.index_cast %swap3A_444 : i32 to index
    %swap3A_446 = arith.constant 112 : index
    %swap3A_447 = tpu.vector_load %arg9[%swap3A_445, %swap3A_446] {strides = array<i32>} : memref<8x128xi32, #tpu.memory_space<vmem>>, vector<16xi32>,
    tpu.vector_store %arg9[%swap3A_445, %swap3A_446], %add3A_443 {strides = array<i32>} : memref<8x128xi32, #tpu.memory_space<vmem>>, vector<16xi32>,
    %get3A_448 = arith.constant 4 : i32
    %get3A_449 = arith.index_cast %get3A_448 : i32 to index
    %get3A_450 = arith.constant 0 : index
    %get3A_451 = tpu.vector_load %arg8[%get3A_449, %get3A_450] {strides = array<i32>} : memref<8x128xi32, #tpu.memory_space<vmem>>, vector<16xi32>,
    %shift_right_logical3A_452 = arith.constant 3 : i32
    %shift_right_logical3A_453 = vector.broadcast %shift_right_logical3A_452 : i32 to vector<16xi32>
    %shift_right_logical3A_454 = arith.shrui %get3A_451, %shift_right_logical3A_453 : vector<16xi32>
    %add3A_455 = arith.constant 12500 : i32
    %add3A_456 = vector.broadcast %add3A_455 : i32 to vector<16xi32>
    %add3A_457 = arith.addi %shift_right_logical3A_454, %add3A_456 : vector<16xi32>
    %swap3A_458 = arith.constant 4 : i32
    %swap3A_459 = arith.index_cast %swap3A_458 : i32 to index
    %swap3A_460 = arith.constant 0 : index
    %swap3A_461 = tpu.vector_load %arg9[%swap3A_459, %swap3A_460] {strides = array<i32>} : memref<8x128xi32, #tpu.memory_space<vmem>>, vector<16xi32>,
    tpu.vector_store %arg9[%swap3A_459, %swap3A_460], %add3A_457 {strides = array<i32>} : memref<8x128xi32, #tpu.memory_space<vmem>>, vector<16xi32>,
    %get3A_462 = arith.constant 4 : i32
    %get3A_463 = arith.index_cast %get3A_462 : i32 to index
    %get3A_464 = arith.constant 16 : index
    %get3A_465 = tpu.vector_load %arg8[%get3A_463, %get3A_464] {strides = array<i32>} : memref<8x128xi32, #tpu.memory_space<vmem>>, vector<16xi32>,
    %shift_right_logical3A_466 = arith.constant 3 : i32
    %shift_right_logical3A_467 = vector.broadcast %shift_right_logical3A_466 : i32 to vector<16xi32>
    %shift_right_logical3A_468 = arith.shrui %get3A_465, %shift_right_logical3A_467 : vector<16xi32>
    %add3A_469 = arith.constant 12500 : i32
    %add3A_470 = vector.broadcast %add3A_469 : i32 to vector<16xi32>
    %add3A_471 = arith.addi %shift_right_logical3A_468, %add3A_470 : vector<16xi32>
    %swap3A_472 = arith.constant 4 : i32
    %swap3A_473 = arith.index_cast %swap3A_472 : i32 to index
    %swap3A_474 = arith.constant 16 : index
    %swap3A_475 = tpu.vector_load %arg9[%swap3A_473, %swap3A_474] {strides = array<i32>} : memref<8x128xi32, #tpu.memory_space<vmem>>, vector<16xi32>,
    tpu.vector_store %arg9[%swap3A_473, %swap3A_474], %add3A_471 {strides = array<i32>} : memref<8x128xi32, #tpu.memory_space<vmem>>, vector<16xi32>,
    %get3A_476 = arith.constant 4 : i32
    %get3A_477 = arith.index_cast %get3A_476 : i32 to index
    %get3A_478 = arith.constant 32 : index
    %get3A_479 = tpu.vector_load %arg8[%get3A_477, %get3A_478] {strides = array<i32>} : memref<8x128xi32, #tpu.memory_space<vmem>>, vector<16xi32>,
    %shift_right_logical3A_480 = arith.constant 3 : i32
    %shift_right_logical3A_481 = vector.broadcast %shift_right_logical3A_480 : i32 to vector<16xi32>
    %shift_right_logical3A_482 = arith.shrui %get3A_479, %shift_right_logical3A_481 : vector<16xi32>
    %add3A_483 = arith.constant 12500 : i32
    %add3A_484 = vector.broadcast %add3A_483 : i32 to vector<16xi32>
    %add3A_485 = arith.addi %shift_right_logical3A_482, %add3A_484 : vector<16xi32>
    %swap3A_486 = arith.constant 4 : i32
    %swap3A_487 = arith.index_cast %swap3A_486 : i32 to index
    %swap3A_488 = arith.constant 32 : index
    %swap3A_489 = tpu.vector_load %arg9[%swap3A_487, %swap3A_488] {strides = array<i32>} : memref<8x128xi32, #tpu.memory_space<vmem>>, vector<16xi32>,
    tpu.vector_store %arg9[%swap3A_487, %swap3A_488], %add3A_485 {strides = array<i32>} : memref<8x128xi32, #tpu.memory_space<vmem>>, vector<16xi32>,
    %get3A_490 = arith.constant 4 : i32
    %get3A_491 = arith.index_cast %get3A_490 : i32 to index
    %get3A_492 = arith.constant 48 : index
    %get3A_493 = tpu.vector_load %arg8[%get3A_491, %get3A_492] {strides = array<i32>} : memref<8x128xi32, #tpu.memory_space<vmem>>, vector<16xi32>,
    %shift_right_logical3A_494 = arith.constant 3 : i32
    %shift_right_logical3A_495 = vector.broadcast %shift_right_logical3A_494 : i32 to vector<16xi32>
    %shift_right_logical3A_496 = arith.shrui %get3A_493, %shift_right_logical3A_495 : vector<16xi32>
    %add3A_497 = arith.constant 12500 : i32
    %add3A_498 = vector.broadcast %add3A_497 : i32 to vector<16xi32>
    %add3A_499 = arith.addi %shift_right_logical3A_496, %add3A_498 : vector<16xi32>
    %swap3A_500 = arith.constant 4 : i32
    %swap3A_501 = arith.index_cast %swap3A_500 : i32 to index
    %swap3A_502 = arith.constant 48 : index
    %swap3A_503 = tpu.vector_load %arg9[%swap3A_501, %swap3A_502] {strides = array<i32>} : memref<8x128xi32, #tpu.memory_space<vmem>>, vector<16xi32>,
    tpu.vector_store %arg9[%swap3A_501, %swap3A_502], %add3A_499 {strides = array<i32>} : memref<8x128xi32, #tpu.memory_space<vmem>>, vector<16xi32>,
    %get3A_504 = arith.constant 4 : i32
    %get3A_505 = arith.index_cast %get3A_504 : i32 to index
    %get3A_506 = arith.constant 64 : index
    %get3A_507 = tpu.vector_load %arg8[%get3A_505, %get3A_506] {strides = array<i32>} : memref<8x128xi32, #tpu.memory_space<vmem>>, vector<16xi32>,
    %shift_right_logical3A_508 = arith.constant 3 : i32
    %shift_right_logical3A_509 = vector.broadcast %shift_right_logical3A_508 : i32 to vector<16xi32>
    %shift_right_logical3A_510 = arith.shrui %get3A_507, %shift_right_logical3A_509 : vector<16xi32>
    %add3A_511 = arith.constant 12500 : i32
    %add3A_512 = vector.broadcast %add3A_511 : i32 to vector<16xi32>
    %add3A_513 = arith.addi %shift_right_logical3A_510, %add3A_512 : vector<16xi32>
    %swap3A_514 = arith.constant 4 : i32
    %swap3A_515 = arith.index_cast %swap3A_514 : i32 to index
    %swap3A_516 = arith.constant 64 : index
    %swap3A_517 = tpu.vector_load %arg9[%swap3A_515, %swap3A_516] {strides = array<i32>} : memref<8x128xi32, #tpu.memory_space<vmem>>, vector<16xi32>,
    tpu.vector_store %arg9[%swap3A_515, %swap3A_516], %add3A_513 {strides = array<i32>} : memref<8x128xi32, #tpu.memory_space<vmem>>, vector<16xi32>,
    %get3A_518 = arith.constant 4 : i32
    %get3A_519 = arith.index_cast %get3A_518 : i32 to index
    %get3A_520 = arith.constant 80 : index
    %get3A_521 = tpu.vector_load %arg8[%get3A_519, %get3A_520] {strides = array<i32>} : memref<8x128xi32, #tpu.memory_space<vmem>>, vector<16xi32>,
    %shift_right_logical3A_522 = arith.constant 3 : i32
    %shift_right_logical3A_523 = vector.broadcast %shift_right_logical3A_522 : i32 to vector<16xi32>
    %shift_right_logical3A_524 = arith.shrui %get3A_521, %shift_right_logical3A_523 : vector<16xi32>
    %add3A_525 = arith.constant 12500 : i32
    %add3A_526 = vector.broadcast %add3A_525 : i32 to vector<16xi32>
    %add3A_527 = arith.addi %shift_right_logical3A_524, %add3A_526 : vector<16xi32>
    %swap3A_528 = arith.constant 4 : i32
    %swap3A_529 = arith.index_cast %swap3A_528 : i32 to index
    %swap3A_530 = arith.constant 80 : index
    %swap3A_531 = tpu.vector_load %arg9[%swap3A_529, %swap3A_530] {strides = array<i32>} : memref<8x128xi32, #tpu.memory_space<vmem>>, vector<16xi32>,
    tpu.vector_store %arg9[%swap3A_529, %swap3A_530], %add3A_527 {strides = array<i32>} : memref<8x128xi32, #tpu.memory_space<vmem>>, vector<16xi32>,
    %get3A_532 = arith.constant 4 : i32
    %get3A_533 = arith.index_cast %get3A_532 : i32 to index
    %get3A_534 = arith.constant 96 : index
    %get3A_535 = tpu.vector_load %arg8[%get3A_533, %get3A_534] {strides = array<i32>} : memref<8x128xi32, #tpu.memory_space<vmem>>, vector<16xi32>,
    %shift_right_logical3A_536 = arith.constant 3 : i32
    %shift_right_logical3A_537 = vector.broadcast %shift_right_logical3A_536 : i32 to vector<16xi32>
    %shift_right_logical3A_538 = arith.shrui %get3A_535, %shift_right_logical3A_537 : vector<16xi32>
    %add3A_539 = arith.constant 12500 : i32
    %add3A_540 = vector.broadcast %add3A_539 : i32 to vector<16xi32>
    %add3A_541 = arith.addi %shift_right_logical3A_538, %add3A_540 : vector<16xi32>
    %swap3A_542 = arith.constant 4 : i32
    %swap3A_543 = arith.index_cast %swap3A_542 : i32 to index
    %swap3A_544 = arith.constant 96 : index
    %swap3A_545 = tpu.vector_load %arg9[%swap3A_543, %swap3A_544] {strides = array<i32>} : memref<8x128xi32, #tpu.memory_space<vmem>>, vector<16xi32>,
    tpu.vector_store %arg9[%swap3A_543, %swap3A_544], %add3A_541 {strides = array<i32>} : memref<8x128xi32, #tpu.memory_space<vmem>>, vector<16xi32>,
    %get3A_546 = arith.constant 4 : i32
    %get3A_547 = arith.index_cast %get3A_546 : i32 to index
    %get3A_548 = arith.constant 112 : index
    %get3A_549 = tpu.vector_load %arg8[%get3A_547, %get3A_548] {strides = array<i32>} : memref<8x128xi32, #tpu.memory_space<vmem>>, vector<16xi32>,
    %shift_right_logical3A_550 = arith.constant 3 : i32
    %shift_right_logical3A_551 = vector.broadcast %shift_right_logical3A_550 : i32 to vector<16xi32>
    %shift_right_logical3A_552 = arith.shrui %get3A_549, %shift_right_logical3A_551 : vector<16xi32>
    %add3A_553 = arith.constant 12500 : i32
    %add3A_554 = vector.broadcast %add3A_553 : i32 to vector<16xi32>
    %add3A_555 = arith.addi %shift_right_logical3A_552, %add3A_554 : vector<16xi32>
    %swap3A_556 = arith.constant 4 : i32
    %swap3A_557 = arith.index_cast %swap3A_556 : i32 to index
    %swap3A_558 = arith.constant 112 : index
    %swap3A_559 = tpu.vector_load %arg9[%swap3A_557, %swap3A_558] {strides = array<i32>} : memref<8x128xi32, #tpu.memory_space<vmem>>, vector<16xi32>,
    tpu.vector_store %arg9[%swap3A_557, %swap3A_558], %add3A_555 {strides = array<i32>} : memref<8x128xi32, #tpu.memory_space<vmem>>, vector<16xi32>,
    %get3A_560 = arith.constant 5 : i32
    %get3A_561 = arith.index_cast %get3A_560 : i32 to index
    %get3A_562 = arith.constant 0 : index
    %get3A_563 = tpu.vector_load %arg8[%get3A_561, %get3A_562] {strides = array<i32>} : memref<8x128xi32, #tpu.memory_space<vmem>>, vector<16xi32>,
    %shift_right_logical3A_564 = arith.constant 3 : i32
    %shift_right_logical3A_565 = vector.broadcast %shift_right_logical3A_564 : i32 to vector<16xi32>
    %shift_right_logical3A_566 = arith.shrui %get3A_563, %shift_right_logical3A_565 : vector<16xi32>
    %add3A_567 = arith.constant 12500 : i32
    %add3A_568 = vector.broadcast %add3A_567 : i32 to vector<16xi32>
    %add3A_569 = arith.addi %shift_right_logical3A_566, %add3A_568 : vector<16xi32>
    %swap3A_570 = arith.constant 5 : i32
    %swap3A_571 = arith.index_cast %swap3A_570 : i32 to index
    %swap3A_572 = arith.constant 0 : index
    %swap3A_573 = tpu.vector_load %arg9[%swap3A_571, %swap3A_572] {strides = array<i32>} : memref<8x128xi32, #tpu.memory_space<vmem>>, vector<16xi32>,
    tpu.vector_store %arg9[%swap3A_571, %swap3A_572], %add3A_569 {strides = array<i32>} : memref<8x128xi32, #tpu.memory_space<vmem>>, vector<16xi32>,
    %get3A_574 = arith.constant 5 : i32
    %get3A_575 = arith.index_cast %get3A_574 : i32 to index
    %get3A_576 = arith.constant 16 : index
    %get3A_577 = tpu.vector_load %arg8[%get3A_575, %get3A_576] {strides = array<i32>} : memref<8x128xi32, #tpu.memory_space<vmem>>, vector<16xi32>,
    %shift_right_logical3A_578 = arith.constant 3 : i32
    %shift_right_logical3A_579 = vector.broadcast %shift_right_logical3A_578 : i32 to vector<16xi32>
    %shift_right_logical3A_580 = arith.shrui %get3A_577, %shift_right_logical3A_579 : vector<16xi32>
    %add3A_581 = arith.constant 12500 : i32
    %add3A_582 = vector.broadcast %add3A_581 : i32 to vector<16xi32>
    %add3A_583 = arith.addi %shift_right_logical3A_580, %add3A_582 : vector<16xi32>
    %swap3A_584 = arith.constant 5 : i32
    %swap3A_585 = arith.index_cast %swap3A_584 : i32 to index
    %swap3A_586 = arith.constant 16 : index
    %swap3A_587 = tpu.vector_load %arg9[%swap3A_585, %swap3A_586] {strides = array<i32>} : memref<8x128xi32, #tpu.memory_space<vmem>>, vector<16xi32>,
    tpu.vector_store %arg9[%swap3A_585, %swap3A_586], %add3A_583 {strides = array<i32>} : memref<8x128xi32, #tpu.memory_space<vmem>>, vector<16xi32>,
    %get3A_588 = arith.constant 5 : i32
    %get3A_589 = arith.index_cast %get3A_588 : i32 to index
    %get3A_590 = arith.constant 32 : index
    %get3A_591 = tpu.vector_load %arg8[%get3A_589, %get3A_590] {strides = array<i32>} : memref<8x128xi32, #tpu.memory_space<vmem>>, vector<16xi32>,
    %shift_right_logical3A_592 = arith.constant 3 : i32
    %shift_right_logical3A_593 = vector.broadcast %shift_right_logical3A_592 : i32 to vector<16xi32>
    %shift_right_logical3A_594 = arith.shrui %get3A_591, %shift_right_logical3A_593 : vector<16xi32>
    %add3A_595 = arith.constant 12500 : i32
    %add3A_596 = vector.broadcast %add3A_595 : i32 to vector<16xi32>
    %add3A_597 = arith.addi %shift_right_logical3A_594, %add3A_596 : vector<16xi32>
    %swap3A_598 = arith.constant 5 : i32
    %swap3A_599 = arith.index_cast %swap3A_598 : i32 to index
    %swap3A_600 = arith.constant 32 : index
    %swap3A_601 = tpu.vector_load %arg9[%swap3A_599, %swap3A_600] {strides = array<i32>} : memref<8x128xi32, #tpu.memory_space<vmem>>, vector<16xi32>,
    tpu.vector_store %arg9[%swap3A_599, %swap3A_600], %add3A_597 {strides = array<i32>} : memref<8x128xi32, #tpu.memory_space<vmem>>, vector<16xi32>,
    %get3A_602 = arith.constant 5 : i32
    %get3A_603 = arith.index_cast %get3A_602 : i32 to index
    %get3A_604 = arith.constant 48 : index
    %get3A_605 = tpu.vector_load %arg8[%get3A_603, %get3A_604] {strides = array<i32>} : memref<8x128xi32, #tpu.memory_space<vmem>>, vector<16xi32>,
    %shift_right_logical3A_606 = arith.constant 3 : i32
    %shift_right_logical3A_607 = vector.broadcast %shift_right_logical3A_606 : i32 to vector<16xi32>
    %shift_right_logical3A_608 = arith.shrui %get3A_605, %shift_right_logical3A_607 : vector<16xi32>
    %add3A_609 = arith.constant 12500 : i32
    %add3A_610 = vector.broadcast %add3A_609 : i32 to vector<16xi32>
    %add3A_611 = arith.addi %shift_right_logical3A_608, %add3A_610 : vector<16xi32>
    %swap3A_612 = arith.constant 5 : i32
    %swap3A_613 = arith.index_cast %swap3A_612 : i32 to index
    %swap3A_614 = arith.constant 48 : index
    %swap3A_615 = tpu.vector_load %arg9[%swap3A_613, %swap3A_614] {strides = array<i32>} : memref<8x128xi32, #tpu.memory_space<vmem>>, vector<16xi32>,
    tpu.vector_store %arg9[%swap3A_613, %swap3A_614], %add3A_611 {strides = array<i32>} : memref<8x128xi32, #tpu.memory_space<vmem>>, vector<16xi32>,
    %get3A_616 = arith.constant 5 : i32
    %get3A_617 = arith.index_cast %get3A_616 : i32 to index
    %get3A_618 = arith.constant 64 : index
    %get3A_619 = tpu.vector_load %arg8[%get3A_617, %get3A_618] {strides = array<i32>} : memref<8x128xi32, #tpu.memory_space<vmem>>, vector<16xi32>,
    %shift_right_logical3A_620 = arith.constant 3 : i32
    %shift_right_logical3A_621 = vector.broadcast %shift_right_logical3A_620 : i32 to vector<16xi32>
    %shift_right_logical3A_622 = arith.shrui %get3A_619, %shift_right_logical3A_621 : vector<16xi32>
    %add3A_623 = arith.constant 12500 : i32
    %add3A_624 = vector.broadcast %add3A_623 : i32 to vector<16xi32>
    %add3A_625 = arith.addi %shift_right_logical3A_622, %add3A_624 : vector<16xi32>
    %swap3A_626 = arith.constant 5 : i32
    %swap3A_627 = arith.index_cast %swap3A_626 : i32 to index
    %swap3A_628 = arith.constant 64 : index
    %swap3A_629 = tpu.vector_load %arg9[%swap3A_627, %swap3A_628] {strides = array<i32>} : memref<8x128xi32, #tpu.memory_space<vmem>>, vector<16xi32>,
    tpu.vector_store %arg9[%swap3A_627, %swap3A_628], %add3A_625 {strides = array<i32>} : memref<8x128xi32, #tpu.memory_space<vmem>>, vector<16xi32>,
    %get3A_630 = arith.constant 5 : i32
    %get3A_631 = arith.index_cast %get3A_630 : i32 to index
    %get3A_632 = arith.constant 80 : index
    %get3A_633 = tpu.vector_load %arg8[%get3A_631, %get3A_632] {strides = array<i32>} : memref<8x128xi32, #tpu.memory_space<vmem>>, vector<16xi32>,
    %shift_right_logical3A_634 = arith.constant 3 : i32
    %shift_right_logical3A_635 = vector.broadcast %shift_right_logical3A_634 : i32 to vector<16xi32>
    %shift_right_logical3A_636 = arith.shrui %get3A_633, %shift_right_logical3A_635 : vector<16xi32>
    %add3A_637 = arith.constant 12500 : i32
    %add3A_638 = vector.broadcast %add3A_637 : i32 to vector<16xi32>
    %add3A_639 = arith.addi %shift_right_logical3A_636, %add3A_638 : vector<16xi32>
    %swap3A_640 = arith.constant 5 : i32
    %swap3A_641 = arith.index_cast %swap3A_640 : i32 to index
    %swap3A_642 = arith.constant 80 : index
    %swap3A_643 = tpu.vector_load %arg9[%swap3A_641, %swap3A_642] {strides = array<i32>} : memref<8x128xi32, #tpu.memory_space<vmem>>, vector<16xi32>,
    tpu.vector_store %arg9[%swap3A_641, %swap3A_642], %add3A_639 {strides = array<i32>} : memref<8x128xi32, #tpu.memory_space<vmem>>, vector<16xi32>,
    %get3A_644 = arith.constant 5 : i32
    %get3A_645 = arith.index_cast %get3A_644 : i32 to index
    %get3A_646 = arith.constant 96 : index
    %get3A_647 = tpu.vector_load %arg8[%get3A_645, %get3A_646] {strides = array<i32>} : memref<8x128xi32, #tpu.memory_space<vmem>>, vector<16xi32>,
    %shift_right_logical3A_648 = arith.constant 3 : i32
    %shift_right_logical3A_649 = vector.broadcast %shift_right_logical3A_648 : i32 to vector<16xi32>
    %shift_right_logical3A_650 = arith.shrui %get3A_647, %shift_right_logical3A_649 : vector<16xi32>
    %add3A_651 = arith.constant 12500 : i32
    %add3A_652 = vector.broadcast %add3A_651 : i32 to vector<16xi32>
    %add3A_653 = arith.addi %shift_right_logical3A_650, %add3A_652 : vector<16xi32>
    %swap3A_654 = arith.constant 5 : i32
    %swap3A_655 = arith.index_cast %swap3A_654 : i32 to index
    %swap3A_656 = arith.constant 96 : index
    %swap3A_657 = tpu.vector_load %arg9[%swap3A_655, %swap3A_656] {strides = array<i32>} : memref<8x128xi32, #tpu.memory_space<vmem>>, vector<16xi32>,
    tpu.vector_store %arg9[%swap3A_655, %swap3A_656], %add3A_653 {strides = array<i32>} : memref<8x128xi32, #tpu.memory_space<vmem>>, vector<16xi32>,
    %get3A_658 = arith.constant 5 : i32
    %get3A_659 = arith.index_cast %get3A_658 : i32 to index
    %get3A_660 = arith.constant 112 : index
    %get3A_661 = tpu.vector_load %arg8[%get3A_659, %get3A_660] {strides = array<i32>} : memref<8x128xi32, #tpu.memory_space<vmem>>, vector<16xi32>,
    %shift_right_logical3A_662 = arith.constant 3 : i32
    %shift_right_logical3A_663 = vector.broadcast %shift_right_logical3A_662 : i32 to vector<16xi32>
    %shift_right_logical3A_664 = arith.shrui %get3A_661, %shift_right_logical3A_663 : vector<16xi32>
    %add3A_665 = arith.constant 12500 : i32
    %add3A_666 = vector.broadcast %add3A_665 : i32 to vector<16xi32>
    %add3A_667 = arith.addi %shift_right_logical3A_664, %add3A_666 : vector<16xi32>
    %swap3A_668 = arith.constant 5 : i32
    %swap3A_669 = arith.index_cast %swap3A_668 : i32 to index
    %swap3A_670 = arith.constant 112 : index
    %swap3A_671 = tpu.vector_load %arg9[%swap3A_669, %swap3A_670] {strides = array<i32>} : memref<8x128xi32, #tpu.memory_space<vmem>>, vector<16xi32>,
    tpu.vector_store %arg9[%swap3A_669, %swap3A_670], %add3A_667 {strides = array<i32>} : memref<8x128xi32, #tpu.memory_space<vmem>>, vector<16xi32>,
    %get3A_672 = arith.constant 6 : i32
    %get3A_673 = arith.index_cast %get3A_672 : i32 to index
    %get3A_674 = arith.constant 0 : index
    %get3A_675 = tpu.vector_load %arg8[%get3A_673, %get3A_674] {strides = array<i32>} : memref<8x128xi32, #tpu.memory_space<vmem>>, vector<16xi32>,
    %shift_right_logical3A_676 = arith.constant 3 : i32
    %shift_right_logical3A_677 = vector.broadcast %shift_right_logical3A_676 : i32 to vector<16xi32>
    %shift_right_logical3A_678 = arith.shrui %get3A_675, %shift_right_logical3A_677 : vector<16xi32>
    %add3A_679 = arith.constant 12500 : i32
    %add3A_680 = vector.broadcast %add3A_679 : i32 to vector<16xi32>
    %add3A_681 = arith.addi %shift_right_logical3A_678, %add3A_680 : vector<16xi32>
    %swap3A_682 = arith.constant 6 : i32
    %swap3A_683 = arith.index_cast %swap3A_682 : i32 to index
    %swap3A_684 = arith.constant 0 : index
    %swap3A_685 = tpu.vector_load %arg9[%swap3A_683, %swap3A_684] {strides = array<i32>} : memref<8x128xi32, #tpu.memory_space<vmem>>, vector<16xi32>,
    tpu.vector_store %arg9[%swap3A_683, %swap3A_684], %add3A_681 {strides = array<i32>} : memref<8x128xi32, #tpu.memory_space<vmem>>, vector<16xi32>,
    %get3A_686 = arith.constant 6 : i32
    %get3A_687 = arith.index_cast %get3A_686 : i32 to index
    %get3A_688 = arith.constant 16 : index
    %get3A_689 = tpu.vector_load %arg8[%get3A_687, %get3A_688] {strides = array<i32>} : memref<8x128xi32, #tpu.memory_space<vmem>>, vector<16xi32>,
    %shift_right_logical3A_690 = arith.constant 3 : i32
    %shift_right_logical3A_691 = vector.broadcast %shift_right_logical3A_690 : i32 to vector<16xi32>
    %shift_right_logical3A_692 = arith.shrui %get3A_689, %shift_right_logical3A_691 : vector<16xi32>
    %add3A_693 = arith.constant 12500 : i32
    %add3A_694 = vector.broadcast %add3A_693 : i32 to vector<16xi32>
    %add3A_695 = arith.addi %shift_right_logical3A_692, %add3A_694 : vector<16xi32>
    %swap3A_696 = arith.constant 6 : i32
    %swap3A_697 = arith.index_cast %swap3A_696 : i32 to index
    %swap3A_698 = arith.constant 16 : index
    %swap3A_699 = tpu.vector_load %arg9[%swap3A_697, %swap3A_698] {strides = array<i32>} : memref<8x128xi32, #tpu.memory_space<vmem>>, vector<16xi32>,
    tpu.vector_store %arg9[%swap3A_697, %swap3A_698], %add3A_695 {strides = array<i32>} : memref<8x128xi32, #tpu.memory_space<vmem>>, vector<16xi32>,
    %get3A_700 = arith.constant 6 : i32
    %get3A_701 = arith.index_cast %get3A_700 : i32 to index
    %get3A_702 = arith.constant 32 : index
    %get3A_703 = tpu.vector_load %arg8[%get3A_701, %get3A_702] {strides = array<i32>} : memref<8x128xi32, #tpu.memory_space<vmem>>, vector<16xi32>,
    %shift_right_logical3A_704 = arith.constant 3 : i32
    %shift_right_logical3A_705 = vector.broadcast %shift_right_logical3A_704 : i32 to vector<16xi32>
    %shift_right_logical3A_706 = arith.shrui %get3A_703, %shift_right_logical3A_705 : vector<16xi32>
    %add3A_707 = arith.constant 12500 : i32
    %add3A_708 = vector.broadcast %add3A_707 : i32 to vector<16xi32>
    %add3A_709 = arith.addi %shift_right_logical3A_706, %add3A_708 : vector<16xi32>
    %swap3A_710 = arith.constant 6 : i32
    %swap3A_711 = arith.index_cast %swap3A_710 : i32 to index
    %swap3A_712 = arith.constant 32 : index
    %swap3A_713 = tpu.vector_load %arg9[%swap3A_711, %swap3A_712] {strides = array<i32>} : memref<8x128xi32, #tpu.memory_space<vmem>>, vector<16xi32>,
    tpu.vector_store %arg9[%swap3A_711, %swap3A_712], %add3A_709 {strides = array<i32>} : memref<8x128xi32, #tpu.memory_space<vmem>>, vector<16xi32>,
    %get3A_714 = arith.constant 6 : i32
    %get3A_715 = arith.index_cast %get3A_714 : i32 to index
    %get3A_716 = arith.constant 48 : index
    %get3A_717 = tpu.vector_load %arg8[%get3A_715, %get3A_716] {strides = array<i32>} : memref<8x128xi32, #tpu.memory_space<vmem>>, vector<16xi32>,
    %shift_right_logical3A_718 = arith.constant 3 : i32
    %shift_right_logical3A_719 = vector.broadcast %shift_right_logical3A_718 : i32 to vector<16xi32>
    %shift_right_logical3A_720 = arith.shrui %get3A_717, %shift_right_logical3A_719 : vector<16xi32>
    %add3A_721 = arith.constant 12500 : i32
    %add3A_722 = vector.broadcast %add3A_721 : i32 to vector<16xi32>
    %add3A_723 = arith.addi %shift_right_logical3A_720, %add3A_722 : vector<16xi32>
    %swap3A_724 = arith.constant 6 : i32
    %swap3A_725 = arith.index_cast %swap3A_724 : i32 to index
    %swap3A_726 = arith.constant 48 : index
    %swap3A_727 = tpu.vector_load %arg9[%swap3A_725, %swap3A_726] {strides = array<i32>} : memref<8x128xi32, #tpu.memory_space<vmem>>, vector<16xi32>,
    tpu.vector_store %arg9[%swap3A_725, %swap3A_726], %add3A_723 {strides = array<i32>} : memref<8x128xi32, #tpu.memory_space<vmem>>, vector<16xi32>,
    %get3A_728 = arith.constant 6 : i32
    %get3A_729 = arith.index_cast %get3A_728 : i32 to index
    %get3A_730 = arith.constant 64 : index
    %get3A_731 = tpu.vector_load %arg8[%get3A_729, %get3A_730] {strides = array<i32>} : memref<8x128xi32, #tpu.memory_space<vmem>>, vector<16xi32>,
    %shift_right_logical3A_732 = arith.constant 3 : i32
    %shift_right_logical3A_733 = vector.broadcast %shift_right_logical3A_732 : i32 to vector<16xi32>
    %shift_right_logical3A_734 = arith.shrui %get3A_731, %shift_right_logical3A_733 : vector<16xi32>
    %add3A_735 = arith.constant 12500 : i32
    %add3A_736 = vector.broadcast %add3A_735 : i32 to vector<16xi32>
    %add3A_737 = arith.addi %shift_right_logical3A_734, %add3A_736 : vector<16xi32>
    %swap3A_738 = arith.constant 6 : i32
    %swap3A_739 = arith.index_cast %swap3A_738 : i32 to index
    %swap3A_740 = arith.constant 64 : index
    %swap3A_741 = tpu.vector_load %arg9[%swap3A_739, %swap3A_740] {strides = array<i32>} : memref<8x128xi32, #tpu.memory_space<vmem>>, vector<16xi32>,
    tpu.vector_store %arg9[%swap3A_739, %swap3A_740], %add3A_737 {strides = array<i32>} : memref<8x128xi32, #tpu.memory_space<vmem>>, vector<16xi32>,
    %get3A_742 = arith.constant 6 : i32
    %get3A_743 = arith.index_cast %get3A_742 : i32 to index
    %get3A_744 = arith.constant 80 : index
    %get3A_745 = tpu.vector_load %arg8[%get3A_743, %get3A_744] {strides = array<i32>} : memref<8x128xi32, #tpu.memory_space<vmem>>, vector<16xi32>,
    %shift_right_logical3A_746 = arith.constant 3 : i32
    %shift_right_logical3A_747 = vector.broadcast %shift_right_logical3A_746 : i32 to vector<16xi32>
    %shift_right_logical3A_748 = arith.shrui %get3A_745, %shift_right_logical3A_747 : vector<16xi32>
    %add3A_749 = arith.constant 12500 : i32
    %add3A_750 = vector.broadcast %add3A_749 : i32 to vector<16xi32>
    %add3A_751 = arith.addi %shift_right_logical3A_748, %add3A_750 : vector<16xi32>
    %swap3A_752 = arith.constant 6 : i32
    %swap3A_753 = arith.index_cast %swap3A_752 : i32 to index
    %swap3A_754 = arith.constant 80 : index
    %swap3A_755 = tpu.vector_load %arg9[%swap3A_753, %swap3A_754] {strides = array<i32>} : memref<8x128xi32, #tpu.memory_space<vmem>>, vector<16xi32>,
    tpu.vector_store %arg9[%swap3A_753, %swap3A_754], %add3A_751 {strides = array<i32>} : memref<8x128xi32, #tpu.memory_space<vmem>>, vector<16xi32>,
    %get3A_756 = arith.constant 6 : i32
    %get3A_757 = arith.index_cast %get3A_756 : i32 to index
    %get3A_758 = arith.constant 96 : index
    %get3A_759 = tpu.vector_load %arg8[%get3A_757, %get3A_758] {strides = array<i32>} : memref<8x128xi32, #tpu.memory_space<vmem>>, vector<16xi32>,
    %shift_right_logical3A_760 = arith.constant 3 : i32
    %shift_right_logical3A_761 = vector.broadcast %shift_right_logical3A_760 : i32 to vector<16xi32>
    %shift_right_logical3A_762 = arith.shrui %get3A_759, %shift_right_logical3A_761 : vector<16xi32>
    %add3A_763 = arith.constant 12500 : i32
    %add3A_764 = vector.broadcast %add3A_763 : i32 to vector<16xi32>
    %add3A_765 = arith.addi %shift_right_logical3A_762, %add3A_764 : vector<16xi32>
    %swap3A_766 = arith.constant 6 : i32
    %swap3A_767 = arith.index_cast %swap3A_766 : i32 to index
    %swap3A_768 = arith.constant 96 : index
    %swap3A_769 = tpu.vector_load %arg9[%swap3A_767, %swap3A_768] {strides = array<i32>} : memref<8x128xi32, #tpu.memory_space<vmem>>, vector<16xi32>,
    tpu.vector_store %arg9[%swap3A_767, %swap3A_768], %add3A_765 {strides = array<i32>} : memref<8x128xi32, #tpu.memory_space<vmem>>, vector<16xi32>,
    %get3A_770 = arith.constant 6 : i32
    %get3A_771 = arith.index_cast %get3A_770 : i32 to index
    %get3A_772 = arith.constant 112 : index
    %get3A_773 = tpu.vector_load %arg8[%get3A_771, %get3A_772] {strides = array<i32>} : memref<8x128xi32, #tpu.memory_space<vmem>>, vector<16xi32>,
    %shift_right_logical3A_774 = arith.constant 3 : i32
    %shift_right_logical3A_775 = vector.broadcast %shift_right_logical3A_774 : i32 to vector<16xi32>
    %shift_right_logical3A_776 = arith.shrui %get3A_773, %shift_right_logical3A_775 : vector<16xi32>
    %add3A_777 = arith.constant 12500 : i32
    %add3A_778 = vector.broadcast %add3A_777 : i32 to vector<16xi32>
    %add3A_779 = arith.addi %shift_right_logical3A_776, %add3A_778 : vector<16xi32>
    %swap3A_780 = arith.constant 6 : i32
    %swap3A_781 = arith.index_cast %swap3A_780 : i32 to index
    %swap3A_782 = arith.constant 112 : index
    %swap3A_783 = tpu.vector_load %arg9[%swap3A_781, %swap3A_782] {strides = array<i32>} : memref<8x128xi32, #tpu.memory_space<vmem>>, vector<16xi32>,
    tpu.vector_store %arg9[%swap3A_781, %swap3A_782], %add3A_779 {strides = array<i32>} : memref<8x128xi32, #tpu.memory_space<vmem>>, vector<16xi32>,
    %get3A_784 = arith.constant 7 : i32
    %get3A_785 = arith.index_cast %get3A_784 : i32 to index
    %get3A_786 = arith.constant 0 : index
    %get3A_787 = tpu.vector_load %arg8[%get3A_785, %get3A_786] {strides = array<i32>} : memref<8x128xi32, #tpu.memory_space<vmem>>, vector<16xi32>,
    %shift_right_logical3A_788 = arith.constant 3 : i32
    %shift_right_logical3A_789 = vector.broadcast %shift_right_logical3A_788 : i32 to vector<16xi32>
    %shift_right_logical3A_790 = arith.shrui %get3A_787, %shift_right_logical3A_789 : vector<16xi32>
    %add3A_791 = arith.constant 12500 : i32
    %add3A_792 = vector.broadcast %add3A_791 : i32 to vector<16xi32>
    %add3A_793 = arith.addi %shift_right_logical3A_790, %add3A_792 : vector<16xi32>
    %swap3A_794 = arith.constant 7 : i32
    %swap3A_795 = arith.index_cast %swap3A_794 : i32 to index
    %swap3A_796 = arith.constant 0 : index
    %swap3A_797 = tpu.vector_load %arg9[%swap3A_795, %swap3A_796] {strides = array<i32>} : memref<8x128xi32, #tpu.memory_space<vmem>>, vector<16xi32>,
    tpu.vector_store %arg9[%swap3A_795, %swap3A_796], %add3A_793 {strides = array<i32>} : memref<8x128xi32, #tpu.memory_space<vmem>>, vector<16xi32>,
    %get3A_798 = arith.constant 7 : i32
    %get3A_799 = arith.index_cast %get3A_798 : i32 to index
    %get3A_800 = arith.constant 16 : index
    %get3A_801 = tpu.vector_load %arg8[%get3A_799, %get3A_800] {strides = array<i32>} : memref<8x128xi32, #tpu.memory_space<vmem>>, vector<16xi32>,
    %shift_right_logical3A_802 = arith.constant 3 : i32
    %shift_right_logical3A_803 = vector.broadcast %shift_right_logical3A_802 : i32 to vector<16xi32>
    %shift_right_logical3A_804 = arith.shrui %get3A_801, %shift_right_logical3A_803 : vector<16xi32>
    %add3A_805 = arith.constant 12500 : i32
    %add3A_806 = vector.broadcast %add3A_805 : i32 to vector<16xi32>
    %add3A_807 = arith.addi %shift_right_logical3A_804, %add3A_806 : vector<16xi32>
    %swap3A_808 = arith.constant 7 : i32
    %swap3A_809 = arith.index_cast %swap3A_808 : i32 to index
    %swap3A_810 = arith.constant 16 : index
    %swap3A_811 = tpu.vector_load %arg9[%swap3A_809, %swap3A_810] {strides = array<i32>} : memref<8x128xi32, #tpu.memory_space<vmem>>, vector<16xi32>,
    tpu.vector_store %arg9[%swap3A_809, %swap3A_810], %add3A_807 {strides = array<i32>} : memref<8x128xi32, #tpu.memory_space<vmem>>, vector<16xi32>,
    %get3A_812 = arith.constant 7 : i32
    %get3A_813 = arith.index_cast %get3A_812 : i32 to index
    %get3A_814 = arith.constant 32 : index
    %get3A_815 = tpu.vector_load %arg8[%get3A_813, %get3A_814] {strides = array<i32>} : memref<8x128xi32, #tpu.memory_space<vmem>>, vector<16xi32>,
    %shift_right_logical3A_816 = arith.constant 3 : i32
    %shift_right_logical3A_817 = vector.broadcast %shift_right_logical3A_816 : i32 to vector<16xi32>
    %shift_right_logical3A_818 = arith.shrui %get3A_815, %shift_right_logical3A_817 : vector<16xi32>
    %add3A_819 = arith.constant 12500 : i32
    %add3A_820 = vector.broadcast %add3A_819 : i32 to vector<16xi32>
    %add3A_821 = arith.addi %shift_right_logical3A_818, %add3A_820 : vector<16xi32>
    %swap3A_822 = arith.constant 7 : i32
    %swap3A_823 = arith.index_cast %swap3A_822 : i32 to index
    %swap3A_824 = arith.constant 32 : index
    %swap3A_825 = tpu.vector_load %arg9[%swap3A_823, %swap3A_824] {strides = array<i32>} : memref<8x128xi32, #tpu.memory_space<vmem>>, vector<16xi32>,
    tpu.vector_store %arg9[%swap3A_823, %swap3A_824], %add3A_821 {strides = array<i32>} : memref<8x128xi32, #tpu.memory_space<vmem>>, vector<16xi32>,
    %get3A_826 = arith.constant 7 : i32
    %get3A_827 = arith.index_cast %get3A_826 : i32 to index
    %get3A_828 = arith.constant 48 : index
    %get3A_829 = tpu.vector_load %arg8[%get3A_827, %get3A_828] {strides = array<i32>} : memref<8x128xi32, #tpu.memory_space<vmem>>, vector<16xi32>,
    %shift_right_logical3A_830 = arith.constant 3 : i32
    %shift_right_logical3A_831 = vector.broadcast %shift_right_logical3A_830 : i32 to vector<16xi32>
    %shift_right_logical3A_832 = arith.shrui %get3A_829, %shift_right_logical3A_831 : vector<16xi32>
    %add3A_833 = arith.constant 12500 : i32
    %add3A_834 = vector.broadcast %add3A_833 : i32 to vector<16xi32>
    %add3A_835 = arith.addi %shift_right_logical3A_832, %add3A_834 : vector<16xi32>
    %swap3A_836 = arith.constant 7 : i32
    %swap3A_837 = arith.index_cast %swap3A_836 : i32 to index
    %swap3A_838 = arith.constant 48 : index
    %swap3A_839 = tpu.vector_load %arg9[%swap3A_837, %swap3A_838] {strides = array<i32>} : memref<8x128xi32, #tpu.memory_space<vmem>>, vector<16xi32>,
    tpu.vector_store %arg9[%swap3A_837, %swap3A_838], %add3A_835 {strides = array<i32>} : memref<8x128xi32, #tpu.memory_space<vmem>>, vector<16xi32>,
    %get3A_840 = arith.constant 7 : i32
    %get3A_841 = arith.index_cast %get3A_840 : i32 to index
    %get3A_842 = arith.constant 64 : index
    %get3A_843 = tpu.vector_load %arg8[%get3A_841, %get3A_842] {strides = array<i32>} : memref<8x128xi32, #tpu.memory_space<vmem>>, vector<16xi32>,
    %shift_right_logical3A_844 = arith.constant 3 : i32
    %shift_right_logical3A_845 = vector.broadcast %shift_right_logical3A_844 : i32 to vector<16xi32>
    %shift_right_logical3A_846 = arith.shrui %get3A_843, %shift_right_logical3A_845 : vector<16xi32>
    %add3A_847 = arith.constant 12500 : i32
    %add3A_848 = vector.broadcast %add3A_847 : i32 to vector<16xi32>
    %add3A_849 = arith.addi %shift_right_logical3A_846, %add3A_848 : vector<16xi32>
    %swap3A_850 = arith.constant 7 : i32
    %swap3A_851 = arith.index_cast %swap3A_850 : i32 to index
    %swap3A_852 = arith.constant 64 : index
    %swap3A_853 = tpu.vector_load %arg9[%swap3A_851, %swap3A_852] {strides = array<i32>} : memref<8x128xi32, #tpu.memory_space<vmem>>, vector<16xi32>,
    tpu.vector_store %arg9[%swap3A_851, %swap3A_852], %add3A_849 {strides = array<i32>} : memref<8x128xi32, #tpu.memory_space<vmem>>, vector<16xi32>,
    %get3A_854 = arith.constant 7 : i32
    %get3A_855 = arith.index_cast %get3A_854 : i32 to index
    %get3A_856 = arith.constant 80 : index
    %get3A_857 = tpu.vector_load %arg8[%get3A_855, %get3A_856] {strides = array<i32>} : memref<8x128xi32, #tpu.memory_space<vmem>>, vector<16xi32>,
    %shift_right_logical3A_858 = arith.constant 3 : i32
    %shift_right_logical3A_859 = vector.broadcast %shift_right_logical3A_858 : i32 to vector<16xi32>
    %shift_right_logical3A_860 = arith.shrui %get3A_857, %shift_right_logical3A_859 : vector<16xi32>
    %add3A_861 = arith.constant 12500 : i32
    %add3A_862 = vector.broadcast %add3A_861 : i32 to vector<16xi32>
    %add3A_863 = arith.addi %shift_right_logical3A_860, %add3A_862 : vector<16xi32>
    %swap3A_864 = arith.constant 7 : i32
    %swap3A_865 = arith.index_cast %swap3A_864 : i32 to index
    %swap3A_866 = arith.constant 80 : index
    %swap3A_867 = tpu.vector_load %arg9[%swap3A_865, %swap3A_866] {strides = array<i32>} : memref<8x128xi32, #tpu.memory_space<vmem>>, vector<16xi32>,
    tpu.vector_store %arg9[%swap3A_865, %swap3A_866], %add3A_863 {strides = array<i32>} : memref<8x128xi32, #tpu.memory_space<vmem>>, vector<16xi32>,
    %get3A_868 = arith.constant 7 : i32
    %get3A_869 = arith.index_cast %get3A_868 : i32 to index
    %get3A_870 = arith.constant 96 : index
    %get3A_871 = tpu.vector_load %arg8[%get3A_869, %get3A_870] {strides = array<i32>} : memref<8x128xi32, #tpu.memory_space<vmem>>, vector<16xi32>,
    %shift_right_logical3A_872 = arith.constant 3 : i32
    %shift_right_logical3A_873 = vector.broadcast %shift_right_logical3A_872 : i32 to vector<16xi32>
    %shift_right_logical3A_874 = arith.shrui %get3A_871, %shift_right_logical3A_873 : vector<16xi32>
    %add3A_875 = arith.constant 12500 : i32
    %add3A_876 = vector.broadcast %add3A_875 : i32 to vector<16xi32>
    %add3A_877 = arith.addi %shift_right_logical3A_874, %add3A_876 : vector<16xi32>
    %swap3A_878 = arith.constant 7 : i32
    %swap3A_879 = arith.index_cast %swap3A_878 : i32 to index
    %swap3A_880 = arith.constant 96 : index
    %swap3A_881 = tpu.vector_load %arg9[%swap3A_879, %swap3A_880] {strides = array<i32>} : memref<8x128xi32, #tpu.memory_space<vmem>>, vector<16xi32>,
    tpu.vector_store %arg9[%swap3A_879, %swap3A_880], %add3A_877 {strides = array<i32>} : memref<8x128xi32, #tpu.memory_space<vmem>>, vector<16xi32>,
    %get3A_882 = arith.constant 7 : i32
    %get3A_883 = arith.index_cast %get3A_882 : i32 to index
    %get3A_884 = arith.constant 112 : index
    %get3A_885 = tpu.vector_load %arg8[%get3A_883, %get3A_884] {strides = array<i32>} : memref<8x128xi32, #tpu.memory_space<vmem>>, vector<16xi32>,
    %shift_right_logical3A_886 = arith.constant 3 : i32
    %shift_right_logical3A_887 = vector.broadcast %shift_right_logical3A_886 : i32 to vector<16xi32>
    %shift_right_logical3A_888 = arith.shrui %get3A_885, %shift_right_logical3A_887 : vector<16xi32>
    %add3A_889 = arith.constant 12500 : i32
    %add3A_890 = vector.broadcast %add3A_889 : i32 to vector<16xi32>
    %add3A_891 = arith.addi %shift_right_logical3A_888, %add3A_890 : vector<16xi32>
    %swap3A_892 = arith.constant 7 : i32
    %swap3A_893 = arith.index_cast %swap3A_892 : i32 to index
    %swap3A_894 = arith.constant 112 : index
    %swap3A_895 = tpu.vector_load %arg9[%swap3A_893, %swap3A_894] {strides = array<i32>} : memref<8x128xi32, #tpu.memory_space<vmem>>, vector<16xi32>,
    tpu.vector_store %arg9[%swap3A_893, %swap3A_894], %add3A_891 {strides = array<i32>} : memref<8x128xi32, #tpu.memory_space<vmem>>, vector<16xi32>,
    %broadcast_in_dim3A = arith.constant 0.000000e+00 : f32
    %broadcast_in_dim3A_896 = vector.broadcast %broadcast_in_dim3A : f32 to vector<16xf32>
    %broadcast_in_dim3A_897 = arith.constant 0.000000e+00 : f32
    %broadcast_in_dim3A_898 = vector.broadcast %broadcast_in_dim3A_897 : f32 to vector<16xf32>
    %broadcast_in_dim3A_899 = arith.constant 0.000000e+00 : f32
    %broadcast_in_dim3A_900 = vector.broadcast %broadcast_in_dim3A_899 : f32 to vector<16xf32>
    %broadcast_in_dim3A_901 = arith.constant 0.000000e+00 : f32
    %broadcast_in_dim3A_902 = vector.broadcast %broadcast_in_dim3A_901 : f32 to vector<16xf32>
    %broadcast_in_dim3A_903 = arith.constant 0.000000e+00 : f32
    %broadcast_in_dim3A_904 = vector.broadcast %broadcast_in_dim3A_903 : f32 to vector<16xf32>
    %broadcast_in_dim3A_905 = arith.constant 0.000000e+00 : f32
    %broadcast_in_dim3A_906 = vector.broadcast %broadcast_in_dim3A_905 : f32 to vector<16xf32>
    %broadcast_in_dim3A_907 = arith.constant 0.000000e+00 : f32
    %broadcast_in_dim3A_908 = vector.broadcast %broadcast_in_dim3A_907 : f32 to vector<16xf32>
    %broadcast_in_dim3A_909 = arith.constant 0.000000e+00 : f32
    %broadcast_in_dim3A_910 = vector.broadcast %broadcast_in_dim3A_909 : f32 to vector<16xf32>
    %broadcast_in_dim3A_911 = arith.constant 0.000000e+00 : f32
    %broadcast_in_dim3A_912 = vector.broadcast %broadcast_in_dim3A_911 : f32 to vector<16xf32>
    %broadcast_in_dim3A_913 = arith.constant 0.000000e+00 : f32
    %broadcast_in_dim3A_914 = vector.broadcast %broadcast_in_dim3A_913 : f32 to vector<16xf32>
    %broadcast_in_dim3A_915 = arith.constant 0.000000e+00 : f32
    %broadcast_in_dim3A_916 = vector.broadcast %broadcast_in_dim3A_915 : f32 to vector<16xf32>
    %broadcast_in_dim3A_917 = arith.constant 0.000000e+00 : f32
    %broadcast_in_dim3A_918 = vector.broadcast %broadcast_in_dim3A_917 : f32 to vector<16xf32>
    %broadcast_in_dim3A_919 = arith.constant 0.000000e+00 : f32
    %broadcast_in_dim3A_920 = vector.broadcast %broadcast_in_dim3A_919 : f32 to vector<16xf32>
    %broadcast_in_dim3A_921 = arith.constant 0.000000e+00 : f32
    %broadcast_in_dim3A_922 = vector.broadcast %broadcast_in_dim3A_921 : f32 to vector<16xf32>
    %broadcast_in_dim3A_923 = arith.constant 0.000000e+00 : f32
    %broadcast_in_dim3A_924 = vector.broadcast %broadcast_in_dim3A_923 : f32 to vector<16xf32>
    %broadcast_in_dim3A_925 = arith.constant 0.000000e+00 : f32
    %broadcast_in_dim3A_926 = vector.broadcast %broadcast_in_dim3A_925 : f32 to vector<16xf32>
    %dma_start3A = arith.constant 0 : i32
    %dma_start3A_927 = arith.constant 0 : i32
    %dma_start3A_928 = arith.constant 0 : i32
    %dma_start3A_929 = arith.constant 0 : i32
    %dma_start3A_930 = arith.constant 0 : i32
    %dma_start3A_931 = tpu.memref_slice %arg10[%dma_start3A_927, %dma_start3A_929, %dma_start3A_930] : memref<3x128x128xf32, #tpu.memory_space<vmem>> -> memref<1x128x128xf32, #tpu.memory_space<vmem>>
    %dma_start3A_932 = tpu.memref_squeeze %dma_start3A_931 : memref<1x128x128xf32, #tpu.memory_space<vmem>> -> memref<128x128xf32, #tpu.memory_space<vmem>>
    %dma_start3A_933 = arith.constant 0 : i32
    %dma_start3A_934 = tpu.memref_slice %arg8[%dma_start3A, %dma_start3A_933] : memref<8x128xi32, #tpu.memory_space<vmem>> -> memref<1x128xi32, #tpu.memory_space<vmem>>
    %dma_start3A_935 = tpu.memref_squeeze %dma_start3A_934 : memref<1x128xi32, #tpu.memory_space<vmem>> -> memref<128xi32, #tpu.memory_space<vmem>>
    %dma_start3A_936 = arith.constant 0 : i32
    %dma_start3A_937 = arith.constant 0 : i32
    %dma_start3A_938 = tpu.memref_slice %arg3[%dma_start3A_936, %dma_start3A_937] : memref<100000x128xf32, #tpu.memory_space<hbm>> -> memref<100000x128xf32, #tpu.memory_space<hbm>>
    %dma_start3A_939 = tpu.memref_slice %arg16[%dma_start3A_928] : memref<3x!tpu.dma_semaphore, #tpu.memory_space<semaphore_mem>> -> memref<1x!tpu.dma_semaphore, #tpu.memory_space<semaphore_mem>>
    %dma_start3A_940 = tpu.memref_squeeze %dma_start3A_939 : memref<1x!tpu.dma_semaphore, #tpu.memory_space<semaphore_mem>> -> memref<!tpu.dma_semaphore, #tpu.memory_space<semaphore_mem>>
    tpu.enqueue_indirect_dma source(%dma_start3A_938 : memref<100000x128xf32, #tpu.memory_space<hbm>>) target(%dma_start3A_932 : memref<128x128xf32, #tpu.memory_space<vmem>>) offsets(%dma_start3A_935 : memref<128xi32, #tpu.memory_space<vmem>>) semaphore(%dma_start3A_940 : memref<!tpu.dma_semaphore, #tpu.memory_space<semaphore_mem>>)
    %dma_start3A_941 = arith.constant 4 : i32
    %dma_start3A_942 = arith.constant 0 : i32
    %dma_start3A_943 = arith.constant 0 : i32
    %dma_start3A_944 = arith.constant 0 : i32
    %dma_start3A_945 = arith.constant 0 : i32
    %dma_start3A_946 = tpu.memref_slice %arg11[%dma_start3A_942, %dma_start3A_944, %dma_start3A_945] : memref<3x128x128xf32, #tpu.memory_space<vmem>> -> memref<1x128x128xf32, #tpu.memory_space<vmem>>
    %dma_start3A_947 = tpu.memref_squeeze %dma_start3A_946 : memref<1x128x128xf32, #tpu.memory_space<vmem>> -> memref<128x128xf32, #tpu.memory_space<vmem>>
    %dma_start3A_948 = arith.constant 0 : i32
    %dma_start3A_949 = tpu.memref_slice %arg8[%dma_start3A_941, %dma_start3A_948] : memref<8x128xi32, #tpu.memory_space<vmem>> -> memref<1x128xi32, #tpu.memory_space<vmem>>
    %dma_start3A_950 = tpu.memref_squeeze %dma_start3A_949 : memref<1x128xi32, #tpu.memory_space<vmem>> -> memref<128xi32, #tpu.memory_space<vmem>>
    %dma_start3A_951 = arith.constant 0 : i32
    %dma_start3A_952 = arith.constant 0 : i32
    %dma_start3A_953 = tpu.memref_slice %arg4[%dma_start3A_951, %dma_start3A_952] : memref<100000x128xf32, #tpu.memory_space<hbm>> -> memref<100000x128xf32, #tpu.memory_space<hbm>>
    %dma_start3A_954 = tpu.memref_slice %arg16[%dma_start3A_943] : memref<3x!tpu.dma_semaphore, #tpu.memory_space<semaphore_mem>> -> memref<1x!tpu.dma_semaphore, #tpu.memory_space<semaphore_mem>>
    %dma_start3A_955 = tpu.memref_squeeze %dma_start3A_954 : memref<1x!tpu.dma_semaphore, #tpu.memory_space<semaphore_mem>> -> memref<!tpu.dma_semaphore, #tpu.memory_space<semaphore_mem>>
    tpu.enqueue_indirect_dma source(%dma_start3A_953 : memref<100000x128xf32, #tpu.memory_space<hbm>>) target(%dma_start3A_947 : memref<128x128xf32, #tpu.memory_space<vmem>>) offsets(%dma_start3A_950 : memref<128xi32, #tpu.memory_space<vmem>>) semaphore(%dma_start3A_955 : memref<!tpu.dma_semaphore, #tpu.memory_space<semaphore_mem>>)
    %dma_start3A_956 = arith.constant 0 : i32
    %dma_start3A_957 = arith.constant 0 : i32
    %dma_start3A_958 = arith.constant 0 : i32
    %dma_start3A_959 = arith.constant 0 : i32
    %dma_start3A_960 = arith.constant 0 : i32
    %dma_start3A_961 = tpu.memref_slice %arg12[%dma_start3A_957, %dma_start3A_959, %dma_start3A_960] : memref<3x128x8xf32, #tpu.memory_space<vmem>> -> memref<1x128x8xf32, #tpu.memory_space<vmem>>
    %dma_start3A_962 = tpu.memref_squeeze %dma_start3A_961 : memref<1x128x8xf32, #tpu.memory_space<vmem>> -> memref<128x8xf32, #tpu.memory_space<vmem>>
    %dma_start3A_963 = arith.constant 0 : i32
    %dma_start3A_964 = tpu.memref_slice %arg9[%dma_start3A_956, %dma_start3A_963] : memref<8x128xi32, #tpu.memory_space<vmem>> -> memref<1x128xi32, #tpu.memory_space<vmem>>
    %dma_start3A_965 = tpu.memref_squeeze %dma_start3A_964 : memref<1x128xi32, #tpu.memory_space<vmem>> -> memref<128xi32, #tpu.memory_space<vmem>>
    %dma_start3A_966 = arith.constant 0 : i32
    %dma_start3A_967 = arith.constant 0 : i32
    %dma_start3A_968 = tpu.memref_slice %arg5[%dma_start3A_966, %dma_start3A_967] : memref<25000x8xf32, #tpu.memory_space<hbm>> -> memref<25000x8xf32, #tpu.memory_space<hbm>>
    %dma_start3A_969 = tpu.memref_slice %arg17[%dma_start3A_958] : memref<3x!tpu.dma_semaphore, #tpu.memory_space<semaphore_mem>> -> memref<1x!tpu.dma_semaphore, #tpu.memory_space<semaphore_mem>>
    %dma_start3A_970 = tpu.memref_squeeze %dma_start3A_969 : memref<1x!tpu.dma_semaphore, #tpu.memory_space<semaphore_mem>> -> memref<!tpu.dma_semaphore, #tpu.memory_space<semaphore_mem>>
    tpu.enqueue_indirect_dma source(%dma_start3A_968 : memref<25000x8xf32, #tpu.memory_space<hbm>>) target(%dma_start3A_962 : memref<128x8xf32, #tpu.memory_space<vmem>>) offsets(%dma_start3A_965 : memref<128xi32, #tpu.memory_space<vmem>>) semaphore(%dma_start3A_970 : memref<!tpu.dma_semaphore, #tpu.memory_space<semaphore_mem>>)
    %dma_start3A_971 = arith.constant 4 : i32
    %dma_start3A_972 = arith.constant 0 : i32
    %dma_start3A_973 = arith.constant 0 : i32
    %dma_start3A_974 = arith.constant 0 : i32
    %dma_start3A_975 = arith.constant 0 : i32
    %dma_start3A_976 = tpu.memref_slice %arg13[%dma_start3A_972, %dma_start3A_974, %dma_start3A_975] : memref<3x128x8xf32, #tpu.memory_space<vmem>> -> memref<1x128x8xf32, #tpu.memory_space<vmem>>
    %dma_start3A_977 = tpu.memref_squeeze %dma_start3A_976 : memref<1x128x8xf32, #tpu.memory_space<vmem>> -> memref<128x8xf32, #tpu.memory_space<vmem>>
    %dma_start3A_978 = arith.constant 0 : i32
    %dma_start3A_979 = tpu.memref_slice %arg9[%dma_start3A_971, %dma_start3A_978] : memref<8x128xi32, #tpu.memory_space<vmem>> -> memref<1x128xi32, #tpu.memory_space<vmem>>
    %dma_start3A_980 = tpu.memref_squeeze %dma_start3A_979 : memref<1x128xi32, #tpu.memory_space<vmem>> -> memref<128xi32, #tpu.memory_space<vmem>>
    %dma_start3A_981 = arith.constant 0 : i32
    %dma_start3A_982 = arith.constant 0 : i32
    %dma_start3A_983 = tpu.memref_slice %arg5[%dma_start3A_981, %dma_start3A_982] : memref<25000x8xf32, #tpu.memory_space<hbm>> -> memref<25000x8xf32, #tpu.memory_space<hbm>>
    %dma_start3A_984 = tpu.memref_slice %arg17[%dma_start3A_973] : memref<3x!tpu.dma_semaphore, #tpu.memory_space<semaphore_mem>> -> memref<1x!tpu.dma_semaphore, #tpu.memory_space<semaphore_mem>>
    %dma_start3A_985 = tpu.memref_squeeze %dma_start3A_984 : memref<1x!tpu.dma_semaphore, #tpu.memory_space<semaphore_mem>> -> memref<!tpu.dma_semaphore, #tpu.memory_space<semaphore_mem>>
    tpu.enqueue_indirect_dma source(%dma_start3A_983 : memref<25000x8xf32, #tpu.memory_space<hbm>>) target(%dma_start3A_977 : memref<128x8xf32, #tpu.memory_space<vmem>>) offsets(%dma_start3A_980 : memref<128xi32, #tpu.memory_space<vmem>>) semaphore(%dma_start3A_985 : memref<!tpu.dma_semaphore, #tpu.memory_space<semaphore_mem>>)
    %dma_start3A_986 = arith.constant 1 : i32
    %dma_start3A_987 = arith.constant 1 : i32
    %dma_start3A_988 = arith.constant 1 : i32
    %dma_start3A_989 = arith.constant 0 : i32
    %dma_start3A_990 = arith.constant 0 : i32
    %dma_start3A_991 = tpu.memref_slice %arg10[%dma_start3A_987, %dma_start3A_989, %dma_start3A_990] : memref<3x128x128xf32, #tpu.memory_space<vmem>> -> memref<1x128x128xf32, #tpu.memory_space<vmem>>
    %dma_start3A_992 = tpu.memref_squeeze %dma_start3A_991 : memref<1x128x128xf32, #tpu.memory_space<vmem>> -> memref<128x128xf32, #tpu.memory_space<vmem>>
    %dma_start3A_993 = arith.constant 0 : i32
    %dma_start3A_994 = tpu.memref_slice %arg8[%dma_start3A_986, %dma_start3A_993] : memref<8x128xi32, #tpu.memory_space<vmem>> -> memref<1x128xi32, #tpu.memory_space<vmem>>
    %dma_start3A_995 = tpu.memref_squeeze %dma_start3A_994 : memref<1x128xi32, #tpu.memory_space<vmem>> -> memref<128xi32, #tpu.memory_space<vmem>>
    %dma_start3A_996 = arith.constant 0 : i32
    %dma_start3A_997 = arith.constant 0 : i32
    %dma_start3A_998 = tpu.memref_slice %arg3[%dma_start3A_996, %dma_start3A_997] : memref<100000x128xf32, #tpu.memory_space<hbm>> -> memref<100000x128xf32, #tpu.memory_space<hbm>>
    %dma_start3A_999 = tpu.memref_slice %arg16[%dma_start3A_988] : memref<3x!tpu.dma_semaphore, #tpu.memory_space<semaphore_mem>> -> memref<1x!tpu.dma_semaphore, #tpu.memory_space<semaphore_mem>>
    %dma_start3A_1000 = tpu.memref_squeeze %dma_start3A_999 : memref<1x!tpu.dma_semaphore, #tpu.memory_space<semaphore_mem>> -> memref<!tpu.dma_semaphore, #tpu.memory_space<semaphore_mem>>
    tpu.enqueue_indirect_dma source(%dma_start3A_998 : memref<100000x128xf32, #tpu.memory_space<hbm>>) target(%dma_start3A_992 : memref<128x128xf32, #tpu.memory_space<vmem>>) offsets(%dma_start3A_995 : memref<128xi32, #tpu.memory_space<vmem>>) semaphore(%dma_start3A_1000 : memref<!tpu.dma_semaphore, #tpu.memory_space<semaphore_mem>>)
    %dma_start3A_1001 = arith.constant 5 : i32
    %dma_start3A_1002 = arith.constant 1 : i32
    %dma_start3A_1003 = arith.constant 1 : i32
    %dma_start3A_1004 = arith.constant 0 : i32
    %dma_start3A_1005 = arith.constant 0 : i32
    %dma_start3A_1006 = tpu.memref_slice %arg11[%dma_start3A_1002, %dma_start3A_1004, %dma_start3A_1005] : memref<3x128x128xf32, #tpu.memory_space<vmem>> -> memref<1x128x128xf32, #tpu.memory_space<vmem>>
    %dma_start3A_1007 = tpu.memref_squeeze %dma_start3A_1006 : memref<1x128x128xf32, #tpu.memory_space<vmem>> -> memref<128x128xf32, #tpu.memory_space<vmem>>
    %dma_start3A_1008 = arith.constant 0 : i32
    %dma_start3A_1009 = tpu.memref_slice %arg8[%dma_start3A_1001, %dma_start3A_1008] : memref<8x128xi32, #tpu.memory_space<vmem>> -> memref<1x128xi32, #tpu.memory_space<vmem>>
    %dma_start3A_1010 = tpu.memref_squeeze %dma_start3A_1009 : memref<1x128xi32, #tpu.memory_space<vmem>> -> memref<128xi32, #tpu.memory_space<vmem>>
    %dma_start3A_1011 = arith.constant 0 : i32
    %dma_start3A_1012 = arith.constant 0 : i32
    %dma_start3A_1013 = tpu.memref_slice %arg4[%dma_start3A_1011, %dma_start3A_1012] : memref<100000x128xf32, #tpu.memory_space<hbm>> -> memref<100000x128xf32, #tpu.memory_space<hbm>>
    %dma_start3A_1014 = tpu.memref_slice %arg16[%dma_start3A_1003] : memref<3x!tpu.dma_semaphore, #tpu.memory_space<semaphore_mem>> -> memref<1x!tpu.dma_semaphore, #tpu.memory_space<semaphore_mem>>
    %dma_start3A_1015 = tpu.memref_squeeze %dma_start3A_1014 : memref<1x!tpu.dma_semaphore, #tpu.memory_space<semaphore_mem>> -> memref<!tpu.dma_semaphore, #tpu.memory_space<semaphore_mem>>
    tpu.enqueue_indirect_dma source(%dma_start3A_1013 : memref<100000x128xf32, #tpu.memory_space<hbm>>) target(%dma_start3A_1007 : memref<128x128xf32, #tpu.memory_space<vmem>>) offsets(%dma_start3A_1010 : memref<128xi32, #tpu.memory_space<vmem>>) semaphore(%dma_start3A_1015 : memref<!tpu.dma_semaphore, #tpu.memory_space<semaphore_mem>>)
    %dma_start3A_1016 = arith.constant 1 : i32
    %dma_start3A_1017 = arith.constant 1 : i32
    %dma_start3A_1018 = arith.constant 1 : i32
    %dma_start3A_1019 = arith.constant 0 : i32
    %dma_start3A_1020 = arith.constant 0 : i32
    %dma_start3A_1021 = tpu.memref_slice %arg12[%dma_start3A_1017, %dma_start3A_1019, %dma_start3A_1020] : memref<3x128x8xf32, #tpu.memory_space<vmem>> -> memref<1x128x8xf32, #tpu.memory_space<vmem>>
    %dma_start3A_1022 = tpu.memref_squeeze %dma_start3A_1021 : memref<1x128x8xf32, #tpu.memory_space<vmem>> -> memref<128x8xf32, #tpu.memory_space<vmem>>
    %dma_start3A_1023 = arith.constant 0 : i32
    %dma_start3A_1024 = tpu.memref_slice %arg9[%dma_start3A_1016, %dma_start3A_1023] : memref<8x128xi32, #tpu.memory_space<vmem>> -> memref<1x128xi32, #tpu.memory_space<vmem>>
    %dma_start3A_1025 = tpu.memref_squeeze %dma_start3A_1024 : memref<1x128xi32, #tpu.memory_space<vmem>> -> memref<128xi32, #tpu.memory_space<vmem>>
    %dma_start3A_1026 = arith.constant 0 : i32
    %dma_start3A_1027 = arith.constant 0 : i32
    %dma_start3A_1028 = tpu.memref_slice %arg5[%dma_start3A_1026, %dma_start3A_1027] : memref<25000x8xf32, #tpu.memory_space<hbm>> -> memref<25000x8xf32, #tpu.memory_space<hbm>>
    %dma_start3A_1029 = tpu.memref_slice %arg17[%dma_start3A_1018] : memref<3x!tpu.dma_semaphore, #tpu.memory_space<semaphore_mem>> -> memref<1x!tpu.dma_semaphore, #tpu.memory_space<semaphore_mem>>
    %dma_start3A_1030 = tpu.memref_squeeze %dma_start3A_1029 : memref<1x!tpu.dma_semaphore, #tpu.memory_space<semaphore_mem>> -> memref<!tpu.dma_semaphore, #tpu.memory_space<semaphore_mem>>
    tpu.enqueue_indirect_dma source(%dma_start3A_1028 : memref<25000x8xf32, #tpu.memory_space<hbm>>) target(%dma_start3A_1022 : memref<128x8xf32, #tpu.memory_space<vmem>>) offsets(%dma_start3A_1025 : memref<128xi32, #tpu.memory_space<vmem>>) semaphore(%dma_start3A_1030 : memref<!tpu.dma_semaphore, #tpu.memory_space<semaphore_mem>>)
    %dma_start3A_1031 = arith.constant 5 : i32
    %dma_start3A_1032 = arith.constant 1 : i32
    %dma_start3A_1033 = arith.constant 1 : i32
    %dma_start3A_1034 = arith.constant 0 : i32
    %dma_start3A_1035 = arith.constant 0 : i32
    %dma_start3A_1036 = tpu.memref_slice %arg13[%dma_start3A_1032, %dma_start3A_1034, %dma_start3A_1035] : memref<3x128x8xf32, #tpu.memory_space<vmem>> -> memref<1x128x8xf32, #tpu.memory_space<vmem>>
    %dma_start3A_1037 = tpu.memref_squeeze %dma_start3A_1036 : memref<1x128x8xf32, #tpu.memory_space<vmem>> -> memref<128x8xf32, #tpu.memory_space<vmem>>
    %dma_start3A_1038 = arith.constant 0 : i32
    %dma_start3A_1039 = tpu.memref_slice %arg9[%dma_start3A_1031, %dma_start3A_1038] : memref<8x128xi32, #tpu.memory_space<vmem>> -> memref<1x128xi32, #tpu.memory_space<vmem>>
    %dma_start3A_1040 = tpu.memref_squeeze %dma_start3A_1039 : memref<1x128xi32, #tpu.memory_space<vmem>> -> memref<128xi32, #tpu.memory_space<vmem>>
    %dma_start3A_1041 = arith.constant 0 : i32
    %dma_start3A_1042 = arith.constant 0 : i32
    %dma_start3A_1043 = tpu.memref_slice %arg5[%dma_start3A_1041, %dma_start3A_1042] : memref<25000x8xf32, #tpu.memory_space<hbm>> -> memref<25000x8xf32, #tpu.memory_space<hbm>>
    %dma_start3A_1044 = tpu.memref_slice %arg17[%dma_start3A_1033] : memref<3x!tpu.dma_semaphore, #tpu.memory_space<semaphore_mem>> -> memref<1x!tpu.dma_semaphore, #tpu.memory_space<semaphore_mem>>
    %dma_start3A_1045 = tpu.memref_squeeze %dma_start3A_1044 : memref<1x!tpu.dma_semaphore, #tpu.memory_space<semaphore_mem>> -> memref<!tpu.dma_semaphore, #tpu.memory_space<semaphore_mem>>
    tpu.enqueue_indirect_dma source(%dma_start3A_1043 : memref<25000x8xf32, #tpu.memory_space<hbm>>) target(%dma_start3A_1037 : memref<128x8xf32, #tpu.memory_space<vmem>>) offsets(%dma_start3A_1040 : memref<128xi32, #tpu.memory_space<vmem>>) semaphore(%dma_start3A_1045 : memref<!tpu.dma_semaphore, #tpu.memory_space<semaphore_mem>>)
    %dma_start3A_1046 = arith.constant 2 : i32
    %dma_start3A_1047 = arith.constant 2 : i32
    %dma_start3A_1048 = arith.constant 2 : i32
    %dma_start3A_1049 = arith.constant 0 : i32
    %dma_start3A_1050 = arith.constant 0 : i32
    %dma_start3A_1051 = tpu.memref_slice %arg10[%dma_start3A_1047, %dma_start3A_1049, %dma_start3A_1050] : memref<3x128x128xf32, #tpu.memory_space<vmem>> -> memref<1x128x128xf32, #tpu.memory_space<vmem>>
    %dma_start3A_1052 = tpu.memref_squeeze %dma_start3A_1051 : memref<1x128x128xf32, #tpu.memory_space<vmem>> -> memref<128x128xf32, #tpu.memory_space<vmem>>
    %dma_start3A_1053 = arith.constant 0 : i32
    %dma_start3A_1054 = tpu.memref_slice %arg8[%dma_start3A_1046, %dma_start3A_1053] : memref<8x128xi32, #tpu.memory_space<vmem>> -> memref<1x128xi32, #tpu.memory_space<vmem>>
    %dma_start3A_1055 = tpu.memref_squeeze %dma_start3A_1054 : memref<1x128xi32, #tpu.memory_space<vmem>> -> memref<128xi32, #tpu.memory_space<vmem>>
    %dma_start3A_1056 = arith.constant 0 : i32
    %dma_start3A_1057 = arith.constant 0 : i32
    %dma_start3A_1058 = tpu.memref_slice %arg3[%dma_start3A_1056, %dma_start3A_1057] : memref<100000x128xf32, #tpu.memory_space<hbm>> -> memref<100000x128xf32, #tpu.memory_space<hbm>>
    %dma_start3A_1059 = tpu.memref_slice %arg16[%dma_start3A_1048] : memref<3x!tpu.dma_semaphore, #tpu.memory_space<semaphore_mem>> -> memref<1x!tpu.dma_semaphore, #tpu.memory_space<semaphore_mem>>
    %dma_start3A_1060 = tpu.memref_squeeze %dma_start3A_1059 : memref<1x!tpu.dma_semaphore, #tpu.memory_space<semaphore_mem>> -> memref<!tpu.dma_semaphore, #tpu.memory_space<semaphore_mem>>
    tpu.enqueue_indirect_dma source(%dma_start3A_1058 : memref<100000x128xf32, #tpu.memory_space<hbm>>) target(%dma_start3A_1052 : memref<128x128xf32, #tpu.memory_space<vmem>>) offsets(%dma_start3A_1055 : memref<128xi32, #tpu.memory_space<vmem>>) semaphore(%dma_start3A_1060 : memref<!tpu.dma_semaphore, #tpu.memory_space<semaphore_mem>>)
    %dma_start3A_1061 = arith.constant 6 : i32
    %dma_start3A_1062 = arith.constant 2 : i32
    %dma_start3A_1063 = arith.constant 2 : i32
    %dma_start3A_1064 = arith.constant 0 : i32
    %dma_start3A_1065 = arith.constant 0 : i32
    %dma_start3A_1066 = tpu.memref_slice %arg11[%dma_start3A_1062, %dma_start3A_1064, %dma_start3A_1065] : memref<3x128x128xf32, #tpu.memory_space<vmem>> -> memref<1x128x128xf32, #tpu.memory_space<vmem>>
    %dma_start3A_1067 = tpu.memref_squeeze %dma_start3A_1066 : memref<1x128x128xf32, #tpu.memory_space<vmem>> -> memref<128x128xf32, #tpu.memory_space<vmem>>
    %dma_start3A_1068 = arith.constant 0 : i32
    %dma_start3A_1069 = tpu.memref_slice %arg8[%dma_start3A_1061, %dma_start3A_1068] : memref<8x128xi32, #tpu.memory_space<vmem>> -> memref<1x128xi32, #tpu.memory_space<vmem>>
    %dma_start3A_1070 = tpu.memref_squeeze %dma_start3A_1069 : memref<1x128xi32, #tpu.memory_space<vmem>> -> memref<128xi32, #tpu.memory_space<vmem>>
    %dma_start3A_1071 = arith.constant 0 : i32
    %dma_start3A_1072 = arith.constant 0 : i32
    %dma_start3A_1073 = tpu.memref_slice %arg4[%dma_start3A_1071, %dma_start3A_1072] : memref<100000x128xf32, #tpu.memory_space<hbm>> -> memref<100000x128xf32, #tpu.memory_space<hbm>>
    %dma_start3A_1074 = tpu.memref_slice %arg16[%dma_start3A_1063] : memref<3x!tpu.dma_semaphore, #tpu.memory_space<semaphore_mem>> -> memref<1x!tpu.dma_semaphore, #tpu.memory_space<semaphore_mem>>
    %dma_start3A_1075 = tpu.memref_squeeze %dma_start3A_1074 : memref<1x!tpu.dma_semaphore, #tpu.memory_space<semaphore_mem>> -> memref<!tpu.dma_semaphore, #tpu.memory_space<semaphore_mem>>
    tpu.enqueue_indirect_dma source(%dma_start3A_1073 : memref<100000x128xf32, #tpu.memory_space<hbm>>) target(%dma_start3A_1067 : memref<128x128xf32, #tpu.memory_space<vmem>>) offsets(%dma_start3A_1070 : memref<128xi32, #tpu.memory_space<vmem>>) semaphore(%dma_start3A_1075 : memref<!tpu.dma_semaphore, #tpu.memory_space<semaphore_mem>>)
    %dma_start3A_1076 = arith.constant 2 : i32
    %dma_start3A_1077 = arith.constant 2 : i32
    %dma_start3A_1078 = arith.constant 2 : i32
    %dma_start3A_1079 = arith.constant 0 : i32
    %dma_start3A_1080 = arith.constant 0 : i32
    %dma_start3A_1081 = tpu.memref_slice %arg12[%dma_start3A_1077, %dma_start3A_1079, %dma_start3A_1080] : memref<3x128x8xf32, #tpu.memory_space<vmem>> -> memref<1x128x8xf32, #tpu.memory_space<vmem>>
    %dma_start3A_1082 = tpu.memref_squeeze %dma_start3A_1081 : memref<1x128x8xf32, #tpu.memory_space<vmem>> -> memref<128x8xf32, #tpu.memory_space<vmem>>
    %dma_start3A_1083 = arith.constant 0 : i32
    %dma_start3A_1084 = tpu.memref_slice %arg9[%dma_start3A_1076, %dma_start3A_1083] : memref<8x128xi32, #tpu.memory_space<vmem>> -> memref<1x128xi32, #tpu.memory_space<vmem>>
    %dma_start3A_1085 = tpu.memref_squeeze %dma_start3A_1084 : memref<1x128xi32, #tpu.memory_space<vmem>> -> memref<128xi32, #tpu.memory_space<vmem>>
    %dma_start3A_1086 = arith.constant 0 : i32
    %dma_start3A_1087 = arith.constant 0 : i32
    %dma_start3A_1088 = tpu.memref_slice %arg5[%dma_start3A_1086, %dma_start3A_1087] : memref<25000x8xf32, #tpu.memory_space<hbm>> -> memref<25000x8xf32, #tpu.memory_space<hbm>>
    %dma_start3A_1089 = tpu.memref_slice %arg17[%dma_start3A_1078] : memref<3x!tpu.dma_semaphore, #tpu.memory_space<semaphore_mem>> -> memref<1x!tpu.dma_semaphore, #tpu.memory_space<semaphore_mem>>
    %dma_start3A_1090 = tpu.memref_squeeze %dma_start3A_1089 : memref<1x!tpu.dma_semaphore, #tpu.memory_space<semaphore_mem>> -> memref<!tpu.dma_semaphore, #tpu.memory_space<semaphore_mem>>
    tpu.enqueue_indirect_dma source(%dma_start3A_1088 : memref<25000x8xf32, #tpu.memory_space<hbm>>) target(%dma_start3A_1082 : memref<128x8xf32, #tpu.memory_space<vmem>>) offsets(%dma_start3A_1085 : memref<128xi32, #tpu.memory_space<vmem>>) semaphore(%dma_start3A_1090 : memref<!tpu.dma_semaphore, #tpu.memory_space<semaphore_mem>>)
    %dma_start3A_1091 = arith.constant 6 : i32
    %dma_start3A_1092 = arith.constant 2 : i32
    %dma_start3A_1093 = arith.constant 2 : i32
    %dma_start3A_1094 = arith.constant 0 : i32
    %dma_start3A_1095 = arith.constant 0 : i32
    %dma_start3A_1096 = tpu.memref_slice %arg13[%dma_start3A_1092, %dma_start3A_1094, %dma_start3A_1095] : memref<3x128x8xf32, #tpu.memory_space<vmem>> -> memref<1x128x8xf32, #tpu.memory_space<vmem>>
    %dma_start3A_1097 = tpu.memref_squeeze %dma_start3A_1096 : memref<1x128x8xf32, #tpu.memory_space<vmem>> -> memref<128x8xf32, #tpu.memory_space<vmem>>
    %dma_start3A_1098 = arith.constant 0 : i32
    %dma_start3A_1099 = tpu.memref_slice %arg9[%dma_start3A_1091, %dma_start3A_1098] : memref<8x128xi32, #tpu.memory_space<vmem>> -> memref<1x128xi32, #tpu.memory_space<vmem>>
    %dma_start3A_1100 = tpu.memref_squeeze %dma_start3A_1099 : memref<1x128xi32, #tpu.memory_space<vmem>> -> memref<128xi32, #tpu.memory_space<vmem>>
    %dma_start3A_1101 = arith.constant 0 : i32
    %dma_start3A_1102 = arith.constant 0 : i32
    %dma_start3A_1103 = tpu.memref_slice %arg5[%dma_start3A_1101, %dma_start3A_1102] : memref<25000x8xf32, #tpu.memory_space<hbm>> -> memref<25000x8xf32, #tpu.memory_space<hbm>>
    %dma_start3A_1104 = tpu.memref_slice %arg17[%dma_start3A_1093] : memref<3x!tpu.dma_semaphore, #tpu.memory_space<semaphore_mem>> -> memref<1x!tpu.dma_semaphore, #tpu.memory_space<semaphore_mem>>
    %dma_start3A_1105 = tpu.memref_squeeze %dma_start3A_1104 : memref<1x!tpu.dma_semaphore, #tpu.memory_space<semaphore_mem>> -> memref<!tpu.dma_semaphore, #tpu.memory_space<semaphore_mem>>
    tpu.enqueue_indirect_dma source(%dma_start3A_1103 : memref<25000x8xf32, #tpu.memory_space<hbm>>) target(%dma_start3A_1097 : memref<128x8xf32, #tpu.memory_space<vmem>>) offsets(%dma_start3A_1100 : memref<128xi32, #tpu.memory_space<vmem>>) semaphore(%dma_start3A_1105 : memref<!tpu.dma_semaphore, #tpu.memory_space<semaphore_mem>>)
    %dma_wait3A = arith.constant 0 : i32
    %dma_wait3A_1106 = arith.constant 0 : i32
    %dma_wait3A_1107 = arith.constant 0 : i32
    %dma_wait3A_1108 = arith.constant 0 : i32
    %dma_wait3A_1109 = arith.constant 0 : i32
    %dma_wait3A_1110 = tpu.memref_slice %arg12[%dma_wait3A_1106, %dma_wait3A_1108, %dma_wait3A_1109] : memref<3x128x8xf32, #tpu.memory_space<vmem>> -> memref<1x128x8xf32, #tpu.memory_space<vmem>>
    %dma_wait3A_1111 = tpu.memref_squeeze %dma_wait3A_1110 : memref<1x128x8xf32, #tpu.memory_space<vmem>> -> memref<128x8xf32, #tpu.memory_space<vmem>>
    %dma_wait3A_1112 = arith.constant 0 : i32
    %dma_wait3A_1113 = tpu.memref_slice %arg9[%dma_wait3A, %dma_wait3A_1112] : memref<8x128xi32, #tpu.memory_space<vmem>> -> memref<1x128xi32, #tpu.memory_space<vmem>>
    %dma_wait3A_1114 = tpu.memref_squeeze %dma_wait3A_1113 : memref<1x128xi32, #tpu.memory_space<vmem>> -> memref<128xi32, #tpu.memory_space<vmem>>
    %dma_wait3A_1115 = arith.constant 0 : i32
    %dma_wait3A_1116 = arith.constant 0 : i32
    %dma_wait3A_1117 = tpu.memref_slice %arg5[%dma_wait3A_1115, %dma_wait3A_1116] : memref<25000x8xf32, #tpu.memory_space<hbm>> -> memref<25000x8xf32, #tpu.memory_space<hbm>>
    %dma_wait3A_1118 = tpu.memref_slice %arg17[%dma_wait3A_1107] : memref<3x!tpu.dma_semaphore, #tpu.memory_space<semaphore_mem>> -> memref<1x!tpu.dma_semaphore, #tpu.memory_space<semaphore_mem>>
    %dma_wait3A_1119 = tpu.memref_squeeze %dma_wait3A_1118 : memref<1x!tpu.dma_semaphore, #tpu.memory_space<semaphore_mem>> -> memref<!tpu.dma_semaphore, #tpu.memory_space<semaphore_mem>>
    tpu.wait_indirect_dma semaphore(%dma_wait3A_1119 : memref<!tpu.dma_semaphore, #tpu.memory_space<semaphore_mem>>) src(%dma_wait3A_1117 : memref<25000x8xf32, #tpu.memory_space<hbm>>) dst(%dma_wait3A_1111 : memref<128x8xf32, #tpu.memory_space<vmem>>)
    %dma_wait3A_1120 = arith.constant 4 : i32
    %dma_wait3A_1121 = arith.constant 0 : i32
    %dma_wait3A_1122 = arith.constant 0 : i32
    %dma_wait3A_1123 = arith.constant 0 : i32
    %dma_wait3A_1124 = arith.constant 0 : i32
    %dma_wait3A_1125 = tpu.memref_slice %arg13[%dma_wait3A_1121, %dma_wait3A_1123, %dma_wait3A_1124] : memref<3x128x8xf32, #tpu.memory_space<vmem>> -> memref<1x128x8xf32, #tpu.memory_space<vmem>>
    %dma_wait3A_1126 = tpu.memref_squeeze %dma_wait3A_1125 : memref<1x128x8xf32, #tpu.memory_space<vmem>> -> memref<128x8xf32, #tpu.memory_space<vmem>>
    %dma_wait3A_1127 = arith.constant 0 : i32
    %dma_wait3A_1128 = tpu.memref_slice %arg9[%dma_wait3A_1120, %dma_wait3A_1127] : memref<8x128xi32, #tpu.memory_space<vmem>> -> memref<1x128xi32, #tpu.memory_space<vmem>>
    %dma_wait3A_1129 = tpu.memref_squeeze %dma_wait3A_1128 : memref<1x128xi32, #tpu.memory_space<vmem>> -> memref<128xi32, #tpu.memory_space<vmem>>
    %dma_wait3A_1130 = arith.constant 0 : i32
    %dma_wait3A_1131 = arith.constant 0 : i32
    %dma_wait3A_1132 = tpu.memref_slice %arg5[%dma_wait3A_1130, %dma_wait3A_1131] : memref<25000x8xf32, #tpu.memory_space<hbm>> -> memref<25000x8xf32, #tpu.memory_space<hbm>>
    %dma_wait3A_1133 = tpu.memref_slice %arg17[%dma_wait3A_1122] : memref<3x!tpu.dma_semaphore, #tpu.memory_space<semaphore_mem>> -> memref<1x!tpu.dma_semaphore, #tpu.memory_space<semaphore_mem>>
    %dma_wait3A_1134 = tpu.memref_squeeze %dma_wait3A_1133 : memref<1x!tpu.dma_semaphore, #tpu.memory_space<semaphore_mem>> -> memref<!tpu.dma_semaphore, #tpu.memory_space<semaphore_mem>>
    tpu.wait_indirect_dma semaphore(%dma_wait3A_1134 : memref<!tpu.dma_semaphore, #tpu.memory_space<semaphore_mem>>) src(%dma_wait3A_1132 : memref<25000x8xf32, #tpu.memory_space<hbm>>) dst(%dma_wait3A_1126 : memref<128x8xf32, #tpu.memory_space<vmem>>)
    %iota3A = tpu.iota {dimensions = array<i32: 0>} : vector<16xi32>
    %add3A_1135 = arith.constant 0 : i32
    %add3A_1136 = vector.broadcast %add3A_1135 : i32 to vector<16xi32>
    %add3A_1137 = arith.addi %iota3A, %add3A_1136 : vector<16xi32>
    %get3A_1138 = arith.constant 0 : i32
    %get3A_1139 = arith.index_cast %get3A_1138 : i32 to index
    %get3A_1140 = arith.constant 0 : index
    %get3A_1141 = tpu.vector_load %arg8[%get3A_1139, %get3A_1140] {strides = array<i32>} : memref<8x128xi32, #tpu.memory_space<vmem>>, vector<16xi32>,
    %get3A_1142 = arith.constant 4 : i32
    %get3A_1143 = arith.index_cast %get3A_1142 : i32 to index
    %get3A_1144 = arith.constant 0 : index
    %get3A_1145 = tpu.vector_load %arg8[%get3A_1143, %get3A_1144] {strides = array<i32>} : memref<8x128xi32, #tpu.memory_space<vmem>>, vector<16xi32>,
    %and3A = arith.constant 7 : i32
    %and3A_1146 = vector.broadcast %and3A : i32 to vector<16xi32>
    %and3A_1147 = arith.andi %get3A_1141, %and3A_1146 : vector<16xi32>
    %gather3A = arith.constant 0 : i32
    %gather3A_1148 = arith.constant 0 : i32
    %gather3A_1149 = arith.constant 0 : i32
    %gather3A_1150 = tpu.memref_slice %arg12[%gather3A, %gather3A_1148, %gather3A_1149] : memref<3x128x8xf32, #tpu.memory_space<vmem>> -> memref<1x128x8xf32, #tpu.memory_space<vmem>>
    %gather3A_1151 = tpu.memref_squeeze %gather3A_1150 : memref<1x128x8xf32, #tpu.memory_space<vmem>> -> memref<128x8xf32, #tpu.memory_space<vmem>>
    %gather3A_1152 = tpu.vector_load_idx %gather3A_1151[%add3A_1137, %and3A_1147] : memref<128x8xf32, #tpu.memory_space<vmem>>[vector<16xi32>, vector<16xi32>], vector<16xf32>,
    %and3A_1153 = arith.constant 7 : i32
    %and3A_1154 = vector.broadcast %and3A_1153 : i32 to vector<16xi32>
    %and3A_1155 = arith.andi %get3A_1145, %and3A_1154 : vector<16xi32>
    %gather3A_1156 = arith.constant 0 : i32
    %gather3A_1157 = arith.constant 0 : i32
    %gather3A_1158 = arith.constant 0 : i32
    %gather3A_1159 = tpu.memref_slice %arg13[%gather3A_1156, %gather3A_1157, %gather3A_1158] : memref<3x128x8xf32, #tpu.memory_space<vmem>> -> memref<1x128x8xf32, #tpu.memory_space<vmem>>
    %gather3A_1160 = tpu.memref_squeeze %gather3A_1159 : memref<1x128x8xf32, #tpu.memory_space<vmem>> -> memref<128x8xf32, #tpu.memory_space<vmem>>
    %gather3A_1161 = tpu.vector_load_idx %gather3A_1160[%add3A_1137, %and3A_1155] : memref<128x8xf32, #tpu.memory_space<vmem>>[vector<16xi32>, vector<16xi32>], vector<16xf32>,
    %add3A_1162 = arith.addf %gather3A_1152, %gather3A_1161 : vector<16xf32>
    %swap3A_1163 = arith.constant 0 : i32
    %swap3A_1164 = arith.index_cast %swap3A_1163 : i32 to index
    %swap3A_1165 = arith.constant 0 : index
    %swap3A_1166 = tpu.vector_load %arg14[%swap3A_1164, %swap3A_1165] {strides = array<i32>} : memref<3x128xf32, #tpu.memory_space<vmem>>, vector<16xf32>,
    tpu.vector_store %arg14[%swap3A_1164, %swap3A_1165], %add3A_1162 {strides = array<i32>} : memref<3x128xf32, #tpu.memory_space<vmem>>, vector<16xf32>,
    %iota3A_1167 = tpu.iota {dimensions = array<i32: 0>} : vector<16xi32>
    %add3A_1168 = arith.constant 16 : i32
    %add3A_1169 = vector.broadcast %add3A_1168 : i32 to vector<16xi32>
    %add3A_1170 = arith.addi %iota3A_1167, %add3A_1169 : vector<16xi32>
    %get3A_1171 = arith.constant 0 : i32
    %get3A_1172 = arith.index_cast %get3A_1171 : i32 to index
    %get3A_1173 = arith.constant 16 : index
    %get3A_1174 = tpu.vector_load %arg8[%get3A_1172, %get3A_1173] {strides = array<i32>} : memref<8x128xi32, #tpu.memory_space<vmem>>, vector<16xi32>,
    %get3A_1175 = arith.constant 4 : i32
    %get3A_1176 = arith.index_cast %get3A_1175 : i32 to index
    %get3A_1177 = arith.constant 16 : index
    %get3A_1178 = tpu.vector_load %arg8[%get3A_1176, %get3A_1177] {strides = array<i32>} : memref<8x128xi32, #tpu.memory_space<vmem>>, vector<16xi32>,
    %and3A_1179 = arith.constant 7 : i32
    %and3A_1180 = vector.broadcast %and3A_1179 : i32 to vector<16xi32>
    %and3A_1181 = arith.andi %get3A_1174, %and3A_1180 : vector<16xi32>
    %gather3A_1182 = arith.constant 0 : i32
    %gather3A_1183 = arith.constant 0 : i32
    %gather3A_1184 = arith.constant 0 : i32
    %gather3A_1185 = tpu.memref_slice %arg12[%gather3A_1182, %gather3A_1183, %gather3A_1184] : memref<3x128x8xf32, #tpu.memory_space<vmem>> -> memref<1x128x8xf32, #tpu.memory_space<vmem>>
    %gather3A_1186 = tpu.memref_squeeze %gather3A_1185 : memref<1x128x8xf32, #tpu.memory_space<vmem>> -> memref<128x8xf32, #tpu.memory_space<vmem>>
    %gather3A_1187 = tpu.vector_load_idx %gather3A_1186[%add3A_1170, %and3A_1181] : memref<128x8xf32, #tpu.memory_space<vmem>>[vector<16xi32>, vector<16xi32>], vector<16xf32>,
    %and3A_1188 = arith.constant 7 : i32
    %and3A_1189 = vector.broadcast %and3A_1188 : i32 to vector<16xi32>
    %and3A_1190 = arith.andi %get3A_1178, %and3A_1189 : vector<16xi32>
    %gather3A_1191 = arith.constant 0 : i32
    %gather3A_1192 = arith.constant 0 : i32
    %gather3A_1193 = arith.constant 0 : i32
    %gather3A_1194 = tpu.memref_slice %arg13[%gather3A_1191, %gather3A_1192, %gather3A_1193] : memref<3x128x8xf32, #tpu.memory_space<vmem>> -> memref<1x128x8xf32, #tpu.memory_space<vmem>>
    %gather3A_1195 = tpu.memref_squeeze %gather3A_1194 : memref<1x128x8xf32, #tpu.memory_space<vmem>> -> memref<128x8xf32, #tpu.memory_space<vmem>>
    %gather3A_1196 = tpu.vector_load_idx %gather3A_1195[%add3A_1170, %and3A_1190] : memref<128x8xf32, #tpu.memory_space<vmem>>[vector<16xi32>, vector<16xi32>], vector<16xf32>,
    %add3A_1197 = arith.addf %gather3A_1187, %gather3A_1196 : vector<16xf32>
    %swap3A_1198 = arith.constant 0 : i32
    %swap3A_1199 = arith.index_cast %swap3A_1198 : i32 to index
    %swap3A_1200 = arith.constant 16 : index
    %swap3A_1201 = tpu.vector_load %arg14[%swap3A_1199, %swap3A_1200] {strides = array<i32>} : memref<3x128xf32, #tpu.memory_space<vmem>>, vector<16xf32>,
    tpu.vector_store %arg14[%swap3A_1199, %swap3A_1200], %add3A_1197 {strides = array<i32>} : memref<3x128xf32, #tpu.memory_space<vmem>>, vector<16xf32>,
    %iota3A_1202 = tpu.iota {dimensions = array<i32: 0>} : vector<16xi32>
    %add3A_1203 = arith.constant 32 : i32
    %add3A_1204 = vector.broadcast %add3A_1203 : i32 to vector<16xi32>
    %add3A_1205 = arith.addi %iota3A_1202, %add3A_1204 : vector<16xi32>
    %get3A_1206 = arith.constant 0 : i32
    %get3A_1207 = arith.index_cast %get3A_1206 : i32 to index
    %get3A_1208 = arith.constant 32 : index
    %get3A_1209 = tpu.vector_load %arg8[%get3A_1207, %get3A_1208] {strides = array<i32>} : memref<8x128xi32, #tpu.memory_space<vmem>>, vector<16xi32>,
    %get3A_1210 = arith.constant 4 : i32
    %get3A_1211 = arith.index_cast %get3A_1210 : i32 to index
    %get3A_1212 = arith.constant 32 : index
    %get3A_1213 = tpu.vector_load %arg8[%get3A_1211, %get3A_1212] {strides = array<i32>} : memref<8x128xi32, #tpu.memory_space<vmem>>, vector<16xi32>,
    %and3A_1214 = arith.constant 7 : i32
    %and3A_1215 = vector.broadcast %and3A_1214 : i32 to vector<16xi32>
    %and3A_1216 = arith.andi %get3A_1209, %and3A_1215 : vector<16xi32>
    %gather3A_1217 = arith.constant 0 : i32
    %gather3A_1218 = arith.constant 0 : i32
    %gather3A_1219 = arith.constant 0 : i32
    %gather3A_1220 = tpu.memref_slice %arg12[%gather3A_1217, %gather3A_1218, %gather3A_1219] : memref<3x128x8xf32, #tpu.memory_space<vmem>> -> memref<1x128x8xf32, #tpu.memory_space<vmem>>
    %gather3A_1221 = tpu.memref_squeeze %gather3A_1220 : memref<1x128x8xf32, #tpu.memory_space<vmem>> -> memref<128x8xf32, #tpu.memory_space<vmem>>
    %gather3A_1222 = tpu.vector_load_idx %gather3A_1221[%add3A_1205, %and3A_1216] : memref<128x8xf32, #tpu.memory_space<vmem>>[vector<16xi32>, vector<16xi32>], vector<16xf32>,
    %and3A_1223 = arith.constant 7 : i32
    %and3A_1224 = vector.broadcast %and3A_1223 : i32 to vector<16xi32>
    %and3A_1225 = arith.andi %get3A_1213, %and3A_1224 : vector<16xi32>
    %gather3A_1226 = arith.constant 0 : i32
    %gather3A_1227 = arith.constant 0 : i32
    %gather3A_1228 = arith.constant 0 : i32
    %gather3A_1229 = tpu.memref_slice %arg13[%gather3A_1226, %gather3A_1227, %gather3A_1228] : memref<3x128x8xf32, #tpu.memory_space<vmem>> -> memref<1x128x8xf32, #tpu.memory_space<vmem>>
    %gather3A_1230 = tpu.memref_squeeze %gather3A_1229 : memref<1x128x8xf32, #tpu.memory_space<vmem>> -> memref<128x8xf32, #tpu.memory_space<vmem>>
    %gather3A_1231 = tpu.vector_load_idx %gather3A_1230[%add3A_1205, %and3A_1225] : memref<128x8xf32, #tpu.memory_space<vmem>>[vector<16xi32>, vector<16xi32>], vector<16xf32>,
    %add3A_1232 = arith.addf %gather3A_1222, %gather3A_1231 : vector<16xf32>
    %swap3A_1233 = arith.constant 0 : i32
    %swap3A_1234 = arith.index_cast %swap3A_1233 : i32 to index
    %swap3A_1235 = arith.constant 32 : index
    %swap3A_1236 = tpu.vector_load %arg14[%swap3A_1234, %swap3A_1235] {strides = array<i32>} : memref<3x128xf32, #tpu.memory_space<vmem>>, vector<16xf32>,
    tpu.vector_store %arg14[%swap3A_1234, %swap3A_1235], %add3A_1232 {strides = array<i32>} : memref<3x128xf32, #tpu.memory_space<vmem>>, vector<16xf32>,
    %iota3A_1237 = tpu.iota {dimensions = array<i32: 0>} : vector<16xi32>
    %add3A_1238 = arith.constant 48 : i32
    %add3A_1239 = vector.broadcast %add3A_1238 : i32 to vector<16xi32>
    %add3A_1240 = arith.addi %iota3A_1237, %add3A_1239 : vector<16xi32>
    %get3A_1241 = arith.constant 0 : i32
    %get3A_1242 = arith.index_cast %get3A_1241 : i32 to index
    %get3A_1243 = arith.constant 48 : index
    %get3A_1244 = tpu.vector_load %arg8[%get3A_1242, %get3A_1243] {strides = array<i32>} : memref<8x128xi32, #tpu.memory_space<vmem>>, vector<16xi32>,
    %get3A_1245 = arith.constant 4 : i32
    %get3A_1246 = arith.index_cast %get3A_1245 : i32 to index
    %get3A_1247 = arith.constant 48 : index
    %get3A_1248 = tpu.vector_load %arg8[%get3A_1246, %get3A_1247] {strides = array<i32>} : memref<8x128xi32, #tpu.memory_space<vmem>>, vector<16xi32>,
    %and3A_1249 = arith.constant 7 : i32
    %and3A_1250 = vector.broadcast %and3A_1249 : i32 to vector<16xi32>
    %and3A_1251 = arith.andi %get3A_1244, %and3A_1250 : vector<16xi32>
    %gather3A_1252 = arith.constant 0 : i32
    %gather3A_1253 = arith.constant 0 : i32
    %gather3A_1254 = arith.constant 0 : i32
    %gather3A_1255 = tpu.memref_slice %arg12[%gather3A_1252, %gather3A_1253, %gather3A_1254] : memref<3x128x8xf32, #tpu.memory_space<vmem>> -> memref<1x128x8xf32, #tpu.memory_space<vmem>>
    %gather3A_1256 = tpu.memref_squeeze %gather3A_1255 : memref<1x128x8xf32, #tpu.memory_space<vmem>> -> memref<128x8xf32, #tpu.memory_space<vmem>>
    %gather3A_1257 = tpu.vector_load_idx %gather3A_1256[%add3A_1240, %and3A_1251] : memref<128x8xf32, #tpu.memory_space<vmem>>[vector<16xi32>, vector<16xi32>], vector<16xf32>,
    %and3A_1258 = arith.constant 7 : i32
    %and3A_1259 = vector.broadcast %and3A_1258 : i32 to vector<16xi32>
    %and3A_1260 = arith.andi %get3A_1248, %and3A_1259 : vector<16xi32>
    %gather3A_1261 = arith.constant 0 : i32
    %gather3A_1262 = arith.constant 0 : i32
    %gather3A_1263 = arith.constant 0 : i32
    %gather3A_1264 = tpu.memref_slice %arg13[%gather3A_1261, %gather3A_1262, %gather3A_1263] : memref<3x128x8xf32, #tpu.memory_space<vmem>> -> memref<1x128x8xf32, #tpu.memory_space<vmem>>
    %gather3A_1265 = tpu.memref_squeeze %gather3A_1264 : memref<1x128x8xf32, #tpu.memory_space<vmem>> -> memref<128x8xf32, #tpu.memory_space<vmem>>
    %gather3A_1266 = tpu.vector_load_idx %gather3A_1265[%add3A_1240, %and3A_1260] : memref<128x8xf32, #tpu.memory_space<vmem>>[vector<16xi32>, vector<16xi32>], vector<16xf32>,
    %add3A_1267 = arith.addf %gather3A_1257, %gather3A_1266 : vector<16xf32>
    %swap3A_1268 = arith.constant 0 : i32
    %swap3A_1269 = arith.index_cast %swap3A_1268 : i32 to index
    %swap3A_1270 = arith.constant 48 : index
    %swap3A_1271 = tpu.vector_load %arg14[%swap3A_1269, %swap3A_1270] {strides = array<i32>} : memref<3x128xf32, #tpu.memory_space<vmem>>, vector<16xf32>,
    tpu.vector_store %arg14[%swap3A_1269, %swap3A_1270], %add3A_1267 {strides = array<i32>} : memref<3x128xf32, #tpu.memory_space<vmem>>, vector<16xf32>,
    %iota3A_1272 = tpu.iota {dimensions = array<i32: 0>} : vector<16xi32>
    %add3A_1273 = arith.constant 64 : i32
    %add3A_1274 = vector.broadcast %add3A_1273 : i32 to vector<16xi32>
    %add3A_1275 = arith.addi %iota3A_1272, %add3A_1274 : vector<16xi32>
    %get3A_1276 = arith.constant 0 : i32
    %get3A_1277 = arith.index_cast %get3A_1276 : i32 to index
    %get3A_1278 = arith.constant 64 : index
    %get3A_1279 = tpu.vector_load %arg8[%get3A_1277, %get3A_1278] {strides = array<i32>} : memref<8x128xi32, #tpu.memory_space<vmem>>, vector<16xi32>,
    %get3A_1280 = arith.constant 4 : i32
    %get3A_1281 = arith.index_cast %get3A_1280 : i32 to index
    %get3A_1282 = arith.constant 64 : index
    %get3A_1283 = tpu.vector_load %arg8[%get3A_1281, %get3A_1282] {strides = array<i32>} : memref<8x128xi32, #tpu.memory_space<vmem>>, vector<16xi32>,
    %and3A_1284 = arith.constant 7 : i32
    %and3A_1285 = vector.broadcast %and3A_1284 : i32 to vector<16xi32>
    %and3A_1286 = arith.andi %get3A_1279, %and3A_1285 : vector<16xi32>
    %gather3A_1287 = arith.constant 0 : i32
    %gather3A_1288 = arith.constant 0 : i32
    %gather3A_1289 = arith.constant 0 : i32
    %gather3A_1290 = tpu.memref_slice %arg12[%gather3A_1287, %gather3A_1288, %gather3A_1289] : memref<3x128x8xf32, #tpu.memory_space<vmem>> -> memref<1x128x8xf32, #tpu.memory_space<vmem>>
    %gather3A_1291 = tpu.memref_squeeze %gather3A_1290 : memref<1x128x8xf32, #tpu.memory_space<vmem>> -> memref<128x8xf32, #tpu.memory_space<vmem>>
    %gather3A_1292 = tpu.vector_load_idx %gather3A_1291[%add3A_1275, %and3A_1286] : memref<128x8xf32, #tpu.memory_space<vmem>>[vector<16xi32>, vector<16xi32>], vector<16xf32>,
    %and3A_1293 = arith.constant 7 : i32
    %and3A_1294 = vector.broadcast %and3A_1293 : i32 to vector<16xi32>
    %and3A_1295 = arith.andi %get3A_1283, %and3A_1294 : vector<16xi32>
    %gather3A_1296 = arith.constant 0 : i32
    %gather3A_1297 = arith.constant 0 : i32
    %gather3A_1298 = arith.constant 0 : i32
    %gather3A_1299 = tpu.memref_slice %arg13[%gather3A_1296, %gather3A_1297, %gather3A_1298] : memref<3x128x8xf32, #tpu.memory_space<vmem>> -> memref<1x128x8xf32, #tpu.memory_space<vmem>>
    %gather3A_1300 = tpu.memref_squeeze %gather3A_1299 : memref<1x128x8xf32, #tpu.memory_space<vmem>> -> memref<128x8xf32, #tpu.memory_space<vmem>>
    %gather3A_1301 = tpu.vector_load_idx %gather3A_1300[%add3A_1275, %and3A_1295] : memref<128x8xf32, #tpu.memory_space<vmem>>[vector<16xi32>, vector<16xi32>], vector<16xf32>,
    %add3A_1302 = arith.addf %gather3A_1292, %gather3A_1301 : vector<16xf32>
    %swap3A_1303 = arith.constant 0 : i32
    %swap3A_1304 = arith.index_cast %swap3A_1303 : i32 to index
    %swap3A_1305 = arith.constant 64 : index
    %swap3A_1306 = tpu.vector_load %arg14[%swap3A_1304, %swap3A_1305] {strides = array<i32>} : memref<3x128xf32, #tpu.memory_space<vmem>>, vector<16xf32>,
    tpu.vector_store %arg14[%swap3A_1304, %swap3A_1305], %add3A_1302 {strides = array<i32>} : memref<3x128xf32, #tpu.memory_space<vmem>>, vector<16xf32>,
    %iota3A_1307 = tpu.iota {dimensions = array<i32: 0>} : vector<16xi32>
    %add3A_1308 = arith.constant 80 : i32
    %add3A_1309 = vector.broadcast %add3A_1308 : i32 to vector<16xi32>
    %add3A_1310 = arith.addi %iota3A_1307, %add3A_1309 : vector<16xi32>
    %get3A_1311 = arith.constant 0 : i32
    %get3A_1312 = arith.index_cast %get3A_1311 : i32 to index
    %get3A_1313 = arith.constant 80 : index
    %get3A_1314 = tpu.vector_load %arg8[%get3A_1312, %get3A_1313] {strides = array<i32>} : memref<8x128xi32, #tpu.memory_space<vmem>>, vector<16xi32>,
    %get3A_1315 = arith.constant 4 : i32
    %get3A_1316 = arith.index_cast %get3A_1315 : i32 to index
    %get3A_1317 = arith.constant 80 : index
    %get3A_1318 = tpu.vector_load %arg8[%get3A_1316, %get3A_1317] {strides = array<i32>} : memref<8x128xi32, #tpu.memory_space<vmem>>, vector<16xi32>,
    %and3A_1319 = arith.constant 7 : i32
    %and3A_1320 = vector.broadcast %and3A_1319 : i32 to vector<16xi32>
    %and3A_1321 = arith.andi %get3A_1314, %and3A_1320 : vector<16xi32>
    %gather3A_1322 = arith.constant 0 : i32
    %gather3A_1323 = arith.constant 0 : i32
    %gather3A_1324 = arith.constant 0 : i32
    %gather3A_1325 = tpu.memref_slice %arg12[%gather3A_1322, %gather3A_1323, %gather3A_1324] : memref<3x128x8xf32, #tpu.memory_space<vmem>> -> memref<1x128x8xf32, #tpu.memory_space<vmem>>
    %gather3A_1326 = tpu.memref_squeeze %gather3A_1325 : memref<1x128x8xf32, #tpu.memory_space<vmem>> -> memref<128x8xf32, #tpu.memory_space<vmem>>
    %gather3A_1327 = tpu.vector_load_idx %gather3A_1326[%add3A_1310, %and3A_1321] : memref<128x8xf32, #tpu.memory_space<vmem>>[vector<16xi32>, vector<16xi32>], vector<16xf32>,
    %and3A_1328 = arith.constant 7 : i32
    %and3A_1329 = vector.broadcast %and3A_1328 : i32 to vector<16xi32>
    %and3A_1330 = arith.andi %get3A_1318, %and3A_1329 : vector<16xi32>
    %gather3A_1331 = arith.constant 0 : i32
    %gather3A_1332 = arith.constant 0 : i32
    %gather3A_1333 = arith.constant 0 : i32
    %gather3A_1334 = tpu.memref_slice %arg13[%gather3A_1331, %gather3A_1332, %gather3A_1333] : memref<3x128x8xf32, #tpu.memory_space<vmem>> -> memref<1x128x8xf32, #tpu.memory_space<vmem>>
    %gather3A_1335 = tpu.memref_squeeze %gather3A_1334 : memref<1x128x8xf32, #tpu.memory_space<vmem>> -> memref<128x8xf32, #tpu.memory_space<vmem>>
    %gather3A_1336 = tpu.vector_load_idx %gather3A_1335[%add3A_1310, %and3A_1330] : memref<128x8xf32, #tpu.memory_space<vmem>>[vector<16xi32>, vector<16xi32>], vector<16xf32>,
    %add3A_1337 = arith.addf %gather3A_1327, %gather3A_1336 : vector<16xf32>
    %swap3A_1338 = arith.constant 0 : i32
    %swap3A_1339 = arith.index_cast %swap3A_1338 : i32 to index
    %swap3A_1340 = arith.constant 80 : index
    %swap3A_1341 = tpu.vector_load %arg14[%swap3A_1339, %swap3A_1340] {strides = array<i32>} : memref<3x128xf32, #tpu.memory_space<vmem>>, vector<16xf32>,
    tpu.vector_store %arg14[%swap3A_1339, %swap3A_1340], %add3A_1337 {strides = array<i32>} : memref<3x128xf32, #tpu.memory_space<vmem>>, vector<16xf32>,
    %iota3A_1342 = tpu.iota {dimensions = array<i32: 0>} : vector<16xi32>
    %add3A_1343 = arith.constant 96 : i32
    %add3A_1344 = vector.broadcast %add3A_1343 : i32 to vector<16xi32>
    %add3A_1345 = arith.addi %iota3A_1342, %add3A_1344 : vector<16xi32>
    %get3A_1346 = arith.constant 0 : i32
    %get3A_1347 = arith.index_cast %get3A_1346 : i32 to index
    %get3A_1348 = arith.constant 96 : index
    %get3A_1349 = tpu.vector_load %arg8[%get3A_1347, %get3A_1348] {strides = array<i32>} : memref<8x128xi32, #tpu.memory_space<vmem>>, vector<16xi32>,
    %get3A_1350 = arith.constant 4 : i32
    %get3A_1351 = arith.index_cast %get3A_1350 : i32 to index
    %get3A_1352 = arith.constant 96 : index
    %get3A_1353 = tpu.vector_load %arg8[%get3A_1351, %get3A_1352] {strides = array<i32>} : memref<8x128xi32, #tpu.memory_space<vmem>>, vector<16xi32>,
    %and3A_1354 = arith.constant 7 : i32
    %and3A_1355 = vector.broadcast %and3A_1354 : i32 to vector<16xi32>
    %and3A_1356 = arith.andi %get3A_1349, %and3A_1355 : vector<16xi32>
    %gather3A_1357 = arith.constant 0 : i32
    %gather3A_1358 = arith.constant 0 : i32
    %gather3A_1359 = arith.constant 0 : i32
    %gather3A_1360 = tpu.memref_slice %arg12[%gather3A_1357, %gather3A_1358, %gather3A_1359] : memref<3x128x8xf32, #tpu.memory_space<vmem>> -> memref<1x128x8xf32, #tpu.memory_space<vmem>>
    %gather3A_1361 = tpu.memref_squeeze %gather3A_1360 : memref<1x128x8xf32, #tpu.memory_space<vmem>> -> memref<128x8xf32, #tpu.memory_space<vmem>>
    %gather3A_1362 = tpu.vector_load_idx %gather3A_1361[%add3A_1345, %and3A_1356] : memref<128x8xf32, #tpu.memory_space<vmem>>[vector<16xi32>, vector<16xi32>], vector<16xf32>,
    %and3A_1363 = arith.constant 7 : i32
    %and3A_1364 = vector.broadcast %and3A_1363 : i32 to vector<16xi32>
    %and3A_1365 = arith.andi %get3A_1353, %and3A_1364 : vector<16xi32>
    %gather3A_1366 = arith.constant 0 : i32
    %gather3A_1367 = arith.constant 0 : i32
    %gather3A_1368 = arith.constant 0 : i32
    %gather3A_1369 = tpu.memref_slice %arg13[%gather3A_1366, %gather3A_1367, %gather3A_1368] : memref<3x128x8xf32, #tpu.memory_space<vmem>> -> memref<1x128x8xf32, #tpu.memory_space<vmem>>
    %gather3A_1370 = tpu.memref_squeeze %gather3A_1369 : memref<1x128x8xf32, #tpu.memory_space<vmem>> -> memref<128x8xf32, #tpu.memory_space<vmem>>
    %gather3A_1371 = tpu.vector_load_idx %gather3A_1370[%add3A_1345, %and3A_1365] : memref<128x8xf32, #tpu.memory_space<vmem>>[vector<16xi32>, vector<16xi32>], vector<16xf32>,
    %add3A_1372 = arith.addf %gather3A_1362, %gather3A_1371 : vector<16xf32>
    %swap3A_1373 = arith.constant 0 : i32
    %swap3A_1374 = arith.index_cast %swap3A_1373 : i32 to index
    %swap3A_1375 = arith.constant 96 : index
    %swap3A_1376 = tpu.vector_load %arg14[%swap3A_1374, %swap3A_1375] {strides = array<i32>} : memref<3x128xf32, #tpu.memory_space<vmem>>, vector<16xf32>,
    tpu.vector_store %arg14[%swap3A_1374, %swap3A_1375], %add3A_1372 {strides = array<i32>} : memref<3x128xf32, #tpu.memory_space<vmem>>, vector<16xf32>,
    %iota3A_1377 = tpu.iota {dimensions = array<i32: 0>} : vector<16xi32>
    %add3A_1378 = arith.constant 112 : i32
    %add3A_1379 = vector.broadcast %add3A_1378 : i32 to vector<16xi32>
    %add3A_1380 = arith.addi %iota3A_1377, %add3A_1379 : vector<16xi32>
    %get3A_1381 = arith.constant 0 : i32
    %get3A_1382 = arith.index_cast %get3A_1381 : i32 to index
    %get3A_1383 = arith.constant 112 : index
    %get3A_1384 = tpu.vector_load %arg8[%get3A_1382, %get3A_1383] {strides = array<i32>} : memref<8x128xi32, #tpu.memory_space<vmem>>, vector<16xi32>,
    %get3A_1385 = arith.constant 4 : i32
    %get3A_1386 = arith.index_cast %get3A_1385 : i32 to index
    %get3A_1387 = arith.constant 112 : index
    %get3A_1388 = tpu.vector_load %arg8[%get3A_1386, %get3A_1387] {strides = array<i32>} : memref<8x128xi32, #tpu.memory_space<vmem>>, vector<16xi32>,
    %and3A_1389 = arith.constant 7 : i32
    %and3A_1390 = vector.broadcast %and3A_1389 : i32 to vector<16xi32>
    %and3A_1391 = arith.andi %get3A_1384, %and3A_1390 : vector<16xi32>
    %gather3A_1392 = arith.constant 0 : i32
    %gather3A_1393 = arith.constant 0 : i32
    %gather3A_1394 = arith.constant 0 : i32
    %gather3A_1395 = tpu.memref_slice %arg12[%gather3A_1392, %gather3A_1393, %gather3A_1394] : memref<3x128x8xf32, #tpu.memory_space<vmem>> -> memref<1x128x8xf32, #tpu.memory_space<vmem>>
    %gather3A_1396 = tpu.memref_squeeze %gather3A_1395 : memref<1x128x8xf32, #tpu.memory_space<vmem>> -> memref<128x8xf32, #tpu.memory_space<vmem>>
    %gather3A_1397 = tpu.vector_load_idx %gather3A_1396[%add3A_1380, %and3A_1391] : memref<128x8xf32, #tpu.memory_space<vmem>>[vector<16xi32>, vector<16xi32>], vector<16xf32>,
    %and3A_1398 = arith.constant 7 : i32
    %and3A_1399 = vector.broadcast %and3A_1398 : i32 to vector<16xi32>
    %and3A_1400 = arith.andi %get3A_1388, %and3A_1399 : vector<16xi32>
    %gather3A_1401 = arith.constant 0 : i32
    %gather3A_1402 = arith.constant 0 : i32
    %gather3A_1403 = arith.constant 0 : i32
    %gather3A_1404 = tpu.memref_slice %arg13[%gather3A_1401, %gather3A_1402, %gather3A_1403] : memref<3x128x8xf32, #tpu.memory_space<vmem>> -> memref<1x128x8xf32, #tpu.memory_space<vmem>>
    %gather3A_1405 = tpu.memref_squeeze %gather3A_1404 : memref<1x128x8xf32, #tpu.memory_space<vmem>> -> memref<128x8xf32, #tpu.memory_space<vmem>>
    %gather3A_1406 = tpu.vector_load_idx %gather3A_1405[%add3A_1380, %and3A_1400] : memref<128x8xf32, #tpu.memory_space<vmem>>[vector<16xi32>, vector<16xi32>], vector<16xf32>,
    %add3A_1407 = arith.addf %gather3A_1397, %gather3A_1406 : vector<16xf32>
    %swap3A_1408 = arith.constant 0 : i32
    %swap3A_1409 = arith.index_cast %swap3A_1408 : i32 to index
    %swap3A_1410 = arith.constant 112 : index
    %swap3A_1411 = tpu.vector_load %arg14[%swap3A_1409, %swap3A_1410] {strides = array<i32>} : memref<3x128xf32, #tpu.memory_space<vmem>>, vector<16xf32>,
    tpu.vector_store %arg14[%swap3A_1409, %swap3A_1410], %add3A_1407 {strides = array<i32>} : memref<3x128xf32, #tpu.memory_space<vmem>>, vector<16xf32>,
    %add3A_1412 = arith.constant 0 : i32
    %add3A_1413 = arith.addi %mul3A_2, %add3A_1412 : i32
    %dma_start3A_1414 = arith.constant 0 : i32
    %dma_start3A_1415 = arith.constant 0 : i32
    %dma_start3A_1416 = tpu.memref_slice %arg14[%dma_start3A_1414, %dma_start3A_1415] : memref<3x128xf32, #tpu.memory_space<vmem>> -> memref<1x128xf32, #tpu.memory_space<vmem>>
    %dma_start3A_1417 = tpu.memref_squeeze %dma_start3A_1416 : memref<1x128xf32, #tpu.memory_space<vmem>> -> memref<128xf32, #tpu.memory_space<vmem>>
    %dma_start3A_1418 = tpu.memref_slice %arg7[%add3A_1413] : memref<16384xf32, #tpu.memory_space<hbm>> -> memref<128xf32, #tpu.memory_space<hbm>>
    %dma_start3A_1419 = tpu.memref_slice %arg7[%add3A_1413] : memref<16384xf32, #tpu.memory_space<hbm>> -> memref<128xf32, #tpu.memory_space<hbm>>
    %dma_start3A_1420 = arith.constant 0 : i32
    %dma_start3A_1421 = tpu.memref_slice %arg14[%dma_start3A_1414, %dma_start3A_1420] : memref<3x128xf32, #tpu.memory_space<vmem>> -> memref<1x128xf32, #tpu.memory_space<vmem>>
    %dma_start3A_1422 = tpu.memref_squeeze %dma_start3A_1421 : memref<1x128xf32, #tpu.memory_space<vmem>> -> memref<128xf32, #tpu.memory_space<vmem>>
    tpu.enqueue_dma source(%dma_start3A_1422 : memref<128xf32, #tpu.memory_space<vmem>>) target(%dma_start3A_1419 : memref<128xf32, #tpu.memory_space<hbm>>) target_semaphore(%arg18 : memref<!tpu.dma_semaphore, #tpu.memory_space<semaphore_mem>>)
    %dma_wait3A_1423 = arith.constant 0 : i32
    %dma_wait3A_1424 = arith.constant 0 : i32
    %dma_wait3A_1425 = arith.constant 0 : i32
    %dma_wait3A_1426 = arith.constant 0 : i32
    %dma_wait3A_1427 = arith.constant 0 : i32
    %dma_wait3A_1428 = tpu.memref_slice %arg10[%dma_wait3A_1424, %dma_wait3A_1426, %dma_wait3A_1427] : memref<3x128x128xf32, #tpu.memory_space<vmem>> -> memref<1x128x128xf32, #tpu.memory_space<vmem>>
    %dma_wait3A_1429 = tpu.memref_squeeze %dma_wait3A_1428 : memref<1x128x128xf32, #tpu.memory_space<vmem>> -> memref<128x128xf32, #tpu.memory_space<vmem>>
    %dma_wait3A_1430 = arith.constant 0 : i32
    %dma_wait3A_1431 = tpu.memref_slice %arg8[%dma_wait3A_1423, %dma_wait3A_1430] : memref<8x128xi32, #tpu.memory_space<vmem>> -> memref<1x128xi32, #tpu.memory_space<vmem>>
    %dma_wait3A_1432 = tpu.memref_squeeze %dma_wait3A_1431 : memref<1x128xi32, #tpu.memory_space<vmem>> -> memref<128xi32, #tpu.memory_space<vmem>>
    %dma_wait3A_1433 = arith.constant 0 : i32
    %dma_wait3A_1434 = arith.constant 0 : i32
    %dma_wait3A_1435 = tpu.memref_slice %arg3[%dma_wait3A_1433, %dma_wait3A_1434] : memref<100000x128xf32, #tpu.memory_space<hbm>> -> memref<100000x128xf32, #tpu.memory_space<hbm>>
    %dma_wait3A_1436 = tpu.memref_slice %arg16[%dma_wait3A_1425] : memref<3x!tpu.dma_semaphore, #tpu.memory_space<semaphore_mem>> -> memref<1x!tpu.dma_semaphore, #tpu.memory_space<semaphore_mem>>
    %dma_wait3A_1437 = tpu.memref_squeeze %dma_wait3A_1436 : memref<1x!tpu.dma_semaphore, #tpu.memory_space<semaphore_mem>> -> memref<!tpu.dma_semaphore, #tpu.memory_space<semaphore_mem>>
    tpu.wait_indirect_dma semaphore(%dma_wait3A_1437 : memref<!tpu.dma_semaphore, #tpu.memory_space<semaphore_mem>>) src(%dma_wait3A_1435 : memref<100000x128xf32, #tpu.memory_space<hbm>>) dst(%dma_wait3A_1429 : memref<128x128xf32, #tpu.memory_space<vmem>>)
    %dma_wait3A_1438 = arith.constant 4 : i32
    %dma_wait3A_1439 = arith.constant 0 : i32
    %dma_wait3A_1440 = arith.constant 0 : i32
    %dma_wait3A_1441 = arith.constant 0 : i32
    %dma_wait3A_1442 = arith.constant 0 : i32
    %dma_wait3A_1443 = tpu.memref_slice %arg11[%dma_wait3A_1439, %dma_wait3A_1441, %dma_wait3A_1442] : memref<3x128x128xf32, #tpu.memory_space<vmem>> -> memref<1x128x128xf32, #tpu.memory_space<vmem>>
    %dma_wait3A_1444 = tpu.memref_squeeze %dma_wait3A_1443 : memref<1x128x128xf32, #tpu.memory_space<vmem>> -> memref<128x128xf32, #tpu.memory_space<vmem>>
    %dma_wait3A_1445 = arith.constant 0 : i32
    %dma_wait3A_1446 = tpu.memref_slice %arg8[%dma_wait3A_1438, %dma_wait3A_1445] : memref<8x128xi32, #tpu.memory_space<vmem>> -> memref<1x128xi32, #tpu.memory_space<vmem>>
    %dma_wait3A_1447 = tpu.memref_squeeze %dma_wait3A_1446 : memref<1x128xi32, #tpu.memory_space<vmem>> -> memref<128xi32, #tpu.memory_space<vmem>>
    %dma_wait3A_1448 = arith.constant 0 : i32
    %dma_wait3A_1449 = arith.constant 0 : i32
    %dma_wait3A_1450 = tpu.memref_slice %arg4[%dma_wait3A_1448, %dma_wait3A_1449] : memref<100000x128xf32, #tpu.memory_space<hbm>> -> memref<100000x128xf32, #tpu.memory_space<hbm>>
    %dma_wait3A_1451 = tpu.memref_slice %arg16[%dma_wait3A_1440] : memref<3x!tpu.dma_semaphore, #tpu.memory_space<semaphore_mem>> -> memref<1x!tpu.dma_semaphore, #tpu.memory_space<semaphore_mem>>
    %dma_wait3A_1452 = tpu.memref_squeeze %dma_wait3A_1451 : memref<1x!tpu.dma_semaphore, #tpu.memory_space<semaphore_mem>> -> memref<!tpu.dma_semaphore, #tpu.memory_space<semaphore_mem>>
    tpu.wait_indirect_dma semaphore(%dma_wait3A_1452 : memref<!tpu.dma_semaphore, #tpu.memory_space<semaphore_mem>>) src(%dma_wait3A_1450 : memref<100000x128xf32, #tpu.memory_space<hbm>>) dst(%dma_wait3A_1444 : memref<128x128xf32, #tpu.memory_space<vmem>>)
    %scan3A = arith.constant 0 : i32
    %scan3A_1453 = arith.constant 0 : i32
    %scan3A_1454 = arith.constant 0 : i32
    %scan3A_1455 = arith.constant 64 : i32
    %scan3A_1456 = arith.addi %scan3A_1454, %scan3A_1455 : i32
    %scan3A_1457 = arith.constant 1 : i32
    %scan3A_1458:16 = scf.for %scan3A_2652 = %scan3A_1454 to %scan3A_1456 step %scan3A_1457 iter_args(%scan3A_2653 = %broadcast_in_dim3A_896, %scan3A_2654 = %broadcast_in_dim3A_898, %scan3A_2655 = %broadcast_in_dim3A_900, %scan3A_2656 = %broadcast_in_dim3A_902, %scan3A_2657 = %broadcast_in_dim3A_904, %scan3A_2658 = %broadcast_in_dim3A_906, %scan3A_2659 = %broadcast_in_dim3A_908, %scan3A_2660 = %broadcast_in_dim3A_910, %scan3A_2661 = %broadcast_in_dim3A_912, %scan3A_2662 = %broadcast_in_dim3A_914, %scan3A_2663 = %broadcast_in_dim3A_916, %scan3A_2664 = %broadcast_in_dim3A_918, %scan3A_2665 = %broadcast_in_dim3A_920, %scan3A_2666 = %broadcast_in_dim3A_922, %scan3A_2667 = %broadcast_in_dim3A_924, %scan3A_2668 = %broadcast_in_dim3A_926) -> (vector<16xf32>, vector<16xf32>, vector<16xf32>, vector<16xf32>, vector<16xf32>, vector<16xf32>, vector<16xf32>, vector<16xf32>, vector<16xf32>, vector<16xf32>, vector<16xf32>, vector<16xf32>, vector<16xf32>, vector<16xf32>, vector<16xf32>, vector<16xf32>)  : i32 {
      %mul3A_2669 = arith.constant 2 : i32
      %mul3A_2670 = arith.muli %mul3A_2669, %scan3A_2652 : i32
      %add3A_2671 = arith.constant 0 : i32
      %add3A_2672 = arith.addi %mul3A_2670, %add3A_2671 : i32
      %get3A_2673 = arith.constant 0 : i32
      %get3A_2674 = arith.constant 0 : i32
      %get3A_2675 = tpu.memref_slice %arg10[%scan3A, %get3A_2673, %get3A_2674] : memref<3x128x128xf32, #tpu.memory_space<vmem>> -> memref<1x128x128xf32, #tpu.memory_space<vmem>>
      %get3A_2676 = tpu.memref_squeeze %get3A_2675 : memref<1x128x128xf32, #tpu.memory_space<vmem>> -> memref<128x128xf32, #tpu.memory_space<vmem>>
      %get3A_2677 = arith.index_cast %add3A_2672 : i32 to index
      %get3A_2678 = arith.constant 0 : index
      %get3A_2679 = tpu.vector_load %get3A_2676[%get3A_2677, %get3A_2678] {strides = array<i32>} : memref<128x128xf32, #tpu.memory_space<vmem>>, vector<16xf32>,
      %mul3A_2680 = arith.constant 2 : i32
      %mul3A_2681 = arith.muli %mul3A_2680, %scan3A_2652 : i32
      %add3A_2682 = arith.constant 0 : i32
      %add3A_2683 = arith.addi %mul3A_2681, %add3A_2682 : i32
      %get3A_2684 = arith.constant 0 : i32
      %get3A_2685 = arith.constant 0 : i32
      %get3A_2686 = tpu.memref_slice %arg11[%scan3A_1453, %get3A_2684, %get3A_2685] : memref<3x128x128xf32, #tpu.memory_space<vmem>> -> memref<1x128x128xf32, #tpu.memory_space<vmem>>
      %get3A_2687 = tpu.memref_squeeze %get3A_2686 : memref<1x128x128xf32, #tpu.memory_space<vmem>> -> memref<128x128xf32, #tpu.memory_space<vmem>>
      %get3A_2688 = arith.index_cast %add3A_2683 : i32 to index
      %get3A_2689 = arith.constant 0 : index
      %get3A_2690 = tpu.vector_load %get3A_2687[%get3A_2688, %get3A_2689] {strides = array<i32>} : memref<128x128xf32, #tpu.memory_space<vmem>>, vector<16xf32>,
      %mul3A_2691 = arith.mulf %get3A_2679, %get3A_2690 : vector<16xf32>
      %add3A_2692 = arith.addf %scan3A_2653, %mul3A_2691 : vector<16xf32>
      %mul3A_2693 = arith.constant 2 : i32
      %mul3A_2694 = arith.muli %mul3A_2693, %scan3A_2652 : i32
      %add3A_2695 = arith.constant 0 : i32
      %add3A_2696 = arith.addi %mul3A_2694, %add3A_2695 : i32
      %get3A_2697 = arith.constant 0 : i32
      %get3A_2698 = arith.constant 0 : i32
      %get3A_2699 = tpu.memref_slice %arg10[%scan3A, %get3A_2697, %get3A_2698] : memref<3x128x128xf32, #tpu.memory_space<vmem>> -> memref<1x128x128xf32, #tpu.memory_space<vmem>>
      %get3A_2700 = tpu.memref_squeeze %get3A_2699 : memref<1x128x128xf32, #tpu.memory_space<vmem>> -> memref<128x128xf32, #tpu.memory_space<vmem>>
      %get3A_2701 = arith.index_cast %add3A_2696 : i32 to index
      %get3A_2702 = arith.constant 16 : index
      %get3A_2703 = tpu.vector_load %get3A_2700[%get3A_2701, %get3A_2702] {strides = array<i32>} : memref<128x128xf32, #tpu.memory_space<vmem>>, vector<16xf32>,
      %mul3A_2704 = arith.constant 2 : i32
      %mul3A_2705 = arith.muli %mul3A_2704, %scan3A_2652 : i32
      %add3A_2706 = arith.constant 0 : i32
      %add3A_2707 = arith.addi %mul3A_2705, %add3A_2706 : i32
      %get3A_2708 = arith.constant 0 : i32
      %get3A_2709 = arith.constant 0 : i32
      %get3A_2710 = tpu.memref_slice %arg11[%scan3A_1453, %get3A_2708, %get3A_2709] : memref<3x128x128xf32, #tpu.memory_space<vmem>> -> memref<1x128x128xf32, #tpu.memory_space<vmem>>
      %get3A_2711 = tpu.memref_squeeze %get3A_2710 : memref<1x128x128xf32, #tpu.memory_space<vmem>> -> memref<128x128xf32, #tpu.memory_space<vmem>>
      %get3A_2712 = arith.index_cast %add3A_2707 : i32 to index
      %get3A_2713 = arith.constant 16 : index
      %get3A_2714 = tpu.vector_load %get3A_2711[%get3A_2712, %get3A_2713] {strides = array<i32>} : memref<128x128xf32, #tpu.memory_space<vmem>>, vector<16xf32>,
      %mul3A_2715 = arith.mulf %get3A_2703, %get3A_2714 : vector<16xf32>
      %add3A_2716 = arith.addf %scan3A_2654, %mul3A_2715 : vector<16xf32>
      %mul3A_2717 = arith.constant 2 : i32
      %mul3A_2718 = arith.muli %mul3A_2717, %scan3A_2652 : i32
      %add3A_2719 = arith.constant 0 : i32
      %add3A_2720 = arith.addi %mul3A_2718, %add3A_2719 : i32
      %get3A_2721 = arith.constant 0 : i32
      %get3A_2722 = arith.constant 0 : i32
      %get3A_2723 = tpu.memref_slice %arg10[%scan3A, %get3A_2721, %get3A_2722] : memref<3x128x128xf32, #tpu.memory_space<vmem>> -> memref<1x128x128xf32, #tpu.memory_space<vmem>>
      %get3A_2724 = tpu.memref_squeeze %get3A_2723 : memref<1x128x128xf32, #tpu.memory_space<vmem>> -> memref<128x128xf32, #tpu.memory_space<vmem>>
      %get3A_2725 = arith.index_cast %add3A_2720 : i32 to index
      %get3A_2726 = arith.constant 32 : index
      %get3A_2727 = tpu.vector_load %get3A_2724[%get3A_2725, %get3A_2726] {strides = array<i32>} : memref<128x128xf32, #tpu.memory_space<vmem>>, vector<16xf32>,
      %mul3A_2728 = arith.constant 2 : i32
      %mul3A_2729 = arith.muli %mul3A_2728, %scan3A_2652 : i32
      %add3A_2730 = arith.constant 0 : i32
      %add3A_2731 = arith.addi %mul3A_2729, %add3A_2730 : i32
      %get3A_2732 = arith.constant 0 : i32
      %get3A_2733 = arith.constant 0 : i32
      %get3A_2734 = tpu.memref_slice %arg11[%scan3A_1453, %get3A_2732, %get3A_2733] : memref<3x128x128xf32, #tpu.memory_space<vmem>> -> memref<1x128x128xf32, #tpu.memory_space<vmem>>
      %get3A_2735 = tpu.memref_squeeze %get3A_2734 : memref<1x128x128xf32, #tpu.memory_space<vmem>> -> memref<128x128xf32, #tpu.memory_space<vmem>>
      %get3A_2736 = arith.index_cast %add3A_2731 : i32 to index
      %get3A_2737 = arith.constant 32 : index
      %get3A_2738 = tpu.vector_load %get3A_2735[%get3A_2736, %get3A_2737] {strides = array<i32>} : memref<128x128xf32, #tpu.memory_space<vmem>>, vector<16xf32>,
      %mul3A_2739 = arith.mulf %get3A_2727, %get3A_2738 : vector<16xf32>
      %add3A_2740 = arith.addf %scan3A_2655, %mul3A_2739 : vector<16xf32>
      %mul3A_2741 = arith.constant 2 : i32
      %mul3A_2742 = arith.muli %mul3A_2741, %scan3A_2652 : i32
      %add3A_2743 = arith.constant 0 : i32
      %add3A_2744 = arith.addi %mul3A_2742, %add3A_2743 : i32
      %get3A_2745 = arith.constant 0 : i32
      %get3A_2746 = arith.constant 0 : i32
      %get3A_2747 = tpu.memref_slice %arg10[%scan3A, %get3A_2745, %get3A_2746] : memref<3x128x128xf32, #tpu.memory_space<vmem>> -> memref<1x128x128xf32, #tpu.memory_space<vmem>>
      %get3A_2748 = tpu.memref_squeeze %get3A_2747 : memref<1x128x128xf32, #tpu.memory_space<vmem>> -> memref<128x128xf32, #tpu.memory_space<vmem>>
      %get3A_2749 = arith.index_cast %add3A_2744 : i32 to index
      %get3A_2750 = arith.constant 48 : index
      %get3A_2751 = tpu.vector_load %get3A_2748[%get3A_2749, %get3A_2750] {strides = array<i32>} : memref<128x128xf32, #tpu.memory_space<vmem>>, vector<16xf32>,
      %mul3A_2752 = arith.constant 2 : i32
      %mul3A_2753 = arith.muli %mul3A_2752, %scan3A_2652 : i32
      %add3A_2754 = arith.constant 0 : i32
      %add3A_2755 = arith.addi %mul3A_2753, %add3A_2754 : i32
      %get3A_2756 = arith.constant 0 : i32
      %get3A_2757 = arith.constant 0 : i32
      %get3A_2758 = tpu.memref_slice %arg11[%scan3A_1453, %get3A_2756, %get3A_2757] : memref<3x128x128xf32, #tpu.memory_space<vmem>> -> memref<1x128x128xf32, #tpu.memory_space<vmem>>
      %get3A_2759 = tpu.memref_squeeze %get3A_2758 : memref<1x128x128xf32, #tpu.memory_space<vmem>> -> memref<128x128xf32, #tpu.memory_space<vmem>>
      %get3A_2760 = arith.index_cast %add3A_2755 : i32 to index
      %get3A_2761 = arith.constant 48 : index
      %get3A_2762 = tpu.vector_load %get3A_2759[%get3A_2760, %get3A_2761] {strides = array<i32>} : memref<128x128xf32, #tpu.memory_space<vmem>>, vector<16xf32>,
      %mul3A_2763 = arith.mulf %get3A_2751, %get3A_2762 : vector<16xf32>
      %add3A_2764 = arith.addf %scan3A_2656, %mul3A_2763 : vector<16xf32>
      %mul3A_2765 = arith.constant 2 : i32
      %mul3A_2766 = arith.muli %mul3A_2765, %scan3A_2652 : i32
      %add3A_2767 = arith.constant 0 : i32
      %add3A_2768 = arith.addi %mul3A_2766, %add3A_2767 : i32
      %get3A_2769 = arith.constant 0 : i32
      %get3A_2770 = arith.constant 0 : i32
      %get3A_2771 = tpu.memref_slice %arg10[%scan3A, %get3A_2769, %get3A_2770] : memref<3x128x128xf32, #tpu.memory_space<vmem>> -> memref<1x128x128xf32, #tpu.memory_space<vmem>>
      %get3A_2772 = tpu.memref_squeeze %get3A_2771 : memref<1x128x128xf32, #tpu.memory_space<vmem>> -> memref<128x128xf32, #tpu.memory_space<vmem>>
      %get3A_2773 = arith.index_cast %add3A_2768 : i32 to index
      %get3A_2774 = arith.constant 64 : index
      %get3A_2775 = tpu.vector_load %get3A_2772[%get3A_2773, %get3A_2774] {strides = array<i32>} : memref<128x128xf32, #tpu.memory_space<vmem>>, vector<16xf32>,
      %mul3A_2776 = arith.constant 2 : i32
      %mul3A_2777 = arith.muli %mul3A_2776, %scan3A_2652 : i32
      %add3A_2778 = arith.constant 0 : i32
      %add3A_2779 = arith.addi %mul3A_2777, %add3A_2778 : i32
      %get3A_2780 = arith.constant 0 : i32
      %get3A_2781 = arith.constant 0 : i32
      %get3A_2782 = tpu.memref_slice %arg11[%scan3A_1453, %get3A_2780, %get3A_2781] : memref<3x128x128xf32, #tpu.memory_space<vmem>> -> memref<1x128x128xf32, #tpu.memory_space<vmem>>
      %get3A_2783 = tpu.memref_squeeze %get3A_2782 : memref<1x128x128xf32, #tpu.memory_space<vmem>> -> memref<128x128xf32, #tpu.memory_space<vmem>>
      %get3A_2784 = arith.index_cast %add3A_2779 : i32 to index
      %get3A_2785 = arith.constant 64 : index
      %get3A_2786 = tpu.vector_load %get3A_2783[%get3A_2784, %get3A_2785] {strides = array<i32>} : memref<128x128xf32, #tpu.memory_space<vmem>>, vector<16xf32>,
      %mul3A_2787 = arith.mulf %get3A_2775, %get3A_2786 : vector<16xf32>
      %add3A_2788 = arith.addf %scan3A_2657, %mul3A_2787 : vector<16xf32>
      %mul3A_2789 = arith.constant 2 : i32
      %mul3A_2790 = arith.muli %mul3A_2789, %scan3A_2652 : i32
      %add3A_2791 = arith.constant 0 : i32
      %add3A_2792 = arith.addi %mul3A_2790, %add3A_2791 : i32
      %get3A_2793 = arith.constant 0 : i32
      %get3A_2794 = arith.constant 0 : i32
      %get3A_2795 = tpu.memref_slice %arg10[%scan3A, %get3A_2793, %get3A_2794] : memref<3x128x128xf32, #tpu.memory_space<vmem>> -> memref<1x128x128xf32, #tpu.memory_space<vmem>>
      %get3A_2796 = tpu.memref_squeeze %get3A_2795 : memref<1x128x128xf32, #tpu.memory_space<vmem>> -> memref<128x128xf32, #tpu.memory_space<vmem>>
      %get3A_2797 = arith.index_cast %add3A_2792 : i32 to index
      %get3A_2798 = arith.constant 80 : index
      %get3A_2799 = tpu.vector_load %get3A_2796[%get3A_2797, %get3A_2798] {strides = array<i32>} : memref<128x128xf32, #tpu.memory_space<vmem>>, vector<16xf32>,
      %mul3A_2800 = arith.constant 2 : i32
      %mul3A_2801 = arith.muli %mul3A_2800, %scan3A_2652 : i32
      %add3A_2802 = arith.constant 0 : i32
      %add3A_2803 = arith.addi %mul3A_2801, %add3A_2802 : i32
      %get3A_2804 = arith.constant 0 : i32
      %get3A_2805 = arith.constant 0 : i32
      %get3A_2806 = tpu.memref_slice %arg11[%scan3A_1453, %get3A_2804, %get3A_2805] : memref<3x128x128xf32, #tpu.memory_space<vmem>> -> memref<1x128x128xf32, #tpu.memory_space<vmem>>
      %get3A_2807 = tpu.memref_squeeze %get3A_2806 : memref<1x128x128xf32, #tpu.memory_space<vmem>> -> memref<128x128xf32, #tpu.memory_space<vmem>>
      %get3A_2808 = arith.index_cast %add3A_2803 : i32 to index
      %get3A_2809 = arith.constant 80 : index
      %get3A_2810 = tpu.vector_load %get3A_2807[%get3A_2808, %get3A_2809] {strides = array<i32>} : memref<128x128xf32, #tpu.memory_space<vmem>>, vector<16xf32>,
      %mul3A_2811 = arith.mulf %get3A_2799, %get3A_2810 : vector<16xf32>
      %add3A_2812 = arith.addf %scan3A_2658, %mul3A_2811 : vector<16xf32>
      %mul3A_2813 = arith.constant 2 : i32
      %mul3A_2814 = arith.muli %mul3A_2813, %scan3A_2652 : i32
      %add3A_2815 = arith.constant 0 : i32
      %add3A_2816 = arith.addi %mul3A_2814, %add3A_2815 : i32
      %get3A_2817 = arith.constant 0 : i32
      %get3A_2818 = arith.constant 0 : i32
      %get3A_2819 = tpu.memref_slice %arg10[%scan3A, %get3A_2817, %get3A_2818] : memref<3x128x128xf32, #tpu.memory_space<vmem>> -> memref<1x128x128xf32, #tpu.memory_space<vmem>>
      %get3A_2820 = tpu.memref_squeeze %get3A_2819 : memref<1x128x128xf32, #tpu.memory_space<vmem>> -> memref<128x128xf32, #tpu.memory_space<vmem>>
      %get3A_2821 = arith.index_cast %add3A_2816 : i32 to index
      %get3A_2822 = arith.constant 96 : index
      %get3A_2823 = tpu.vector_load %get3A_2820[%get3A_2821, %get3A_2822] {strides = array<i32>} : memref<128x128xf32, #tpu.memory_space<vmem>>, vector<16xf32>,
      %mul3A_2824 = arith.constant 2 : i32
      %mul3A_2825 = arith.muli %mul3A_2824, %scan3A_2652 : i32
      %add3A_2826 = arith.constant 0 : i32
      %add3A_2827 = arith.addi %mul3A_2825, %add3A_2826 : i32
      %get3A_2828 = arith.constant 0 : i32
      %get3A_2829 = arith.constant 0 : i32
      %get3A_2830 = tpu.memref_slice %arg11[%scan3A_1453, %get3A_2828, %get3A_2829] : memref<3x128x128xf32, #tpu.memory_space<vmem>> -> memref<1x128x128xf32, #tpu.memory_space<vmem>>
      %get3A_2831 = tpu.memref_squeeze %get3A_2830 : memref<1x128x128xf32, #tpu.memory_space<vmem>> -> memref<128x128xf32, #tpu.memory_space<vmem>>
      %get3A_2832 = arith.index_cast %add3A_2827 : i32 to index
      %get3A_2833 = arith.constant 96 : index
      %get3A_2834 = tpu.vector_load %get3A_2831[%get3A_2832, %get3A_2833] {strides = array<i32>} : memref<128x128xf32, #tpu.memory_space<vmem>>, vector<16xf32>,
      %mul3A_2835 = arith.mulf %get3A_2823, %get3A_2834 : vector<16xf32>
      %add3A_2836 = arith.addf %scan3A_2659, %mul3A_2835 : vector<16xf32>
      %mul3A_2837 = arith.constant 2 : i32
      %mul3A_2838 = arith.muli %mul3A_2837, %scan3A_2652 : i32
      %add3A_2839 = arith.constant 0 : i32
      %add3A_2840 = arith.addi %mul3A_2838, %add3A_2839 : i32
      %get3A_2841 = arith.constant 0 : i32
      %get3A_2842 = arith.constant 0 : i32
      %get3A_2843 = tpu.memref_slice %arg10[%scan3A, %get3A_2841, %get3A_2842] : memref<3x128x128xf32, #tpu.memory_space<vmem>> -> memref<1x128x128xf32, #tpu.memory_space<vmem>>
      %get3A_2844 = tpu.memref_squeeze %get3A_2843 : memref<1x128x128xf32, #tpu.memory_space<vmem>> -> memref<128x128xf32, #tpu.memory_space<vmem>>
      %get3A_2845 = arith.index_cast %add3A_2840 : i32 to index
      %get3A_2846 = arith.constant 112 : index
      %get3A_2847 = tpu.vector_load %get3A_2844[%get3A_2845, %get3A_2846] {strides = array<i32>} : memref<128x128xf32, #tpu.memory_space<vmem>>, vector<16xf32>,
      %mul3A_2848 = arith.constant 2 : i32
      %mul3A_2849 = arith.muli %mul3A_2848, %scan3A_2652 : i32
      %add3A_2850 = arith.constant 0 : i32
      %add3A_2851 = arith.addi %mul3A_2849, %add3A_2850 : i32
      %get3A_2852 = arith.constant 0 : i32
      %get3A_2853 = arith.constant 0 : i32
      %get3A_2854 = tpu.memref_slice %arg11[%scan3A_1453, %get3A_2852, %get3A_2853] : memref<3x128x128xf32, #tpu.memory_space<vmem>> -> memref<1x128x128xf32, #tpu.memory_space<vmem>>
      %get3A_2855 = tpu.memref_squeeze %get3A_2854 : memref<1x128x128xf32, #tpu.memory_space<vmem>> -> memref<128x128xf32, #tpu.memory_space<vmem>>
      %get3A_2856 = arith.index_cast %add3A_2851 : i32 to index
      %get3A_2857 = arith.constant 112 : index
      %get3A_2858 = tpu.vector_load %get3A_2855[%get3A_2856, %get3A_2857] {strides = array<i32>} : memref<128x128xf32, #tpu.memory_space<vmem>>, vector<16xf32>,
      %mul3A_2859 = arith.mulf %get3A_2847, %get3A_2858 : vector<16xf32>
      %add3A_2860 = arith.addf %scan3A_2660, %mul3A_2859 : vector<16xf32>
      %mul3A_2861 = arith.constant 2 : i32
      %mul3A_2862 = arith.muli %mul3A_2861, %scan3A_2652 : i32
      %add3A_2863 = arith.constant 1 : i32
      %add3A_2864 = arith.addi %mul3A_2862, %add3A_2863 : i32
      %get3A_2865 = arith.constant 0 : i32
      %get3A_2866 = arith.constant 0 : i32
      %get3A_2867 = tpu.memref_slice %arg10[%scan3A, %get3A_2865, %get3A_2866] : memref<3x128x128xf32, #tpu.memory_space<vmem>> -> memref<1x128x128xf32, #tpu.memory_space<vmem>>
      %get3A_2868 = tpu.memref_squeeze %get3A_2867 : memref<1x128x128xf32, #tpu.memory_space<vmem>> -> memref<128x128xf32, #tpu.memory_space<vmem>>
      %get3A_2869 = arith.index_cast %add3A_2864 : i32 to index
      %get3A_2870 = arith.constant 0 : index
      %get3A_2871 = tpu.vector_load %get3A_2868[%get3A_2869, %get3A_2870] {strides = array<i32>} : memref<128x128xf32, #tpu.memory_space<vmem>>, vector<16xf32>,
      %mul3A_2872 = arith.constant 2 : i32
      %mul3A_2873 = arith.muli %mul3A_2872, %scan3A_2652 : i32
      %add3A_2874 = arith.constant 1 : i32
      %add3A_2875 = arith.addi %mul3A_2873, %add3A_2874 : i32
      %get3A_2876 = arith.constant 0 : i32
      %get3A_2877 = arith.constant 0 : i32
      %get3A_2878 = tpu.memref_slice %arg11[%scan3A_1453, %get3A_2876, %get3A_2877] : memref<3x128x128xf32, #tpu.memory_space<vmem>> -> memref<1x128x128xf32, #tpu.memory_space<vmem>>
      %get3A_2879 = tpu.memref_squeeze %get3A_2878 : memref<1x128x128xf32, #tpu.memory_space<vmem>> -> memref<128x128xf32, #tpu.memory_space<vmem>>
      %get3A_2880 = arith.index_cast %add3A_2875 : i32 to index
      %get3A_2881 = arith.constant 0 : index
      %get3A_2882 = tpu.vector_load %get3A_2879[%get3A_2880, %get3A_2881] {strides = array<i32>} : memref<128x128xf32, #tpu.memory_space<vmem>>, vector<16xf32>,
      %mul3A_2883 = arith.mulf %get3A_2871, %get3A_2882 : vector<16xf32>
      %add3A_2884 = arith.addf %scan3A_2661, %mul3A_2883 : vector<16xf32>
      %mul3A_2885 = arith.constant 2 : i32
      %mul3A_2886 = arith.muli %mul3A_2885, %scan3A_2652 : i32
      %add3A_2887 = arith.constant 1 : i32
      %add3A_2888 = arith.addi %mul3A_2886, %add3A_2887 : i32
      %get3A_2889 = arith.constant 0 : i32
      %get3A_2890 = arith.constant 0 : i32
      %get3A_2891 = tpu.memref_slice %arg10[%scan3A, %get3A_2889, %get3A_2890] : memref<3x128x128xf32, #tpu.memory_space<vmem>> -> memref<1x128x128xf32, #tpu.memory_space<vmem>>
      %get3A_2892 = tpu.memref_squeeze %get3A_2891 : memref<1x128x128xf32, #tpu.memory_space<vmem>> -> memref<128x128xf32, #tpu.memory_space<vmem>>
      %get3A_2893 = arith.index_cast %add3A_2888 : i32 to index
      %get3A_2894 = arith.constant 16 : index
      %get3A_2895 = tpu.vector_load %get3A_2892[%get3A_2893, %get3A_2894] {strides = array<i32>} : memref<128x128xf32, #tpu.memory_space<vmem>>, vector<16xf32>,
      %mul3A_2896 = arith.constant 2 : i32
      %mul3A_2897 = arith.muli %mul3A_2896, %scan3A_2652 : i32
      %add3A_2898 = arith.constant 1 : i32
      %add3A_2899 = arith.addi %mul3A_2897, %add3A_2898 : i32
      %get3A_2900 = arith.constant 0 : i32
      %get3A_2901 = arith.constant 0 : i32
      %get3A_2902 = tpu.memref_slice %arg11[%scan3A_1453, %get3A_2900, %get3A_2901] : memref<3x128x128xf32, #tpu.memory_space<vmem>> -> memref<1x128x128xf32, #tpu.memory_space<vmem>>
      %get3A_2903 = tpu.memref_squeeze %get3A_2902 : memref<1x128x128xf32, #tpu.memory_space<vmem>> -> memref<128x128xf32, #tpu.memory_space<vmem>>
      %get3A_2904 = arith.index_cast %add3A_2899 : i32 to index
      %get3A_2905 = arith.constant 16 : index
      %get3A_2906 = tpu.vector_load %get3A_2903[%get3A_2904, %get3A_2905] {strides = array<i32>} : memref<128x128xf32, #tpu.memory_space<vmem>>, vector<16xf32>,
      %mul3A_2907 = arith.mulf %get3A_2895, %get3A_2906 : vector<16xf32>
      %add3A_2908 = arith.addf %scan3A_2662, %mul3A_2907 : vector<16xf32>
      %mul3A_2909 = arith.constant 2 : i32
      %mul3A_2910 = arith.muli %mul3A_2909, %scan3A_2652 : i32
      %add3A_2911 = arith.constant 1 : i32
      %add3A_2912 = arith.addi %mul3A_2910, %add3A_2911 : i32
      %get3A_2913 = arith.constant 0 : i32
      %get3A_2914 = arith.constant 0 : i32
      %get3A_2915 = tpu.memref_slice %arg10[%scan3A, %get3A_2913, %get3A_2914] : memref<3x128x128xf32, #tpu.memory_space<vmem>> -> memref<1x128x128xf32, #tpu.memory_space<vmem>>
      %get3A_2916 = tpu.memref_squeeze %get3A_2915 : memref<1x128x128xf32, #tpu.memory_space<vmem>> -> memref<128x128xf32, #tpu.memory_space<vmem>>
      %get3A_2917 = arith.index_cast %add3A_2912 : i32 to index
      %get3A_2918 = arith.constant 32 : index
      %get3A_2919 = tpu.vector_load %get3A_2916[%get3A_2917, %get3A_2918] {strides = array<i32>} : memref<128x128xf32, #tpu.memory_space<vmem>>, vector<16xf32>,
      %mul3A_2920 = arith.constant 2 : i32
      %mul3A_2921 = arith.muli %mul3A_2920, %scan3A_2652 : i32
      %add3A_2922 = arith.constant 1 : i32
      %add3A_2923 = arith.addi %mul3A_2921, %add3A_2922 : i32
      %get3A_2924 = arith.constant 0 : i32
      %get3A_2925 = arith.constant 0 : i32
      %get3A_2926 = tpu.memref_slice %arg11[%scan3A_1453, %get3A_2924, %get3A_2925] : memref<3x128x128xf32, #tpu.memory_space<vmem>> -> memref<1x128x128xf32, #tpu.memory_space<vmem>>
      %get3A_2927 = tpu.memref_squeeze %get3A_2926 : memref<1x128x128xf32, #tpu.memory_space<vmem>> -> memref<128x128xf32, #tpu.memory_space<vmem>>
      %get3A_2928 = arith.index_cast %add3A_2923 : i32 to index
      %get3A_2929 = arith.constant 32 : index
      %get3A_2930 = tpu.vector_load %get3A_2927[%get3A_2928, %get3A_2929] {strides = array<i32>} : memref<128x128xf32, #tpu.memory_space<vmem>>, vector<16xf32>,
      %mul3A_2931 = arith.mulf %get3A_2919, %get3A_2930 : vector<16xf32>
      %add3A_2932 = arith.addf %scan3A_2663, %mul3A_2931 : vector<16xf32>
      %mul3A_2933 = arith.constant 2 : i32
      %mul3A_2934 = arith.muli %mul3A_2933, %scan3A_2652 : i32
      %add3A_2935 = arith.constant 1 : i32
      %add3A_2936 = arith.addi %mul3A_2934, %add3A_2935 : i32
      %get3A_2937 = arith.constant 0 : i32
      %get3A_2938 = arith.constant 0 : i32
      %get3A_2939 = tpu.memref_slice %arg10[%scan3A, %get3A_2937, %get3A_2938] : memref<3x128x128xf32, #tpu.memory_space<vmem>> -> memref<1x128x128xf32, #tpu.memory_space<vmem>>
      %get3A_2940 = tpu.memref_squeeze %get3A_2939 : memref<1x128x128xf32, #tpu.memory_space<vmem>> -> memref<128x128xf32, #tpu.memory_space<vmem>>
      %get3A_2941 = arith.index_cast %add3A_2936 : i32 to index
      %get3A_2942 = arith.constant 48 : index
      %get3A_2943 = tpu.vector_load %get3A_2940[%get3A_2941, %get3A_2942] {strides = array<i32>} : memref<128x128xf32, #tpu.memory_space<vmem>>, vector<16xf32>,
      %mul3A_2944 = arith.constant 2 : i32
      %mul3A_2945 = arith.muli %mul3A_2944, %scan3A_2652 : i32
      %add3A_2946 = arith.constant 1 : i32
      %add3A_2947 = arith.addi %mul3A_2945, %add3A_2946 : i32
      %get3A_2948 = arith.constant 0 : i32
      %get3A_2949 = arith.constant 0 : i32
      %get3A_2950 = tpu.memref_slice %arg11[%scan3A_1453, %get3A_2948, %get3A_2949] : memref<3x128x128xf32, #tpu.memory_space<vmem>> -> memref<1x128x128xf32, #tpu.memory_space<vmem>>
      %get3A_2951 = tpu.memref_squeeze %get3A_2950 : memref<1x128x128xf32, #tpu.memory_space<vmem>> -> memref<128x128xf32, #tpu.memory_space<vmem>>
      %get3A_2952 = arith.index_cast %add3A_2947 : i32 to index
      %get3A_2953 = arith.constant 48 : index
      %get3A_2954 = tpu.vector_load %get3A_2951[%get3A_2952, %get3A_2953] {strides = array<i32>} : memref<128x128xf32, #tpu.memory_space<vmem>>, vector<16xf32>,
      %mul3A_2955 = arith.mulf %get3A_2943, %get3A_2954 : vector<16xf32>
      %add3A_2956 = arith.addf %scan3A_2664, %mul3A_2955 : vector<16xf32>
      %mul3A_2957 = arith.constant 2 : i32
      %mul3A_2958 = arith.muli %mul3A_2957, %scan3A_2652 : i32
      %add3A_2959 = arith.constant 1 : i32
      %add3A_2960 = arith.addi %mul3A_2958, %add3A_2959 : i32
      %get3A_2961 = arith.constant 0 : i32
      %get3A_2962 = arith.constant 0 : i32
      %get3A_2963 = tpu.memref_slice %arg10[%scan3A, %get3A_2961, %get3A_2962] : memref<3x128x128xf32, #tpu.memory_space<vmem>> -> memref<1x128x128xf32, #tpu.memory_space<vmem>>
      %get3A_2964 = tpu.memref_squeeze %get3A_2963 : memref<1x128x128xf32, #tpu.memory_space<vmem>> -> memref<128x128xf32, #tpu.memory_space<vmem>>
      %get3A_2965 = arith.index_cast %add3A_2960 : i32 to index
      %get3A_2966 = arith.constant 64 : index
      %get3A_2967 = tpu.vector_load %get3A_2964[%get3A_2965, %get3A_2966] {strides = array<i32>} : memref<128x128xf32, #tpu.memory_space<vmem>>, vector<16xf32>,
      %mul3A_2968 = arith.constant 2 : i32
      %mul3A_2969 = arith.muli %mul3A_2968, %scan3A_2652 : i32
      %add3A_2970 = arith.constant 1 : i32
      %add3A_2971 = arith.addi %mul3A_2969, %add3A_2970 : i32
      %get3A_2972 = arith.constant 0 : i32
      %get3A_2973 = arith.constant 0 : i32
      %get3A_2974 = tpu.memref_slice %arg11[%scan3A_1453, %get3A_2972, %get3A_2973] : memref<3x128x128xf32, #tpu.memory_space<vmem>> -> memref<1x128x128xf32, #tpu.memory_space<vmem>>
      %get3A_2975 = tpu.memref_squeeze %get3A_2974 : memref<1x128x128xf32, #tpu.memory_space<vmem>> -> memref<128x128xf32, #tpu.memory_space<vmem>>
      %get3A_2976 = arith.index_cast %add3A_2971 : i32 to index
      %get3A_2977 = arith.constant 64 : index
      %get3A_2978 = tpu.vector_load %get3A_2975[%get3A_2976, %get3A_2977] {strides = array<i32>} : memref<128x128xf32, #tpu.memory_space<vmem>>, vector<16xf32>,
      %mul3A_2979 = arith.mulf %get3A_2967, %get3A_2978 : vector<16xf32>
      %add3A_2980 = arith.addf %scan3A_2665, %mul3A_2979 : vector<16xf32>
      %mul3A_2981 = arith.constant 2 : i32
      %mul3A_2982 = arith.muli %mul3A_2981, %scan3A_2652 : i32
      %add3A_2983 = arith.constant 1 : i32
      %add3A_2984 = arith.addi %mul3A_2982, %add3A_2983 : i32
      %get3A_2985 = arith.constant 0 : i32
      %get3A_2986 = arith.constant 0 : i32
      %get3A_2987 = tpu.memref_slice %arg10[%scan3A, %get3A_2985, %get3A_2986] : memref<3x128x128xf32, #tpu.memory_space<vmem>> -> memref<1x128x128xf32, #tpu.memory_space<vmem>>
      %get3A_2988 = tpu.memref_squeeze %get3A_2987 : memref<1x128x128xf32, #tpu.memory_space<vmem>> -> memref<128x128xf32, #tpu.memory_space<vmem>>
      %get3A_2989 = arith.index_cast %add3A_2984 : i32 to index
      %get3A_2990 = arith.constant 80 : index
      %get3A_2991 = tpu.vector_load %get3A_2988[%get3A_2989, %get3A_2990] {strides = array<i32>} : memref<128x128xf32, #tpu.memory_space<vmem>>, vector<16xf32>,
      %mul3A_2992 = arith.constant 2 : i32
      %mul3A_2993 = arith.muli %mul3A_2992, %scan3A_2652 : i32
      %add3A_2994 = arith.constant 1 : i32
      %add3A_2995 = arith.addi %mul3A_2993, %add3A_2994 : i32
      %get3A_2996 = arith.constant 0 : i32
      %get3A_2997 = arith.constant 0 : i32
      %get3A_2998 = tpu.memref_slice %arg11[%scan3A_1453, %get3A_2996, %get3A_2997] : memref<3x128x128xf32, #tpu.memory_space<vmem>> -> memref<1x128x128xf32, #tpu.memory_space<vmem>>
      %get3A_2999 = tpu.memref_squeeze %get3A_2998 : memref<1x128x128xf32, #tpu.memory_space<vmem>> -> memref<128x128xf32, #tpu.memory_space<vmem>>
      %get3A_3000 = arith.index_cast %add3A_2995 : i32 to index
      %get3A_3001 = arith.constant 80 : index
      %get3A_3002 = tpu.vector_load %get3A_2999[%get3A_3000, %get3A_3001] {strides = array<i32>} : memref<128x128xf32, #tpu.memory_space<vmem>>, vector<16xf32>,
      %mul3A_3003 = arith.mulf %get3A_2991, %get3A_3002 : vector<16xf32>
      %add3A_3004 = arith.addf %scan3A_2666, %mul3A_3003 : vector<16xf32>
      %mul3A_3005 = arith.constant 2 : i32
      %mul3A_3006 = arith.muli %mul3A_3005, %scan3A_2652 : i32
      %add3A_3007 = arith.constant 1 : i32
      %add3A_3008 = arith.addi %mul3A_3006, %add3A_3007 : i32
      %get3A_3009 = arith.constant 0 : i32
      %get3A_3010 = arith.constant 0 : i32
      %get3A_3011 = tpu.memref_slice %arg10[%scan3A, %get3A_3009, %get3A_3010] : memref<3x128x128xf32, #tpu.memory_space<vmem>> -> memref<1x128x128xf32, #tpu.memory_space<vmem>>
      %get3A_3012 = tpu.memref_squeeze %get3A_3011 : memref<1x128x128xf32, #tpu.memory_space<vmem>> -> memref<128x128xf32, #tpu.memory_space<vmem>>
      %get3A_3013 = arith.index_cast %add3A_3008 : i32 to index
      %get3A_3014 = arith.constant 96 : index
      %get3A_3015 = tpu.vector_load %get3A_3012[%get3A_3013, %get3A_3014] {strides = array<i32>} : memref<128x128xf32, #tpu.memory_space<vmem>>, vector<16xf32>,
      %mul3A_3016 = arith.constant 2 : i32
      %mul3A_3017 = arith.muli %mul3A_3016, %scan3A_2652 : i32
      %add3A_3018 = arith.constant 1 : i32
      %add3A_3019 = arith.addi %mul3A_3017, %add3A_3018 : i32
      %get3A_3020 = arith.constant 0 : i32
      %get3A_3021 = arith.constant 0 : i32
      %get3A_3022 = tpu.memref_slice %arg11[%scan3A_1453, %get3A_3020, %get3A_3021] : memref<3x128x128xf32, #tpu.memory_space<vmem>> -> memref<1x128x128xf32, #tpu.memory_space<vmem>>
      %get3A_3023 = tpu.memref_squeeze %get3A_3022 : memref<1x128x128xf32, #tpu.memory_space<vmem>> -> memref<128x128xf32, #tpu.memory_space<vmem>>
      %get3A_3024 = arith.index_cast %add3A_3019 : i32 to index
      %get3A_3025 = arith.constant 96 : index
      %get3A_3026 = tpu.vector_load %get3A_3023[%get3A_3024, %get3A_3025] {strides = array<i32>} : memref<128x128xf32, #tpu.memory_space<vmem>>, vector<16xf32>,
      %mul3A_3027 = arith.mulf %get3A_3015, %get3A_3026 : vector<16xf32>
      %add3A_3028 = arith.addf %scan3A_2667, %mul3A_3027 : vector<16xf32>
      %mul3A_3029 = arith.constant 2 : i32
      %mul3A_3030 = arith.muli %mul3A_3029, %scan3A_2652 : i32
      %add3A_3031 = arith.constant 1 : i32
      %add3A_3032 = arith.addi %mul3A_3030, %add3A_3031 : i32
      %get3A_3033 = arith.constant 0 : i32
      %get3A_3034 = arith.constant 0 : i32
      %get3A_3035 = tpu.memref_slice %arg10[%scan3A, %get3A_3033, %get3A_3034] : memref<3x128x128xf32, #tpu.memory_space<vmem>> -> memref<1x128x128xf32, #tpu.memory_space<vmem>>
      %get3A_3036 = tpu.memref_squeeze %get3A_3035 : memref<1x128x128xf32, #tpu.memory_space<vmem>> -> memref<128x128xf32, #tpu.memory_space<vmem>>
      %get3A_3037 = arith.index_cast %add3A_3032 : i32 to index
      %get3A_3038 = arith.constant 112 : index
      %get3A_3039 = tpu.vector_load %get3A_3036[%get3A_3037, %get3A_3038] {strides = array<i32>} : memref<128x128xf32, #tpu.memory_space<vmem>>, vector<16xf32>,
      %mul3A_3040 = arith.constant 2 : i32
      %mul3A_3041 = arith.muli %mul3A_3040, %scan3A_2652 : i32
      %add3A_3042 = arith.constant 1 : i32
      %add3A_3043 = arith.addi %mul3A_3041, %add3A_3042 : i32
      %get3A_3044 = arith.constant 0 : i32
      %get3A_3045 = arith.constant 0 : i32
      %get3A_3046 = tpu.memref_slice %arg11[%scan3A_1453, %get3A_3044, %get3A_3045] : memref<3x128x128xf32, #tpu.memory_space<vmem>> -> memref<1x128x128xf32, #tpu.memory_space<vmem>>
      %get3A_3047 = tpu.memref_squeeze %get3A_3046 : memref<1x128x128xf32, #tpu.memory_space<vmem>> -> memref<128x128xf32, #tpu.memory_space<vmem>>
      %get3A_3048 = arith.index_cast %add3A_3043 : i32 to index
      %get3A_3049 = arith.constant 112 : index
      %get3A_3050 = tpu.vector_load %get3A_3047[%get3A_3048, %get3A_3049] {strides = array<i32>} : memref<128x128xf32, #tpu.memory_space<vmem>>, vector<16xf32>,
      %mul3A_3051 = arith.mulf %get3A_3039, %get3A_3050 : vector<16xf32>
      %add3A_3052 = arith.addf %scan3A_2668, %mul3A_3051 : vector<16xf32>
      scf.yield %add3A_2692, %add3A_2716, %add3A_2740, %add3A_2764, %add3A_2788, %add3A_2812, %add3A_2836, %add3A_2860, %add3A_2884, %add3A_2908, %add3A_2932, %add3A_2956, %add3A_2980, %add3A_3004, %add3A_3028, %add3A_3052 : vector<16xf32>, vector<16xf32>, vector<16xf32>, vector<16xf32>, vector<16xf32>, vector<16xf32>, vector<16xf32>, vector<16xf32>, vector<16xf32>, vector<16xf32>, vector<16xf32>, vector<16xf32>, vector<16xf32>, vector<16xf32>, vector<16xf32>, vector<16xf32>
    }
    %scan3A_1459 = arith.constant 64 : i32
    %dma_start3A_1460 = arith.constant 3 : i32
    %dma_start3A_1461 = arith.constant 0 : i32
    %dma_start3A_1462 = arith.constant 0 : i32
    %dma_start3A_1463 = arith.constant 0 : i32
    %dma_start3A_1464 = arith.constant 0 : i32
    %dma_start3A_1465 = tpu.memref_slice %arg10[%dma_start3A_1461, %dma_start3A_1463, %dma_start3A_1464] : memref<3x128x128xf32, #tpu.memory_space<vmem>> -> memref<1x128x128xf32, #tpu.memory_space<vmem>>
    %dma_start3A_1466 = tpu.memref_squeeze %dma_start3A_1465 : memref<1x128x128xf32, #tpu.memory_space<vmem>> -> memref<128x128xf32, #tpu.memory_space<vmem>>
    %dma_start3A_1467 = arith.constant 0 : i32
    %dma_start3A_1468 = tpu.memref_slice %arg8[%dma_start3A_1460, %dma_start3A_1467] : memref<8x128xi32, #tpu.memory_space<vmem>> -> memref<1x128xi32, #tpu.memory_space<vmem>>
    %dma_start3A_1469 = tpu.memref_squeeze %dma_start3A_1468 : memref<1x128xi32, #tpu.memory_space<vmem>> -> memref<128xi32, #tpu.memory_space<vmem>>
    %dma_start3A_1470 = arith.constant 0 : i32
    %dma_start3A_1471 = arith.constant 0 : i32
    %dma_start3A_1472 = tpu.memref_slice %arg3[%dma_start3A_1470, %dma_start3A_1471] : memref<100000x128xf32, #tpu.memory_space<hbm>> -> memref<100000x128xf32, #tpu.memory_space<hbm>>
    %dma_start3A_1473 = tpu.memref_slice %arg16[%dma_start3A_1462] : memref<3x!tpu.dma_semaphore, #tpu.memory_space<semaphore_mem>> -> memref<1x!tpu.dma_semaphore, #tpu.memory_space<semaphore_mem>>
    %dma_start3A_1474 = tpu.memref_squeeze %dma_start3A_1473 : memref<1x!tpu.dma_semaphore, #tpu.memory_space<semaphore_mem>> -> memref<!tpu.dma_semaphore, #tpu.memory_space<semaphore_mem>>
    tpu.enqueue_indirect_dma source(%dma_start3A_1472 : memref<100000x128xf32, #tpu.memory_space<hbm>>) target(%dma_start3A_1466 : memref<128x128xf32, #tpu.memory_space<vmem>>) offsets(%dma_start3A_1469 : memref<128xi32, #tpu.memory_space<vmem>>) semaphore(%dma_start3A_1474 : memref<!tpu.dma_semaphore, #tpu.memory_space<semaphore_mem>>)
    %dma_start3A_1475 = arith.constant 7 : i32
    %dma_start3A_1476 = arith.constant 0 : i32
    %dma_start3A_1477 = arith.constant 0 : i32
    %dma_start3A_1478 = arith.constant 0 : i32
    %dma_start3A_1479 = arith.constant 0 : i32
    %dma_start3A_1480 = tpu.memref_slice %arg11[%dma_start3A_1476, %dma_start3A_1478, %dma_start3A_1479] : memref<3x128x128xf32, #tpu.memory_space<vmem>> -> memref<1x128x128xf32, #tpu.memory_space<vmem>>
    %dma_start3A_1481 = tpu.memref_squeeze %dma_start3A_1480 : memref<1x128x128xf32, #tpu.memory_space<vmem>> -> memref<128x128xf32, #tpu.memory_space<vmem>>
    %dma_start3A_1482 = arith.constant 0 : i32
    %dma_start3A_1483 = tpu.memref_slice %arg8[%dma_start3A_1475, %dma_start3A_1482] : memref<8x128xi32, #tpu.memory_space<vmem>> -> memref<1x128xi32, #tpu.memory_space<vmem>>
    %dma_start3A_1484 = tpu.memref_squeeze %dma_start3A_1483 : memref<1x128xi32, #tpu.memory_space<vmem>> -> memref<128xi32, #tpu.memory_space<vmem>>
    %dma_start3A_1485 = arith.constant 0 : i32
    %dma_start3A_1486 = arith.constant 0 : i32
    %dma_start3A_1487 = tpu.memref_slice %arg4[%dma_start3A_1485, %dma_start3A_1486] : memref<100000x128xf32, #tpu.memory_space<hbm>> -> memref<100000x128xf32, #tpu.memory_space<hbm>>
    %dma_start3A_1488 = tpu.memref_slice %arg16[%dma_start3A_1477] : memref<3x!tpu.dma_semaphore, #tpu.memory_space<semaphore_mem>> -> memref<1x!tpu.dma_semaphore, #tpu.memory_space<semaphore_mem>>
    %dma_start3A_1489 = tpu.memref_squeeze %dma_start3A_1488 : memref<1x!tpu.dma_semaphore, #tpu.memory_space<semaphore_mem>> -> memref<!tpu.dma_semaphore, #tpu.memory_space<semaphore_mem>>
    tpu.enqueue_indirect_dma source(%dma_start3A_1487 : memref<100000x128xf32, #tpu.memory_space<hbm>>) target(%dma_start3A_1481 : memref<128x128xf32, #tpu.memory_space<vmem>>) offsets(%dma_start3A_1484 : memref<128xi32, #tpu.memory_space<vmem>>) semaphore(%dma_start3A_1489 : memref<!tpu.dma_semaphore, #tpu.memory_space<semaphore_mem>>)
    %dma_start3A_1490 = arith.constant 3 : i32
    %dma_start3A_1491 = arith.constant 0 : i32
    %dma_start3A_1492 = arith.constant 0 : i32
    %dma_start3A_1493 = arith.constant 0 : i32
    %dma_start3A_1494 = arith.constant 0 : i32
    %dma_start3A_1495 = tpu.memref_slice %arg12[%dma_start3A_1491, %dma_start3A_1493, %dma_start3A_1494] : memref<3x128x8xf32, #tpu.memory_space<vmem>> -> memref<1x128x8xf32, #tpu.memory_space<vmem>>
    %dma_start3A_1496 = tpu.memref_squeeze %dma_start3A_1495 : memref<1x128x8xf32, #tpu.memory_space<vmem>> -> memref<128x8xf32, #tpu.memory_space<vmem>>
    %dma_start3A_1497 = arith.constant 0 : i32
    %dma_start3A_1498 = tpu.memref_slice %arg9[%dma_start3A_1490, %dma_start3A_1497] : memref<8x128xi32, #tpu.memory_space<vmem>> -> memref<1x128xi32, #tpu.memory_space<vmem>>
    %dma_start3A_1499 = tpu.memref_squeeze %dma_start3A_1498 : memref<1x128xi32, #tpu.memory_space<vmem>> -> memref<128xi32, #tpu.memory_space<vmem>>
    %dma_start3A_1500 = arith.constant 0 : i32
    %dma_start3A_1501 = arith.constant 0 : i32
    %dma_start3A_1502 = tpu.memref_slice %arg5[%dma_start3A_1500, %dma_start3A_1501] : memref<25000x8xf32, #tpu.memory_space<hbm>> -> memref<25000x8xf32, #tpu.memory_space<hbm>>
    %dma_start3A_1503 = tpu.memref_slice %arg17[%dma_start3A_1492] : memref<3x!tpu.dma_semaphore, #tpu.memory_space<semaphore_mem>> -> memref<1x!tpu.dma_semaphore, #tpu.memory_space<semaphore_mem>>
    %dma_start3A_1504 = tpu.memref_squeeze %dma_start3A_1503 : memref<1x!tpu.dma_semaphore, #tpu.memory_space<semaphore_mem>> -> memref<!tpu.dma_semaphore, #tpu.memory_space<semaphore_mem>>
    tpu.enqueue_indirect_dma source(%dma_start3A_1502 : memref<25000x8xf32, #tpu.memory_space<hbm>>) target(%dma_start3A_1496 : memref<128x8xf32, #tpu.memory_space<vmem>>) offsets(%dma_start3A_1499 : memref<128xi32, #tpu.memory_space<vmem>>) semaphore(%dma_start3A_1504 : memref<!tpu.dma_semaphore, #tpu.memory_space<semaphore_mem>>)
    %dma_start3A_1505 = arith.constant 7 : i32
    %dma_start3A_1506 = arith.constant 0 : i32
    %dma_start3A_1507 = arith.constant 0 : i32
    %dma_start3A_1508 = arith.constant 0 : i32
    %dma_start3A_1509 = arith.constant 0 : i32
    %dma_start3A_1510 = tpu.memref_slice %arg13[%dma_start3A_1506, %dma_start3A_1508, %dma_start3A_1509] : memref<3x128x8xf32, #tpu.memory_space<vmem>> -> memref<1x128x8xf32, #tpu.memory_space<vmem>>
    %dma_start3A_1511 = tpu.memref_squeeze %dma_start3A_1510 : memref<1x128x8xf32, #tpu.memory_space<vmem>> -> memref<128x8xf32, #tpu.memory_space<vmem>>
    %dma_start3A_1512 = arith.constant 0 : i32
    %dma_start3A_1513 = tpu.memref_slice %arg9[%dma_start3A_1505, %dma_start3A_1512] : memref<8x128xi32, #tpu.memory_space<vmem>> -> memref<1x128xi32, #tpu.memory_space<vmem>>
    %dma_start3A_1514 = tpu.memref_squeeze %dma_start3A_1513 : memref<1x128xi32, #tpu.memory_space<vmem>> -> memref<128xi32, #tpu.memory_space<vmem>>
    %dma_start3A_1515 = arith.constant 0 : i32
    %dma_start3A_1516 = arith.constant 0 : i32
    %dma_start3A_1517 = tpu.memref_slice %arg5[%dma_start3A_1515, %dma_start3A_1516] : memref<25000x8xf32, #tpu.memory_space<hbm>> -> memref<25000x8xf32, #tpu.memory_space<hbm>>
    %dma_start3A_1518 = tpu.memref_slice %arg17[%dma_start3A_1507] : memref<3x!tpu.dma_semaphore, #tpu.memory_space<semaphore_mem>> -> memref<1x!tpu.dma_semaphore, #tpu.memory_space<semaphore_mem>>
    %dma_start3A_1519 = tpu.memref_squeeze %dma_start3A_1518 : memref<1x!tpu.dma_semaphore, #tpu.memory_space<semaphore_mem>> -> memref<!tpu.dma_semaphore, #tpu.memory_space<semaphore_mem>>
    tpu.enqueue_indirect_dma source(%dma_start3A_1517 : memref<25000x8xf32, #tpu.memory_space<hbm>>) target(%dma_start3A_1511 : memref<128x8xf32, #tpu.memory_space<vmem>>) offsets(%dma_start3A_1514 : memref<128xi32, #tpu.memory_space<vmem>>) semaphore(%dma_start3A_1519 : memref<!tpu.dma_semaphore, #tpu.memory_space<semaphore_mem>>)
    %dma_wait3A_1520 = arith.constant 1 : i32
    %dma_wait3A_1521 = arith.constant 1 : i32
    %dma_wait3A_1522 = arith.constant 1 : i32
    %dma_wait3A_1523 = arith.constant 0 : i32
    %dma_wait3A_1524 = arith.constant 0 : i32
    %dma_wait3A_1525 = tpu.memref_slice %arg12[%dma_wait3A_1521, %dma_wait3A_1523, %dma_wait3A_1524] : memref<3x128x8xf32, #tpu.memory_space<vmem>> -> memref<1x128x8xf32, #tpu.memory_space<vmem>>
    %dma_wait3A_1526 = tpu.memref_squeeze %dma_wait3A_1525 : memref<1x128x8xf32, #tpu.memory_space<vmem>> -> memref<128x8xf32, #tpu.memory_space<vmem>>
    %dma_wait3A_1527 = arith.constant 0 : i32
    %dma_wait3A_1528 = tpu.memref_slice %arg9[%dma_wait3A_1520, %dma_wait3A_1527] : memref<8x128xi32, #tpu.memory_space<vmem>> -> memref<1x128xi32, #tpu.memory_space<vmem>>
    %dma_wait3A_1529 = tpu.memref_squeeze %dma_wait3A_1528 : memref<1x128xi32, #tpu.memory_space<vmem>> -> memref<128xi32, #tpu.memory_space<vmem>>
    %dma_wait3A_1530 = arith.constant 0 : i32
    %dma_wait3A_1531 = arith.constant 0 : i32
    %dma_wait3A_1532 = tpu.memref_slice %arg5[%dma_wait3A_1530, %dma_wait3A_1531] : memref<25000x8xf32, #tpu.memory_space<hbm>> -> memref<25000x8xf32, #tpu.memory_space<hbm>>
    %dma_wait3A_1533 = tpu.memref_slice %arg17[%dma_wait3A_1522] : memref<3x!tpu.dma_semaphore, #tpu.memory_space<semaphore_mem>> -> memref<1x!tpu.dma_semaphore, #tpu.memory_space<semaphore_mem>>
    %dma_wait3A_1534 = tpu.memref_squeeze %dma_wait3A_1533 : memref<1x!tpu.dma_semaphore, #tpu.memory_space<semaphore_mem>> -> memref<!tpu.dma_semaphore, #tpu.memory_space<semaphore_mem>>
    tpu.wait_indirect_dma semaphore(%dma_wait3A_1534 : memref<!tpu.dma_semaphore, #tpu.memory_space<semaphore_mem>>) src(%dma_wait3A_1532 : memref<25000x8xf32, #tpu.memory_space<hbm>>) dst(%dma_wait3A_1526 : memref<128x8xf32, #tpu.memory_space<vmem>>)
    %dma_wait3A_1535 = arith.constant 5 : i32
    %dma_wait3A_1536 = arith.constant 1 : i32
    %dma_wait3A_1537 = arith.constant 1 : i32
    %dma_wait3A_1538 = arith.constant 0 : i32
    %dma_wait3A_1539 = arith.constant 0 : i32
    %dma_wait3A_1540 = tpu.memref_slice %arg13[%dma_wait3A_1536, %dma_wait3A_1538, %dma_wait3A_1539] : memref<3x128x8xf32, #tpu.memory_space<vmem>> -> memref<1x128x8xf32, #tpu.memory_space<vmem>>
    %dma_wait3A_1541 = tpu.memref_squeeze %dma_wait3A_1540 : memref<1x128x8xf32, #tpu.memory_space<vmem>> -> memref<128x8xf32, #tpu.memory_space<vmem>>
    %dma_wait3A_1542 = arith.constant 0 : i32
    %dma_wait3A_1543 = tpu.memref_slice %arg9[%dma_wait3A_1535, %dma_wait3A_1542] : memref<8x128xi32, #tpu.memory_space<vmem>> -> memref<1x128xi32, #tpu.memory_space<vmem>>
    %dma_wait3A_1544 = tpu.memref_squeeze %dma_wait3A_1543 : memref<1x128xi32, #tpu.memory_space<vmem>> -> memref<128xi32, #tpu.memory_space<vmem>>
    %dma_wait3A_1545 = arith.constant 0 : i32
    %dma_wait3A_1546 = arith.constant 0 : i32
    %dma_wait3A_1547 = tpu.memref_slice %arg5[%dma_wait3A_1545, %dma_wait3A_1546] : memref<25000x8xf32, #tpu.memory_space<hbm>> -> memref<25000x8xf32, #tpu.memory_space<hbm>>
    %dma_wait3A_1548 = tpu.memref_slice %arg17[%dma_wait3A_1537] : memref<3x!tpu.dma_semaphore, #tpu.memory_space<semaphore_mem>> -> memref<1x!tpu.dma_semaphore, #tpu.memory_space<semaphore_mem>>
    %dma_wait3A_1549 = tpu.memref_squeeze %dma_wait3A_1548 : memref<1x!tpu.dma_semaphore, #tpu.memory_space<semaphore_mem>> -> memref<!tpu.dma_semaphore, #tpu.memory_space<semaphore_mem>>
    tpu.wait_indirect_dma semaphore(%dma_wait3A_1549 : memref<!tpu.dma_semaphore, #tpu.memory_space<semaphore_mem>>) src(%dma_wait3A_1547 : memref<25000x8xf32, #tpu.memory_space<hbm>>) dst(%dma_wait3A_1541 : memref<128x8xf32, #tpu.memory_space<vmem>>)
    %iota3A_1550 = tpu.iota {dimensions = array<i32: 0>} : vector<16xi32>
    %add3A_1551 = arith.constant 0 : i32
    %add3A_1552 = vector.broadcast %add3A_1551 : i32 to vector<16xi32>
    %add3A_1553 = arith.addi %iota3A_1550, %add3A_1552 : vector<16xi32>
    %get3A_1554 = arith.constant 1 : i32
    %get3A_1555 = arith.index_cast %get3A_1554 : i32 to index
    %get3A_1556 = arith.constant 0 : index
    %get3A_1557 = tpu.vector_load %arg8[%get3A_1555, %get3A_1556] {strides = array<i32>} : memref<8x128xi32, #tpu.memory_space<vmem>>, vector<16xi32>,
    %get3A_1558 = arith.constant 5 : i32
    %get3A_1559 = arith.index_cast %get3A_1558 : i32 to index
    %get3A_1560 = arith.constant 0 : index
    %get3A_1561 = tpu.vector_load %arg8[%get3A_1559, %get3A_1560] {strides = array<i32>} : memref<8x128xi32, #tpu.memory_space<vmem>>, vector<16xi32>,
    %and3A_1562 = arith.constant 7 : i32
    %and3A_1563 = vector.broadcast %and3A_1562 : i32 to vector<16xi32>
    %and3A_1564 = arith.andi %get3A_1557, %and3A_1563 : vector<16xi32>
    %gather3A_1565 = arith.constant 1 : i32
    %gather3A_1566 = arith.constant 0 : i32
    %gather3A_1567 = arith.constant 0 : i32
    %gather3A_1568 = tpu.memref_slice %arg12[%gather3A_1565, %gather3A_1566, %gather3A_1567] : memref<3x128x8xf32, #tpu.memory_space<vmem>> -> memref<1x128x8xf32, #tpu.memory_space<vmem>>
    %gather3A_1569 = tpu.memref_squeeze %gather3A_1568 : memref<1x128x8xf32, #tpu.memory_space<vmem>> -> memref<128x8xf32, #tpu.memory_space<vmem>>
    %gather3A_1570 = tpu.vector_load_idx %gather3A_1569[%add3A_1553, %and3A_1564] : memref<128x8xf32, #tpu.memory_space<vmem>>[vector<16xi32>, vector<16xi32>], vector<16xf32>,
    %and3A_1571 = arith.constant 7 : i32
    %and3A_1572 = vector.broadcast %and3A_1571 : i32 to vector<16xi32>
    %and3A_1573 = arith.andi %get3A_1561, %and3A_1572 : vector<16xi32>
    %gather3A_1574 = arith.constant 1 : i32
    %gather3A_1575 = arith.constant 0 : i32
    %gather3A_1576 = arith.constant 0 : i32
    %gather3A_1577 = tpu.memref_slice %arg13[%gather3A_1574, %gather3A_1575, %gather3A_1576] : memref<3x128x8xf32, #tpu.memory_space<vmem>> -> memref<1x128x8xf32, #tpu.memory_space<vmem>>
    %gather3A_1578 = tpu.memref_squeeze %gather3A_1577 : memref<1x128x8xf32, #tpu.memory_space<vmem>> -> memref<128x8xf32, #tpu.memory_space<vmem>>
    %gather3A_1579 = tpu.vector_load_idx %gather3A_1578[%add3A_1553, %and3A_1573] : memref<128x8xf32, #tpu.memory_space<vmem>>[vector<16xi32>, vector<16xi32>], vector<16xf32>,
    %add3A_1580 = arith.addf %gather3A_1570, %gather3A_1579 : vector<16xf32>
    %swap3A_1581 = arith.constant 1 : i32
    %swap3A_1582 = arith.index_cast %swap3A_1581 : i32 to index
    %swap3A_1583 = arith.constant 0 : index
    %swap3A_1584 = tpu.vector_load %arg14[%swap3A_1582, %swap3A_1583] {strides = array<i32>} : memref<3x128xf32, #tpu.memory_space<vmem>>, vector<16xf32>,
    tpu.vector_store %arg14[%swap3A_1582, %swap3A_1583], %add3A_1580 {strides = array<i32>} : memref<3x128xf32, #tpu.memory_space<vmem>>, vector<16xf32>,
    %iota3A_1585 = tpu.iota {dimensions = array<i32: 0>} : vector<16xi32>
    %add3A_1586 = arith.constant 16 : i32
    %add3A_1587 = vector.broadcast %add3A_1586 : i32 to vector<16xi32>
    %add3A_1588 = arith.addi %iota3A_1585, %add3A_1587 : vector<16xi32>
    %get3A_1589 = arith.constant 1 : i32
    %get3A_1590 = arith.index_cast %get3A_1589 : i32 to index
    %get3A_1591 = arith.constant 16 : index
    %get3A_1592 = tpu.vector_load %arg8[%get3A_1590, %get3A_1591] {strides = array<i32>} : memref<8x128xi32, #tpu.memory_space<vmem>>, vector<16xi32>,
    %get3A_1593 = arith.constant 5 : i32
    %get3A_1594 = arith.index_cast %get3A_1593 : i32 to index
    %get3A_1595 = arith.constant 16 : index
    %get3A_1596 = tpu.vector_load %arg8[%get3A_1594, %get3A_1595] {strides = array<i32>} : memref<8x128xi32, #tpu.memory_space<vmem>>, vector<16xi32>,
    %and3A_1597 = arith.constant 7 : i32
    %and3A_1598 = vector.broadcast %and3A_1597 : i32 to vector<16xi32>
    %and3A_1599 = arith.andi %get3A_1592, %and3A_1598 : vector<16xi32>
    %gather3A_1600 = arith.constant 1 : i32
    %gather3A_1601 = arith.constant 0 : i32
    %gather3A_1602 = arith.constant 0 : i32
    %gather3A_1603 = tpu.memref_slice %arg12[%gather3A_1600, %gather3A_1601, %gather3A_1602] : memref<3x128x8xf32, #tpu.memory_space<vmem>> -> memref<1x128x8xf32, #tpu.memory_space<vmem>>
    %gather3A_1604 = tpu.memref_squeeze %gather3A_1603 : memref<1x128x8xf32, #tpu.memory_space<vmem>> -> memref<128x8xf32, #tpu.memory_space<vmem>>
    %gather3A_1605 = tpu.vector_load_idx %gather3A_1604[%add3A_1588, %and3A_1599] : memref<128x8xf32, #tpu.memory_space<vmem>>[vector<16xi32>, vector<16xi32>], vector<16xf32>,
    %and3A_1606 = arith.constant 7 : i32
    %and3A_1607 = vector.broadcast %and3A_1606 : i32 to vector<16xi32>
    %and3A_1608 = arith.andi %get3A_1596, %and3A_1607 : vector<16xi32>
    %gather3A_1609 = arith.constant 1 : i32
    %gather3A_1610 = arith.constant 0 : i32
    %gather3A_1611 = arith.constant 0 : i32
    %gather3A_1612 = tpu.memref_slice %arg13[%gather3A_1609, %gather3A_1610, %gather3A_1611] : memref<3x128x8xf32, #tpu.memory_space<vmem>> -> memref<1x128x8xf32, #tpu.memory_space<vmem>>
    %gather3A_1613 = tpu.memref_squeeze %gather3A_1612 : memref<1x128x8xf32, #tpu.memory_space<vmem>> -> memref<128x8xf32, #tpu.memory_space<vmem>>
    %gather3A_1614 = tpu.vector_load_idx %gather3A_1613[%add3A_1588, %and3A_1608] : memref<128x8xf32, #tpu.memory_space<vmem>>[vector<16xi32>, vector<16xi32>], vector<16xf32>,
    %add3A_1615 = arith.addf %gather3A_1605, %gather3A_1614 : vector<16xf32>
    %swap3A_1616 = arith.constant 1 : i32
    %swap3A_1617 = arith.index_cast %swap3A_1616 : i32 to index
    %swap3A_1618 = arith.constant 16 : index
    %swap3A_1619 = tpu.vector_load %arg14[%swap3A_1617, %swap3A_1618] {strides = array<i32>} : memref<3x128xf32, #tpu.memory_space<vmem>>, vector<16xf32>,
    tpu.vector_store %arg14[%swap3A_1617, %swap3A_1618], %add3A_1615 {strides = array<i32>} : memref<3x128xf32, #tpu.memory_space<vmem>>, vector<16xf32>,
    %iota3A_1620 = tpu.iota {dimensions = array<i32: 0>} : vector<16xi32>
    %add3A_1621 = arith.constant 32 : i32
    %add3A_1622 = vector.broadcast %add3A_1621 : i32 to vector<16xi32>
    %add3A_1623 = arith.addi %iota3A_1620, %add3A_1622 : vector<16xi32>
    %get3A_1624 = arith.constant 1 : i32
    %get3A_1625 = arith.index_cast %get3A_1624 : i32 to index
    %get3A_1626 = arith.constant 32 : index
    %get3A_1627 = tpu.vector_load %arg8[%get3A_1625, %get3A_1626] {strides = array<i32>} : memref<8x128xi32, #tpu.memory_space<vmem>>, vector<16xi32>,
    %get3A_1628 = arith.constant 5 : i32
    %get3A_1629 = arith.index_cast %get3A_1628 : i32 to index
    %get3A_1630 = arith.constant 32 : index
    %get3A_1631 = tpu.vector_load %arg8[%get3A_1629, %get3A_1630] {strides = array<i32>} : memref<8x128xi32, #tpu.memory_space<vmem>>, vector<16xi32>,
    %and3A_1632 = arith.constant 7 : i32
    %and3A_1633 = vector.broadcast %and3A_1632 : i32 to vector<16xi32>
    %and3A_1634 = arith.andi %get3A_1627, %and3A_1633 : vector<16xi32>
    %gather3A_1635 = arith.constant 1 : i32
    %gather3A_1636 = arith.constant 0 : i32
    %gather3A_1637 = arith.constant 0 : i32
    %gather3A_1638 = tpu.memref_slice %arg12[%gather3A_1635, %gather3A_1636, %gather3A_1637] : memref<3x128x8xf32, #tpu.memory_space<vmem>> -> memref<1x128x8xf32, #tpu.memory_space<vmem>>
    %gather3A_1639 = tpu.memref_squeeze %gather3A_1638 : memref<1x128x8xf32, #tpu.memory_space<vmem>> -> memref<128x8xf32, #tpu.memory_space<vmem>>
    %gather3A_1640 = tpu.vector_load_idx %gather3A_1639[%add3A_1623, %and3A_1634] : memref<128x8xf32, #tpu.memory_space<vmem>>[vector<16xi32>, vector<16xi32>], vector<16xf32>,
    %and3A_1641 = arith.constant 7 : i32
    %and3A_1642 = vector.broadcast %and3A_1641 : i32 to vector<16xi32>
    %and3A_1643 = arith.andi %get3A_1631, %and3A_1642 : vector<16xi32>
    %gather3A_1644 = arith.constant 1 : i32
    %gather3A_1645 = arith.constant 0 : i32
    %gather3A_1646 = arith.constant 0 : i32
    %gather3A_1647 = tpu.memref_slice %arg13[%gather3A_1644, %gather3A_1645, %gather3A_1646] : memref<3x128x8xf32, #tpu.memory_space<vmem>> -> memref<1x128x8xf32, #tpu.memory_space<vmem>>
    %gather3A_1648 = tpu.memref_squeeze %gather3A_1647 : memref<1x128x8xf32, #tpu.memory_space<vmem>> -> memref<128x8xf32, #tpu.memory_space<vmem>>
    %gather3A_1649 = tpu.vector_load_idx %gather3A_1648[%add3A_1623, %and3A_1643] : memref<128x8xf32, #tpu.memory_space<vmem>>[vector<16xi32>, vector<16xi32>], vector<16xf32>,
    %add3A_1650 = arith.addf %gather3A_1640, %gather3A_1649 : vector<16xf32>
    %swap3A_1651 = arith.constant 1 : i32
    %swap3A_1652 = arith.index_cast %swap3A_1651 : i32 to index
    %swap3A_1653 = arith.constant 32 : index
    %swap3A_1654 = tpu.vector_load %arg14[%swap3A_1652, %swap3A_1653] {strides = array<i32>} : memref<3x128xf32, #tpu.memory_space<vmem>>, vector<16xf32>,
    tpu.vector_store %arg14[%swap3A_1652, %swap3A_1653], %add3A_1650 {strides = array<i32>} : memref<3x128xf32, #tpu.memory_space<vmem>>, vector<16xf32>,
    %iota3A_1655 = tpu.iota {dimensions = array<i32: 0>} : vector<16xi32>
    %add3A_1656 = arith.constant 48 : i32
    %add3A_1657 = vector.broadcast %add3A_1656 : i32 to vector<16xi32>
    %add3A_1658 = arith.addi %iota3A_1655, %add3A_1657 : vector<16xi32>
    %get3A_1659 = arith.constant 1 : i32
    %get3A_1660 = arith.index_cast %get3A_1659 : i32 to index
    %get3A_1661 = arith.constant 48 : index
    %get3A_1662 = tpu.vector_load %arg8[%get3A_1660, %get3A_1661] {strides = array<i32>} : memref<8x128xi32, #tpu.memory_space<vmem>>, vector<16xi32>,
    %get3A_1663 = arith.constant 5 : i32
    %get3A_1664 = arith.index_cast %get3A_1663 : i32 to index
    %get3A_1665 = arith.constant 48 : index
    %get3A_1666 = tpu.vector_load %arg8[%get3A_1664, %get3A_1665] {strides = array<i32>} : memref<8x128xi32, #tpu.memory_space<vmem>>, vector<16xi32>,
    %and3A_1667 = arith.constant 7 : i32
    %and3A_1668 = vector.broadcast %and3A_1667 : i32 to vector<16xi32>
    %and3A_1669 = arith.andi %get3A_1662, %and3A_1668 : vector<16xi32>
    %gather3A_1670 = arith.constant 1 : i32
    %gather3A_1671 = arith.constant 0 : i32
    %gather3A_1672 = arith.constant 0 : i32
    %gather3A_1673 = tpu.memref_slice %arg12[%gather3A_1670, %gather3A_1671, %gather3A_1672] : memref<3x128x8xf32, #tpu.memory_space<vmem>> -> memref<1x128x8xf32, #tpu.memory_space<vmem>>
    %gather3A_1674 = tpu.memref_squeeze %gather3A_1673 : memref<1x128x8xf32, #tpu.memory_space<vmem>> -> memref<128x8xf32, #tpu.memory_space<vmem>>
    %gather3A_1675 = tpu.vector_load_idx %gather3A_1674[%add3A_1658, %and3A_1669] : memref<128x8xf32, #tpu.memory_space<vmem>>[vector<16xi32>, vector<16xi32>], vector<16xf32>,
    %and3A_1676 = arith.constant 7 : i32
    %and3A_1677 = vector.broadcast %and3A_1676 : i32 to vector<16xi32>
    %and3A_1678 = arith.andi %get3A_1666, %and3A_1677 : vector<16xi32>
    %gather3A_1679 = arith.constant 1 : i32
    %gather3A_1680 = arith.constant 0 : i32
    %gather3A_1681 = arith.constant 0 : i32
    %gather3A_1682 = tpu.memref_slice %arg13[%gather3A_1679, %gather3A_1680, %gather3A_1681] : memref<3x128x8xf32, #tpu.memory_space<vmem>> -> memref<1x128x8xf32, #tpu.memory_space<vmem>>
    %gather3A_1683 = tpu.memref_squeeze %gather3A_1682 : memref<1x128x8xf32, #tpu.memory_space<vmem>> -> memref<128x8xf32, #tpu.memory_space<vmem>>
    %gather3A_1684 = tpu.vector_load_idx %gather3A_1683[%add3A_1658, %and3A_1678] : memref<128x8xf32, #tpu.memory_space<vmem>>[vector<16xi32>, vector<16xi32>], vector<16xf32>,
    %add3A_1685 = arith.addf %gather3A_1675, %gather3A_1684 : vector<16xf32>
    %swap3A_1686 = arith.constant 1 : i32
    %swap3A_1687 = arith.index_cast %swap3A_1686 : i32 to index
    %swap3A_1688 = arith.constant 48 : index
    %swap3A_1689 = tpu.vector_load %arg14[%swap3A_1687, %swap3A_1688] {strides = array<i32>} : memref<3x128xf32, #tpu.memory_space<vmem>>, vector<16xf32>,
    tpu.vector_store %arg14[%swap3A_1687, %swap3A_1688], %add3A_1685 {strides = array<i32>} : memref<3x128xf32, #tpu.memory_space<vmem>>, vector<16xf32>,
    %iota3A_1690 = tpu.iota {dimensions = array<i32: 0>} : vector<16xi32>
    %add3A_1691 = arith.constant 64 : i32
    %add3A_1692 = vector.broadcast %add3A_1691 : i32 to vector<16xi32>
    %add3A_1693 = arith.addi %iota3A_1690, %add3A_1692 : vector<16xi32>
    %get3A_1694 = arith.constant 1 : i32
    %get3A_1695 = arith.index_cast %get3A_1694 : i32 to index
    %get3A_1696 = arith.constant 64 : index
    %get3A_1697 = tpu.vector_load %arg8[%get3A_1695, %get3A_1696] {strides = array<i32>} : memref<8x128xi32, #tpu.memory_space<vmem>>, vector<16xi32>,
    %get3A_1698 = arith.constant 5 : i32
    %get3A_1699 = arith.index_cast %get3A_1698 : i32 to index
    %get3A_1700 = arith.constant 64 : index
    %get3A_1701 = tpu.vector_load %arg8[%get3A_1699, %get3A_1700] {strides = array<i32>} : memref<8x128xi32, #tpu.memory_space<vmem>>, vector<16xi32>,
    %and3A_1702 = arith.constant 7 : i32
    %and3A_1703 = vector.broadcast %and3A_1702 : i32 to vector<16xi32>
    %and3A_1704 = arith.andi %get3A_1697, %and3A_1703 : vector<16xi32>
    %gather3A_1705 = arith.constant 1 : i32
    %gather3A_1706 = arith.constant 0 : i32
    %gather3A_1707 = arith.constant 0 : i32
    %gather3A_1708 = tpu.memref_slice %arg12[%gather3A_1705, %gather3A_1706, %gather3A_1707] : memref<3x128x8xf32, #tpu.memory_space<vmem>> -> memref<1x128x8xf32, #tpu.memory_space<vmem>>
    %gather3A_1709 = tpu.memref_squeeze %gather3A_1708 : memref<1x128x8xf32, #tpu.memory_space<vmem>> -> memref<128x8xf32, #tpu.memory_space<vmem>>
    %gather3A_1710 = tpu.vector_load_idx %gather3A_1709[%add3A_1693, %and3A_1704] : memref<128x8xf32, #tpu.memory_space<vmem>>[vector<16xi32>, vector<16xi32>], vector<16xf32>,
    %and3A_1711 = arith.constant 7 : i32
    %and3A_1712 = vector.broadcast %and3A_1711 : i32 to vector<16xi32>
    %and3A_1713 = arith.andi %get3A_1701, %and3A_1712 : vector<16xi32>
    %gather3A_1714 = arith.constant 1 : i32
    %gather3A_1715 = arith.constant 0 : i32
    %gather3A_1716 = arith.constant 0 : i32
    %gather3A_1717 = tpu.memref_slice %arg13[%gather3A_1714, %gather3A_1715, %gather3A_1716] : memref<3x128x8xf32, #tpu.memory_space<vmem>> -> memref<1x128x8xf32, #tpu.memory_space<vmem>>
    %gather3A_1718 = tpu.memref_squeeze %gather3A_1717 : memref<1x128x8xf32, #tpu.memory_space<vmem>> -> memref<128x8xf32, #tpu.memory_space<vmem>>
    %gather3A_1719 = tpu.vector_load_idx %gather3A_1718[%add3A_1693, %and3A_1713] : memref<128x8xf32, #tpu.memory_space<vmem>>[vector<16xi32>, vector<16xi32>], vector<16xf32>,
    %add3A_1720 = arith.addf %gather3A_1710, %gather3A_1719 : vector<16xf32>
    %swap3A_1721 = arith.constant 1 : i32
    %swap3A_1722 = arith.index_cast %swap3A_1721 : i32 to index
    %swap3A_1723 = arith.constant 64 : index
    %swap3A_1724 = tpu.vector_load %arg14[%swap3A_1722, %swap3A_1723] {strides = array<i32>} : memref<3x128xf32, #tpu.memory_space<vmem>>, vector<16xf32>,
    tpu.vector_store %arg14[%swap3A_1722, %swap3A_1723], %add3A_1720 {strides = array<i32>} : memref<3x128xf32, #tpu.memory_space<vmem>>, vector<16xf32>,
    %iota3A_1725 = tpu.iota {dimensions = array<i32: 0>} : vector<16xi32>
    %add3A_1726 = arith.constant 80 : i32
    %add3A_1727 = vector.broadcast %add3A_1726 : i32 to vector<16xi32>
    %add3A_1728 = arith.addi %iota3A_1725, %add3A_1727 : vector<16xi32>
    %get3A_1729 = arith.constant 1 : i32
    %get3A_1730 = arith.index_cast %get3A_1729 : i32 to index
    %get3A_1731 = arith.constant 80 : index
    %get3A_1732 = tpu.vector_load %arg8[%get3A_1730, %get3A_1731] {strides = array<i32>} : memref<8x128xi32, #tpu.memory_space<vmem>>, vector<16xi32>,
    %get3A_1733 = arith.constant 5 : i32
    %get3A_1734 = arith.index_cast %get3A_1733 : i32 to index
    %get3A_1735 = arith.constant 80 : index
    %get3A_1736 = tpu.vector_load %arg8[%get3A_1734, %get3A_1735] {strides = array<i32>} : memref<8x128xi32, #tpu.memory_space<vmem>>, vector<16xi32>,
    %and3A_1737 = arith.constant 7 : i32
    %and3A_1738 = vector.broadcast %and3A_1737 : i32 to vector<16xi32>
    %and3A_1739 = arith.andi %get3A_1732, %and3A_1738 : vector<16xi32>
    %gather3A_1740 = arith.constant 1 : i32
    %gather3A_1741 = arith.constant 0 : i32
    %gather3A_1742 = arith.constant 0 : i32
    %gather3A_1743 = tpu.memref_slice %arg12[%gather3A_1740, %gather3A_1741, %gather3A_1742] : memref<3x128x8xf32, #tpu.memory_space<vmem>> -> memref<1x128x8xf32, #tpu.memory_space<vmem>>
    %gather3A_1744 = tpu.memref_squeeze %gather3A_1743 : memref<1x128x8xf32, #tpu.memory_space<vmem>> -> memref<128x8xf32, #tpu.memory_space<vmem>>
    %gather3A_1745 = tpu.vector_load_idx %gather3A_1744[%add3A_1728, %and3A_1739] : memref<128x8xf32, #tpu.memory_space<vmem>>[vector<16xi32>, vector<16xi32>], vector<16xf32>,
    %and3A_1746 = arith.constant 7 : i32
    %and3A_1747 = vector.broadcast %and3A_1746 : i32 to vector<16xi32>
    %and3A_1748 = arith.andi %get3A_1736, %and3A_1747 : vector<16xi32>
    %gather3A_1749 = arith.constant 1 : i32
    %gather3A_1750 = arith.constant 0 : i32
    %gather3A_1751 = arith.constant 0 : i32
    %gather3A_1752 = tpu.memref_slice %arg13[%gather3A_1749, %gather3A_1750, %gather3A_1751] : memref<3x128x8xf32, #tpu.memory_space<vmem>> -> memref<1x128x8xf32, #tpu.memory_space<vmem>>
    %gather3A_1753 = tpu.memref_squeeze %gather3A_1752 : memref<1x128x8xf32, #tpu.memory_space<vmem>> -> memref<128x8xf32, #tpu.memory_space<vmem>>
    %gather3A_1754 = tpu.vector_load_idx %gather3A_1753[%add3A_1728, %and3A_1748] : memref<128x8xf32, #tpu.memory_space<vmem>>[vector<16xi32>, vector<16xi32>], vector<16xf32>,
    %add3A_1755 = arith.addf %gather3A_1745, %gather3A_1754 : vector<16xf32>
    %swap3A_1756 = arith.constant 1 : i32
    %swap3A_1757 = arith.index_cast %swap3A_1756 : i32 to index
    %swap3A_1758 = arith.constant 80 : index
    %swap3A_1759 = tpu.vector_load %arg14[%swap3A_1757, %swap3A_1758] {strides = array<i32>} : memref<3x128xf32, #tpu.memory_space<vmem>>, vector<16xf32>,
    tpu.vector_store %arg14[%swap3A_1757, %swap3A_1758], %add3A_1755 {strides = array<i32>} : memref<3x128xf32, #tpu.memory_space<vmem>>, vector<16xf32>,
    %iota3A_1760 = tpu.iota {dimensions = array<i32: 0>} : vector<16xi32>
    %add3A_1761 = arith.constant 96 : i32
    %add3A_1762 = vector.broadcast %add3A_1761 : i32 to vector<16xi32>
    %add3A_1763 = arith.addi %iota3A_1760, %add3A_1762 : vector<16xi32>
    %get3A_1764 = arith.constant 1 : i32
    %get3A_1765 = arith.index_cast %get3A_1764 : i32 to index
    %get3A_1766 = arith.constant 96 : index
    %get3A_1767 = tpu.vector_load %arg8[%get3A_1765, %get3A_1766] {strides = array<i32>} : memref<8x128xi32, #tpu.memory_space<vmem>>, vector<16xi32>,
    %get3A_1768 = arith.constant 5 : i32
    %get3A_1769 = arith.index_cast %get3A_1768 : i32 to index
    %get3A_1770 = arith.constant 96 : index
    %get3A_1771 = tpu.vector_load %arg8[%get3A_1769, %get3A_1770] {strides = array<i32>} : memref<8x128xi32, #tpu.memory_space<vmem>>, vector<16xi32>,
    %and3A_1772 = arith.constant 7 : i32
    %and3A_1773 = vector.broadcast %and3A_1772 : i32 to vector<16xi32>
    %and3A_1774 = arith.andi %get3A_1767, %and3A_1773 : vector<16xi32>
    %gather3A_1775 = arith.constant 1 : i32
    %gather3A_1776 = arith.constant 0 : i32
    %gather3A_1777 = arith.constant 0 : i32
    %gather3A_1778 = tpu.memref_slice %arg12[%gather3A_1775, %gather3A_1776, %gather3A_1777] : memref<3x128x8xf32, #tpu.memory_space<vmem>> -> memref<1x128x8xf32, #tpu.memory_space<vmem>>
    %gather3A_1779 = tpu.memref_squeeze %gather3A_1778 : memref<1x128x8xf32, #tpu.memory_space<vmem>> -> memref<128x8xf32, #tpu.memory_space<vmem>>
    %gather3A_1780 = tpu.vector_load_idx %gather3A_1779[%add3A_1763, %and3A_1774] : memref<128x8xf32, #tpu.memory_space<vmem>>[vector<16xi32>, vector<16xi32>], vector<16xf32>,
    %and3A_1781 = arith.constant 7 : i32
    %and3A_1782 = vector.broadcast %and3A_1781 : i32 to vector<16xi32>
    %and3A_1783 = arith.andi %get3A_1771, %and3A_1782 : vector<16xi32>
    %gather3A_1784 = arith.constant 1 : i32
    %gather3A_1785 = arith.constant 0 : i32
    %gather3A_1786 = arith.constant 0 : i32
    %gather3A_1787 = tpu.memref_slice %arg13[%gather3A_1784, %gather3A_1785, %gather3A_1786] : memref<3x128x8xf32, #tpu.memory_space<vmem>> -> memref<1x128x8xf32, #tpu.memory_space<vmem>>
    %gather3A_1788 = tpu.memref_squeeze %gather3A_1787 : memref<1x128x8xf32, #tpu.memory_space<vmem>> -> memref<128x8xf32, #tpu.memory_space<vmem>>
    %gather3A_1789 = tpu.vector_load_idx %gather3A_1788[%add3A_1763, %and3A_1783] : memref<128x8xf32, #tpu.memory_space<vmem>>[vector<16xi32>, vector<16xi32>], vector<16xf32>,
    %add3A_1790 = arith.addf %gather3A_1780, %gather3A_1789 : vector<16xf32>
    %swap3A_1791 = arith.constant 1 : i32
    %swap3A_1792 = arith.index_cast %swap3A_1791 : i32 to index
    %swap3A_1793 = arith.constant 96 : index
    %swap3A_1794 = tpu.vector_load %arg14[%swap3A_1792, %swap3A_1793] {strides = array<i32>} : memref<3x128xf32, #tpu.memory_space<vmem>>, vector<16xf32>,
    tpu.vector_store %arg14[%swap3A_1792, %swap3A_1793], %add3A_1790 {strides = array<i32>} : memref<3x128xf32, #tpu.memory_space<vmem>>, vector<16xf32>,
    %iota3A_1795 = tpu.iota {dimensions = array<i32: 0>} : vector<16xi32>
    %add3A_1796 = arith.constant 112 : i32
    %add3A_1797 = vector.broadcast %add3A_1796 : i32 to vector<16xi32>
    %add3A_1798 = arith.addi %iota3A_1795, %add3A_1797 : vector<16xi32>
    %get3A_1799 = arith.constant 1 : i32
    %get3A_1800 = arith.index_cast %get3A_1799 : i32 to index
    %get3A_1801 = arith.constant 112 : index
    %get3A_1802 = tpu.vector_load %arg8[%get3A_1800, %get3A_1801] {strides = array<i32>} : memref<8x128xi32, #tpu.memory_space<vmem>>, vector<16xi32>,
    %get3A_1803 = arith.constant 5 : i32
    %get3A_1804 = arith.index_cast %get3A_1803 : i32 to index
    %get3A_1805 = arith.constant 112 : index
    %get3A_1806 = tpu.vector_load %arg8[%get3A_1804, %get3A_1805] {strides = array<i32>} : memref<8x128xi32, #tpu.memory_space<vmem>>, vector<16xi32>,
    %and3A_1807 = arith.constant 7 : i32
    %and3A_1808 = vector.broadcast %and3A_1807 : i32 to vector<16xi32>
    %and3A_1809 = arith.andi %get3A_1802, %and3A_1808 : vector<16xi32>
    %gather3A_1810 = arith.constant 1 : i32
    %gather3A_1811 = arith.constant 0 : i32
    %gather3A_1812 = arith.constant 0 : i32
    %gather3A_1813 = tpu.memref_slice %arg12[%gather3A_1810, %gather3A_1811, %gather3A_1812] : memref<3x128x8xf32, #tpu.memory_space<vmem>> -> memref<1x128x8xf32, #tpu.memory_space<vmem>>
    %gather3A_1814 = tpu.memref_squeeze %gather3A_1813 : memref<1x128x8xf32, #tpu.memory_space<vmem>> -> memref<128x8xf32, #tpu.memory_space<vmem>>
    %gather3A_1815 = tpu.vector_load_idx %gather3A_1814[%add3A_1798, %and3A_1809] : memref<128x8xf32, #tpu.memory_space<vmem>>[vector<16xi32>, vector<16xi32>], vector<16xf32>,
    %and3A_1816 = arith.constant 7 : i32
    %and3A_1817 = vector.broadcast %and3A_1816 : i32 to vector<16xi32>
    %and3A_1818 = arith.andi %get3A_1806, %and3A_1817 : vector<16xi32>
    %gather3A_1819 = arith.constant 1 : i32
    %gather3A_1820 = arith.constant 0 : i32
    %gather3A_1821 = arith.constant 0 : i32
    %gather3A_1822 = tpu.memref_slice %arg13[%gather3A_1819, %gather3A_1820, %gather3A_1821] : memref<3x128x8xf32, #tpu.memory_space<vmem>> -> memref<1x128x8xf32, #tpu.memory_space<vmem>>
    %gather3A_1823 = tpu.memref_squeeze %gather3A_1822 : memref<1x128x8xf32, #tpu.memory_space<vmem>> -> memref<128x8xf32, #tpu.memory_space<vmem>>
    %gather3A_1824 = tpu.vector_load_idx %gather3A_1823[%add3A_1798, %and3A_1818] : memref<128x8xf32, #tpu.memory_space<vmem>>[vector<16xi32>, vector<16xi32>], vector<16xf32>,
    %add3A_1825 = arith.addf %gather3A_1815, %gather3A_1824 : vector<16xf32>
    %swap3A_1826 = arith.constant 1 : i32
    %swap3A_1827 = arith.index_cast %swap3A_1826 : i32 to index
    %swap3A_1828 = arith.constant 112 : index
    %swap3A_1829 = tpu.vector_load %arg14[%swap3A_1827, %swap3A_1828] {strides = array<i32>} : memref<3x128xf32, #tpu.memory_space<vmem>>, vector<16xf32>,
    tpu.vector_store %arg14[%swap3A_1827, %swap3A_1828], %add3A_1825 {strides = array<i32>} : memref<3x128xf32, #tpu.memory_space<vmem>>, vector<16xf32>,
    %add3A_1830 = arith.constant 128 : i32
    %add3A_1831 = arith.addi %mul3A_2, %add3A_1830 : i32
    %dma_start3A_1832 = arith.constant 1 : i32
    %dma_start3A_1833 = arith.constant 0 : i32
    %dma_start3A_1834 = tpu.memref_slice %arg14[%dma_start3A_1832, %dma_start3A_1833] : memref<3x128xf32, #tpu.memory_space<vmem>> -> memref<1x128xf32, #tpu.memory_space<vmem>>
    %dma_start3A_1835 = tpu.memref_squeeze %dma_start3A_1834 : memref<1x128xf32, #tpu.memory_space<vmem>> -> memref<128xf32, #tpu.memory_space<vmem>>
    %dma_start3A_1836 = tpu.memref_slice %arg7[%add3A_1831] : memref<16384xf32, #tpu.memory_space<hbm>> -> memref<128xf32, #tpu.memory_space<hbm>>
    %dma_start3A_1837 = tpu.memref_slice %arg7[%add3A_1831] : memref<16384xf32, #tpu.memory_space<hbm>> -> memref<128xf32, #tpu.memory_space<hbm>>
    %dma_start3A_1838 = arith.constant 0 : i32
    %dma_start3A_1839 = tpu.memref_slice %arg14[%dma_start3A_1832, %dma_start3A_1838] : memref<3x128xf32, #tpu.memory_space<vmem>> -> memref<1x128xf32, #tpu.memory_space<vmem>>
    %dma_start3A_1840 = tpu.memref_squeeze %dma_start3A_1839 : memref<1x128xf32, #tpu.memory_space<vmem>> -> memref<128xf32, #tpu.memory_space<vmem>>
    tpu.enqueue_dma source(%dma_start3A_1840 : memref<128xf32, #tpu.memory_space<vmem>>) target(%dma_start3A_1837 : memref<128xf32, #tpu.memory_space<hbm>>) target_semaphore(%arg18 : memref<!tpu.dma_semaphore, #tpu.memory_space<semaphore_mem>>)
    %dma_wait3A_1841 = arith.constant 1 : i32
    %dma_wait3A_1842 = arith.constant 1 : i32
    %dma_wait3A_1843 = arith.constant 1 : i32
    %dma_wait3A_1844 = arith.constant 0 : i32
    %dma_wait3A_1845 = arith.constant 0 : i32
    %dma_wait3A_1846 = tpu.memref_slice %arg10[%dma_wait3A_1842, %dma_wait3A_1844, %dma_wait3A_1845] : memref<3x128x128xf32, #tpu.memory_space<vmem>> -> memref<1x128x128xf32, #tpu.memory_space<vmem>>
    %dma_wait3A_1847 = tpu.memref_squeeze %dma_wait3A_1846 : memref<1x128x128xf32, #tpu.memory_space<vmem>> -> memref<128x128xf32, #tpu.memory_space<vmem>>
    %dma_wait3A_1848 = arith.constant 0 : i32
    %dma_wait3A_1849 = tpu.memref_slice %arg8[%dma_wait3A_1841, %dma_wait3A_1848] : memref<8x128xi32, #tpu.memory_space<vmem>> -> memref<1x128xi32, #tpu.memory_space<vmem>>
    %dma_wait3A_1850 = tpu.memref_squeeze %dma_wait3A_1849 : memref<1x128xi32, #tpu.memory_space<vmem>> -> memref<128xi32, #tpu.memory_space<vmem>>
    %dma_wait3A_1851 = arith.constant 0 : i32
    %dma_wait3A_1852 = arith.constant 0 : i32
    %dma_wait3A_1853 = tpu.memref_slice %arg3[%dma_wait3A_1851, %dma_wait3A_1852] : memref<100000x128xf32, #tpu.memory_space<hbm>> -> memref<100000x128xf32, #tpu.memory_space<hbm>>
    %dma_wait3A_1854 = tpu.memref_slice %arg16[%dma_wait3A_1843] : memref<3x!tpu.dma_semaphore, #tpu.memory_space<semaphore_mem>> -> memref<1x!tpu.dma_semaphore, #tpu.memory_space<semaphore_mem>>
    %dma_wait3A_1855 = tpu.memref_squeeze %dma_wait3A_1854 : memref<1x!tpu.dma_semaphore, #tpu.memory_space<semaphore_mem>> -> memref<!tpu.dma_semaphore, #tpu.memory_space<semaphore_mem>>
    tpu.wait_indirect_dma semaphore(%dma_wait3A_1855 : memref<!tpu.dma_semaphore, #tpu.memory_space<semaphore_mem>>) src(%dma_wait3A_1853 : memref<100000x128xf32, #tpu.memory_space<hbm>>) dst(%dma_wait3A_1847 : memref<128x128xf32, #tpu.memory_space<vmem>>)
    %dma_wait3A_1856 = arith.constant 5 : i32
    %dma_wait3A_1857 = arith.constant 1 : i32
    %dma_wait3A_1858 = arith.constant 1 : i32
    %dma_wait3A_1859 = arith.constant 0 : i32
    %dma_wait3A_1860 = arith.constant 0 : i32
    %dma_wait3A_1861 = tpu.memref_slice %arg11[%dma_wait3A_1857, %dma_wait3A_1859, %dma_wait3A_1860] : memref<3x128x128xf32, #tpu.memory_space<vmem>> -> memref<1x128x128xf32, #tpu.memory_space<vmem>>
    %dma_wait3A_1862 = tpu.memref_squeeze %dma_wait3A_1861 : memref<1x128x128xf32, #tpu.memory_space<vmem>> -> memref<128x128xf32, #tpu.memory_space<vmem>>
    %dma_wait3A_1863 = arith.constant 0 : i32
    %dma_wait3A_1864 = tpu.memref_slice %arg8[%dma_wait3A_1856, %dma_wait3A_1863] : memref<8x128xi32, #tpu.memory_space<vmem>> -> memref<1x128xi32, #tpu.memory_space<vmem>>
    %dma_wait3A_1865 = tpu.memref_squeeze %dma_wait3A_1864 : memref<1x128xi32, #tpu.memory_space<vmem>> -> memref<128xi32, #tpu.memory_space<vmem>>
    %dma_wait3A_1866 = arith.constant 0 : i32
    %dma_wait3A_1867 = arith.constant 0 : i32
    %dma_wait3A_1868 = tpu.memref_slice %arg4[%dma_wait3A_1866, %dma_wait3A_1867] : memref<100000x128xf32, #tpu.memory_space<hbm>> -> memref<100000x128xf32, #tpu.memory_space<hbm>>
    %dma_wait3A_1869 = tpu.memref_slice %arg16[%dma_wait3A_1858] : memref<3x!tpu.dma_semaphore, #tpu.memory_space<semaphore_mem>> -> memref<1x!tpu.dma_semaphore, #tpu.memory_space<semaphore_mem>>
    %dma_wait3A_1870 = tpu.memref_squeeze %dma_wait3A_1869 : memref<1x!tpu.dma_semaphore, #tpu.memory_space<semaphore_mem>> -> memref<!tpu.dma_semaphore, #tpu.memory_space<semaphore_mem>>
    tpu.wait_indirect_dma semaphore(%dma_wait3A_1870 : memref<!tpu.dma_semaphore, #tpu.memory_space<semaphore_mem>>) src(%dma_wait3A_1868 : memref<100000x128xf32, #tpu.memory_space<hbm>>) dst(%dma_wait3A_1862 : memref<128x128xf32, #tpu.memory_space<vmem>>)
    %scan3A_1871 = arith.constant 1 : i32
    %scan3A_1872 = arith.constant 1 : i32
    %scan3A_1873 = arith.constant 0 : i32
    %scan3A_1874 = arith.constant 64 : i32
    %scan3A_1875 = arith.addi %scan3A_1873, %scan3A_1874 : i32
    %scan3A_1876 = arith.constant 1 : i32
    %scan3A_1877:16 = scf.for %scan3A_2652 = %scan3A_1873 to %scan3A_1875 step %scan3A_1876 iter_args(%scan3A_2653 = %scan3A_1458#0, %scan3A_2654 = %scan3A_1458#1, %scan3A_2655 = %scan3A_1458#2, %scan3A_2656 = %scan3A_1458#3, %scan3A_2657 = %scan3A_1458#4, %scan3A_2658 = %scan3A_1458#5, %scan3A_2659 = %scan3A_1458#6, %scan3A_2660 = %scan3A_1458#7, %scan3A_2661 = %scan3A_1458#8, %scan3A_2662 = %scan3A_1458#9, %scan3A_2663 = %scan3A_1458#10, %scan3A_2664 = %scan3A_1458#11, %scan3A_2665 = %scan3A_1458#12, %scan3A_2666 = %scan3A_1458#13, %scan3A_2667 = %scan3A_1458#14, %scan3A_2668 = %scan3A_1458#15) -> (vector<16xf32>, vector<16xf32>, vector<16xf32>, vector<16xf32>, vector<16xf32>, vector<16xf32>, vector<16xf32>, vector<16xf32>, vector<16xf32>, vector<16xf32>, vector<16xf32>, vector<16xf32>, vector<16xf32>, vector<16xf32>, vector<16xf32>, vector<16xf32>)  : i32 {
      %mul3A_2669 = arith.constant 2 : i32
      %mul3A_2670 = arith.muli %mul3A_2669, %scan3A_2652 : i32
      %add3A_2671 = arith.constant 0 : i32
      %add3A_2672 = arith.addi %mul3A_2670, %add3A_2671 : i32
      %get3A_2673 = arith.constant 0 : i32
      %get3A_2674 = arith.constant 0 : i32
      %get3A_2675 = tpu.memref_slice %arg10[%scan3A_1871, %get3A_2673, %get3A_2674] : memref<3x128x128xf32, #tpu.memory_space<vmem>> -> memref<1x128x128xf32, #tpu.memory_space<vmem>>
      %get3A_2676 = tpu.memref_squeeze %get3A_2675 : memref<1x128x128xf32, #tpu.memory_space<vmem>> -> memref<128x128xf32, #tpu.memory_space<vmem>>
      %get3A_2677 = arith.index_cast %add3A_2672 : i32 to index
      %get3A_2678 = arith.constant 0 : index
      %get3A_2679 = tpu.vector_load %get3A_2676[%get3A_2677, %get3A_2678] {strides = array<i32>} : memref<128x128xf32, #tpu.memory_space<vmem>>, vector<16xf32>,
      %mul3A_2680 = arith.constant 2 : i32
      %mul3A_2681 = arith.muli %mul3A_2680, %scan3A_2652 : i32
      %add3A_2682 = arith.constant 0 : i32
      %add3A_2683 = arith.addi %mul3A_2681, %add3A_2682 : i32
      %get3A_2684 = arith.constant 0 : i32
      %get3A_2685 = arith.constant 0 : i32
      %get3A_2686 = tpu.memref_slice %arg11[%scan3A_1872, %get3A_2684, %get3A_2685] : memref<3x128x128xf32, #tpu.memory_space<vmem>> -> memref<1x128x128xf32, #tpu.memory_space<vmem>>
      %get3A_2687 = tpu.memref_squeeze %get3A_2686 : memref<1x128x128xf32, #tpu.memory_space<vmem>> -> memref<128x128xf32, #tpu.memory_space<vmem>>
      %get3A_2688 = arith.index_cast %add3A_2683 : i32 to index
      %get3A_2689 = arith.constant 0 : index
      %get3A_2690 = tpu.vector_load %get3A_2687[%get3A_2688, %get3A_2689] {strides = array<i32>} : memref<128x128xf32, #tpu.memory_space<vmem>>, vector<16xf32>,
      %mul3A_2691 = arith.mulf %get3A_2679, %get3A_2690 : vector<16xf32>
      %add3A_2692 = arith.addf %scan3A_2653, %mul3A_2691 : vector<16xf32>
      %mul3A_2693 = arith.constant 2 : i32
      %mul3A_2694 = arith.muli %mul3A_2693, %scan3A_2652 : i32
      %add3A_2695 = arith.constant 0 : i32
      %add3A_2696 = arith.addi %mul3A_2694, %add3A_2695 : i32
      %get3A_2697 = arith.constant 0 : i32
      %get3A_2698 = arith.constant 0 : i32
      %get3A_2699 = tpu.memref_slice %arg10[%scan3A_1871, %get3A_2697, %get3A_2698] : memref<3x128x128xf32, #tpu.memory_space<vmem>> -> memref<1x128x128xf32, #tpu.memory_space<vmem>>
      %get3A_2700 = tpu.memref_squeeze %get3A_2699 : memref<1x128x128xf32, #tpu.memory_space<vmem>> -> memref<128x128xf32, #tpu.memory_space<vmem>>
      %get3A_2701 = arith.index_cast %add3A_2696 : i32 to index
      %get3A_2702 = arith.constant 16 : index
      %get3A_2703 = tpu.vector_load %get3A_2700[%get3A_2701, %get3A_2702] {strides = array<i32>} : memref<128x128xf32, #tpu.memory_space<vmem>>, vector<16xf32>,
      %mul3A_2704 = arith.constant 2 : i32
      %mul3A_2705 = arith.muli %mul3A_2704, %scan3A_2652 : i32
      %add3A_2706 = arith.constant 0 : i32
      %add3A_2707 = arith.addi %mul3A_2705, %add3A_2706 : i32
      %get3A_2708 = arith.constant 0 : i32
      %get3A_2709 = arith.constant 0 : i32
      %get3A_2710 = tpu.memref_slice %arg11[%scan3A_1872, %get3A_2708, %get3A_2709] : memref<3x128x128xf32, #tpu.memory_space<vmem>> -> memref<1x128x128xf32, #tpu.memory_space<vmem>>
      %get3A_2711 = tpu.memref_squeeze %get3A_2710 : memref<1x128x128xf32, #tpu.memory_space<vmem>> -> memref<128x128xf32, #tpu.memory_space<vmem>>
      %get3A_2712 = arith.index_cast %add3A_2707 : i32 to index
      %get3A_2713 = arith.constant 16 : index
      %get3A_2714 = tpu.vector_load %get3A_2711[%get3A_2712, %get3A_2713] {strides = array<i32>} : memref<128x128xf32, #tpu.memory_space<vmem>>, vector<16xf32>,
      %mul3A_2715 = arith.mulf %get3A_2703, %get3A_2714 : vector<16xf32>
      %add3A_2716 = arith.addf %scan3A_2654, %mul3A_2715 : vector<16xf32>
      %mul3A_2717 = arith.constant 2 : i32
      %mul3A_2718 = arith.muli %mul3A_2717, %scan3A_2652 : i32
      %add3A_2719 = arith.constant 0 : i32
      %add3A_2720 = arith.addi %mul3A_2718, %add3A_2719 : i32
      %get3A_2721 = arith.constant 0 : i32
      %get3A_2722 = arith.constant 0 : i32
      %get3A_2723 = tpu.memref_slice %arg10[%scan3A_1871, %get3A_2721, %get3A_2722] : memref<3x128x128xf32, #tpu.memory_space<vmem>> -> memref<1x128x128xf32, #tpu.memory_space<vmem>>
      %get3A_2724 = tpu.memref_squeeze %get3A_2723 : memref<1x128x128xf32, #tpu.memory_space<vmem>> -> memref<128x128xf32, #tpu.memory_space<vmem>>
      %get3A_2725 = arith.index_cast %add3A_2720 : i32 to index
      %get3A_2726 = arith.constant 32 : index
      %get3A_2727 = tpu.vector_load %get3A_2724[%get3A_2725, %get3A_2726] {strides = array<i32>} : memref<128x128xf32, #tpu.memory_space<vmem>>, vector<16xf32>,
      %mul3A_2728 = arith.constant 2 : i32
      %mul3A_2729 = arith.muli %mul3A_2728, %scan3A_2652 : i32
      %add3A_2730 = arith.constant 0 : i32
      %add3A_2731 = arith.addi %mul3A_2729, %add3A_2730 : i32
      %get3A_2732 = arith.constant 0 : i32
      %get3A_2733 = arith.constant 0 : i32
      %get3A_2734 = tpu.memref_slice %arg11[%scan3A_1872, %get3A_2732, %get3A_2733] : memref<3x128x128xf32, #tpu.memory_space<vmem>> -> memref<1x128x128xf32, #tpu.memory_space<vmem>>
      %get3A_2735 = tpu.memref_squeeze %get3A_2734 : memref<1x128x128xf32, #tpu.memory_space<vmem>> -> memref<128x128xf32, #tpu.memory_space<vmem>>
      %get3A_2736 = arith.index_cast %add3A_2731 : i32 to index
      %get3A_2737 = arith.constant 32 : index
      %get3A_2738 = tpu.vector_load %get3A_2735[%get3A_2736, %get3A_2737] {strides = array<i32>} : memref<128x128xf32, #tpu.memory_space<vmem>>, vector<16xf32>,
      %mul3A_2739 = arith.mulf %get3A_2727, %get3A_2738 : vector<16xf32>
      %add3A_2740 = arith.addf %scan3A_2655, %mul3A_2739 : vector<16xf32>
      %mul3A_2741 = arith.constant 2 : i32
      %mul3A_2742 = arith.muli %mul3A_2741, %scan3A_2652 : i32
      %add3A_2743 = arith.constant 0 : i32
      %add3A_2744 = arith.addi %mul3A_2742, %add3A_2743 : i32
      %get3A_2745 = arith.constant 0 : i32
      %get3A_2746 = arith.constant 0 : i32
      %get3A_2747 = tpu.memref_slice %arg10[%scan3A_1871, %get3A_2745, %get3A_2746] : memref<3x128x128xf32, #tpu.memory_space<vmem>> -> memref<1x128x128xf32, #tpu.memory_space<vmem>>
      %get3A_2748 = tpu.memref_squeeze %get3A_2747 : memref<1x128x128xf32, #tpu.memory_space<vmem>> -> memref<128x128xf32, #tpu.memory_space<vmem>>
      %get3A_2749 = arith.index_cast %add3A_2744 : i32 to index
      %get3A_2750 = arith.constant 48 : index
      %get3A_2751 = tpu.vector_load %get3A_2748[%get3A_2749, %get3A_2750] {strides = array<i32>} : memref<128x128xf32, #tpu.memory_space<vmem>>, vector<16xf32>,
      %mul3A_2752 = arith.constant 2 : i32
      %mul3A_2753 = arith.muli %mul3A_2752, %scan3A_2652 : i32
      %add3A_2754 = arith.constant 0 : i32
      %add3A_2755 = arith.addi %mul3A_2753, %add3A_2754 : i32
      %get3A_2756 = arith.constant 0 : i32
      %get3A_2757 = arith.constant 0 : i32
      %get3A_2758 = tpu.memref_slice %arg11[%scan3A_1872, %get3A_2756, %get3A_2757] : memref<3x128x128xf32, #tpu.memory_space<vmem>> -> memref<1x128x128xf32, #tpu.memory_space<vmem>>
      %get3A_2759 = tpu.memref_squeeze %get3A_2758 : memref<1x128x128xf32, #tpu.memory_space<vmem>> -> memref<128x128xf32, #tpu.memory_space<vmem>>
      %get3A_2760 = arith.index_cast %add3A_2755 : i32 to index
      %get3A_2761 = arith.constant 48 : index
      %get3A_2762 = tpu.vector_load %get3A_2759[%get3A_2760, %get3A_2761] {strides = array<i32>} : memref<128x128xf32, #tpu.memory_space<vmem>>, vector<16xf32>,
      %mul3A_2763 = arith.mulf %get3A_2751, %get3A_2762 : vector<16xf32>
      %add3A_2764 = arith.addf %scan3A_2656, %mul3A_2763 : vector<16xf32>
      %mul3A_2765 = arith.constant 2 : i32
      %mul3A_2766 = arith.muli %mul3A_2765, %scan3A_2652 : i32
      %add3A_2767 = arith.constant 0 : i32
      %add3A_2768 = arith.addi %mul3A_2766, %add3A_2767 : i32
      %get3A_2769 = arith.constant 0 : i32
      %get3A_2770 = arith.constant 0 : i32
      %get3A_2771 = tpu.memref_slice %arg10[%scan3A_1871, %get3A_2769, %get3A_2770] : memref<3x128x128xf32, #tpu.memory_space<vmem>> -> memref<1x128x128xf32, #tpu.memory_space<vmem>>
      %get3A_2772 = tpu.memref_squeeze %get3A_2771 : memref<1x128x128xf32, #tpu.memory_space<vmem>> -> memref<128x128xf32, #tpu.memory_space<vmem>>
      %get3A_2773 = arith.index_cast %add3A_2768 : i32 to index
      %get3A_2774 = arith.constant 64 : index
      %get3A_2775 = tpu.vector_load %get3A_2772[%get3A_2773, %get3A_2774] {strides = array<i32>} : memref<128x128xf32, #tpu.memory_space<vmem>>, vector<16xf32>,
      %mul3A_2776 = arith.constant 2 : i32
      %mul3A_2777 = arith.muli %mul3A_2776, %scan3A_2652 : i32
      %add3A_2778 = arith.constant 0 : i32
      %add3A_2779 = arith.addi %mul3A_2777, %add3A_2778 : i32
      %get3A_2780 = arith.constant 0 : i32
      %get3A_2781 = arith.constant 0 : i32
      %get3A_2782 = tpu.memref_slice %arg11[%scan3A_1872, %get3A_2780, %get3A_2781] : memref<3x128x128xf32, #tpu.memory_space<vmem>> -> memref<1x128x128xf32, #tpu.memory_space<vmem>>
      %get3A_2783 = tpu.memref_squeeze %get3A_2782 : memref<1x128x128xf32, #tpu.memory_space<vmem>> -> memref<128x128xf32, #tpu.memory_space<vmem>>
      %get3A_2784 = arith.index_cast %add3A_2779 : i32 to index
      %get3A_2785 = arith.constant 64 : index
      %get3A_2786 = tpu.vector_load %get3A_2783[%get3A_2784, %get3A_2785] {strides = array<i32>} : memref<128x128xf32, #tpu.memory_space<vmem>>, vector<16xf32>,
      %mul3A_2787 = arith.mulf %get3A_2775, %get3A_2786 : vector<16xf32>
      %add3A_2788 = arith.addf %scan3A_2657, %mul3A_2787 : vector<16xf32>
      %mul3A_2789 = arith.constant 2 : i32
      %mul3A_2790 = arith.muli %mul3A_2789, %scan3A_2652 : i32
      %add3A_2791 = arith.constant 0 : i32
      %add3A_2792 = arith.addi %mul3A_2790, %add3A_2791 : i32
      %get3A_2793 = arith.constant 0 : i32
      %get3A_2794 = arith.constant 0 : i32
      %get3A_2795 = tpu.memref_slice %arg10[%scan3A_1871, %get3A_2793, %get3A_2794] : memref<3x128x128xf32, #tpu.memory_space<vmem>> -> memref<1x128x128xf32, #tpu.memory_space<vmem>>
      %get3A_2796 = tpu.memref_squeeze %get3A_2795 : memref<1x128x128xf32, #tpu.memory_space<vmem>> -> memref<128x128xf32, #tpu.memory_space<vmem>>
      %get3A_2797 = arith.index_cast %add3A_2792 : i32 to index
      %get3A_2798 = arith.constant 80 : index
      %get3A_2799 = tpu.vector_load %get3A_2796[%get3A_2797, %get3A_2798] {strides = array<i32>} : memref<128x128xf32, #tpu.memory_space<vmem>>, vector<16xf32>,
      %mul3A_2800 = arith.constant 2 : i32
      %mul3A_2801 = arith.muli %mul3A_2800, %scan3A_2652 : i32
      %add3A_2802 = arith.constant 0 : i32
      %add3A_2803 = arith.addi %mul3A_2801, %add3A_2802 : i32
      %get3A_2804 = arith.constant 0 : i32
      %get3A_2805 = arith.constant 0 : i32
      %get3A_2806 = tpu.memref_slice %arg11[%scan3A_1872, %get3A_2804, %get3A_2805] : memref<3x128x128xf32, #tpu.memory_space<vmem>> -> memref<1x128x128xf32, #tpu.memory_space<vmem>>
      %get3A_2807 = tpu.memref_squeeze %get3A_2806 : memref<1x128x128xf32, #tpu.memory_space<vmem>> -> memref<128x128xf32, #tpu.memory_space<vmem>>
      %get3A_2808 = arith.index_cast %add3A_2803 : i32 to index
      %get3A_2809 = arith.constant 80 : index
      %get3A_2810 = tpu.vector_load %get3A_2807[%get3A_2808, %get3A_2809] {strides = array<i32>} : memref<128x128xf32, #tpu.memory_space<vmem>>, vector<16xf32>,
      %mul3A_2811 = arith.mulf %get3A_2799, %get3A_2810 : vector<16xf32>
      %add3A_2812 = arith.addf %scan3A_2658, %mul3A_2811 : vector<16xf32>
      %mul3A_2813 = arith.constant 2 : i32
      %mul3A_2814 = arith.muli %mul3A_2813, %scan3A_2652 : i32
      %add3A_2815 = arith.constant 0 : i32
      %add3A_2816 = arith.addi %mul3A_2814, %add3A_2815 : i32
      %get3A_2817 = arith.constant 0 : i32
      %get3A_2818 = arith.constant 0 : i32
      %get3A_2819 = tpu.memref_slice %arg10[%scan3A_1871, %get3A_2817, %get3A_2818] : memref<3x128x128xf32, #tpu.memory_space<vmem>> -> memref<1x128x128xf32, #tpu.memory_space<vmem>>
      %get3A_2820 = tpu.memref_squeeze %get3A_2819 : memref<1x128x128xf32, #tpu.memory_space<vmem>> -> memref<128x128xf32, #tpu.memory_space<vmem>>
      %get3A_2821 = arith.index_cast %add3A_2816 : i32 to index
      %get3A_2822 = arith.constant 96 : index
      %get3A_2823 = tpu.vector_load %get3A_2820[%get3A_2821, %get3A_2822] {strides = array<i32>} : memref<128x128xf32, #tpu.memory_space<vmem>>, vector<16xf32>,
      %mul3A_2824 = arith.constant 2 : i32
      %mul3A_2825 = arith.muli %mul3A_2824, %scan3A_2652 : i32
      %add3A_2826 = arith.constant 0 : i32
      %add3A_2827 = arith.addi %mul3A_2825, %add3A_2826 : i32
      %get3A_2828 = arith.constant 0 : i32
      %get3A_2829 = arith.constant 0 : i32
      %get3A_2830 = tpu.memref_slice %arg11[%scan3A_1872, %get3A_2828, %get3A_2829] : memref<3x128x128xf32, #tpu.memory_space<vmem>> -> memref<1x128x128xf32, #tpu.memory_space<vmem>>
      %get3A_2831 = tpu.memref_squeeze %get3A_2830 : memref<1x128x128xf32, #tpu.memory_space<vmem>> -> memref<128x128xf32, #tpu.memory_space<vmem>>
      %get3A_2832 = arith.index_cast %add3A_2827 : i32 to index
      %get3A_2833 = arith.constant 96 : index
      %get3A_2834 = tpu.vector_load %get3A_2831[%get3A_2832, %get3A_2833] {strides = array<i32>} : memref<128x128xf32, #tpu.memory_space<vmem>>, vector<16xf32>,
      %mul3A_2835 = arith.mulf %get3A_2823, %get3A_2834 : vector<16xf32>
      %add3A_2836 = arith.addf %scan3A_2659, %mul3A_2835 : vector<16xf32>
      %mul3A_2837 = arith.constant 2 : i32
      %mul3A_2838 = arith.muli %mul3A_2837, %scan3A_2652 : i32
      %add3A_2839 = arith.constant 0 : i32
      %add3A_2840 = arith.addi %mul3A_2838, %add3A_2839 : i32
      %get3A_2841 = arith.constant 0 : i32
      %get3A_2842 = arith.constant 0 : i32
      %get3A_2843 = tpu.memref_slice %arg10[%scan3A_1871, %get3A_2841, %get3A_2842] : memref<3x128x128xf32, #tpu.memory_space<vmem>> -> memref<1x128x128xf32, #tpu.memory_space<vmem>>
      %get3A_2844 = tpu.memref_squeeze %get3A_2843 : memref<1x128x128xf32, #tpu.memory_space<vmem>> -> memref<128x128xf32, #tpu.memory_space<vmem>>
      %get3A_2845 = arith.index_cast %add3A_2840 : i32 to index
      %get3A_2846 = arith.constant 112 : index
      %get3A_2847 = tpu.vector_load %get3A_2844[%get3A_2845, %get3A_2846] {strides = array<i32>} : memref<128x128xf32, #tpu.memory_space<vmem>>, vector<16xf32>,
      %mul3A_2848 = arith.constant 2 : i32
      %mul3A_2849 = arith.muli %mul3A_2848, %scan3A_2652 : i32
      %add3A_2850 = arith.constant 0 : i32
      %add3A_2851 = arith.addi %mul3A_2849, %add3A_2850 : i32
      %get3A_2852 = arith.constant 0 : i32
      %get3A_2853 = arith.constant 0 : i32
      %get3A_2854 = tpu.memref_slice %arg11[%scan3A_1872, %get3A_2852, %get3A_2853] : memref<3x128x128xf32, #tpu.memory_space<vmem>> -> memref<1x128x128xf32, #tpu.memory_space<vmem>>
      %get3A_2855 = tpu.memref_squeeze %get3A_2854 : memref<1x128x128xf32, #tpu.memory_space<vmem>> -> memref<128x128xf32, #tpu.memory_space<vmem>>
      %get3A_2856 = arith.index_cast %add3A_2851 : i32 to index
      %get3A_2857 = arith.constant 112 : index
      %get3A_2858 = tpu.vector_load %get3A_2855[%get3A_2856, %get3A_2857] {strides = array<i32>} : memref<128x128xf32, #tpu.memory_space<vmem>>, vector<16xf32>,
      %mul3A_2859 = arith.mulf %get3A_2847, %get3A_2858 : vector<16xf32>
      %add3A_2860 = arith.addf %scan3A_2660, %mul3A_2859 : vector<16xf32>
      %mul3A_2861 = arith.constant 2 : i32
      %mul3A_2862 = arith.muli %mul3A_2861, %scan3A_2652 : i32
      %add3A_2863 = arith.constant 1 : i32
      %add3A_2864 = arith.addi %mul3A_2862, %add3A_2863 : i32
      %get3A_2865 = arith.constant 0 : i32
      %get3A_2866 = arith.constant 0 : i32
      %get3A_2867 = tpu.memref_slice %arg10[%scan3A_1871, %get3A_2865, %get3A_2866] : memref<3x128x128xf32, #tpu.memory_space<vmem>> -> memref<1x128x128xf32, #tpu.memory_space<vmem>>
      %get3A_2868 = tpu.memref_squeeze %get3A_2867 : memref<1x128x128xf32, #tpu.memory_space<vmem>> -> memref<128x128xf32, #tpu.memory_space<vmem>>
      %get3A_2869 = arith.index_cast %add3A_2864 : i32 to index
      %get3A_2870 = arith.constant 0 : index
      %get3A_2871 = tpu.vector_load %get3A_2868[%get3A_2869, %get3A_2870] {strides = array<i32>} : memref<128x128xf32, #tpu.memory_space<vmem>>, vector<16xf32>,
      %mul3A_2872 = arith.constant 2 : i32
      %mul3A_2873 = arith.muli %mul3A_2872, %scan3A_2652 : i32
      %add3A_2874 = arith.constant 1 : i32
      %add3A_2875 = arith.addi %mul3A_2873, %add3A_2874 : i32
      %get3A_2876 = arith.constant 0 : i32
      %get3A_2877 = arith.constant 0 : i32
      %get3A_2878 = tpu.memref_slice %arg11[%scan3A_1872, %get3A_2876, %get3A_2877] : memref<3x128x128xf32, #tpu.memory_space<vmem>> -> memref<1x128x128xf32, #tpu.memory_space<vmem>>
      %get3A_2879 = tpu.memref_squeeze %get3A_2878 : memref<1x128x128xf32, #tpu.memory_space<vmem>> -> memref<128x128xf32, #tpu.memory_space<vmem>>
      %get3A_2880 = arith.index_cast %add3A_2875 : i32 to index
      %get3A_2881 = arith.constant 0 : index
      %get3A_2882 = tpu.vector_load %get3A_2879[%get3A_2880, %get3A_2881] {strides = array<i32>} : memref<128x128xf32, #tpu.memory_space<vmem>>, vector<16xf32>,
      %mul3A_2883 = arith.mulf %get3A_2871, %get3A_2882 : vector<16xf32>
      %add3A_2884 = arith.addf %scan3A_2661, %mul3A_2883 : vector<16xf32>
      %mul3A_2885 = arith.constant 2 : i32
      %mul3A_2886 = arith.muli %mul3A_2885, %scan3A_2652 : i32
      %add3A_2887 = arith.constant 1 : i32
      %add3A_2888 = arith.addi %mul3A_2886, %add3A_2887 : i32
      %get3A_2889 = arith.constant 0 : i32
      %get3A_2890 = arith.constant 0 : i32
      %get3A_2891 = tpu.memref_slice %arg10[%scan3A_1871, %get3A_2889, %get3A_2890] : memref<3x128x128xf32, #tpu.memory_space<vmem>> -> memref<1x128x128xf32, #tpu.memory_space<vmem>>
      %get3A_2892 = tpu.memref_squeeze %get3A_2891 : memref<1x128x128xf32, #tpu.memory_space<vmem>> -> memref<128x128xf32, #tpu.memory_space<vmem>>
      %get3A_2893 = arith.index_cast %add3A_2888 : i32 to index
      %get3A_2894 = arith.constant 16 : index
      %get3A_2895 = tpu.vector_load %get3A_2892[%get3A_2893, %get3A_2894] {strides = array<i32>} : memref<128x128xf32, #tpu.memory_space<vmem>>, vector<16xf32>,
      %mul3A_2896 = arith.constant 2 : i32
      %mul3A_2897 = arith.muli %mul3A_2896, %scan3A_2652 : i32
      %add3A_2898 = arith.constant 1 : i32
      %add3A_2899 = arith.addi %mul3A_2897, %add3A_2898 : i32
      %get3A_2900 = arith.constant 0 : i32
      %get3A_2901 = arith.constant 0 : i32
      %get3A_2902 = tpu.memref_slice %arg11[%scan3A_1872, %get3A_2900, %get3A_2901] : memref<3x128x128xf32, #tpu.memory_space<vmem>> -> memref<1x128x128xf32, #tpu.memory_space<vmem>>
      %get3A_2903 = tpu.memref_squeeze %get3A_2902 : memref<1x128x128xf32, #tpu.memory_space<vmem>> -> memref<128x128xf32, #tpu.memory_space<vmem>>
      %get3A_2904 = arith.index_cast %add3A_2899 : i32 to index
      %get3A_2905 = arith.constant 16 : index
      %get3A_2906 = tpu.vector_load %get3A_2903[%get3A_2904, %get3A_2905] {strides = array<i32>} : memref<128x128xf32, #tpu.memory_space<vmem>>, vector<16xf32>,
      %mul3A_2907 = arith.mulf %get3A_2895, %get3A_2906 : vector<16xf32>
      %add3A_2908 = arith.addf %scan3A_2662, %mul3A_2907 : vector<16xf32>
      %mul3A_2909 = arith.constant 2 : i32
      %mul3A_2910 = arith.muli %mul3A_2909, %scan3A_2652 : i32
      %add3A_2911 = arith.constant 1 : i32
      %add3A_2912 = arith.addi %mul3A_2910, %add3A_2911 : i32
      %get3A_2913 = arith.constant 0 : i32
      %get3A_2914 = arith.constant 0 : i32
      %get3A_2915 = tpu.memref_slice %arg10[%scan3A_1871, %get3A_2913, %get3A_2914] : memref<3x128x128xf32, #tpu.memory_space<vmem>> -> memref<1x128x128xf32, #tpu.memory_space<vmem>>
      %get3A_2916 = tpu.memref_squeeze %get3A_2915 : memref<1x128x128xf32, #tpu.memory_space<vmem>> -> memref<128x128xf32, #tpu.memory_space<vmem>>
      %get3A_2917 = arith.index_cast %add3A_2912 : i32 to index
      %get3A_2918 = arith.constant 32 : index
      %get3A_2919 = tpu.vector_load %get3A_2916[%get3A_2917, %get3A_2918] {strides = array<i32>} : memref<128x128xf32, #tpu.memory_space<vmem>>, vector<16xf32>,
      %mul3A_2920 = arith.constant 2 : i32
      %mul3A_2921 = arith.muli %mul3A_2920, %scan3A_2652 : i32
      %add3A_2922 = arith.constant 1 : i32
      %add3A_2923 = arith.addi %mul3A_2921, %add3A_2922 : i32
      %get3A_2924 = arith.constant 0 : i32
      %get3A_2925 = arith.constant 0 : i32
      %get3A_2926 = tpu.memref_slice %arg11[%scan3A_1872, %get3A_2924, %get3A_2925] : memref<3x128x128xf32, #tpu.memory_space<vmem>> -> memref<1x128x128xf32, #tpu.memory_space<vmem>>
      %get3A_2927 = tpu.memref_squeeze %get3A_2926 : memref<1x128x128xf32, #tpu.memory_space<vmem>> -> memref<128x128xf32, #tpu.memory_space<vmem>>
      %get3A_2928 = arith.index_cast %add3A_2923 : i32 to index
      %get3A_2929 = arith.constant 32 : index
      %get3A_2930 = tpu.vector_load %get3A_2927[%get3A_2928, %get3A_2929] {strides = array<i32>} : memref<128x128xf32, #tpu.memory_space<vmem>>, vector<16xf32>,
      %mul3A_2931 = arith.mulf %get3A_2919, %get3A_2930 : vector<16xf32>
      %add3A_2932 = arith.addf %scan3A_2663, %mul3A_2931 : vector<16xf32>
      %mul3A_2933 = arith.constant 2 : i32
      %mul3A_2934 = arith.muli %mul3A_2933, %scan3A_2652 : i32
      %add3A_2935 = arith.constant 1 : i32
      %add3A_2936 = arith.addi %mul3A_2934, %add3A_2935 : i32
      %get3A_2937 = arith.constant 0 : i32
      %get3A_2938 = arith.constant 0 : i32
      %get3A_2939 = tpu.memref_slice %arg10[%scan3A_1871, %get3A_2937, %get3A_2938] : memref<3x128x128xf32, #tpu.memory_space<vmem>> -> memref<1x128x128xf32, #tpu.memory_space<vmem>>
      %get3A_2940 = tpu.memref_squeeze %get3A_2939 : memref<1x128x128xf32, #tpu.memory_space<vmem>> -> memref<128x128xf32, #tpu.memory_space<vmem>>
      %get3A_2941 = arith.index_cast %add3A_2936 : i32 to index
      %get3A_2942 = arith.constant 48 : index
      %get3A_2943 = tpu.vector_load %get3A_2940[%get3A_2941, %get3A_2942] {strides = array<i32>} : memref<128x128xf32, #tpu.memory_space<vmem>>, vector<16xf32>,
      %mul3A_2944 = arith.constant 2 : i32
      %mul3A_2945 = arith.muli %mul3A_2944, %scan3A_2652 : i32
      %add3A_2946 = arith.constant 1 : i32
      %add3A_2947 = arith.addi %mul3A_2945, %add3A_2946 : i32
      %get3A_2948 = arith.constant 0 : i32
      %get3A_2949 = arith.constant 0 : i32
      %get3A_2950 = tpu.memref_slice %arg11[%scan3A_1872, %get3A_2948, %get3A_2949] : memref<3x128x128xf32, #tpu.memory_space<vmem>> -> memref<1x128x128xf32, #tpu.memory_space<vmem>>
      %get3A_2951 = tpu.memref_squeeze %get3A_2950 : memref<1x128x128xf32, #tpu.memory_space<vmem>> -> memref<128x128xf32, #tpu.memory_space<vmem>>
      %get3A_2952 = arith.index_cast %add3A_2947 : i32 to index
      %get3A_2953 = arith.constant 48 : index
      %get3A_2954 = tpu.vector_load %get3A_2951[%get3A_2952, %get3A_2953] {strides = array<i32>} : memref<128x128xf32, #tpu.memory_space<vmem>>, vector<16xf32>,
      %mul3A_2955 = arith.mulf %get3A_2943, %get3A_2954 : vector<16xf32>
      %add3A_2956 = arith.addf %scan3A_2664, %mul3A_2955 : vector<16xf32>
      %mul3A_2957 = arith.constant 2 : i32
      %mul3A_2958 = arith.muli %mul3A_2957, %scan3A_2652 : i32
      %add3A_2959 = arith.constant 1 : i32
      %add3A_2960 = arith.addi %mul3A_2958, %add3A_2959 : i32
      %get3A_2961 = arith.constant 0 : i32
      %get3A_2962 = arith.constant 0 : i32
      %get3A_2963 = tpu.memref_slice %arg10[%scan3A_1871, %get3A_2961, %get3A_2962] : memref<3x128x128xf32, #tpu.memory_space<vmem>> -> memref<1x128x128xf32, #tpu.memory_space<vmem>>
      %get3A_2964 = tpu.memref_squeeze %get3A_2963 : memref<1x128x128xf32, #tpu.memory_space<vmem>> -> memref<128x128xf32, #tpu.memory_space<vmem>>
      %get3A_2965 = arith.index_cast %add3A_2960 : i32 to index
      %get3A_2966 = arith.constant 64 : index
      %get3A_2967 = tpu.vector_load %get3A_2964[%get3A_2965, %get3A_2966] {strides = array<i32>} : memref<128x128xf32, #tpu.memory_space<vmem>>, vector<16xf32>,
      %mul3A_2968 = arith.constant 2 : i32
      %mul3A_2969 = arith.muli %mul3A_2968, %scan3A_2652 : i32
      %add3A_2970 = arith.constant 1 : i32
      %add3A_2971 = arith.addi %mul3A_2969, %add3A_2970 : i32
      %get3A_2972 = arith.constant 0 : i32
      %get3A_2973 = arith.constant 0 : i32
      %get3A_2974 = tpu.memref_slice %arg11[%scan3A_1872, %get3A_2972, %get3A_2973] : memref<3x128x128xf32, #tpu.memory_space<vmem>> -> memref<1x128x128xf32, #tpu.memory_space<vmem>>
      %get3A_2975 = tpu.memref_squeeze %get3A_2974 : memref<1x128x128xf32, #tpu.memory_space<vmem>> -> memref<128x128xf32, #tpu.memory_space<vmem>>
      %get3A_2976 = arith.index_cast %add3A_2971 : i32 to index
      %get3A_2977 = arith.constant 64 : index
      %get3A_2978 = tpu.vector_load %get3A_2975[%get3A_2976, %get3A_2977] {strides = array<i32>} : memref<128x128xf32, #tpu.memory_space<vmem>>, vector<16xf32>,
      %mul3A_2979 = arith.mulf %get3A_2967, %get3A_2978 : vector<16xf32>
      %add3A_2980 = arith.addf %scan3A_2665, %mul3A_2979 : vector<16xf32>
      %mul3A_2981 = arith.constant 2 : i32
      %mul3A_2982 = arith.muli %mul3A_2981, %scan3A_2652 : i32
      %add3A_2983 = arith.constant 1 : i32
      %add3A_2984 = arith.addi %mul3A_2982, %add3A_2983 : i32
      %get3A_2985 = arith.constant 0 : i32
      %get3A_2986 = arith.constant 0 : i32
      %get3A_2987 = tpu.memref_slice %arg10[%scan3A_1871, %get3A_2985, %get3A_2986] : memref<3x128x128xf32, #tpu.memory_space<vmem>> -> memref<1x128x128xf32, #tpu.memory_space<vmem>>
      %get3A_2988 = tpu.memref_squeeze %get3A_2987 : memref<1x128x128xf32, #tpu.memory_space<vmem>> -> memref<128x128xf32, #tpu.memory_space<vmem>>
      %get3A_2989 = arith.index_cast %add3A_2984 : i32 to index
      %get3A_2990 = arith.constant 80 : index
      %get3A_2991 = tpu.vector_load %get3A_2988[%get3A_2989, %get3A_2990] {strides = array<i32>} : memref<128x128xf32, #tpu.memory_space<vmem>>, vector<16xf32>,
      %mul3A_2992 = arith.constant 2 : i32
      %mul3A_2993 = arith.muli %mul3A_2992, %scan3A_2652 : i32
      %add3A_2994 = arith.constant 1 : i32
      %add3A_2995 = arith.addi %mul3A_2993, %add3A_2994 : i32
      %get3A_2996 = arith.constant 0 : i32
      %get3A_2997 = arith.constant 0 : i32
      %get3A_2998 = tpu.memref_slice %arg11[%scan3A_1872, %get3A_2996, %get3A_2997] : memref<3x128x128xf32, #tpu.memory_space<vmem>> -> memref<1x128x128xf32, #tpu.memory_space<vmem>>
      %get3A_2999 = tpu.memref_squeeze %get3A_2998 : memref<1x128x128xf32, #tpu.memory_space<vmem>> -> memref<128x128xf32, #tpu.memory_space<vmem>>
      %get3A_3000 = arith.index_cast %add3A_2995 : i32 to index
      %get3A_3001 = arith.constant 80 : index
      %get3A_3002 = tpu.vector_load %get3A_2999[%get3A_3000, %get3A_3001] {strides = array<i32>} : memref<128x128xf32, #tpu.memory_space<vmem>>, vector<16xf32>,
      %mul3A_3003 = arith.mulf %get3A_2991, %get3A_3002 : vector<16xf32>
      %add3A_3004 = arith.addf %scan3A_2666, %mul3A_3003 : vector<16xf32>
      %mul3A_3005 = arith.constant 2 : i32
      %mul3A_3006 = arith.muli %mul3A_3005, %scan3A_2652 : i32
      %add3A_3007 = arith.constant 1 : i32
      %add3A_3008 = arith.addi %mul3A_3006, %add3A_3007 : i32
      %get3A_3009 = arith.constant 0 : i32
      %get3A_3010 = arith.constant 0 : i32
      %get3A_3011 = tpu.memref_slice %arg10[%scan3A_1871, %get3A_3009, %get3A_3010] : memref<3x128x128xf32, #tpu.memory_space<vmem>> -> memref<1x128x128xf32, #tpu.memory_space<vmem>>
      %get3A_3012 = tpu.memref_squeeze %get3A_3011 : memref<1x128x128xf32, #tpu.memory_space<vmem>> -> memref<128x128xf32, #tpu.memory_space<vmem>>
      %get3A_3013 = arith.index_cast %add3A_3008 : i32 to index
      %get3A_3014 = arith.constant 96 : index
      %get3A_3015 = tpu.vector_load %get3A_3012[%get3A_3013, %get3A_3014] {strides = array<i32>} : memref<128x128xf32, #tpu.memory_space<vmem>>, vector<16xf32>,
      %mul3A_3016 = arith.constant 2 : i32
      %mul3A_3017 = arith.muli %mul3A_3016, %scan3A_2652 : i32
      %add3A_3018 = arith.constant 1 : i32
      %add3A_3019 = arith.addi %mul3A_3017, %add3A_3018 : i32
      %get3A_3020 = arith.constant 0 : i32
      %get3A_3021 = arith.constant 0 : i32
      %get3A_3022 = tpu.memref_slice %arg11[%scan3A_1872, %get3A_3020, %get3A_3021] : memref<3x128x128xf32, #tpu.memory_space<vmem>> -> memref<1x128x128xf32, #tpu.memory_space<vmem>>
      %get3A_3023 = tpu.memref_squeeze %get3A_3022 : memref<1x128x128xf32, #tpu.memory_space<vmem>> -> memref<128x128xf32, #tpu.memory_space<vmem>>
      %get3A_3024 = arith.index_cast %add3A_3019 : i32 to index
      %get3A_3025 = arith.constant 96 : index
      %get3A_3026 = tpu.vector_load %get3A_3023[%get3A_3024, %get3A_3025] {strides = array<i32>} : memref<128x128xf32, #tpu.memory_space<vmem>>, vector<16xf32>,
      %mul3A_3027 = arith.mulf %get3A_3015, %get3A_3026 : vector<16xf32>
      %add3A_3028 = arith.addf %scan3A_2667, %mul3A_3027 : vector<16xf32>
      %mul3A_3029 = arith.constant 2 : i32
      %mul3A_3030 = arith.muli %mul3A_3029, %scan3A_2652 : i32
      %add3A_3031 = arith.constant 1 : i32
      %add3A_3032 = arith.addi %mul3A_3030, %add3A_3031 : i32
      %get3A_3033 = arith.constant 0 : i32
      %get3A_3034 = arith.constant 0 : i32
      %get3A_3035 = tpu.memref_slice %arg10[%scan3A_1871, %get3A_3033, %get3A_3034] : memref<3x128x128xf32, #tpu.memory_space<vmem>> -> memref<1x128x128xf32, #tpu.memory_space<vmem>>
      %get3A_3036 = tpu.memref_squeeze %get3A_3035 : memref<1x128x128xf32, #tpu.memory_space<vmem>> -> memref<128x128xf32, #tpu.memory_space<vmem>>
      %get3A_3037 = arith.index_cast %add3A_3032 : i32 to index
      %get3A_3038 = arith.constant 112 : index
      %get3A_3039 = tpu.vector_load %get3A_3036[%get3A_3037, %get3A_3038] {strides = array<i32>} : memref<128x128xf32, #tpu.memory_space<vmem>>, vector<16xf32>,
      %mul3A_3040 = arith.constant 2 : i32
      %mul3A_3041 = arith.muli %mul3A_3040, %scan3A_2652 : i32
      %add3A_3042 = arith.constant 1 : i32
      %add3A_3043 = arith.addi %mul3A_3041, %add3A_3042 : i32
      %get3A_3044 = arith.constant 0 : i32
      %get3A_3045 = arith.constant 0 : i32
      %get3A_3046 = tpu.memref_slice %arg11[%scan3A_1872, %get3A_3044, %get3A_3045] : memref<3x128x128xf32, #tpu.memory_space<vmem>> -> memref<1x128x128xf32, #tpu.memory_space<vmem>>
      %get3A_3047 = tpu.memref_squeeze %get3A_3046 : memref<1x128x128xf32, #tpu.memory_space<vmem>> -> memref<128x128xf32, #tpu.memory_space<vmem>>
      %get3A_3048 = arith.index_cast %add3A_3043 : i32 to index
      %get3A_3049 = arith.constant 112 : index
      %get3A_3050 = tpu.vector_load %get3A_3047[%get3A_3048, %get3A_3049] {strides = array<i32>} : memref<128x128xf32, #tpu.memory_space<vmem>>, vector<16xf32>,
      %mul3A_3051 = arith.mulf %get3A_3039, %get3A_3050 : vector<16xf32>
      %add3A_3052 = arith.addf %scan3A_2668, %mul3A_3051 : vector<16xf32>
      scf.yield %add3A_2692, %add3A_2716, %add3A_2740, %add3A_2764, %add3A_2788, %add3A_2812, %add3A_2836, %add3A_2860, %add3A_2884, %add3A_2908, %add3A_2932, %add3A_2956, %add3A_2980, %add3A_3004, %add3A_3028, %add3A_3052 : vector<16xf32>, vector<16xf32>, vector<16xf32>, vector<16xf32>, vector<16xf32>, vector<16xf32>, vector<16xf32>, vector<16xf32>, vector<16xf32>, vector<16xf32>, vector<16xf32>, vector<16xf32>, vector<16xf32>, vector<16xf32>, vector<16xf32>, vector<16xf32>
    }
    %scan3A_1878 = arith.constant 64 : i32
    %dma_wait3A_1879 = arith.constant 2 : i32
    %dma_wait3A_1880 = arith.constant 2 : i32
    %dma_wait3A_1881 = arith.constant 2 : i32
    %dma_wait3A_1882 = arith.constant 0 : i32
    %dma_wait3A_1883 = arith.constant 0 : i32
    %dma_wait3A_1884 = tpu.memref_slice %arg12[%dma_wait3A_1880, %dma_wait3A_1882, %dma_wait3A_1883] : memref<3x128x8xf32, #tpu.memory_space<vmem>> -> memref<1x128x8xf32, #tpu.memory_space<vmem>>
    %dma_wait3A_1885 = tpu.memref_squeeze %dma_wait3A_1884 : memref<1x128x8xf32, #tpu.memory_space<vmem>> -> memref<128x8xf32, #tpu.memory_space<vmem>>
    %dma_wait3A_1886 = arith.constant 0 : i32
    %dma_wait3A_1887 = tpu.memref_slice %arg9[%dma_wait3A_1879, %dma_wait3A_1886] : memref<8x128xi32, #tpu.memory_space<vmem>> -> memref<1x128xi32, #tpu.memory_space<vmem>>
    %dma_wait3A_1888 = tpu.memref_squeeze %dma_wait3A_1887 : memref<1x128xi32, #tpu.memory_space<vmem>> -> memref<128xi32, #tpu.memory_space<vmem>>
    %dma_wait3A_1889 = arith.constant 0 : i32
    %dma_wait3A_1890 = arith.constant 0 : i32
    %dma_wait3A_1891 = tpu.memref_slice %arg5[%dma_wait3A_1889, %dma_wait3A_1890] : memref<25000x8xf32, #tpu.memory_space<hbm>> -> memref<25000x8xf32, #tpu.memory_space<hbm>>
    %dma_wait3A_1892 = tpu.memref_slice %arg17[%dma_wait3A_1881] : memref<3x!tpu.dma_semaphore, #tpu.memory_space<semaphore_mem>> -> memref<1x!tpu.dma_semaphore, #tpu.memory_space<semaphore_mem>>
    %dma_wait3A_1893 = tpu.memref_squeeze %dma_wait3A_1892 : memref<1x!tpu.dma_semaphore, #tpu.memory_space<semaphore_mem>> -> memref<!tpu.dma_semaphore, #tpu.memory_space<semaphore_mem>>
    tpu.wait_indirect_dma semaphore(%dma_wait3A_1893 : memref<!tpu.dma_semaphore, #tpu.memory_space<semaphore_mem>>) src(%dma_wait3A_1891 : memref<25000x8xf32, #tpu.memory_space<hbm>>) dst(%dma_wait3A_1885 : memref<128x8xf32, #tpu.memory_space<vmem>>)
    %dma_wait3A_1894 = arith.constant 6 : i32
    %dma_wait3A_1895 = arith.constant 2 : i32
    %dma_wait3A_1896 = arith.constant 2 : i32
    %dma_wait3A_1897 = arith.constant 0 : i32
    %dma_wait3A_1898 = arith.constant 0 : i32
    %dma_wait3A_1899 = tpu.memref_slice %arg13[%dma_wait3A_1895, %dma_wait3A_1897, %dma_wait3A_1898] : memref<3x128x8xf32, #tpu.memory_space<vmem>> -> memref<1x128x8xf32, #tpu.memory_space<vmem>>
    %dma_wait3A_1900 = tpu.memref_squeeze %dma_wait3A_1899 : memref<1x128x8xf32, #tpu.memory_space<vmem>> -> memref<128x8xf32, #tpu.memory_space<vmem>>
    %dma_wait3A_1901 = arith.constant 0 : i32
    %dma_wait3A_1902 = tpu.memref_slice %arg9[%dma_wait3A_1894, %dma_wait3A_1901] : memref<8x128xi32, #tpu.memory_space<vmem>> -> memref<1x128xi32, #tpu.memory_space<vmem>>
    %dma_wait3A_1903 = tpu.memref_squeeze %dma_wait3A_1902 : memref<1x128xi32, #tpu.memory_space<vmem>> -> memref<128xi32, #tpu.memory_space<vmem>>
    %dma_wait3A_1904 = arith.constant 0 : i32
    %dma_wait3A_1905 = arith.constant 0 : i32
    %dma_wait3A_1906 = tpu.memref_slice %arg5[%dma_wait3A_1904, %dma_wait3A_1905] : memref<25000x8xf32, #tpu.memory_space<hbm>> -> memref<25000x8xf32, #tpu.memory_space<hbm>>
    %dma_wait3A_1907 = tpu.memref_slice %arg17[%dma_wait3A_1896] : memref<3x!tpu.dma_semaphore, #tpu.memory_space<semaphore_mem>> -> memref<1x!tpu.dma_semaphore, #tpu.memory_space<semaphore_mem>>
    %dma_wait3A_1908 = tpu.memref_squeeze %dma_wait3A_1907 : memref<1x!tpu.dma_semaphore, #tpu.memory_space<semaphore_mem>> -> memref<!tpu.dma_semaphore, #tpu.memory_space<semaphore_mem>>
    tpu.wait_indirect_dma semaphore(%dma_wait3A_1908 : memref<!tpu.dma_semaphore, #tpu.memory_space<semaphore_mem>>) src(%dma_wait3A_1906 : memref<25000x8xf32, #tpu.memory_space<hbm>>) dst(%dma_wait3A_1900 : memref<128x8xf32, #tpu.memory_space<vmem>>)
    %iota3A_1909 = tpu.iota {dimensions = array<i32: 0>} : vector<16xi32>
    %add3A_1910 = arith.constant 0 : i32
    %add3A_1911 = vector.broadcast %add3A_1910 : i32 to vector<16xi32>
    %add3A_1912 = arith.addi %iota3A_1909, %add3A_1911 : vector<16xi32>
    %get3A_1913 = arith.constant 2 : i32
    %get3A_1914 = arith.index_cast %get3A_1913 : i32 to index
    %get3A_1915 = arith.constant 0 : index
    %get3A_1916 = tpu.vector_load %arg8[%get3A_1914, %get3A_1915] {strides = array<i32>} : memref<8x128xi32, #tpu.memory_space<vmem>>, vector<16xi32>,
    %get3A_1917 = arith.constant 6 : i32
    %get3A_1918 = arith.index_cast %get3A_1917 : i32 to index
    %get3A_1919 = arith.constant 0 : index
    %get3A_1920 = tpu.vector_load %arg8[%get3A_1918, %get3A_1919] {strides = array<i32>} : memref<8x128xi32, #tpu.memory_space<vmem>>, vector<16xi32>,
    %and3A_1921 = arith.constant 7 : i32
    %and3A_1922 = vector.broadcast %and3A_1921 : i32 to vector<16xi32>
    %and3A_1923 = arith.andi %get3A_1916, %and3A_1922 : vector<16xi32>
    %gather3A_1924 = arith.constant 2 : i32
    %gather3A_1925 = arith.constant 0 : i32
    %gather3A_1926 = arith.constant 0 : i32
    %gather3A_1927 = tpu.memref_slice %arg12[%gather3A_1924, %gather3A_1925, %gather3A_1926] : memref<3x128x8xf32, #tpu.memory_space<vmem>> -> memref<1x128x8xf32, #tpu.memory_space<vmem>>
    %gather3A_1928 = tpu.memref_squeeze %gather3A_1927 : memref<1x128x8xf32, #tpu.memory_space<vmem>> -> memref<128x8xf32, #tpu.memory_space<vmem>>
    %gather3A_1929 = tpu.vector_load_idx %gather3A_1928[%add3A_1912, %and3A_1923] : memref<128x8xf32, #tpu.memory_space<vmem>>[vector<16xi32>, vector<16xi32>], vector<16xf32>,
    %and3A_1930 = arith.constant 7 : i32
    %and3A_1931 = vector.broadcast %and3A_1930 : i32 to vector<16xi32>
    %and3A_1932 = arith.andi %get3A_1920, %and3A_1931 : vector<16xi32>
    %gather3A_1933 = arith.constant 2 : i32
    %gather3A_1934 = arith.constant 0 : i32
    %gather3A_1935 = arith.constant 0 : i32
    %gather3A_1936 = tpu.memref_slice %arg13[%gather3A_1933, %gather3A_1934, %gather3A_1935] : memref<3x128x8xf32, #tpu.memory_space<vmem>> -> memref<1x128x8xf32, #tpu.memory_space<vmem>>
    %gather3A_1937 = tpu.memref_squeeze %gather3A_1936 : memref<1x128x8xf32, #tpu.memory_space<vmem>> -> memref<128x8xf32, #tpu.memory_space<vmem>>
    %gather3A_1938 = tpu.vector_load_idx %gather3A_1937[%add3A_1912, %and3A_1932] : memref<128x8xf32, #tpu.memory_space<vmem>>[vector<16xi32>, vector<16xi32>], vector<16xf32>,
    %add3A_1939 = arith.addf %gather3A_1929, %gather3A_1938 : vector<16xf32>
    %swap3A_1940 = arith.constant 2 : i32
    %swap3A_1941 = arith.index_cast %swap3A_1940 : i32 to index
    %swap3A_1942 = arith.constant 0 : index
    %swap3A_1943 = tpu.vector_load %arg14[%swap3A_1941, %swap3A_1942] {strides = array<i32>} : memref<3x128xf32, #tpu.memory_space<vmem>>, vector<16xf32>,
    tpu.vector_store %arg14[%swap3A_1941, %swap3A_1942], %add3A_1939 {strides = array<i32>} : memref<3x128xf32, #tpu.memory_space<vmem>>, vector<16xf32>,
    %iota3A_1944 = tpu.iota {dimensions = array<i32: 0>} : vector<16xi32>
    %add3A_1945 = arith.constant 16 : i32
    %add3A_1946 = vector.broadcast %add3A_1945 : i32 to vector<16xi32>
    %add3A_1947 = arith.addi %iota3A_1944, %add3A_1946 : vector<16xi32>
    %get3A_1948 = arith.constant 2 : i32
    %get3A_1949 = arith.index_cast %get3A_1948 : i32 to index
    %get3A_1950 = arith.constant 16 : index
    %get3A_1951 = tpu.vector_load %arg8[%get3A_1949, %get3A_1950] {strides = array<i32>} : memref<8x128xi32, #tpu.memory_space<vmem>>, vector<16xi32>,
    %get3A_1952 = arith.constant 6 : i32
    %get3A_1953 = arith.index_cast %get3A_1952 : i32 to index
    %get3A_1954 = arith.constant 16 : index
    %get3A_1955 = tpu.vector_load %arg8[%get3A_1953, %get3A_1954] {strides = array<i32>} : memref<8x128xi32, #tpu.memory_space<vmem>>, vector<16xi32>,
    %and3A_1956 = arith.constant 7 : i32
    %and3A_1957 = vector.broadcast %and3A_1956 : i32 to vector<16xi32>
    %and3A_1958 = arith.andi %get3A_1951, %and3A_1957 : vector<16xi32>
    %gather3A_1959 = arith.constant 2 : i32
    %gather3A_1960 = arith.constant 0 : i32
    %gather3A_1961 = arith.constant 0 : i32
    %gather3A_1962 = tpu.memref_slice %arg12[%gather3A_1959, %gather3A_1960, %gather3A_1961] : memref<3x128x8xf32, #tpu.memory_space<vmem>> -> memref<1x128x8xf32, #tpu.memory_space<vmem>>
    %gather3A_1963 = tpu.memref_squeeze %gather3A_1962 : memref<1x128x8xf32, #tpu.memory_space<vmem>> -> memref<128x8xf32, #tpu.memory_space<vmem>>
    %gather3A_1964 = tpu.vector_load_idx %gather3A_1963[%add3A_1947, %and3A_1958] : memref<128x8xf32, #tpu.memory_space<vmem>>[vector<16xi32>, vector<16xi32>], vector<16xf32>,
    %and3A_1965 = arith.constant 7 : i32
    %and3A_1966 = vector.broadcast %and3A_1965 : i32 to vector<16xi32>
    %and3A_1967 = arith.andi %get3A_1955, %and3A_1966 : vector<16xi32>
    %gather3A_1968 = arith.constant 2 : i32
    %gather3A_1969 = arith.constant 0 : i32
    %gather3A_1970 = arith.constant 0 : i32
    %gather3A_1971 = tpu.memref_slice %arg13[%gather3A_1968, %gather3A_1969, %gather3A_1970] : memref<3x128x8xf32, #tpu.memory_space<vmem>> -> memref<1x128x8xf32, #tpu.memory_space<vmem>>
    %gather3A_1972 = tpu.memref_squeeze %gather3A_1971 : memref<1x128x8xf32, #tpu.memory_space<vmem>> -> memref<128x8xf32, #tpu.memory_space<vmem>>
    %gather3A_1973 = tpu.vector_load_idx %gather3A_1972[%add3A_1947, %and3A_1967] : memref<128x8xf32, #tpu.memory_space<vmem>>[vector<16xi32>, vector<16xi32>], vector<16xf32>,
    %add3A_1974 = arith.addf %gather3A_1964, %gather3A_1973 : vector<16xf32>
    %swap3A_1975 = arith.constant 2 : i32
    %swap3A_1976 = arith.index_cast %swap3A_1975 : i32 to index
    %swap3A_1977 = arith.constant 16 : index
    %swap3A_1978 = tpu.vector_load %arg14[%swap3A_1976, %swap3A_1977] {strides = array<i32>} : memref<3x128xf32, #tpu.memory_space<vmem>>, vector<16xf32>,
    tpu.vector_store %arg14[%swap3A_1976, %swap3A_1977], %add3A_1974 {strides = array<i32>} : memref<3x128xf32, #tpu.memory_space<vmem>>, vector<16xf32>,
    %iota3A_1979 = tpu.iota {dimensions = array<i32: 0>} : vector<16xi32>
    %add3A_1980 = arith.constant 32 : i32
    %add3A_1981 = vector.broadcast %add3A_1980 : i32 to vector<16xi32>
    %add3A_1982 = arith.addi %iota3A_1979, %add3A_1981 : vector<16xi32>
    %get3A_1983 = arith.constant 2 : i32
    %get3A_1984 = arith.index_cast %get3A_1983 : i32 to index
    %get3A_1985 = arith.constant 32 : index
    %get3A_1986 = tpu.vector_load %arg8[%get3A_1984, %get3A_1985] {strides = array<i32>} : memref<8x128xi32, #tpu.memory_space<vmem>>, vector<16xi32>,
    %get3A_1987 = arith.constant 6 : i32
    %get3A_1988 = arith.index_cast %get3A_1987 : i32 to index
    %get3A_1989 = arith.constant 32 : index
    %get3A_1990 = tpu.vector_load %arg8[%get3A_1988, %get3A_1989] {strides = array<i32>} : memref<8x128xi32, #tpu.memory_space<vmem>>, vector<16xi32>,
    %and3A_1991 = arith.constant 7 : i32
    %and3A_1992 = vector.broadcast %and3A_1991 : i32 to vector<16xi32>
    %and3A_1993 = arith.andi %get3A_1986, %and3A_1992 : vector<16xi32>
    %gather3A_1994 = arith.constant 2 : i32
    %gather3A_1995 = arith.constant 0 : i32
    %gather3A_1996 = arith.constant 0 : i32
    %gather3A_1997 = tpu.memref_slice %arg12[%gather3A_1994, %gather3A_1995, %gather3A_1996] : memref<3x128x8xf32, #tpu.memory_space<vmem>> -> memref<1x128x8xf32, #tpu.memory_space<vmem>>
    %gather3A_1998 = tpu.memref_squeeze %gather3A_1997 : memref<1x128x8xf32, #tpu.memory_space<vmem>> -> memref<128x8xf32, #tpu.memory_space<vmem>>
    %gather3A_1999 = tpu.vector_load_idx %gather3A_1998[%add3A_1982, %and3A_1993] : memref<128x8xf32, #tpu.memory_space<vmem>>[vector<16xi32>, vector<16xi32>], vector<16xf32>,
    %and3A_2000 = arith.constant 7 : i32
    %and3A_2001 = vector.broadcast %and3A_2000 : i32 to vector<16xi32>
    %and3A_2002 = arith.andi %get3A_1990, %and3A_2001 : vector<16xi32>
    %gather3A_2003 = arith.constant 2 : i32
    %gather3A_2004 = arith.constant 0 : i32
    %gather3A_2005 = arith.constant 0 : i32
    %gather3A_2006 = tpu.memref_slice %arg13[%gather3A_2003, %gather3A_2004, %gather3A_2005] : memref<3x128x8xf32, #tpu.memory_space<vmem>> -> memref<1x128x8xf32, #tpu.memory_space<vmem>>
    %gather3A_2007 = tpu.memref_squeeze %gather3A_2006 : memref<1x128x8xf32, #tpu.memory_space<vmem>> -> memref<128x8xf32, #tpu.memory_space<vmem>>
    %gather3A_2008 = tpu.vector_load_idx %gather3A_2007[%add3A_1982, %and3A_2002] : memref<128x8xf32, #tpu.memory_space<vmem>>[vector<16xi32>, vector<16xi32>], vector<16xf32>,
    %add3A_2009 = arith.addf %gather3A_1999, %gather3A_2008 : vector<16xf32>
    %swap3A_2010 = arith.constant 2 : i32
    %swap3A_2011 = arith.index_cast %swap3A_2010 : i32 to index
    %swap3A_2012 = arith.constant 32 : index
    %swap3A_2013 = tpu.vector_load %arg14[%swap3A_2011, %swap3A_2012] {strides = array<i32>} : memref<3x128xf32, #tpu.memory_space<vmem>>, vector<16xf32>,
    tpu.vector_store %arg14[%swap3A_2011, %swap3A_2012], %add3A_2009 {strides = array<i32>} : memref<3x128xf32, #tpu.memory_space<vmem>>, vector<16xf32>,
    %iota3A_2014 = tpu.iota {dimensions = array<i32: 0>} : vector<16xi32>
    %add3A_2015 = arith.constant 48 : i32
    %add3A_2016 = vector.broadcast %add3A_2015 : i32 to vector<16xi32>
    %add3A_2017 = arith.addi %iota3A_2014, %add3A_2016 : vector<16xi32>
    %get3A_2018 = arith.constant 2 : i32
    %get3A_2019 = arith.index_cast %get3A_2018 : i32 to index
    %get3A_2020 = arith.constant 48 : index
    %get3A_2021 = tpu.vector_load %arg8[%get3A_2019, %get3A_2020] {strides = array<i32>} : memref<8x128xi32, #tpu.memory_space<vmem>>, vector<16xi32>,
    %get3A_2022 = arith.constant 6 : i32
    %get3A_2023 = arith.index_cast %get3A_2022 : i32 to index
    %get3A_2024 = arith.constant 48 : index
    %get3A_2025 = tpu.vector_load %arg8[%get3A_2023, %get3A_2024] {strides = array<i32>} : memref<8x128xi32, #tpu.memory_space<vmem>>, vector<16xi32>,
    %and3A_2026 = arith.constant 7 : i32
    %and3A_2027 = vector.broadcast %and3A_2026 : i32 to vector<16xi32>
    %and3A_2028 = arith.andi %get3A_2021, %and3A_2027 : vector<16xi32>
    %gather3A_2029 = arith.constant 2 : i32
    %gather3A_2030 = arith.constant 0 : i32
    %gather3A_2031 = arith.constant 0 : i32
    %gather3A_2032 = tpu.memref_slice %arg12[%gather3A_2029, %gather3A_2030, %gather3A_2031] : memref<3x128x8xf32, #tpu.memory_space<vmem>> -> memref<1x128x8xf32, #tpu.memory_space<vmem>>
    %gather3A_2033 = tpu.memref_squeeze %gather3A_2032 : memref<1x128x8xf32, #tpu.memory_space<vmem>> -> memref<128x8xf32, #tpu.memory_space<vmem>>
    %gather3A_2034 = tpu.vector_load_idx %gather3A_2033[%add3A_2017, %and3A_2028] : memref<128x8xf32, #tpu.memory_space<vmem>>[vector<16xi32>, vector<16xi32>], vector<16xf32>,
    %and3A_2035 = arith.constant 7 : i32
    %and3A_2036 = vector.broadcast %and3A_2035 : i32 to vector<16xi32>
    %and3A_2037 = arith.andi %get3A_2025, %and3A_2036 : vector<16xi32>
    %gather3A_2038 = arith.constant 2 : i32
    %gather3A_2039 = arith.constant 0 : i32
    %gather3A_2040 = arith.constant 0 : i32
    %gather3A_2041 = tpu.memref_slice %arg13[%gather3A_2038, %gather3A_2039, %gather3A_2040] : memref<3x128x8xf32, #tpu.memory_space<vmem>> -> memref<1x128x8xf32, #tpu.memory_space<vmem>>
    %gather3A_2042 = tpu.memref_squeeze %gather3A_2041 : memref<1x128x8xf32, #tpu.memory_space<vmem>> -> memref<128x8xf32, #tpu.memory_space<vmem>>
    %gather3A_2043 = tpu.vector_load_idx %gather3A_2042[%add3A_2017, %and3A_2037] : memref<128x8xf32, #tpu.memory_space<vmem>>[vector<16xi32>, vector<16xi32>], vector<16xf32>,
    %add3A_2044 = arith.addf %gather3A_2034, %gather3A_2043 : vector<16xf32>
    %swap3A_2045 = arith.constant 2 : i32
    %swap3A_2046 = arith.index_cast %swap3A_2045 : i32 to index
    %swap3A_2047 = arith.constant 48 : index
    %swap3A_2048 = tpu.vector_load %arg14[%swap3A_2046, %swap3A_2047] {strides = array<i32>} : memref<3x128xf32, #tpu.memory_space<vmem>>, vector<16xf32>,
    tpu.vector_store %arg14[%swap3A_2046, %swap3A_2047], %add3A_2044 {strides = array<i32>} : memref<3x128xf32, #tpu.memory_space<vmem>>, vector<16xf32>,
    %iota3A_2049 = tpu.iota {dimensions = array<i32: 0>} : vector<16xi32>
    %add3A_2050 = arith.constant 64 : i32
    %add3A_2051 = vector.broadcast %add3A_2050 : i32 to vector<16xi32>
    %add3A_2052 = arith.addi %iota3A_2049, %add3A_2051 : vector<16xi32>
    %get3A_2053 = arith.constant 2 : i32
    %get3A_2054 = arith.index_cast %get3A_2053 : i32 to index
    %get3A_2055 = arith.constant 64 : index
    %get3A_2056 = tpu.vector_load %arg8[%get3A_2054, %get3A_2055] {strides = array<i32>} : memref<8x128xi32, #tpu.memory_space<vmem>>, vector<16xi32>,
    %get3A_2057 = arith.constant 6 : i32
    %get3A_2058 = arith.index_cast %get3A_2057 : i32 to index
    %get3A_2059 = arith.constant 64 : index
    %get3A_2060 = tpu.vector_load %arg8[%get3A_2058, %get3A_2059] {strides = array<i32>} : memref<8x128xi32, #tpu.memory_space<vmem>>, vector<16xi32>,
    %and3A_2061 = arith.constant 7 : i32
    %and3A_2062 = vector.broadcast %and3A_2061 : i32 to vector<16xi32>
    %and3A_2063 = arith.andi %get3A_2056, %and3A_2062 : vector<16xi32>
    %gather3A_2064 = arith.constant 2 : i32
    %gather3A_2065 = arith.constant 0 : i32
    %gather3A_2066 = arith.constant 0 : i32
    %gather3A_2067 = tpu.memref_slice %arg12[%gather3A_2064, %gather3A_2065, %gather3A_2066] : memref<3x128x8xf32, #tpu.memory_space<vmem>> -> memref<1x128x8xf32, #tpu.memory_space<vmem>>
    %gather3A_2068 = tpu.memref_squeeze %gather3A_2067 : memref<1x128x8xf32, #tpu.memory_space<vmem>> -> memref<128x8xf32, #tpu.memory_space<vmem>>
    %gather3A_2069 = tpu.vector_load_idx %gather3A_2068[%add3A_2052, %and3A_2063] : memref<128x8xf32, #tpu.memory_space<vmem>>[vector<16xi32>, vector<16xi32>], vector<16xf32>,
    %and3A_2070 = arith.constant 7 : i32
    %and3A_2071 = vector.broadcast %and3A_2070 : i32 to vector<16xi32>
    %and3A_2072 = arith.andi %get3A_2060, %and3A_2071 : vector<16xi32>
    %gather3A_2073 = arith.constant 2 : i32
    %gather3A_2074 = arith.constant 0 : i32
    %gather3A_2075 = arith.constant 0 : i32
    %gather3A_2076 = tpu.memref_slice %arg13[%gather3A_2073, %gather3A_2074, %gather3A_2075] : memref<3x128x8xf32, #tpu.memory_space<vmem>> -> memref<1x128x8xf32, #tpu.memory_space<vmem>>
    %gather3A_2077 = tpu.memref_squeeze %gather3A_2076 : memref<1x128x8xf32, #tpu.memory_space<vmem>> -> memref<128x8xf32, #tpu.memory_space<vmem>>
    %gather3A_2078 = tpu.vector_load_idx %gather3A_2077[%add3A_2052, %and3A_2072] : memref<128x8xf32, #tpu.memory_space<vmem>>[vector<16xi32>, vector<16xi32>], vector<16xf32>,
    %add3A_2079 = arith.addf %gather3A_2069, %gather3A_2078 : vector<16xf32>
    %swap3A_2080 = arith.constant 2 : i32
    %swap3A_2081 = arith.index_cast %swap3A_2080 : i32 to index
    %swap3A_2082 = arith.constant 64 : index
    %swap3A_2083 = tpu.vector_load %arg14[%swap3A_2081, %swap3A_2082] {strides = array<i32>} : memref<3x128xf32, #tpu.memory_space<vmem>>, vector<16xf32>,
    tpu.vector_store %arg14[%swap3A_2081, %swap3A_2082], %add3A_2079 {strides = array<i32>} : memref<3x128xf32, #tpu.memory_space<vmem>>, vector<16xf32>,
    %iota3A_2084 = tpu.iota {dimensions = array<i32: 0>} : vector<16xi32>
    %add3A_2085 = arith.constant 80 : i32
    %add3A_2086 = vector.broadcast %add3A_2085 : i32 to vector<16xi32>
    %add3A_2087 = arith.addi %iota3A_2084, %add3A_2086 : vector<16xi32>
    %get3A_2088 = arith.constant 2 : i32
    %get3A_2089 = arith.index_cast %get3A_2088 : i32 to index
    %get3A_2090 = arith.constant 80 : index
    %get3A_2091 = tpu.vector_load %arg8[%get3A_2089, %get3A_2090] {strides = array<i32>} : memref<8x128xi32, #tpu.memory_space<vmem>>, vector<16xi32>,
    %get3A_2092 = arith.constant 6 : i32
    %get3A_2093 = arith.index_cast %get3A_2092 : i32 to index
    %get3A_2094 = arith.constant 80 : index
    %get3A_2095 = tpu.vector_load %arg8[%get3A_2093, %get3A_2094] {strides = array<i32>} : memref<8x128xi32, #tpu.memory_space<vmem>>, vector<16xi32>,
    %and3A_2096 = arith.constant 7 : i32
    %and3A_2097 = vector.broadcast %and3A_2096 : i32 to vector<16xi32>
    %and3A_2098 = arith.andi %get3A_2091, %and3A_2097 : vector<16xi32>
    %gather3A_2099 = arith.constant 2 : i32
    %gather3A_2100 = arith.constant 0 : i32
    %gather3A_2101 = arith.constant 0 : i32
    %gather3A_2102 = tpu.memref_slice %arg12[%gather3A_2099, %gather3A_2100, %gather3A_2101] : memref<3x128x8xf32, #tpu.memory_space<vmem>> -> memref<1x128x8xf32, #tpu.memory_space<vmem>>
    %gather3A_2103 = tpu.memref_squeeze %gather3A_2102 : memref<1x128x8xf32, #tpu.memory_space<vmem>> -> memref<128x8xf32, #tpu.memory_space<vmem>>
    %gather3A_2104 = tpu.vector_load_idx %gather3A_2103[%add3A_2087, %and3A_2098] : memref<128x8xf32, #tpu.memory_space<vmem>>[vector<16xi32>, vector<16xi32>], vector<16xf32>,
    %and3A_2105 = arith.constant 7 : i32
    %and3A_2106 = vector.broadcast %and3A_2105 : i32 to vector<16xi32>
    %and3A_2107 = arith.andi %get3A_2095, %and3A_2106 : vector<16xi32>
    %gather3A_2108 = arith.constant 2 : i32
    %gather3A_2109 = arith.constant 0 : i32
    %gather3A_2110 = arith.constant 0 : i32
    %gather3A_2111 = tpu.memref_slice %arg13[%gather3A_2108, %gather3A_2109, %gather3A_2110] : memref<3x128x8xf32, #tpu.memory_space<vmem>> -> memref<1x128x8xf32, #tpu.memory_space<vmem>>
    %gather3A_2112 = tpu.memref_squeeze %gather3A_2111 : memref<1x128x8xf32, #tpu.memory_space<vmem>> -> memref<128x8xf32, #tpu.memory_space<vmem>>
    %gather3A_2113 = tpu.vector_load_idx %gather3A_2112[%add3A_2087, %and3A_2107] : memref<128x8xf32, #tpu.memory_space<vmem>>[vector<16xi32>, vector<16xi32>], vector<16xf32>,
    %add3A_2114 = arith.addf %gather3A_2104, %gather3A_2113 : vector<16xf32>
    %swap3A_2115 = arith.constant 2 : i32
    %swap3A_2116 = arith.index_cast %swap3A_2115 : i32 to index
    %swap3A_2117 = arith.constant 80 : index
    %swap3A_2118 = tpu.vector_load %arg14[%swap3A_2116, %swap3A_2117] {strides = array<i32>} : memref<3x128xf32, #tpu.memory_space<vmem>>, vector<16xf32>,
    tpu.vector_store %arg14[%swap3A_2116, %swap3A_2117], %add3A_2114 {strides = array<i32>} : memref<3x128xf32, #tpu.memory_space<vmem>>, vector<16xf32>,
    %iota3A_2119 = tpu.iota {dimensions = array<i32: 0>} : vector<16xi32>
    %add3A_2120 = arith.constant 96 : i32
    %add3A_2121 = vector.broadcast %add3A_2120 : i32 to vector<16xi32>
    %add3A_2122 = arith.addi %iota3A_2119, %add3A_2121 : vector<16xi32>
    %get3A_2123 = arith.constant 2 : i32
    %get3A_2124 = arith.index_cast %get3A_2123 : i32 to index
    %get3A_2125 = arith.constant 96 : index
    %get3A_2126 = tpu.vector_load %arg8[%get3A_2124, %get3A_2125] {strides = array<i32>} : memref<8x128xi32, #tpu.memory_space<vmem>>, vector<16xi32>,
    %get3A_2127 = arith.constant 6 : i32
    %get3A_2128 = arith.index_cast %get3A_2127 : i32 to index
    %get3A_2129 = arith.constant 96 : index
    %get3A_2130 = tpu.vector_load %arg8[%get3A_2128, %get3A_2129] {strides = array<i32>} : memref<8x128xi32, #tpu.memory_space<vmem>>, vector<16xi32>,
    %and3A_2131 = arith.constant 7 : i32
    %and3A_2132 = vector.broadcast %and3A_2131 : i32 to vector<16xi32>
    %and3A_2133 = arith.andi %get3A_2126, %and3A_2132 : vector<16xi32>
    %gather3A_2134 = arith.constant 2 : i32
    %gather3A_2135 = arith.constant 0 : i32
    %gather3A_2136 = arith.constant 0 : i32
    %gather3A_2137 = tpu.memref_slice %arg12[%gather3A_2134, %gather3A_2135, %gather3A_2136] : memref<3x128x8xf32, #tpu.memory_space<vmem>> -> memref<1x128x8xf32, #tpu.memory_space<vmem>>
    %gather3A_2138 = tpu.memref_squeeze %gather3A_2137 : memref<1x128x8xf32, #tpu.memory_space<vmem>> -> memref<128x8xf32, #tpu.memory_space<vmem>>
    %gather3A_2139 = tpu.vector_load_idx %gather3A_2138[%add3A_2122, %and3A_2133] : memref<128x8xf32, #tpu.memory_space<vmem>>[vector<16xi32>, vector<16xi32>], vector<16xf32>,
    %and3A_2140 = arith.constant 7 : i32
    %and3A_2141 = vector.broadcast %and3A_2140 : i32 to vector<16xi32>
    %and3A_2142 = arith.andi %get3A_2130, %and3A_2141 : vector<16xi32>
    %gather3A_2143 = arith.constant 2 : i32
    %gather3A_2144 = arith.constant 0 : i32
    %gather3A_2145 = arith.constant 0 : i32
    %gather3A_2146 = tpu.memref_slice %arg13[%gather3A_2143, %gather3A_2144, %gather3A_2145] : memref<3x128x8xf32, #tpu.memory_space<vmem>> -> memref<1x128x8xf32, #tpu.memory_space<vmem>>
    %gather3A_2147 = tpu.memref_squeeze %gather3A_2146 : memref<1x128x8xf32, #tpu.memory_space<vmem>> -> memref<128x8xf32, #tpu.memory_space<vmem>>
    %gather3A_2148 = tpu.vector_load_idx %gather3A_2147[%add3A_2122, %and3A_2142] : memref<128x8xf32, #tpu.memory_space<vmem>>[vector<16xi32>, vector<16xi32>], vector<16xf32>,
    %add3A_2149 = arith.addf %gather3A_2139, %gather3A_2148 : vector<16xf32>
    %swap3A_2150 = arith.constant 2 : i32
    %swap3A_2151 = arith.index_cast %swap3A_2150 : i32 to index
    %swap3A_2152 = arith.constant 96 : index
    %swap3A_2153 = tpu.vector_load %arg14[%swap3A_2151, %swap3A_2152] {strides = array<i32>} : memref<3x128xf32, #tpu.memory_space<vmem>>, vector<16xf32>,
    tpu.vector_store %arg14[%swap3A_2151, %swap3A_2152], %add3A_2149 {strides = array<i32>} : memref<3x128xf32, #tpu.memory_space<vmem>>, vector<16xf32>,
    %iota3A_2154 = tpu.iota {dimensions = array<i32: 0>} : vector<16xi32>
    %add3A_2155 = arith.constant 112 : i32
    %add3A_2156 = vector.broadcast %add3A_2155 : i32 to vector<16xi32>
    %add3A_2157 = arith.addi %iota3A_2154, %add3A_2156 : vector<16xi32>
    %get3A_2158 = arith.constant 2 : i32
    %get3A_2159 = arith.index_cast %get3A_2158 : i32 to index
    %get3A_2160 = arith.constant 112 : index
    %get3A_2161 = tpu.vector_load %arg8[%get3A_2159, %get3A_2160] {strides = array<i32>} : memref<8x128xi32, #tpu.memory_space<vmem>>, vector<16xi32>,
    %get3A_2162 = arith.constant 6 : i32
    %get3A_2163 = arith.index_cast %get3A_2162 : i32 to index
    %get3A_2164 = arith.constant 112 : index
    %get3A_2165 = tpu.vector_load %arg8[%get3A_2163, %get3A_2164] {strides = array<i32>} : memref<8x128xi32, #tpu.memory_space<vmem>>, vector<16xi32>,
    %and3A_2166 = arith.constant 7 : i32
    %and3A_2167 = vector.broadcast %and3A_2166 : i32 to vector<16xi32>
    %and3A_2168 = arith.andi %get3A_2161, %and3A_2167 : vector<16xi32>
    %gather3A_2169 = arith.constant 2 : i32
    %gather3A_2170 = arith.constant 0 : i32
    %gather3A_2171 = arith.constant 0 : i32
    %gather3A_2172 = tpu.memref_slice %arg12[%gather3A_2169, %gather3A_2170, %gather3A_2171] : memref<3x128x8xf32, #tpu.memory_space<vmem>> -> memref<1x128x8xf32, #tpu.memory_space<vmem>>
    %gather3A_2173 = tpu.memref_squeeze %gather3A_2172 : memref<1x128x8xf32, #tpu.memory_space<vmem>> -> memref<128x8xf32, #tpu.memory_space<vmem>>
    %gather3A_2174 = tpu.vector_load_idx %gather3A_2173[%add3A_2157, %and3A_2168] : memref<128x8xf32, #tpu.memory_space<vmem>>[vector<16xi32>, vector<16xi32>], vector<16xf32>,
    %and3A_2175 = arith.constant 7 : i32
    %and3A_2176 = vector.broadcast %and3A_2175 : i32 to vector<16xi32>
    %and3A_2177 = arith.andi %get3A_2165, %and3A_2176 : vector<16xi32>
    %gather3A_2178 = arith.constant 2 : i32
    %gather3A_2179 = arith.constant 0 : i32
    %gather3A_2180 = arith.constant 0 : i32
    %gather3A_2181 = tpu.memref_slice %arg13[%gather3A_2178, %gather3A_2179, %gather3A_2180] : memref<3x128x8xf32, #tpu.memory_space<vmem>> -> memref<1x128x8xf32, #tpu.memory_space<vmem>>
    %gather3A_2182 = tpu.memref_squeeze %gather3A_2181 : memref<1x128x8xf32, #tpu.memory_space<vmem>> -> memref<128x8xf32, #tpu.memory_space<vmem>>
    %gather3A_2183 = tpu.vector_load_idx %gather3A_2182[%add3A_2157, %and3A_2177] : memref<128x8xf32, #tpu.memory_space<vmem>>[vector<16xi32>, vector<16xi32>], vector<16xf32>,
    %add3A_2184 = arith.addf %gather3A_2174, %gather3A_2183 : vector<16xf32>
    %swap3A_2185 = arith.constant 2 : i32
    %swap3A_2186 = arith.index_cast %swap3A_2185 : i32 to index
    %swap3A_2187 = arith.constant 112 : index
    %swap3A_2188 = tpu.vector_load %arg14[%swap3A_2186, %swap3A_2187] {strides = array<i32>} : memref<3x128xf32, #tpu.memory_space<vmem>>, vector<16xf32>,
    tpu.vector_store %arg14[%swap3A_2186, %swap3A_2187], %add3A_2184 {strides = array<i32>} : memref<3x128xf32, #tpu.memory_space<vmem>>, vector<16xf32>,
    %add3A_2189 = arith.constant 256 : i32
    %add3A_2190 = arith.addi %mul3A_2, %add3A_2189 : i32
    %dma_start3A_2191 = arith.constant 2 : i32
    %dma_start3A_2192 = arith.constant 0 : i32
    %dma_start3A_2193 = tpu.memref_slice %arg14[%dma_start3A_2191, %dma_start3A_2192] : memref<3x128xf32, #tpu.memory_space<vmem>> -> memref<1x128xf32, #tpu.memory_space<vmem>>
    %dma_start3A_2194 = tpu.memref_squeeze %dma_start3A_2193 : memref<1x128xf32, #tpu.memory_space<vmem>> -> memref<128xf32, #tpu.memory_space<vmem>>
    %dma_start3A_2195 = tpu.memref_slice %arg7[%add3A_2190] : memref<16384xf32, #tpu.memory_space<hbm>> -> memref<128xf32, #tpu.memory_space<hbm>>
    %dma_start3A_2196 = tpu.memref_slice %arg7[%add3A_2190] : memref<16384xf32, #tpu.memory_space<hbm>> -> memref<128xf32, #tpu.memory_space<hbm>>
    %dma_start3A_2197 = arith.constant 0 : i32
    %dma_start3A_2198 = tpu.memref_slice %arg14[%dma_start3A_2191, %dma_start3A_2197] : memref<3x128xf32, #tpu.memory_space<vmem>> -> memref<1x128xf32, #tpu.memory_space<vmem>>
    %dma_start3A_2199 = tpu.memref_squeeze %dma_start3A_2198 : memref<1x128xf32, #tpu.memory_space<vmem>> -> memref<128xf32, #tpu.memory_space<vmem>>
    tpu.enqueue_dma source(%dma_start3A_2199 : memref<128xf32, #tpu.memory_space<vmem>>) target(%dma_start3A_2196 : memref<128xf32, #tpu.memory_space<hbm>>) target_semaphore(%arg18 : memref<!tpu.dma_semaphore, #tpu.memory_space<semaphore_mem>>)
    %dma_wait3A_2200 = arith.constant 2 : i32
    %dma_wait3A_2201 = arith.constant 2 : i32
    %dma_wait3A_2202 = arith.constant 2 : i32
    %dma_wait3A_2203 = arith.constant 0 : i32
    %dma_wait3A_2204 = arith.constant 0 : i32
    %dma_wait3A_2205 = tpu.memref_slice %arg10[%dma_wait3A_2201, %dma_wait3A_2203, %dma_wait3A_2204] : memref<3x128x128xf32, #tpu.memory_space<vmem>> -> memref<1x128x128xf32, #tpu.memory_space<vmem>>
    %dma_wait3A_2206 = tpu.memref_squeeze %dma_wait3A_2205 : memref<1x128x128xf32, #tpu.memory_space<vmem>> -> memref<128x128xf32, #tpu.memory_space<vmem>>
    %dma_wait3A_2207 = arith.constant 0 : i32
    %dma_wait3A_2208 = tpu.memref_slice %arg8[%dma_wait3A_2200, %dma_wait3A_2207] : memref<8x128xi32, #tpu.memory_space<vmem>> -> memref<1x128xi32, #tpu.memory_space<vmem>>
    %dma_wait3A_2209 = tpu.memref_squeeze %dma_wait3A_2208 : memref<1x128xi32, #tpu.memory_space<vmem>> -> memref<128xi32, #tpu.memory_space<vmem>>
    %dma_wait3A_2210 = arith.constant 0 : i32
    %dma_wait3A_2211 = arith.constant 0 : i32
    %dma_wait3A_2212 = tpu.memref_slice %arg3[%dma_wait3A_2210, %dma_wait3A_2211] : memref<100000x128xf32, #tpu.memory_space<hbm>> -> memref<100000x128xf32, #tpu.memory_space<hbm>>
    %dma_wait3A_2213 = tpu.memref_slice %arg16[%dma_wait3A_2202] : memref<3x!tpu.dma_semaphore, #tpu.memory_space<semaphore_mem>> -> memref<1x!tpu.dma_semaphore, #tpu.memory_space<semaphore_mem>>
    %dma_wait3A_2214 = tpu.memref_squeeze %dma_wait3A_2213 : memref<1x!tpu.dma_semaphore, #tpu.memory_space<semaphore_mem>> -> memref<!tpu.dma_semaphore, #tpu.memory_space<semaphore_mem>>
    tpu.wait_indirect_dma semaphore(%dma_wait3A_2214 : memref<!tpu.dma_semaphore, #tpu.memory_space<semaphore_mem>>) src(%dma_wait3A_2212 : memref<100000x128xf32, #tpu.memory_space<hbm>>) dst(%dma_wait3A_2206 : memref<128x128xf32, #tpu.memory_space<vmem>>)
    %dma_wait3A_2215 = arith.constant 6 : i32
    %dma_wait3A_2216 = arith.constant 2 : i32
    %dma_wait3A_2217 = arith.constant 2 : i32
    %dma_wait3A_2218 = arith.constant 0 : i32
    %dma_wait3A_2219 = arith.constant 0 : i32
    %dma_wait3A_2220 = tpu.memref_slice %arg11[%dma_wait3A_2216, %dma_wait3A_2218, %dma_wait3A_2219] : memref<3x128x128xf32, #tpu.memory_space<vmem>> -> memref<1x128x128xf32, #tpu.memory_space<vmem>>
    %dma_wait3A_2221 = tpu.memref_squeeze %dma_wait3A_2220 : memref<1x128x128xf32, #tpu.memory_space<vmem>> -> memref<128x128xf32, #tpu.memory_space<vmem>>
    %dma_wait3A_2222 = arith.constant 0 : i32
    %dma_wait3A_2223 = tpu.memref_slice %arg8[%dma_wait3A_2215, %dma_wait3A_2222] : memref<8x128xi32, #tpu.memory_space<vmem>> -> memref<1x128xi32, #tpu.memory_space<vmem>>
    %dma_wait3A_2224 = tpu.memref_squeeze %dma_wait3A_2223 : memref<1x128xi32, #tpu.memory_space<vmem>> -> memref<128xi32, #tpu.memory_space<vmem>>
    %dma_wait3A_2225 = arith.constant 0 : i32
    %dma_wait3A_2226 = arith.constant 0 : i32
    %dma_wait3A_2227 = tpu.memref_slice %arg4[%dma_wait3A_2225, %dma_wait3A_2226] : memref<100000x128xf32, #tpu.memory_space<hbm>> -> memref<100000x128xf32, #tpu.memory_space<hbm>>
    %dma_wait3A_2228 = tpu.memref_slice %arg16[%dma_wait3A_2217] : memref<3x!tpu.dma_semaphore, #tpu.memory_space<semaphore_mem>> -> memref<1x!tpu.dma_semaphore, #tpu.memory_space<semaphore_mem>>
    %dma_wait3A_2229 = tpu.memref_squeeze %dma_wait3A_2228 : memref<1x!tpu.dma_semaphore, #tpu.memory_space<semaphore_mem>> -> memref<!tpu.dma_semaphore, #tpu.memory_space<semaphore_mem>>
    tpu.wait_indirect_dma semaphore(%dma_wait3A_2229 : memref<!tpu.dma_semaphore, #tpu.memory_space<semaphore_mem>>) src(%dma_wait3A_2227 : memref<100000x128xf32, #tpu.memory_space<hbm>>) dst(%dma_wait3A_2221 : memref<128x128xf32, #tpu.memory_space<vmem>>)
    %scan3A_2230 = arith.constant 2 : i32
    %scan3A_2231 = arith.constant 2 : i32
    %scan3A_2232 = arith.constant 0 : i32
    %scan3A_2233 = arith.constant 64 : i32
    %scan3A_2234 = arith.addi %scan3A_2232, %scan3A_2233 : i32
    %scan3A_2235 = arith.constant 1 : i32
    %scan3A_2236:16 = scf.for %scan3A_2652 = %scan3A_2232 to %scan3A_2234 step %scan3A_2235 iter_args(%scan3A_2653 = %scan3A_1877#0, %scan3A_2654 = %scan3A_1877#1, %scan3A_2655 = %scan3A_1877#2, %scan3A_2656 = %scan3A_1877#3, %scan3A_2657 = %scan3A_1877#4, %scan3A_2658 = %scan3A_1877#5, %scan3A_2659 = %scan3A_1877#6, %scan3A_2660 = %scan3A_1877#7, %scan3A_2661 = %scan3A_1877#8, %scan3A_2662 = %scan3A_1877#9, %scan3A_2663 = %scan3A_1877#10, %scan3A_2664 = %scan3A_1877#11, %scan3A_2665 = %scan3A_1877#12, %scan3A_2666 = %scan3A_1877#13, %scan3A_2667 = %scan3A_1877#14, %scan3A_2668 = %scan3A_1877#15) -> (vector<16xf32>, vector<16xf32>, vector<16xf32>, vector<16xf32>, vector<16xf32>, vector<16xf32>, vector<16xf32>, vector<16xf32>, vector<16xf32>, vector<16xf32>, vector<16xf32>, vector<16xf32>, vector<16xf32>, vector<16xf32>, vector<16xf32>, vector<16xf32>)  : i32 {
      %mul3A_2669 = arith.constant 2 : i32
      %mul3A_2670 = arith.muli %mul3A_2669, %scan3A_2652 : i32
      %add3A_2671 = arith.constant 0 : i32
      %add3A_2672 = arith.addi %mul3A_2670, %add3A_2671 : i32
      %get3A_2673 = arith.constant 0 : i32
      %get3A_2674 = arith.constant 0 : i32
      %get3A_2675 = tpu.memref_slice %arg10[%scan3A_2230, %get3A_2673, %get3A_2674] : memref<3x128x128xf32, #tpu.memory_space<vmem>> -> memref<1x128x128xf32, #tpu.memory_space<vmem>>
      %get3A_2676 = tpu.memref_squeeze %get3A_2675 : memref<1x128x128xf32, #tpu.memory_space<vmem>> -> memref<128x128xf32, #tpu.memory_space<vmem>>
      %get3A_2677 = arith.index_cast %add3A_2672 : i32 to index
      %get3A_2678 = arith.constant 0 : index
      %get3A_2679 = tpu.vector_load %get3A_2676[%get3A_2677, %get3A_2678] {strides = array<i32>} : memref<128x128xf32, #tpu.memory_space<vmem>>, vector<16xf32>,
      %mul3A_2680 = arith.constant 2 : i32
      %mul3A_2681 = arith.muli %mul3A_2680, %scan3A_2652 : i32
      %add3A_2682 = arith.constant 0 : i32
      %add3A_2683 = arith.addi %mul3A_2681, %add3A_2682 : i32
      %get3A_2684 = arith.constant 0 : i32
      %get3A_2685 = arith.constant 0 : i32
      %get3A_2686 = tpu.memref_slice %arg11[%scan3A_2231, %get3A_2684, %get3A_2685] : memref<3x128x128xf32, #tpu.memory_space<vmem>> -> memref<1x128x128xf32, #tpu.memory_space<vmem>>
      %get3A_2687 = tpu.memref_squeeze %get3A_2686 : memref<1x128x128xf32, #tpu.memory_space<vmem>> -> memref<128x128xf32, #tpu.memory_space<vmem>>
      %get3A_2688 = arith.index_cast %add3A_2683 : i32 to index
      %get3A_2689 = arith.constant 0 : index
      %get3A_2690 = tpu.vector_load %get3A_2687[%get3A_2688, %get3A_2689] {strides = array<i32>} : memref<128x128xf32, #tpu.memory_space<vmem>>, vector<16xf32>,
      %mul3A_2691 = arith.mulf %get3A_2679, %get3A_2690 : vector<16xf32>
      %add3A_2692 = arith.addf %scan3A_2653, %mul3A_2691 : vector<16xf32>
      %mul3A_2693 = arith.constant 2 : i32
      %mul3A_2694 = arith.muli %mul3A_2693, %scan3A_2652 : i32
      %add3A_2695 = arith.constant 0 : i32
      %add3A_2696 = arith.addi %mul3A_2694, %add3A_2695 : i32
      %get3A_2697 = arith.constant 0 : i32
      %get3A_2698 = arith.constant 0 : i32
      %get3A_2699 = tpu.memref_slice %arg10[%scan3A_2230, %get3A_2697, %get3A_2698] : memref<3x128x128xf32, #tpu.memory_space<vmem>> -> memref<1x128x128xf32, #tpu.memory_space<vmem>>
      %get3A_2700 = tpu.memref_squeeze %get3A_2699 : memref<1x128x128xf32, #tpu.memory_space<vmem>> -> memref<128x128xf32, #tpu.memory_space<vmem>>
      %get3A_2701 = arith.index_cast %add3A_2696 : i32 to index
      %get3A_2702 = arith.constant 16 : index
      %get3A_2703 = tpu.vector_load %get3A_2700[%get3A_2701, %get3A_2702] {strides = array<i32>} : memref<128x128xf32, #tpu.memory_space<vmem>>, vector<16xf32>,
      %mul3A_2704 = arith.constant 2 : i32
      %mul3A_2705 = arith.muli %mul3A_2704, %scan3A_2652 : i32
      %add3A_2706 = arith.constant 0 : i32
      %add3A_2707 = arith.addi %mul3A_2705, %add3A_2706 : i32
      %get3A_2708 = arith.constant 0 : i32
      %get3A_2709 = arith.constant 0 : i32
      %get3A_2710 = tpu.memref_slice %arg11[%scan3A_2231, %get3A_2708, %get3A_2709] : memref<3x128x128xf32, #tpu.memory_space<vmem>> -> memref<1x128x128xf32, #tpu.memory_space<vmem>>
      %get3A_2711 = tpu.memref_squeeze %get3A_2710 : memref<1x128x128xf32, #tpu.memory_space<vmem>> -> memref<128x128xf32, #tpu.memory_space<vmem>>
      %get3A_2712 = arith.index_cast %add3A_2707 : i32 to index
      %get3A_2713 = arith.constant 16 : index
      %get3A_2714 = tpu.vector_load %get3A_2711[%get3A_2712, %get3A_2713] {strides = array<i32>} : memref<128x128xf32, #tpu.memory_space<vmem>>, vector<16xf32>,
      %mul3A_2715 = arith.mulf %get3A_2703, %get3A_2714 : vector<16xf32>
      %add3A_2716 = arith.addf %scan3A_2654, %mul3A_2715 : vector<16xf32>
      %mul3A_2717 = arith.constant 2 : i32
      %mul3A_2718 = arith.muli %mul3A_2717, %scan3A_2652 : i32
      %add3A_2719 = arith.constant 0 : i32
      %add3A_2720 = arith.addi %mul3A_2718, %add3A_2719 : i32
      %get3A_2721 = arith.constant 0 : i32
      %get3A_2722 = arith.constant 0 : i32
      %get3A_2723 = tpu.memref_slice %arg10[%scan3A_2230, %get3A_2721, %get3A_2722] : memref<3x128x128xf32, #tpu.memory_space<vmem>> -> memref<1x128x128xf32, #tpu.memory_space<vmem>>
      %get3A_2724 = tpu.memref_squeeze %get3A_2723 : memref<1x128x128xf32, #tpu.memory_space<vmem>> -> memref<128x128xf32, #tpu.memory_space<vmem>>
      %get3A_2725 = arith.index_cast %add3A_2720 : i32 to index
      %get3A_2726 = arith.constant 32 : index
      %get3A_2727 = tpu.vector_load %get3A_2724[%get3A_2725, %get3A_2726] {strides = array<i32>} : memref<128x128xf32, #tpu.memory_space<vmem>>, vector<16xf32>,
      %mul3A_2728 = arith.constant 2 : i32
      %mul3A_2729 = arith.muli %mul3A_2728, %scan3A_2652 : i32
      %add3A_2730 = arith.constant 0 : i32
      %add3A_2731 = arith.addi %mul3A_2729, %add3A_2730 : i32
      %get3A_2732 = arith.constant 0 : i32
      %get3A_2733 = arith.constant 0 : i32
      %get3A_2734 = tpu.memref_slice %arg11[%scan3A_2231, %get3A_2732, %get3A_2733] : memref<3x128x128xf32, #tpu.memory_space<vmem>> -> memref<1x128x128xf32, #tpu.memory_space<vmem>>
      %get3A_2735 = tpu.memref_squeeze %get3A_2734 : memref<1x128x128xf32, #tpu.memory_space<vmem>> -> memref<128x128xf32, #tpu.memory_space<vmem>>
      %get3A_2736 = arith.index_cast %add3A_2731 : i32 to index
      %get3A_2737 = arith.constant 32 : index
      %get3A_2738 = tpu.vector_load %get3A_2735[%get3A_2736, %get3A_2737] {strides = array<i32>} : memref<128x128xf32, #tpu.memory_space<vmem>>, vector<16xf32>,
      %mul3A_2739 = arith.mulf %get3A_2727, %get3A_2738 : vector<16xf32>
      %add3A_2740 = arith.addf %scan3A_2655, %mul3A_2739 : vector<16xf32>
      %mul3A_2741 = arith.constant 2 : i32
      %mul3A_2742 = arith.muli %mul3A_2741, %scan3A_2652 : i32
      %add3A_2743 = arith.constant 0 : i32
      %add3A_2744 = arith.addi %mul3A_2742, %add3A_2743 : i32
      %get3A_2745 = arith.constant 0 : i32
      %get3A_2746 = arith.constant 0 : i32
      %get3A_2747 = tpu.memref_slice %arg10[%scan3A_2230, %get3A_2745, %get3A_2746] : memref<3x128x128xf32, #tpu.memory_space<vmem>> -> memref<1x128x128xf32, #tpu.memory_space<vmem>>
      %get3A_2748 = tpu.memref_squeeze %get3A_2747 : memref<1x128x128xf32, #tpu.memory_space<vmem>> -> memref<128x128xf32, #tpu.memory_space<vmem>>
      %get3A_2749 = arith.index_cast %add3A_2744 : i32 to index
      %get3A_2750 = arith.constant 48 : index
      %get3A_2751 = tpu.vector_load %get3A_2748[%get3A_2749, %get3A_2750] {strides = array<i32>} : memref<128x128xf32, #tpu.memory_space<vmem>>, vector<16xf32>,
      %mul3A_2752 = arith.constant 2 : i32
      %mul3A_2753 = arith.muli %mul3A_2752, %scan3A_2652 : i32
      %add3A_2754 = arith.constant 0 : i32
      %add3A_2755 = arith.addi %mul3A_2753, %add3A_2754 : i32
      %get3A_2756 = arith.constant 0 : i32
      %get3A_2757 = arith.constant 0 : i32
      %get3A_2758 = tpu.memref_slice %arg11[%scan3A_2231, %get3A_2756, %get3A_2757] : memref<3x128x128xf32, #tpu.memory_space<vmem>> -> memref<1x128x128xf32, #tpu.memory_space<vmem>>
      %get3A_2759 = tpu.memref_squeeze %get3A_2758 : memref<1x128x128xf32, #tpu.memory_space<vmem>> -> memref<128x128xf32, #tpu.memory_space<vmem>>
      %get3A_2760 = arith.index_cast %add3A_2755 : i32 to index
      %get3A_2761 = arith.constant 48 : index
      %get3A_2762 = tpu.vector_load %get3A_2759[%get3A_2760, %get3A_2761] {strides = array<i32>} : memref<128x128xf32, #tpu.memory_space<vmem>>, vector<16xf32>,
      %mul3A_2763 = arith.mulf %get3A_2751, %get3A_2762 : vector<16xf32>
      %add3A_2764 = arith.addf %scan3A_2656, %mul3A_2763 : vector<16xf32>
      %mul3A_2765 = arith.constant 2 : i32
      %mul3A_2766 = arith.muli %mul3A_2765, %scan3A_2652 : i32
      %add3A_2767 = arith.constant 0 : i32
      %add3A_2768 = arith.addi %mul3A_2766, %add3A_2767 : i32
      %get3A_2769 = arith.constant 0 : i32
      %get3A_2770 = arith.constant 0 : i32
      %get3A_2771 = tpu.memref_slice %arg10[%scan3A_2230, %get3A_2769, %get3A_2770] : memref<3x128x128xf32, #tpu.memory_space<vmem>> -> memref<1x128x128xf32, #tpu.memory_space<vmem>>
      %get3A_2772 = tpu.memref_squeeze %get3A_2771 : memref<1x128x128xf32, #tpu.memory_space<vmem>> -> memref<128x128xf32, #tpu.memory_space<vmem>>
      %get3A_2773 = arith.index_cast %add3A_2768 : i32 to index
      %get3A_2774 = arith.constant 64 : index
      %get3A_2775 = tpu.vector_load %get3A_2772[%get3A_2773, %get3A_2774] {strides = array<i32>} : memref<128x128xf32, #tpu.memory_space<vmem>>, vector<16xf32>,
      %mul3A_2776 = arith.constant 2 : i32
      %mul3A_2777 = arith.muli %mul3A_2776, %scan3A_2652 : i32
      %add3A_2778 = arith.constant 0 : i32
      %add3A_2779 = arith.addi %mul3A_2777, %add3A_2778 : i32
      %get3A_2780 = arith.constant 0 : i32
      %get3A_2781 = arith.constant 0 : i32
      %get3A_2782 = tpu.memref_slice %arg11[%scan3A_2231, %get3A_2780, %get3A_2781] : memref<3x128x128xf32, #tpu.memory_space<vmem>> -> memref<1x128x128xf32, #tpu.memory_space<vmem>>
      %get3A_2783 = tpu.memref_squeeze %get3A_2782 : memref<1x128x128xf32, #tpu.memory_space<vmem>> -> memref<128x128xf32, #tpu.memory_space<vmem>>
      %get3A_2784 = arith.index_cast %add3A_2779 : i32 to index
      %get3A_2785 = arith.constant 64 : index
      %get3A_2786 = tpu.vector_load %get3A_2783[%get3A_2784, %get3A_2785] {strides = array<i32>} : memref<128x128xf32, #tpu.memory_space<vmem>>, vector<16xf32>,
      %mul3A_2787 = arith.mulf %get3A_2775, %get3A_2786 : vector<16xf32>
      %add3A_2788 = arith.addf %scan3A_2657, %mul3A_2787 : vector<16xf32>
      %mul3A_2789 = arith.constant 2 : i32
      %mul3A_2790 = arith.muli %mul3A_2789, %scan3A_2652 : i32
      %add3A_2791 = arith.constant 0 : i32
      %add3A_2792 = arith.addi %mul3A_2790, %add3A_2791 : i32
      %get3A_2793 = arith.constant 0 : i32
      %get3A_2794 = arith.constant 0 : i32
      %get3A_2795 = tpu.memref_slice %arg10[%scan3A_2230, %get3A_2793, %get3A_2794] : memref<3x128x128xf32, #tpu.memory_space<vmem>> -> memref<1x128x128xf32, #tpu.memory_space<vmem>>
      %get3A_2796 = tpu.memref_squeeze %get3A_2795 : memref<1x128x128xf32, #tpu.memory_space<vmem>> -> memref<128x128xf32, #tpu.memory_space<vmem>>
      %get3A_2797 = arith.index_cast %add3A_2792 : i32 to index
      %get3A_2798 = arith.constant 80 : index
      %get3A_2799 = tpu.vector_load %get3A_2796[%get3A_2797, %get3A_2798] {strides = array<i32>} : memref<128x128xf32, #tpu.memory_space<vmem>>, vector<16xf32>,
      %mul3A_2800 = arith.constant 2 : i32
      %mul3A_2801 = arith.muli %mul3A_2800, %scan3A_2652 : i32
      %add3A_2802 = arith.constant 0 : i32
      %add3A_2803 = arith.addi %mul3A_2801, %add3A_2802 : i32
      %get3A_2804 = arith.constant 0 : i32
      %get3A_2805 = arith.constant 0 : i32
      %get3A_2806 = tpu.memref_slice %arg11[%scan3A_2231, %get3A_2804, %get3A_2805] : memref<3x128x128xf32, #tpu.memory_space<vmem>> -> memref<1x128x128xf32, #tpu.memory_space<vmem>>
      %get3A_2807 = tpu.memref_squeeze %get3A_2806 : memref<1x128x128xf32, #tpu.memory_space<vmem>> -> memref<128x128xf32, #tpu.memory_space<vmem>>
      %get3A_2808 = arith.index_cast %add3A_2803 : i32 to index
      %get3A_2809 = arith.constant 80 : index
      %get3A_2810 = tpu.vector_load %get3A_2807[%get3A_2808, %get3A_2809] {strides = array<i32>} : memref<128x128xf32, #tpu.memory_space<vmem>>, vector<16xf32>,
      %mul3A_2811 = arith.mulf %get3A_2799, %get3A_2810 : vector<16xf32>
      %add3A_2812 = arith.addf %scan3A_2658, %mul3A_2811 : vector<16xf32>
      %mul3A_2813 = arith.constant 2 : i32
      %mul3A_2814 = arith.muli %mul3A_2813, %scan3A_2652 : i32
      %add3A_2815 = arith.constant 0 : i32
      %add3A_2816 = arith.addi %mul3A_2814, %add3A_2815 : i32
      %get3A_2817 = arith.constant 0 : i32
      %get3A_2818 = arith.constant 0 : i32
      %get3A_2819 = tpu.memref_slice %arg10[%scan3A_2230, %get3A_2817, %get3A_2818] : memref<3x128x128xf32, #tpu.memory_space<vmem>> -> memref<1x128x128xf32, #tpu.memory_space<vmem>>
      %get3A_2820 = tpu.memref_squeeze %get3A_2819 : memref<1x128x128xf32, #tpu.memory_space<vmem>> -> memref<128x128xf32, #tpu.memory_space<vmem>>
      %get3A_2821 = arith.index_cast %add3A_2816 : i32 to index
      %get3A_2822 = arith.constant 96 : index
      %get3A_2823 = tpu.vector_load %get3A_2820[%get3A_2821, %get3A_2822] {strides = array<i32>} : memref<128x128xf32, #tpu.memory_space<vmem>>, vector<16xf32>,
      %mul3A_2824 = arith.constant 2 : i32
      %mul3A_2825 = arith.muli %mul3A_2824, %scan3A_2652 : i32
      %add3A_2826 = arith.constant 0 : i32
      %add3A_2827 = arith.addi %mul3A_2825, %add3A_2826 : i32
      %get3A_2828 = arith.constant 0 : i32
      %get3A_2829 = arith.constant 0 : i32
      %get3A_2830 = tpu.memref_slice %arg11[%scan3A_2231, %get3A_2828, %get3A_2829] : memref<3x128x128xf32, #tpu.memory_space<vmem>> -> memref<1x128x128xf32, #tpu.memory_space<vmem>>
      %get3A_2831 = tpu.memref_squeeze %get3A_2830 : memref<1x128x128xf32, #tpu.memory_space<vmem>> -> memref<128x128xf32, #tpu.memory_space<vmem>>
      %get3A_2832 = arith.index_cast %add3A_2827 : i32 to index
      %get3A_2833 = arith.constant 96 : index
      %get3A_2834 = tpu.vector_load %get3A_2831[%get3A_2832, %get3A_2833] {strides = array<i32>} : memref<128x128xf32, #tpu.memory_space<vmem>>, vector<16xf32>,
      %mul3A_2835 = arith.mulf %get3A_2823, %get3A_2834 : vector<16xf32>
      %add3A_2836 = arith.addf %scan3A_2659, %mul3A_2835 : vector<16xf32>
      %mul3A_2837 = arith.constant 2 : i32
      %mul3A_2838 = arith.muli %mul3A_2837, %scan3A_2652 : i32
      %add3A_2839 = arith.constant 0 : i32
      %add3A_2840 = arith.addi %mul3A_2838, %add3A_2839 : i32
      %get3A_2841 = arith.constant 0 : i32
      %get3A_2842 = arith.constant 0 : i32
      %get3A_2843 = tpu.memref_slice %arg10[%scan3A_2230, %get3A_2841, %get3A_2842] : memref<3x128x128xf32, #tpu.memory_space<vmem>> -> memref<1x128x128xf32, #tpu.memory_space<vmem>>
      %get3A_2844 = tpu.memref_squeeze %get3A_2843 : memref<1x128x128xf32, #tpu.memory_space<vmem>> -> memref<128x128xf32, #tpu.memory_space<vmem>>
      %get3A_2845 = arith.index_cast %add3A_2840 : i32 to index
      %get3A_2846 = arith.constant 112 : index
      %get3A_2847 = tpu.vector_load %get3A_2844[%get3A_2845, %get3A_2846] {strides = array<i32>} : memref<128x128xf32, #tpu.memory_space<vmem>>, vector<16xf32>,
      %mul3A_2848 = arith.constant 2 : i32
      %mul3A_2849 = arith.muli %mul3A_2848, %scan3A_2652 : i32
      %add3A_2850 = arith.constant 0 : i32
      %add3A_2851 = arith.addi %mul3A_2849, %add3A_2850 : i32
      %get3A_2852 = arith.constant 0 : i32
      %get3A_2853 = arith.constant 0 : i32
      %get3A_2854 = tpu.memref_slice %arg11[%scan3A_2231, %get3A_2852, %get3A_2853] : memref<3x128x128xf32, #tpu.memory_space<vmem>> -> memref<1x128x128xf32, #tpu.memory_space<vmem>>
      %get3A_2855 = tpu.memref_squeeze %get3A_2854 : memref<1x128x128xf32, #tpu.memory_space<vmem>> -> memref<128x128xf32, #tpu.memory_space<vmem>>
      %get3A_2856 = arith.index_cast %add3A_2851 : i32 to index
      %get3A_2857 = arith.constant 112 : index
      %get3A_2858 = tpu.vector_load %get3A_2855[%get3A_2856, %get3A_2857] {strides = array<i32>} : memref<128x128xf32, #tpu.memory_space<vmem>>, vector<16xf32>,
      %mul3A_2859 = arith.mulf %get3A_2847, %get3A_2858 : vector<16xf32>
      %add3A_2860 = arith.addf %scan3A_2660, %mul3A_2859 : vector<16xf32>
      %mul3A_2861 = arith.constant 2 : i32
      %mul3A_2862 = arith.muli %mul3A_2861, %scan3A_2652 : i32
      %add3A_2863 = arith.constant 1 : i32
      %add3A_2864 = arith.addi %mul3A_2862, %add3A_2863 : i32
      %get3A_2865 = arith.constant 0 : i32
      %get3A_2866 = arith.constant 0 : i32
      %get3A_2867 = tpu.memref_slice %arg10[%scan3A_2230, %get3A_2865, %get3A_2866] : memref<3x128x128xf32, #tpu.memory_space<vmem>> -> memref<1x128x128xf32, #tpu.memory_space<vmem>>
      %get3A_2868 = tpu.memref_squeeze %get3A_2867 : memref<1x128x128xf32, #tpu.memory_space<vmem>> -> memref<128x128xf32, #tpu.memory_space<vmem>>
      %get3A_2869 = arith.index_cast %add3A_2864 : i32 to index
      %get3A_2870 = arith.constant 0 : index
      %get3A_2871 = tpu.vector_load %get3A_2868[%get3A_2869, %get3A_2870] {strides = array<i32>} : memref<128x128xf32, #tpu.memory_space<vmem>>, vector<16xf32>,
      %mul3A_2872 = arith.constant 2 : i32
      %mul3A_2873 = arith.muli %mul3A_2872, %scan3A_2652 : i32
      %add3A_2874 = arith.constant 1 : i32
      %add3A_2875 = arith.addi %mul3A_2873, %add3A_2874 : i32
      %get3A_2876 = arith.constant 0 : i32
      %get3A_2877 = arith.constant 0 : i32
      %get3A_2878 = tpu.memref_slice %arg11[%scan3A_2231, %get3A_2876, %get3A_2877] : memref<3x128x128xf32, #tpu.memory_space<vmem>> -> memref<1x128x128xf32, #tpu.memory_space<vmem>>
      %get3A_2879 = tpu.memref_squeeze %get3A_2878 : memref<1x128x128xf32, #tpu.memory_space<vmem>> -> memref<128x128xf32, #tpu.memory_space<vmem>>
      %get3A_2880 = arith.index_cast %add3A_2875 : i32 to index
      %get3A_2881 = arith.constant 0 : index
      %get3A_2882 = tpu.vector_load %get3A_2879[%get3A_2880, %get3A_2881] {strides = array<i32>} : memref<128x128xf32, #tpu.memory_space<vmem>>, vector<16xf32>,
      %mul3A_2883 = arith.mulf %get3A_2871, %get3A_2882 : vector<16xf32>
      %add3A_2884 = arith.addf %scan3A_2661, %mul3A_2883 : vector<16xf32>
      %mul3A_2885 = arith.constant 2 : i32
      %mul3A_2886 = arith.muli %mul3A_2885, %scan3A_2652 : i32
      %add3A_2887 = arith.constant 1 : i32
      %add3A_2888 = arith.addi %mul3A_2886, %add3A_2887 : i32
      %get3A_2889 = arith.constant 0 : i32
      %get3A_2890 = arith.constant 0 : i32
      %get3A_2891 = tpu.memref_slice %arg10[%scan3A_2230, %get3A_2889, %get3A_2890] : memref<3x128x128xf32, #tpu.memory_space<vmem>> -> memref<1x128x128xf32, #tpu.memory_space<vmem>>
      %get3A_2892 = tpu.memref_squeeze %get3A_2891 : memref<1x128x128xf32, #tpu.memory_space<vmem>> -> memref<128x128xf32, #tpu.memory_space<vmem>>
      %get3A_2893 = arith.index_cast %add3A_2888 : i32 to index
      %get3A_2894 = arith.constant 16 : index
      %get3A_2895 = tpu.vector_load %get3A_2892[%get3A_2893, %get3A_2894] {strides = array<i32>} : memref<128x128xf32, #tpu.memory_space<vmem>>, vector<16xf32>,
      %mul3A_2896 = arith.constant 2 : i32
      %mul3A_2897 = arith.muli %mul3A_2896, %scan3A_2652 : i32
      %add3A_2898 = arith.constant 1 : i32
      %add3A_2899 = arith.addi %mul3A_2897, %add3A_2898 : i32
      %get3A_2900 = arith.constant 0 : i32
      %get3A_2901 = arith.constant 0 : i32
      %get3A_2902 = tpu.memref_slice %arg11[%scan3A_2231, %get3A_2900, %get3A_2901] : memref<3x128x128xf32, #tpu.memory_space<vmem>> -> memref<1x128x128xf32, #tpu.memory_space<vmem>>
      %get3A_2903 = tpu.memref_squeeze %get3A_2902 : memref<1x128x128xf32, #tpu.memory_space<vmem>> -> memref<128x128xf32, #tpu.memory_space<vmem>>
      %get3A_2904 = arith.index_cast %add3A_2899 : i32 to index
      %get3A_2905 = arith.constant 16 : index
      %get3A_2906 = tpu.vector_load %get3A_2903[%get3A_2904, %get3A_2905] {strides = array<i32>} : memref<128x128xf32, #tpu.memory_space<vmem>>, vector<16xf32>,
      %mul3A_2907 = arith.mulf %get3A_2895, %get3A_2906 : vector<16xf32>
      %add3A_2908 = arith.addf %scan3A_2662, %mul3A_2907 : vector<16xf32>
      %mul3A_2909 = arith.constant 2 : i32
      %mul3A_2910 = arith.muli %mul3A_2909, %scan3A_2652 : i32
      %add3A_2911 = arith.constant 1 : i32
      %add3A_2912 = arith.addi %mul3A_2910, %add3A_2911 : i32
      %get3A_2913 = arith.constant 0 : i32
      %get3A_2914 = arith.constant 0 : i32
      %get3A_2915 = tpu.memref_slice %arg10[%scan3A_2230, %get3A_2913, %get3A_2914] : memref<3x128x128xf32, #tpu.memory_space<vmem>> -> memref<1x128x128xf32, #tpu.memory_space<vmem>>
      %get3A_2916 = tpu.memref_squeeze %get3A_2915 : memref<1x128x128xf32, #tpu.memory_space<vmem>> -> memref<128x128xf32, #tpu.memory_space<vmem>>
      %get3A_2917 = arith.index_cast %add3A_2912 : i32 to index
      %get3A_2918 = arith.constant 32 : index
      %get3A_2919 = tpu.vector_load %get3A_2916[%get3A_2917, %get3A_2918] {strides = array<i32>} : memref<128x128xf32, #tpu.memory_space<vmem>>, vector<16xf32>,
      %mul3A_2920 = arith.constant 2 : i32
      %mul3A_2921 = arith.muli %mul3A_2920, %scan3A_2652 : i32
      %add3A_2922 = arith.constant 1 : i32
      %add3A_2923 = arith.addi %mul3A_2921, %add3A_2922 : i32
      %get3A_2924 = arith.constant 0 : i32
      %get3A_2925 = arith.constant 0 : i32
      %get3A_2926 = tpu.memref_slice %arg11[%scan3A_2231, %get3A_2924, %get3A_2925] : memref<3x128x128xf32, #tpu.memory_space<vmem>> -> memref<1x128x128xf32, #tpu.memory_space<vmem>>
      %get3A_2927 = tpu.memref_squeeze %get3A_2926 : memref<1x128x128xf32, #tpu.memory_space<vmem>> -> memref<128x128xf32, #tpu.memory_space<vmem>>
      %get3A_2928 = arith.index_cast %add3A_2923 : i32 to index
      %get3A_2929 = arith.constant 32 : index
      %get3A_2930 = tpu.vector_load %get3A_2927[%get3A_2928, %get3A_2929] {strides = array<i32>} : memref<128x128xf32, #tpu.memory_space<vmem>>, vector<16xf32>,
      %mul3A_2931 = arith.mulf %get3A_2919, %get3A_2930 : vector<16xf32>
      %add3A_2932 = arith.addf %scan3A_2663, %mul3A_2931 : vector<16xf32>
      %mul3A_2933 = arith.constant 2 : i32
      %mul3A_2934 = arith.muli %mul3A_2933, %scan3A_2652 : i32
      %add3A_2935 = arith.constant 1 : i32
      %add3A_2936 = arith.addi %mul3A_2934, %add3A_2935 : i32
      %get3A_2937 = arith.constant 0 : i32
      %get3A_2938 = arith.constant 0 : i32
      %get3A_2939 = tpu.memref_slice %arg10[%scan3A_2230, %get3A_2937, %get3A_2938] : memref<3x128x128xf32, #tpu.memory_space<vmem>> -> memref<1x128x128xf32, #tpu.memory_space<vmem>>
      %get3A_2940 = tpu.memref_squeeze %get3A_2939 : memref<1x128x128xf32, #tpu.memory_space<vmem>> -> memref<128x128xf32, #tpu.memory_space<vmem>>
      %get3A_2941 = arith.index_cast %add3A_2936 : i32 to index
      %get3A_2942 = arith.constant 48 : index
      %get3A_2943 = tpu.vector_load %get3A_2940[%get3A_2941, %get3A_2942] {strides = array<i32>} : memref<128x128xf32, #tpu.memory_space<vmem>>, vector<16xf32>,
      %mul3A_2944 = arith.constant 2 : i32
      %mul3A_2945 = arith.muli %mul3A_2944, %scan3A_2652 : i32
      %add3A_2946 = arith.constant 1 : i32
      %add3A_2947 = arith.addi %mul3A_2945, %add3A_2946 : i32
      %get3A_2948 = arith.constant 0 : i32
      %get3A_2949 = arith.constant 0 : i32
      %get3A_2950 = tpu.memref_slice %arg11[%scan3A_2231, %get3A_2948, %get3A_2949] : memref<3x128x128xf32, #tpu.memory_space<vmem>> -> memref<1x128x128xf32, #tpu.memory_space<vmem>>
      %get3A_2951 = tpu.memref_squeeze %get3A_2950 : memref<1x128x128xf32, #tpu.memory_space<vmem>> -> memref<128x128xf32, #tpu.memory_space<vmem>>
      %get3A_2952 = arith.index_cast %add3A_2947 : i32 to index
      %get3A_2953 = arith.constant 48 : index
      %get3A_2954 = tpu.vector_load %get3A_2951[%get3A_2952, %get3A_2953] {strides = array<i32>} : memref<128x128xf32, #tpu.memory_space<vmem>>, vector<16xf32>,
      %mul3A_2955 = arith.mulf %get3A_2943, %get3A_2954 : vector<16xf32>
      %add3A_2956 = arith.addf %scan3A_2664, %mul3A_2955 : vector<16xf32>
      %mul3A_2957 = arith.constant 2 : i32
      %mul3A_2958 = arith.muli %mul3A_2957, %scan3A_2652 : i32
      %add3A_2959 = arith.constant 1 : i32
      %add3A_2960 = arith.addi %mul3A_2958, %add3A_2959 : i32
      %get3A_2961 = arith.constant 0 : i32
      %get3A_2962 = arith.constant 0 : i32
      %get3A_2963 = tpu.memref_slice %arg10[%scan3A_2230, %get3A_2961, %get3A_2962] : memref<3x128x128xf32, #tpu.memory_space<vmem>> -> memref<1x128x128xf32, #tpu.memory_space<vmem>>
      %get3A_2964 = tpu.memref_squeeze %get3A_2963 : memref<1x128x128xf32, #tpu.memory_space<vmem>> -> memref<128x128xf32, #tpu.memory_space<vmem>>
      %get3A_2965 = arith.index_cast %add3A_2960 : i32 to index
      %get3A_2966 = arith.constant 64 : index
      %get3A_2967 = tpu.vector_load %get3A_2964[%get3A_2965, %get3A_2966] {strides = array<i32>} : memref<128x128xf32, #tpu.memory_space<vmem>>, vector<16xf32>,
      %mul3A_2968 = arith.constant 2 : i32
      %mul3A_2969 = arith.muli %mul3A_2968, %scan3A_2652 : i32
      %add3A_2970 = arith.constant 1 : i32
      %add3A_2971 = arith.addi %mul3A_2969, %add3A_2970 : i32
      %get3A_2972 = arith.constant 0 : i32
      %get3A_2973 = arith.constant 0 : i32
      %get3A_2974 = tpu.memref_slice %arg11[%scan3A_2231, %get3A_2972, %get3A_2973] : memref<3x128x128xf32, #tpu.memory_space<vmem>> -> memref<1x128x128xf32, #tpu.memory_space<vmem>>
      %get3A_2975 = tpu.memref_squeeze %get3A_2974 : memref<1x128x128xf32, #tpu.memory_space<vmem>> -> memref<128x128xf32, #tpu.memory_space<vmem>>
      %get3A_2976 = arith.index_cast %add3A_2971 : i32 to index
      %get3A_2977 = arith.constant 64 : index
      %get3A_2978 = tpu.vector_load %get3A_2975[%get3A_2976, %get3A_2977] {strides = array<i32>} : memref<128x128xf32, #tpu.memory_space<vmem>>, vector<16xf32>,
      %mul3A_2979 = arith.mulf %get3A_2967, %get3A_2978 : vector<16xf32>
      %add3A_2980 = arith.addf %scan3A_2665, %mul3A_2979 : vector<16xf32>
      %mul3A_2981 = arith.constant 2 : i32
      %mul3A_2982 = arith.muli %mul3A_2981, %scan3A_2652 : i32
      %add3A_2983 = arith.constant 1 : i32
      %add3A_2984 = arith.addi %mul3A_2982, %add3A_2983 : i32
      %get3A_2985 = arith.constant 0 : i32
      %get3A_2986 = arith.constant 0 : i32
      %get3A_2987 = tpu.memref_slice %arg10[%scan3A_2230, %get3A_2985, %get3A_2986] : memref<3x128x128xf32, #tpu.memory_space<vmem>> -> memref<1x128x128xf32, #tpu.memory_space<vmem>>
      %get3A_2988 = tpu.memref_squeeze %get3A_2987 : memref<1x128x128xf32, #tpu.memory_space<vmem>> -> memref<128x128xf32, #tpu.memory_space<vmem>>
      %get3A_2989 = arith.index_cast %add3A_2984 : i32 to index
      %get3A_2990 = arith.constant 80 : index
      %get3A_2991 = tpu.vector_load %get3A_2988[%get3A_2989, %get3A_2990] {strides = array<i32>} : memref<128x128xf32, #tpu.memory_space<vmem>>, vector<16xf32>,
      %mul3A_2992 = arith.constant 2 : i32
      %mul3A_2993 = arith.muli %mul3A_2992, %scan3A_2652 : i32
      %add3A_2994 = arith.constant 1 : i32
      %add3A_2995 = arith.addi %mul3A_2993, %add3A_2994 : i32
      %get3A_2996 = arith.constant 0 : i32
      %get3A_2997 = arith.constant 0 : i32
      %get3A_2998 = tpu.memref_slice %arg11[%scan3A_2231, %get3A_2996, %get3A_2997] : memref<3x128x128xf32, #tpu.memory_space<vmem>> -> memref<1x128x128xf32, #tpu.memory_space<vmem>>
      %get3A_2999 = tpu.memref_squeeze %get3A_2998 : memref<1x128x128xf32, #tpu.memory_space<vmem>> -> memref<128x128xf32, #tpu.memory_space<vmem>>
      %get3A_3000 = arith.index_cast %add3A_2995 : i32 to index
      %get3A_3001 = arith.constant 80 : index
      %get3A_3002 = tpu.vector_load %get3A_2999[%get3A_3000, %get3A_3001] {strides = array<i32>} : memref<128x128xf32, #tpu.memory_space<vmem>>, vector<16xf32>,
      %mul3A_3003 = arith.mulf %get3A_2991, %get3A_3002 : vector<16xf32>
      %add3A_3004 = arith.addf %scan3A_2666, %mul3A_3003 : vector<16xf32>
      %mul3A_3005 = arith.constant 2 : i32
      %mul3A_3006 = arith.muli %mul3A_3005, %scan3A_2652 : i32
      %add3A_3007 = arith.constant 1 : i32
      %add3A_3008 = arith.addi %mul3A_3006, %add3A_3007 : i32
      %get3A_3009 = arith.constant 0 : i32
      %get3A_3010 = arith.constant 0 : i32
      %get3A_3011 = tpu.memref_slice %arg10[%scan3A_2230, %get3A_3009, %get3A_3010] : memref<3x128x128xf32, #tpu.memory_space<vmem>> -> memref<1x128x128xf32, #tpu.memory_space<vmem>>
      %get3A_3012 = tpu.memref_squeeze %get3A_3011 : memref<1x128x128xf32, #tpu.memory_space<vmem>> -> memref<128x128xf32, #tpu.memory_space<vmem>>
      %get3A_3013 = arith.index_cast %add3A_3008 : i32 to index
      %get3A_3014 = arith.constant 96 : index
      %get3A_3015 = tpu.vector_load %get3A_3012[%get3A_3013, %get3A_3014] {strides = array<i32>} : memref<128x128xf32, #tpu.memory_space<vmem>>, vector<16xf32>,
      %mul3A_3016 = arith.constant 2 : i32
      %mul3A_3017 = arith.muli %mul3A_3016, %scan3A_2652 : i32
      %add3A_3018 = arith.constant 1 : i32
      %add3A_3019 = arith.addi %mul3A_3017, %add3A_3018 : i32
      %get3A_3020 = arith.constant 0 : i32
      %get3A_3021 = arith.constant 0 : i32
      %get3A_3022 = tpu.memref_slice %arg11[%scan3A_2231, %get3A_3020, %get3A_3021] : memref<3x128x128xf32, #tpu.memory_space<vmem>> -> memref<1x128x128xf32, #tpu.memory_space<vmem>>
      %get3A_3023 = tpu.memref_squeeze %get3A_3022 : memref<1x128x128xf32, #tpu.memory_space<vmem>> -> memref<128x128xf32, #tpu.memory_space<vmem>>
      %get3A_3024 = arith.index_cast %add3A_3019 : i32 to index
      %get3A_3025 = arith.constant 96 : index
      %get3A_3026 = tpu.vector_load %get3A_3023[%get3A_3024, %get3A_3025] {strides = array<i32>} : memref<128x128xf32, #tpu.memory_space<vmem>>, vector<16xf32>,
      %mul3A_3027 = arith.mulf %get3A_3015, %get3A_3026 : vector<16xf32>
      %add3A_3028 = arith.addf %scan3A_2667, %mul3A_3027 : vector<16xf32>
      %mul3A_3029 = arith.constant 2 : i32
      %mul3A_3030 = arith.muli %mul3A_3029, %scan3A_2652 : i32
      %add3A_3031 = arith.constant 1 : i32
      %add3A_3032 = arith.addi %mul3A_3030, %add3A_3031 : i32
      %get3A_3033 = arith.constant 0 : i32
      %get3A_3034 = arith.constant 0 : i32
      %get3A_3035 = tpu.memref_slice %arg10[%scan3A_2230, %get3A_3033, %get3A_3034] : memref<3x128x128xf32, #tpu.memory_space<vmem>> -> memref<1x128x128xf32, #tpu.memory_space<vmem>>
      %get3A_3036 = tpu.memref_squeeze %get3A_3035 : memref<1x128x128xf32, #tpu.memory_space<vmem>> -> memref<128x128xf32, #tpu.memory_space<vmem>>
      %get3A_3037 = arith.index_cast %add3A_3032 : i32 to index
      %get3A_3038 = arith.constant 112 : index
      %get3A_3039 = tpu.vector_load %get3A_3036[%get3A_3037, %get3A_3038] {strides = array<i32>} : memref<128x128xf32, #tpu.memory_space<vmem>>, vector<16xf32>,
      %mul3A_3040 = arith.constant 2 : i32
      %mul3A_3041 = arith.muli %mul3A_3040, %scan3A_2652 : i32
      %add3A_3042 = arith.constant 1 : i32
      %add3A_3043 = arith.addi %mul3A_3041, %add3A_3042 : i32
      %get3A_3044 = arith.constant 0 : i32
      %get3A_3045 = arith.constant 0 : i32
      %get3A_3046 = tpu.memref_slice %arg11[%scan3A_2231, %get3A_3044, %get3A_3045] : memref<3x128x128xf32, #tpu.memory_space<vmem>> -> memref<1x128x128xf32, #tpu.memory_space<vmem>>
      %get3A_3047 = tpu.memref_squeeze %get3A_3046 : memref<1x128x128xf32, #tpu.memory_space<vmem>> -> memref<128x128xf32, #tpu.memory_space<vmem>>
      %get3A_3048 = arith.index_cast %add3A_3043 : i32 to index
      %get3A_3049 = arith.constant 112 : index
      %get3A_3050 = tpu.vector_load %get3A_3047[%get3A_3048, %get3A_3049] {strides = array<i32>} : memref<128x128xf32, #tpu.memory_space<vmem>>, vector<16xf32>,
      %mul3A_3051 = arith.mulf %get3A_3039, %get3A_3050 : vector<16xf32>
      %add3A_3052 = arith.addf %scan3A_2668, %mul3A_3051 : vector<16xf32>
      scf.yield %add3A_2692, %add3A_2716, %add3A_2740, %add3A_2764, %add3A_2788, %add3A_2812, %add3A_2836, %add3A_2860, %add3A_2884, %add3A_2908, %add3A_2932, %add3A_2956, %add3A_2980, %add3A_3004, %add3A_3028, %add3A_3052 : vector<16xf32>, vector<16xf32>, vector<16xf32>, vector<16xf32>, vector<16xf32>, vector<16xf32>, vector<16xf32>, vector<16xf32>, vector<16xf32>, vector<16xf32>, vector<16xf32>, vector<16xf32>, vector<16xf32>, vector<16xf32>, vector<16xf32>, vector<16xf32>
    }
    %scan3A_2237 = arith.constant 64 : i32
    %dma_wait3A_2238 = arith.constant 3 : i32
    %dma_wait3A_2239 = arith.constant 0 : i32
    %dma_wait3A_2240 = arith.constant 0 : i32
    %dma_wait3A_2241 = arith.constant 0 : i32
    %dma_wait3A_2242 = arith.constant 0 : i32
    %dma_wait3A_2243 = tpu.memref_slice %arg12[%dma_wait3A_2239, %dma_wait3A_2241, %dma_wait3A_2242] : memref<3x128x8xf32, #tpu.memory_space<vmem>> -> memref<1x128x8xf32, #tpu.memory_space<vmem>>
    %dma_wait3A_2244 = tpu.memref_squeeze %dma_wait3A_2243 : memref<1x128x8xf32, #tpu.memory_space<vmem>> -> memref<128x8xf32, #tpu.memory_space<vmem>>
    %dma_wait3A_2245 = arith.constant 0 : i32
    %dma_wait3A_2246 = tpu.memref_slice %arg9[%dma_wait3A_2238, %dma_wait3A_2245] : memref<8x128xi32, #tpu.memory_space<vmem>> -> memref<1x128xi32, #tpu.memory_space<vmem>>
    %dma_wait3A_2247 = tpu.memref_squeeze %dma_wait3A_2246 : memref<1x128xi32, #tpu.memory_space<vmem>> -> memref<128xi32, #tpu.memory_space<vmem>>
    %dma_wait3A_2248 = arith.constant 0 : i32
    %dma_wait3A_2249 = arith.constant 0 : i32
    %dma_wait3A_2250 = tpu.memref_slice %arg5[%dma_wait3A_2248, %dma_wait3A_2249] : memref<25000x8xf32, #tpu.memory_space<hbm>> -> memref<25000x8xf32, #tpu.memory_space<hbm>>
    %dma_wait3A_2251 = tpu.memref_slice %arg17[%dma_wait3A_2240] : memref<3x!tpu.dma_semaphore, #tpu.memory_space<semaphore_mem>> -> memref<1x!tpu.dma_semaphore, #tpu.memory_space<semaphore_mem>>
    %dma_wait3A_2252 = tpu.memref_squeeze %dma_wait3A_2251 : memref<1x!tpu.dma_semaphore, #tpu.memory_space<semaphore_mem>> -> memref<!tpu.dma_semaphore, #tpu.memory_space<semaphore_mem>>
    tpu.wait_indirect_dma semaphore(%dma_wait3A_2252 : memref<!tpu.dma_semaphore, #tpu.memory_space<semaphore_mem>>) src(%dma_wait3A_2250 : memref<25000x8xf32, #tpu.memory_space<hbm>>) dst(%dma_wait3A_2244 : memref<128x8xf32, #tpu.memory_space<vmem>>)
    %dma_wait3A_2253 = arith.constant 7 : i32
    %dma_wait3A_2254 = arith.constant 0 : i32
    %dma_wait3A_2255 = arith.constant 0 : i32
    %dma_wait3A_2256 = arith.constant 0 : i32
    %dma_wait3A_2257 = arith.constant 0 : i32
    %dma_wait3A_2258 = tpu.memref_slice %arg13[%dma_wait3A_2254, %dma_wait3A_2256, %dma_wait3A_2257] : memref<3x128x8xf32, #tpu.memory_space<vmem>> -> memref<1x128x8xf32, #tpu.memory_space<vmem>>
    %dma_wait3A_2259 = tpu.memref_squeeze %dma_wait3A_2258 : memref<1x128x8xf32, #tpu.memory_space<vmem>> -> memref<128x8xf32, #tpu.memory_space<vmem>>
    %dma_wait3A_2260 = arith.constant 0 : i32
    %dma_wait3A_2261 = tpu.memref_slice %arg9[%dma_wait3A_2253, %dma_wait3A_2260] : memref<8x128xi32, #tpu.memory_space<vmem>> -> memref<1x128xi32, #tpu.memory_space<vmem>>
    %dma_wait3A_2262 = tpu.memref_squeeze %dma_wait3A_2261 : memref<1x128xi32, #tpu.memory_space<vmem>> -> memref<128xi32, #tpu.memory_space<vmem>>
    %dma_wait3A_2263 = arith.constant 0 : i32
    %dma_wait3A_2264 = arith.constant 0 : i32
    %dma_wait3A_2265 = tpu.memref_slice %arg5[%dma_wait3A_2263, %dma_wait3A_2264] : memref<25000x8xf32, #tpu.memory_space<hbm>> -> memref<25000x8xf32, #tpu.memory_space<hbm>>
    %dma_wait3A_2266 = tpu.memref_slice %arg17[%dma_wait3A_2255] : memref<3x!tpu.dma_semaphore, #tpu.memory_space<semaphore_mem>> -> memref<1x!tpu.dma_semaphore, #tpu.memory_space<semaphore_mem>>
    %dma_wait3A_2267 = tpu.memref_squeeze %dma_wait3A_2266 : memref<1x!tpu.dma_semaphore, #tpu.memory_space<semaphore_mem>> -> memref<!tpu.dma_semaphore, #tpu.memory_space<semaphore_mem>>
    tpu.wait_indirect_dma semaphore(%dma_wait3A_2267 : memref<!tpu.dma_semaphore, #tpu.memory_space<semaphore_mem>>) src(%dma_wait3A_2265 : memref<25000x8xf32, #tpu.memory_space<hbm>>) dst(%dma_wait3A_2259 : memref<128x8xf32, #tpu.memory_space<vmem>>)
    %iota3A_2268 = tpu.iota {dimensions = array<i32: 0>} : vector<16xi32>
    %add3A_2269 = arith.constant 0 : i32
    %add3A_2270 = vector.broadcast %add3A_2269 : i32 to vector<16xi32>
    %add3A_2271 = arith.addi %iota3A_2268, %add3A_2270 : vector<16xi32>
    %get3A_2272 = arith.constant 3 : i32
    %get3A_2273 = arith.index_cast %get3A_2272 : i32 to index
    %get3A_2274 = arith.constant 0 : index
    %get3A_2275 = tpu.vector_load %arg8[%get3A_2273, %get3A_2274] {strides = array<i32>} : memref<8x128xi32, #tpu.memory_space<vmem>>, vector<16xi32>,
    %get3A_2276 = arith.constant 7 : i32
    %get3A_2277 = arith.index_cast %get3A_2276 : i32 to index
    %get3A_2278 = arith.constant 0 : index
    %get3A_2279 = tpu.vector_load %arg8[%get3A_2277, %get3A_2278] {strides = array<i32>} : memref<8x128xi32, #tpu.memory_space<vmem>>, vector<16xi32>,
    %and3A_2280 = arith.constant 7 : i32
    %and3A_2281 = vector.broadcast %and3A_2280 : i32 to vector<16xi32>
    %and3A_2282 = arith.andi %get3A_2275, %and3A_2281 : vector<16xi32>
    %gather3A_2283 = arith.constant 0 : i32
    %gather3A_2284 = arith.constant 0 : i32
    %gather3A_2285 = arith.constant 0 : i32
    %gather3A_2286 = tpu.memref_slice %arg12[%gather3A_2283, %gather3A_2284, %gather3A_2285] : memref<3x128x8xf32, #tpu.memory_space<vmem>> -> memref<1x128x8xf32, #tpu.memory_space<vmem>>
    %gather3A_2287 = tpu.memref_squeeze %gather3A_2286 : memref<1x128x8xf32, #tpu.memory_space<vmem>> -> memref<128x8xf32, #tpu.memory_space<vmem>>
    %gather3A_2288 = tpu.vector_load_idx %gather3A_2287[%add3A_2271, %and3A_2282] : memref<128x8xf32, #tpu.memory_space<vmem>>[vector<16xi32>, vector<16xi32>], vector<16xf32>,
    %and3A_2289 = arith.constant 7 : i32
    %and3A_2290 = vector.broadcast %and3A_2289 : i32 to vector<16xi32>
    %and3A_2291 = arith.andi %get3A_2279, %and3A_2290 : vector<16xi32>
    %gather3A_2292 = arith.constant 0 : i32
    %gather3A_2293 = arith.constant 0 : i32
    %gather3A_2294 = arith.constant 0 : i32
    %gather3A_2295 = tpu.memref_slice %arg13[%gather3A_2292, %gather3A_2293, %gather3A_2294] : memref<3x128x8xf32, #tpu.memory_space<vmem>> -> memref<1x128x8xf32, #tpu.memory_space<vmem>>
    %gather3A_2296 = tpu.memref_squeeze %gather3A_2295 : memref<1x128x8xf32, #tpu.memory_space<vmem>> -> memref<128x8xf32, #tpu.memory_space<vmem>>
    %gather3A_2297 = tpu.vector_load_idx %gather3A_2296[%add3A_2271, %and3A_2291] : memref<128x8xf32, #tpu.memory_space<vmem>>[vector<16xi32>, vector<16xi32>], vector<16xf32>,
    %add3A_2298 = arith.addf %gather3A_2288, %gather3A_2297 : vector<16xf32>
    %swap3A_2299 = arith.constant 0 : i32
    %swap3A_2300 = arith.index_cast %swap3A_2299 : i32 to index
    %swap3A_2301 = arith.constant 0 : index
    %swap3A_2302 = tpu.vector_load %arg14[%swap3A_2300, %swap3A_2301] {strides = array<i32>} : memref<3x128xf32, #tpu.memory_space<vmem>>, vector<16xf32>,
    tpu.vector_store %arg14[%swap3A_2300, %swap3A_2301], %add3A_2298 {strides = array<i32>} : memref<3x128xf32, #tpu.memory_space<vmem>>, vector<16xf32>,
    %iota3A_2303 = tpu.iota {dimensions = array<i32: 0>} : vector<16xi32>
    %add3A_2304 = arith.constant 16 : i32
    %add3A_2305 = vector.broadcast %add3A_2304 : i32 to vector<16xi32>
    %add3A_2306 = arith.addi %iota3A_2303, %add3A_2305 : vector<16xi32>
    %get3A_2307 = arith.constant 3 : i32
    %get3A_2308 = arith.index_cast %get3A_2307 : i32 to index
    %get3A_2309 = arith.constant 16 : index
    %get3A_2310 = tpu.vector_load %arg8[%get3A_2308, %get3A_2309] {strides = array<i32>} : memref<8x128xi32, #tpu.memory_space<vmem>>, vector<16xi32>,
    %get3A_2311 = arith.constant 7 : i32
    %get3A_2312 = arith.index_cast %get3A_2311 : i32 to index
    %get3A_2313 = arith.constant 16 : index
    %get3A_2314 = tpu.vector_load %arg8[%get3A_2312, %get3A_2313] {strides = array<i32>} : memref<8x128xi32, #tpu.memory_space<vmem>>, vector<16xi32>,
    %and3A_2315 = arith.constant 7 : i32
    %and3A_2316 = vector.broadcast %and3A_2315 : i32 to vector<16xi32>
    %and3A_2317 = arith.andi %get3A_2310, %and3A_2316 : vector<16xi32>
    %gather3A_2318 = arith.constant 0 : i32
    %gather3A_2319 = arith.constant 0 : i32
    %gather3A_2320 = arith.constant 0 : i32
    %gather3A_2321 = tpu.memref_slice %arg12[%gather3A_2318, %gather3A_2319, %gather3A_2320] : memref<3x128x8xf32, #tpu.memory_space<vmem>> -> memref<1x128x8xf32, #tpu.memory_space<vmem>>
    %gather3A_2322 = tpu.memref_squeeze %gather3A_2321 : memref<1x128x8xf32, #tpu.memory_space<vmem>> -> memref<128x8xf32, #tpu.memory_space<vmem>>
    %gather3A_2323 = tpu.vector_load_idx %gather3A_2322[%add3A_2306, %and3A_2317] : memref<128x8xf32, #tpu.memory_space<vmem>>[vector<16xi32>, vector<16xi32>], vector<16xf32>,
    %and3A_2324 = arith.constant 7 : i32
    %and3A_2325 = vector.broadcast %and3A_2324 : i32 to vector<16xi32>
    %and3A_2326 = arith.andi %get3A_2314, %and3A_2325 : vector<16xi32>
    %gather3A_2327 = arith.constant 0 : i32
    %gather3A_2328 = arith.constant 0 : i32
    %gather3A_2329 = arith.constant 0 : i32
    %gather3A_2330 = tpu.memref_slice %arg13[%gather3A_2327, %gather3A_2328, %gather3A_2329] : memref<3x128x8xf32, #tpu.memory_space<vmem>> -> memref<1x128x8xf32, #tpu.memory_space<vmem>>
    %gather3A_2331 = tpu.memref_squeeze %gather3A_2330 : memref<1x128x8xf32, #tpu.memory_space<vmem>> -> memref<128x8xf32, #tpu.memory_space<vmem>>
    %gather3A_2332 = tpu.vector_load_idx %gather3A_2331[%add3A_2306, %and3A_2326] : memref<128x8xf32, #tpu.memory_space<vmem>>[vector<16xi32>, vector<16xi32>], vector<16xf32>,
    %add3A_2333 = arith.addf %gather3A_2323, %gather3A_2332 : vector<16xf32>
    %swap3A_2334 = arith.constant 0 : i32
    %swap3A_2335 = arith.index_cast %swap3A_2334 : i32 to index
    %swap3A_2336 = arith.constant 16 : index
    %swap3A_2337 = tpu.vector_load %arg14[%swap3A_2335, %swap3A_2336] {strides = array<i32>} : memref<3x128xf32, #tpu.memory_space<vmem>>, vector<16xf32>,
    tpu.vector_store %arg14[%swap3A_2335, %swap3A_2336], %add3A_2333 {strides = array<i32>} : memref<3x128xf32, #tpu.memory_space<vmem>>, vector<16xf32>,
    %iota3A_2338 = tpu.iota {dimensions = array<i32: 0>} : vector<16xi32>
    %add3A_2339 = arith.constant 32 : i32
    %add3A_2340 = vector.broadcast %add3A_2339 : i32 to vector<16xi32>
    %add3A_2341 = arith.addi %iota3A_2338, %add3A_2340 : vector<16xi32>
    %get3A_2342 = arith.constant 3 : i32
    %get3A_2343 = arith.index_cast %get3A_2342 : i32 to index
    %get3A_2344 = arith.constant 32 : index
    %get3A_2345 = tpu.vector_load %arg8[%get3A_2343, %get3A_2344] {strides = array<i32>} : memref<8x128xi32, #tpu.memory_space<vmem>>, vector<16xi32>,
    %get3A_2346 = arith.constant 7 : i32
    %get3A_2347 = arith.index_cast %get3A_2346 : i32 to index
    %get3A_2348 = arith.constant 32 : index
    %get3A_2349 = tpu.vector_load %arg8[%get3A_2347, %get3A_2348] {strides = array<i32>} : memref<8x128xi32, #tpu.memory_space<vmem>>, vector<16xi32>,
    %and3A_2350 = arith.constant 7 : i32
    %and3A_2351 = vector.broadcast %and3A_2350 : i32 to vector<16xi32>
    %and3A_2352 = arith.andi %get3A_2345, %and3A_2351 : vector<16xi32>
    %gather3A_2353 = arith.constant 0 : i32
    %gather3A_2354 = arith.constant 0 : i32
    %gather3A_2355 = arith.constant 0 : i32
    %gather3A_2356 = tpu.memref_slice %arg12[%gather3A_2353, %gather3A_2354, %gather3A_2355] : memref<3x128x8xf32, #tpu.memory_space<vmem>> -> memref<1x128x8xf32, #tpu.memory_space<vmem>>
    %gather3A_2357 = tpu.memref_squeeze %gather3A_2356 : memref<1x128x8xf32, #tpu.memory_space<vmem>> -> memref<128x8xf32, #tpu.memory_space<vmem>>
    %gather3A_2358 = tpu.vector_load_idx %gather3A_2357[%add3A_2341, %and3A_2352] : memref<128x8xf32, #tpu.memory_space<vmem>>[vector<16xi32>, vector<16xi32>], vector<16xf32>,
    %and3A_2359 = arith.constant 7 : i32
    %and3A_2360 = vector.broadcast %and3A_2359 : i32 to vector<16xi32>
    %and3A_2361 = arith.andi %get3A_2349, %and3A_2360 : vector<16xi32>
    %gather3A_2362 = arith.constant 0 : i32
    %gather3A_2363 = arith.constant 0 : i32
    %gather3A_2364 = arith.constant 0 : i32
    %gather3A_2365 = tpu.memref_slice %arg13[%gather3A_2362, %gather3A_2363, %gather3A_2364] : memref<3x128x8xf32, #tpu.memory_space<vmem>> -> memref<1x128x8xf32, #tpu.memory_space<vmem>>
    %gather3A_2366 = tpu.memref_squeeze %gather3A_2365 : memref<1x128x8xf32, #tpu.memory_space<vmem>> -> memref<128x8xf32, #tpu.memory_space<vmem>>
    %gather3A_2367 = tpu.vector_load_idx %gather3A_2366[%add3A_2341, %and3A_2361] : memref<128x8xf32, #tpu.memory_space<vmem>>[vector<16xi32>, vector<16xi32>], vector<16xf32>,
    %add3A_2368 = arith.addf %gather3A_2358, %gather3A_2367 : vector<16xf32>
    %swap3A_2369 = arith.constant 0 : i32
    %swap3A_2370 = arith.index_cast %swap3A_2369 : i32 to index
    %swap3A_2371 = arith.constant 32 : index
    %swap3A_2372 = tpu.vector_load %arg14[%swap3A_2370, %swap3A_2371] {strides = array<i32>} : memref<3x128xf32, #tpu.memory_space<vmem>>, vector<16xf32>,
    tpu.vector_store %arg14[%swap3A_2370, %swap3A_2371], %add3A_2368 {strides = array<i32>} : memref<3x128xf32, #tpu.memory_space<vmem>>, vector<16xf32>,
    %iota3A_2373 = tpu.iota {dimensions = array<i32: 0>} : vector<16xi32>
    %add3A_2374 = arith.constant 48 : i32
    %add3A_2375 = vector.broadcast %add3A_2374 : i32 to vector<16xi32>
    %add3A_2376 = arith.addi %iota3A_2373, %add3A_2375 : vector<16xi32>
    %get3A_2377 = arith.constant 3 : i32
    %get3A_2378 = arith.index_cast %get3A_2377 : i32 to index
    %get3A_2379 = arith.constant 48 : index
    %get3A_2380 = tpu.vector_load %arg8[%get3A_2378, %get3A_2379] {strides = array<i32>} : memref<8x128xi32, #tpu.memory_space<vmem>>, vector<16xi32>,
    %get3A_2381 = arith.constant 7 : i32
    %get3A_2382 = arith.index_cast %get3A_2381 : i32 to index
    %get3A_2383 = arith.constant 48 : index
    %get3A_2384 = tpu.vector_load %arg8[%get3A_2382, %get3A_2383] {strides = array<i32>} : memref<8x128xi32, #tpu.memory_space<vmem>>, vector<16xi32>,
    %and3A_2385 = arith.constant 7 : i32
    %and3A_2386 = vector.broadcast %and3A_2385 : i32 to vector<16xi32>
    %and3A_2387 = arith.andi %get3A_2380, %and3A_2386 : vector<16xi32>
    %gather3A_2388 = arith.constant 0 : i32
    %gather3A_2389 = arith.constant 0 : i32
    %gather3A_2390 = arith.constant 0 : i32
    %gather3A_2391 = tpu.memref_slice %arg12[%gather3A_2388, %gather3A_2389, %gather3A_2390] : memref<3x128x8xf32, #tpu.memory_space<vmem>> -> memref<1x128x8xf32, #tpu.memory_space<vmem>>
    %gather3A_2392 = tpu.memref_squeeze %gather3A_2391 : memref<1x128x8xf32, #tpu.memory_space<vmem>> -> memref<128x8xf32, #tpu.memory_space<vmem>>
    %gather3A_2393 = tpu.vector_load_idx %gather3A_2392[%add3A_2376, %and3A_2387] : memref<128x8xf32, #tpu.memory_space<vmem>>[vector<16xi32>, vector<16xi32>], vector<16xf32>,
    %and3A_2394 = arith.constant 7 : i32
    %and3A_2395 = vector.broadcast %and3A_2394 : i32 to vector<16xi32>
    %and3A_2396 = arith.andi %get3A_2384, %and3A_2395 : vector<16xi32>
    %gather3A_2397 = arith.constant 0 : i32
    %gather3A_2398 = arith.constant 0 : i32
    %gather3A_2399 = arith.constant 0 : i32
    %gather3A_2400 = tpu.memref_slice %arg13[%gather3A_2397, %gather3A_2398, %gather3A_2399] : memref<3x128x8xf32, #tpu.memory_space<vmem>> -> memref<1x128x8xf32, #tpu.memory_space<vmem>>
    %gather3A_2401 = tpu.memref_squeeze %gather3A_2400 : memref<1x128x8xf32, #tpu.memory_space<vmem>> -> memref<128x8xf32, #tpu.memory_space<vmem>>
    %gather3A_2402 = tpu.vector_load_idx %gather3A_2401[%add3A_2376, %and3A_2396] : memref<128x8xf32, #tpu.memory_space<vmem>>[vector<16xi32>, vector<16xi32>], vector<16xf32>,
    %add3A_2403 = arith.addf %gather3A_2393, %gather3A_2402 : vector<16xf32>
    %swap3A_2404 = arith.constant 0 : i32
    %swap3A_2405 = arith.index_cast %swap3A_2404 : i32 to index
    %swap3A_2406 = arith.constant 48 : index
    %swap3A_2407 = tpu.vector_load %arg14[%swap3A_2405, %swap3A_2406] {strides = array<i32>} : memref<3x128xf32, #tpu.memory_space<vmem>>, vector<16xf32>,
    tpu.vector_store %arg14[%swap3A_2405, %swap3A_2406], %add3A_2403 {strides = array<i32>} : memref<3x128xf32, #tpu.memory_space<vmem>>, vector<16xf32>,
    %iota3A_2408 = tpu.iota {dimensions = array<i32: 0>} : vector<16xi32>
    %add3A_2409 = arith.constant 64 : i32
    %add3A_2410 = vector.broadcast %add3A_2409 : i32 to vector<16xi32>
    %add3A_2411 = arith.addi %iota3A_2408, %add3A_2410 : vector<16xi32>
    %get3A_2412 = arith.constant 3 : i32
    %get3A_2413 = arith.index_cast %get3A_2412 : i32 to index
    %get3A_2414 = arith.constant 64 : index
    %get3A_2415 = tpu.vector_load %arg8[%get3A_2413, %get3A_2414] {strides = array<i32>} : memref<8x128xi32, #tpu.memory_space<vmem>>, vector<16xi32>,
    %get3A_2416 = arith.constant 7 : i32
    %get3A_2417 = arith.index_cast %get3A_2416 : i32 to index
    %get3A_2418 = arith.constant 64 : index
    %get3A_2419 = tpu.vector_load %arg8[%get3A_2417, %get3A_2418] {strides = array<i32>} : memref<8x128xi32, #tpu.memory_space<vmem>>, vector<16xi32>,
    %and3A_2420 = arith.constant 7 : i32
    %and3A_2421 = vector.broadcast %and3A_2420 : i32 to vector<16xi32>
    %and3A_2422 = arith.andi %get3A_2415, %and3A_2421 : vector<16xi32>
    %gather3A_2423 = arith.constant 0 : i32
    %gather3A_2424 = arith.constant 0 : i32
    %gather3A_2425 = arith.constant 0 : i32
    %gather3A_2426 = tpu.memref_slice %arg12[%gather3A_2423, %gather3A_2424, %gather3A_2425] : memref<3x128x8xf32, #tpu.memory_space<vmem>> -> memref<1x128x8xf32, #tpu.memory_space<vmem>>
    %gather3A_2427 = tpu.memref_squeeze %gather3A_2426 : memref<1x128x8xf32, #tpu.memory_space<vmem>> -> memref<128x8xf32, #tpu.memory_space<vmem>>
    %gather3A_2428 = tpu.vector_load_idx %gather3A_2427[%add3A_2411, %and3A_2422] : memref<128x8xf32, #tpu.memory_space<vmem>>[vector<16xi32>, vector<16xi32>], vector<16xf32>,
    %and3A_2429 = arith.constant 7 : i32
    %and3A_2430 = vector.broadcast %and3A_2429 : i32 to vector<16xi32>
    %and3A_2431 = arith.andi %get3A_2419, %and3A_2430 : vector<16xi32>
    %gather3A_2432 = arith.constant 0 : i32
    %gather3A_2433 = arith.constant 0 : i32
    %gather3A_2434 = arith.constant 0 : i32
    %gather3A_2435 = tpu.memref_slice %arg13[%gather3A_2432, %gather3A_2433, %gather3A_2434] : memref<3x128x8xf32, #tpu.memory_space<vmem>> -> memref<1x128x8xf32, #tpu.memory_space<vmem>>
    %gather3A_2436 = tpu.memref_squeeze %gather3A_2435 : memref<1x128x8xf32, #tpu.memory_space<vmem>> -> memref<128x8xf32, #tpu.memory_space<vmem>>
    %gather3A_2437 = tpu.vector_load_idx %gather3A_2436[%add3A_2411, %and3A_2431] : memref<128x8xf32, #tpu.memory_space<vmem>>[vector<16xi32>, vector<16xi32>], vector<16xf32>,
    %add3A_2438 = arith.addf %gather3A_2428, %gather3A_2437 : vector<16xf32>
    %swap3A_2439 = arith.constant 0 : i32
    %swap3A_2440 = arith.index_cast %swap3A_2439 : i32 to index
    %swap3A_2441 = arith.constant 64 : index
    %swap3A_2442 = tpu.vector_load %arg14[%swap3A_2440, %swap3A_2441] {strides = array<i32>} : memref<3x128xf32, #tpu.memory_space<vmem>>, vector<16xf32>,
    tpu.vector_store %arg14[%swap3A_2440, %swap3A_2441], %add3A_2438 {strides = array<i32>} : memref<3x128xf32, #tpu.memory_space<vmem>>, vector<16xf32>,
    %iota3A_2443 = tpu.iota {dimensions = array<i32: 0>} : vector<16xi32>
    %add3A_2444 = arith.constant 80 : i32
    %add3A_2445 = vector.broadcast %add3A_2444 : i32 to vector<16xi32>
    %add3A_2446 = arith.addi %iota3A_2443, %add3A_2445 : vector<16xi32>
    %get3A_2447 = arith.constant 3 : i32
    %get3A_2448 = arith.index_cast %get3A_2447 : i32 to index
    %get3A_2449 = arith.constant 80 : index
    %get3A_2450 = tpu.vector_load %arg8[%get3A_2448, %get3A_2449] {strides = array<i32>} : memref<8x128xi32, #tpu.memory_space<vmem>>, vector<16xi32>,
    %get3A_2451 = arith.constant 7 : i32
    %get3A_2452 = arith.index_cast %get3A_2451 : i32 to index
    %get3A_2453 = arith.constant 80 : index
    %get3A_2454 = tpu.vector_load %arg8[%get3A_2452, %get3A_2453] {strides = array<i32>} : memref<8x128xi32, #tpu.memory_space<vmem>>, vector<16xi32>,
    %and3A_2455 = arith.constant 7 : i32
    %and3A_2456 = vector.broadcast %and3A_2455 : i32 to vector<16xi32>
    %and3A_2457 = arith.andi %get3A_2450, %and3A_2456 : vector<16xi32>
    %gather3A_2458 = arith.constant 0 : i32
    %gather3A_2459 = arith.constant 0 : i32
    %gather3A_2460 = arith.constant 0 : i32
    %gather3A_2461 = tpu.memref_slice %arg12[%gather3A_2458, %gather3A_2459, %gather3A_2460] : memref<3x128x8xf32, #tpu.memory_space<vmem>> -> memref<1x128x8xf32, #tpu.memory_space<vmem>>
    %gather3A_2462 = tpu.memref_squeeze %gather3A_2461 : memref<1x128x8xf32, #tpu.memory_space<vmem>> -> memref<128x8xf32, #tpu.memory_space<vmem>>
    %gather3A_2463 = tpu.vector_load_idx %gather3A_2462[%add3A_2446, %and3A_2457] : memref<128x8xf32, #tpu.memory_space<vmem>>[vector<16xi32>, vector<16xi32>], vector<16xf32>,
    %and3A_2464 = arith.constant 7 : i32
    %and3A_2465 = vector.broadcast %and3A_2464 : i32 to vector<16xi32>
    %and3A_2466 = arith.andi %get3A_2454, %and3A_2465 : vector<16xi32>
    %gather3A_2467 = arith.constant 0 : i32
    %gather3A_2468 = arith.constant 0 : i32
    %gather3A_2469 = arith.constant 0 : i32
    %gather3A_2470 = tpu.memref_slice %arg13[%gather3A_2467, %gather3A_2468, %gather3A_2469] : memref<3x128x8xf32, #tpu.memory_space<vmem>> -> memref<1x128x8xf32, #tpu.memory_space<vmem>>
    %gather3A_2471 = tpu.memref_squeeze %gather3A_2470 : memref<1x128x8xf32, #tpu.memory_space<vmem>> -> memref<128x8xf32, #tpu.memory_space<vmem>>
    %gather3A_2472 = tpu.vector_load_idx %gather3A_2471[%add3A_2446, %and3A_2466] : memref<128x8xf32, #tpu.memory_space<vmem>>[vector<16xi32>, vector<16xi32>], vector<16xf32>,
    %add3A_2473 = arith.addf %gather3A_2463, %gather3A_2472 : vector<16xf32>
    %swap3A_2474 = arith.constant 0 : i32
    %swap3A_2475 = arith.index_cast %swap3A_2474 : i32 to index
    %swap3A_2476 = arith.constant 80 : index
    %swap3A_2477 = tpu.vector_load %arg14[%swap3A_2475, %swap3A_2476] {strides = array<i32>} : memref<3x128xf32, #tpu.memory_space<vmem>>, vector<16xf32>,
    tpu.vector_store %arg14[%swap3A_2475, %swap3A_2476], %add3A_2473 {strides = array<i32>} : memref<3x128xf32, #tpu.memory_space<vmem>>, vector<16xf32>,
    %iota3A_2478 = tpu.iota {dimensions = array<i32: 0>} : vector<16xi32>
    %add3A_2479 = arith.constant 96 : i32
    %add3A_2480 = vector.broadcast %add3A_2479 : i32 to vector<16xi32>
    %add3A_2481 = arith.addi %iota3A_2478, %add3A_2480 : vector<16xi32>
    %get3A_2482 = arith.constant 3 : i32
    %get3A_2483 = arith.index_cast %get3A_2482 : i32 to index
    %get3A_2484 = arith.constant 96 : index
    %get3A_2485 = tpu.vector_load %arg8[%get3A_2483, %get3A_2484] {strides = array<i32>} : memref<8x128xi32, #tpu.memory_space<vmem>>, vector<16xi32>,
    %get3A_2486 = arith.constant 7 : i32
    %get3A_2487 = arith.index_cast %get3A_2486 : i32 to index
    %get3A_2488 = arith.constant 96 : index
    %get3A_2489 = tpu.vector_load %arg8[%get3A_2487, %get3A_2488] {strides = array<i32>} : memref<8x128xi32, #tpu.memory_space<vmem>>, vector<16xi32>,
    %and3A_2490 = arith.constant 7 : i32
    %and3A_2491 = vector.broadcast %and3A_2490 : i32 to vector<16xi32>
    %and3A_2492 = arith.andi %get3A_2485, %and3A_2491 : vector<16xi32>
    %gather3A_2493 = arith.constant 0 : i32
    %gather3A_2494 = arith.constant 0 : i32
    %gather3A_2495 = arith.constant 0 : i32
    %gather3A_2496 = tpu.memref_slice %arg12[%gather3A_2493, %gather3A_2494, %gather3A_2495] : memref<3x128x8xf32, #tpu.memory_space<vmem>> -> memref<1x128x8xf32, #tpu.memory_space<vmem>>
    %gather3A_2497 = tpu.memref_squeeze %gather3A_2496 : memref<1x128x8xf32, #tpu.memory_space<vmem>> -> memref<128x8xf32, #tpu.memory_space<vmem>>
    %gather3A_2498 = tpu.vector_load_idx %gather3A_2497[%add3A_2481, %and3A_2492] : memref<128x8xf32, #tpu.memory_space<vmem>>[vector<16xi32>, vector<16xi32>], vector<16xf32>,
    %and3A_2499 = arith.constant 7 : i32
    %and3A_2500 = vector.broadcast %and3A_2499 : i32 to vector<16xi32>
    %and3A_2501 = arith.andi %get3A_2489, %and3A_2500 : vector<16xi32>
    %gather3A_2502 = arith.constant 0 : i32
    %gather3A_2503 = arith.constant 0 : i32
    %gather3A_2504 = arith.constant 0 : i32
    %gather3A_2505 = tpu.memref_slice %arg13[%gather3A_2502, %gather3A_2503, %gather3A_2504] : memref<3x128x8xf32, #tpu.memory_space<vmem>> -> memref<1x128x8xf32, #tpu.memory_space<vmem>>
    %gather3A_2506 = tpu.memref_squeeze %gather3A_2505 : memref<1x128x8xf32, #tpu.memory_space<vmem>> -> memref<128x8xf32, #tpu.memory_space<vmem>>
    %gather3A_2507 = tpu.vector_load_idx %gather3A_2506[%add3A_2481, %and3A_2501] : memref<128x8xf32, #tpu.memory_space<vmem>>[vector<16xi32>, vector<16xi32>], vector<16xf32>,
    %add3A_2508 = arith.addf %gather3A_2498, %gather3A_2507 : vector<16xf32>
    %swap3A_2509 = arith.constant 0 : i32
    %swap3A_2510 = arith.index_cast %swap3A_2509 : i32 to index
    %swap3A_2511 = arith.constant 96 : index
    %swap3A_2512 = tpu.vector_load %arg14[%swap3A_2510, %swap3A_2511] {strides = array<i32>} : memref<3x128xf32, #tpu.memory_space<vmem>>, vector<16xf32>,
    tpu.vector_store %arg14[%swap3A_2510, %swap3A_2511], %add3A_2508 {strides = array<i32>} : memref<3x128xf32, #tpu.memory_space<vmem>>, vector<16xf32>,
    %iota3A_2513 = tpu.iota {dimensions = array<i32: 0>} : vector<16xi32>
    %add3A_2514 = arith.constant 112 : i32
    %add3A_2515 = vector.broadcast %add3A_2514 : i32 to vector<16xi32>
    %add3A_2516 = arith.addi %iota3A_2513, %add3A_2515 : vector<16xi32>
    %get3A_2517 = arith.constant 3 : i32
    %get3A_2518 = arith.index_cast %get3A_2517 : i32 to index
    %get3A_2519 = arith.constant 112 : index
    %get3A_2520 = tpu.vector_load %arg8[%get3A_2518, %get3A_2519] {strides = array<i32>} : memref<8x128xi32, #tpu.memory_space<vmem>>, vector<16xi32>,
    %get3A_2521 = arith.constant 7 : i32
    %get3A_2522 = arith.index_cast %get3A_2521 : i32 to index
    %get3A_2523 = arith.constant 112 : index
    %get3A_2524 = tpu.vector_load %arg8[%get3A_2522, %get3A_2523] {strides = array<i32>} : memref<8x128xi32, #tpu.memory_space<vmem>>, vector<16xi32>,
    %and3A_2525 = arith.constant 7 : i32
    %and3A_2526 = vector.broadcast %and3A_2525 : i32 to vector<16xi32>
    %and3A_2527 = arith.andi %get3A_2520, %and3A_2526 : vector<16xi32>
    %gather3A_2528 = arith.constant 0 : i32
    %gather3A_2529 = arith.constant 0 : i32
    %gather3A_2530 = arith.constant 0 : i32
    %gather3A_2531 = tpu.memref_slice %arg12[%gather3A_2528, %gather3A_2529, %gather3A_2530] : memref<3x128x8xf32, #tpu.memory_space<vmem>> -> memref<1x128x8xf32, #tpu.memory_space<vmem>>
    %gather3A_2532 = tpu.memref_squeeze %gather3A_2531 : memref<1x128x8xf32, #tpu.memory_space<vmem>> -> memref<128x8xf32, #tpu.memory_space<vmem>>
    %gather3A_2533 = tpu.vector_load_idx %gather3A_2532[%add3A_2516, %and3A_2527] : memref<128x8xf32, #tpu.memory_space<vmem>>[vector<16xi32>, vector<16xi32>], vector<16xf32>,
    %and3A_2534 = arith.constant 7 : i32
    %and3A_2535 = vector.broadcast %and3A_2534 : i32 to vector<16xi32>
    %and3A_2536 = arith.andi %get3A_2524, %and3A_2535 : vector<16xi32>
    %gather3A_2537 = arith.constant 0 : i32
    %gather3A_2538 = arith.constant 0 : i32
    %gather3A_2539 = arith.constant 0 : i32
    %gather3A_2540 = tpu.memref_slice %arg13[%gather3A_2537, %gather3A_2538, %gather3A_2539] : memref<3x128x8xf32, #tpu.memory_space<vmem>> -> memref<1x128x8xf32, #tpu.memory_space<vmem>>
    %gather3A_2541 = tpu.memref_squeeze %gather3A_2540 : memref<1x128x8xf32, #tpu.memory_space<vmem>> -> memref<128x8xf32, #tpu.memory_space<vmem>>
    %gather3A_2542 = tpu.vector_load_idx %gather3A_2541[%add3A_2516, %and3A_2536] : memref<128x8xf32, #tpu.memory_space<vmem>>[vector<16xi32>, vector<16xi32>], vector<16xf32>,
    %add3A_2543 = arith.addf %gather3A_2533, %gather3A_2542 : vector<16xf32>
    %swap3A_2544 = arith.constant 0 : i32
    %swap3A_2545 = arith.index_cast %swap3A_2544 : i32 to index
    %swap3A_2546 = arith.constant 112 : index
    %swap3A_2547 = tpu.vector_load %arg14[%swap3A_2545, %swap3A_2546] {strides = array<i32>} : memref<3x128xf32, #tpu.memory_space<vmem>>, vector<16xf32>,
    tpu.vector_store %arg14[%swap3A_2545, %swap3A_2546], %add3A_2543 {strides = array<i32>} : memref<3x128xf32, #tpu.memory_space<vmem>>, vector<16xf32>,
    %add3A_2548 = arith.constant 384 : i32
    %add3A_2549 = arith.addi %mul3A_2, %add3A_2548 : i32
    %dma_start3A_2550 = arith.constant 0 : i32
    %dma_start3A_2551 = arith.constant 0 : i32
    %dma_start3A_2552 = tpu.memref_slice %arg14[%dma_start3A_2550, %dma_start3A_2551] : memref<3x128xf32, #tpu.memory_space<vmem>> -> memref<1x128xf32, #tpu.memory_space<vmem>>
    %dma_start3A_2553 = tpu.memref_squeeze %dma_start3A_2552 : memref<1x128xf32, #tpu.memory_space<vmem>> -> memref<128xf32, #tpu.memory_space<vmem>>
    %dma_start3A_2554 = tpu.memref_slice %arg7[%add3A_2549] : memref<16384xf32, #tpu.memory_space<hbm>> -> memref<128xf32, #tpu.memory_space<hbm>>
    %dma_start3A_2555 = tpu.memref_slice %arg7[%add3A_2549] : memref<16384xf32, #tpu.memory_space<hbm>> -> memref<128xf32, #tpu.memory_space<hbm>>
    %dma_start3A_2556 = arith.constant 0 : i32
    %dma_start3A_2557 = tpu.memref_slice %arg14[%dma_start3A_2550, %dma_start3A_2556] : memref<3x128xf32, #tpu.memory_space<vmem>> -> memref<1x128xf32, #tpu.memory_space<vmem>>
    %dma_start3A_2558 = tpu.memref_squeeze %dma_start3A_2557 : memref<1x128xf32, #tpu.memory_space<vmem>> -> memref<128xf32, #tpu.memory_space<vmem>>
    tpu.enqueue_dma source(%dma_start3A_2558 : memref<128xf32, #tpu.memory_space<vmem>>) target(%dma_start3A_2555 : memref<128xf32, #tpu.memory_space<hbm>>) target_semaphore(%arg18 : memref<!tpu.dma_semaphore, #tpu.memory_space<semaphore_mem>>)
    %dma_wait3A_2559 = arith.constant 3 : i32
    %dma_wait3A_2560 = arith.constant 0 : i32
    %dma_wait3A_2561 = arith.constant 0 : i32
    %dma_wait3A_2562 = arith.constant 0 : i32
    %dma_wait3A_2563 = arith.constant 0 : i32
    %dma_wait3A_2564 = tpu.memref_slice %arg10[%dma_wait3A_2560, %dma_wait3A_2562, %dma_wait3A_2563] : memref<3x128x128xf32, #tpu.memory_space<vmem>> -> memref<1x128x128xf32, #tpu.memory_space<vmem>>
    %dma_wait3A_2565 = tpu.memref_squeeze %dma_wait3A_2564 : memref<1x128x128xf32, #tpu.memory_space<vmem>> -> memref<128x128xf32, #tpu.memory_space<vmem>>
    %dma_wait3A_2566 = arith.constant 0 : i32
    %dma_wait3A_2567 = tpu.memref_slice %arg8[%dma_wait3A_2559, %dma_wait3A_2566] : memref<8x128xi32, #tpu.memory_space<vmem>> -> memref<1x128xi32, #tpu.memory_space<vmem>>
    %dma_wait3A_2568 = tpu.memref_squeeze %dma_wait3A_2567 : memref<1x128xi32, #tpu.memory_space<vmem>> -> memref<128xi32, #tpu.memory_space<vmem>>
    %dma_wait3A_2569 = arith.constant 0 : i32
    %dma_wait3A_2570 = arith.constant 0 : i32
    %dma_wait3A_2571 = tpu.memref_slice %arg3[%dma_wait3A_2569, %dma_wait3A_2570] : memref<100000x128xf32, #tpu.memory_space<hbm>> -> memref<100000x128xf32, #tpu.memory_space<hbm>>
    %dma_wait3A_2572 = tpu.memref_slice %arg16[%dma_wait3A_2561] : memref<3x!tpu.dma_semaphore, #tpu.memory_space<semaphore_mem>> -> memref<1x!tpu.dma_semaphore, #tpu.memory_space<semaphore_mem>>
    %dma_wait3A_2573 = tpu.memref_squeeze %dma_wait3A_2572 : memref<1x!tpu.dma_semaphore, #tpu.memory_space<semaphore_mem>> -> memref<!tpu.dma_semaphore, #tpu.memory_space<semaphore_mem>>
    tpu.wait_indirect_dma semaphore(%dma_wait3A_2573 : memref<!tpu.dma_semaphore, #tpu.memory_space<semaphore_mem>>) src(%dma_wait3A_2571 : memref<100000x128xf32, #tpu.memory_space<hbm>>) dst(%dma_wait3A_2565 : memref<128x128xf32, #tpu.memory_space<vmem>>)
    %dma_wait3A_2574 = arith.constant 7 : i32
    %dma_wait3A_2575 = arith.constant 0 : i32
    %dma_wait3A_2576 = arith.constant 0 : i32
    %dma_wait3A_2577 = arith.constant 0 : i32
    %dma_wait3A_2578 = arith.constant 0 : i32
    %dma_wait3A_2579 = tpu.memref_slice %arg11[%dma_wait3A_2575, %dma_wait3A_2577, %dma_wait3A_2578] : memref<3x128x128xf32, #tpu.memory_space<vmem>> -> memref<1x128x128xf32, #tpu.memory_space<vmem>>
    %dma_wait3A_2580 = tpu.memref_squeeze %dma_wait3A_2579 : memref<1x128x128xf32, #tpu.memory_space<vmem>> -> memref<128x128xf32, #tpu.memory_space<vmem>>
    %dma_wait3A_2581 = arith.constant 0 : i32
    %dma_wait3A_2582 = tpu.memref_slice %arg8[%dma_wait3A_2574, %dma_wait3A_2581] : memref<8x128xi32, #tpu.memory_space<vmem>> -> memref<1x128xi32, #tpu.memory_space<vmem>>
    %dma_wait3A_2583 = tpu.memref_squeeze %dma_wait3A_2582 : memref<1x128xi32, #tpu.memory_space<vmem>> -> memref<128xi32, #tpu.memory_space<vmem>>
    %dma_wait3A_2584 = arith.constant 0 : i32
    %dma_wait3A_2585 = arith.constant 0 : i32
    %dma_wait3A_2586 = tpu.memref_slice %arg4[%dma_wait3A_2584, %dma_wait3A_2585] : memref<100000x128xf32, #tpu.memory_space<hbm>> -> memref<100000x128xf32, #tpu.memory_space<hbm>>
    %dma_wait3A_2587 = tpu.memref_slice %arg16[%dma_wait3A_2576] : memref<3x!tpu.dma_semaphore, #tpu.memory_space<semaphore_mem>> -> memref<1x!tpu.dma_semaphore, #tpu.memory_space<semaphore_mem>>
    %dma_wait3A_2588 = tpu.memref_squeeze %dma_wait3A_2587 : memref<1x!tpu.dma_semaphore, #tpu.memory_space<semaphore_mem>> -> memref<!tpu.dma_semaphore, #tpu.memory_space<semaphore_mem>>
    tpu.wait_indirect_dma semaphore(%dma_wait3A_2588 : memref<!tpu.dma_semaphore, #tpu.memory_space<semaphore_mem>>) src(%dma_wait3A_2586 : memref<100000x128xf32, #tpu.memory_space<hbm>>) dst(%dma_wait3A_2580 : memref<128x128xf32, #tpu.memory_space<vmem>>)
    %scan3A_2589 = arith.constant 0 : i32
    %scan3A_2590 = arith.constant 0 : i32
    %scan3A_2591 = arith.constant 0 : i32
    %scan3A_2592 = arith.constant 64 : i32
    %scan3A_2593 = arith.addi %scan3A_2591, %scan3A_2592 : i32
    %scan3A_2594 = arith.constant 1 : i32
    %scan3A_2595:16 = scf.for %scan3A_2652 = %scan3A_2591 to %scan3A_2593 step %scan3A_2594 iter_args(%scan3A_2653 = %scan3A_2236#0, %scan3A_2654 = %scan3A_2236#1, %scan3A_2655 = %scan3A_2236#2, %scan3A_2656 = %scan3A_2236#3, %scan3A_2657 = %scan3A_2236#4, %scan3A_2658 = %scan3A_2236#5, %scan3A_2659 = %scan3A_2236#6, %scan3A_2660 = %scan3A_2236#7, %scan3A_2661 = %scan3A_2236#8, %scan3A_2662 = %scan3A_2236#9, %scan3A_2663 = %scan3A_2236#10, %scan3A_2664 = %scan3A_2236#11, %scan3A_2665 = %scan3A_2236#12, %scan3A_2666 = %scan3A_2236#13, %scan3A_2667 = %scan3A_2236#14, %scan3A_2668 = %scan3A_2236#15) -> (vector<16xf32>, vector<16xf32>, vector<16xf32>, vector<16xf32>, vector<16xf32>, vector<16xf32>, vector<16xf32>, vector<16xf32>, vector<16xf32>, vector<16xf32>, vector<16xf32>, vector<16xf32>, vector<16xf32>, vector<16xf32>, vector<16xf32>, vector<16xf32>)  : i32 {
      %mul3A_2669 = arith.constant 2 : i32
      %mul3A_2670 = arith.muli %mul3A_2669, %scan3A_2652 : i32
      %add3A_2671 = arith.constant 0 : i32
      %add3A_2672 = arith.addi %mul3A_2670, %add3A_2671 : i32
      %get3A_2673 = arith.constant 0 : i32
      %get3A_2674 = arith.constant 0 : i32
      %get3A_2675 = tpu.memref_slice %arg10[%scan3A_2589, %get3A_2673, %get3A_2674] : memref<3x128x128xf32, #tpu.memory_space<vmem>> -> memref<1x128x128xf32, #tpu.memory_space<vmem>>
      %get3A_2676 = tpu.memref_squeeze %get3A_2675 : memref<1x128x128xf32, #tpu.memory_space<vmem>> -> memref<128x128xf32, #tpu.memory_space<vmem>>
      %get3A_2677 = arith.index_cast %add3A_2672 : i32 to index
      %get3A_2678 = arith.constant 0 : index
      %get3A_2679 = tpu.vector_load %get3A_2676[%get3A_2677, %get3A_2678] {strides = array<i32>} : memref<128x128xf32, #tpu.memory_space<vmem>>, vector<16xf32>,
      %mul3A_2680 = arith.constant 2 : i32
      %mul3A_2681 = arith.muli %mul3A_2680, %scan3A_2652 : i32
      %add3A_2682 = arith.constant 0 : i32
      %add3A_2683 = arith.addi %mul3A_2681, %add3A_2682 : i32
      %get3A_2684 = arith.constant 0 : i32
      %get3A_2685 = arith.constant 0 : i32
      %get3A_2686 = tpu.memref_slice %arg11[%scan3A_2590, %get3A_2684, %get3A_2685] : memref<3x128x128xf32, #tpu.memory_space<vmem>> -> memref<1x128x128xf32, #tpu.memory_space<vmem>>
      %get3A_2687 = tpu.memref_squeeze %get3A_2686 : memref<1x128x128xf32, #tpu.memory_space<vmem>> -> memref<128x128xf32, #tpu.memory_space<vmem>>
      %get3A_2688 = arith.index_cast %add3A_2683 : i32 to index
      %get3A_2689 = arith.constant 0 : index
      %get3A_2690 = tpu.vector_load %get3A_2687[%get3A_2688, %get3A_2689] {strides = array<i32>} : memref<128x128xf32, #tpu.memory_space<vmem>>, vector<16xf32>,
      %mul3A_2691 = arith.mulf %get3A_2679, %get3A_2690 : vector<16xf32>
      %add3A_2692 = arith.addf %scan3A_2653, %mul3A_2691 : vector<16xf32>
      %mul3A_2693 = arith.constant 2 : i32
      %mul3A_2694 = arith.muli %mul3A_2693, %scan3A_2652 : i32
      %add3A_2695 = arith.constant 0 : i32
      %add3A_2696 = arith.addi %mul3A_2694, %add3A_2695 : i32
      %get3A_2697 = arith.constant 0 : i32
      %get3A_2698 = arith.constant 0 : i32
      %get3A_2699 = tpu.memref_slice %arg10[%scan3A_2589, %get3A_2697, %get3A_2698] : memref<3x128x128xf32, #tpu.memory_space<vmem>> -> memref<1x128x128xf32, #tpu.memory_space<vmem>>
      %get3A_2700 = tpu.memref_squeeze %get3A_2699 : memref<1x128x128xf32, #tpu.memory_space<vmem>> -> memref<128x128xf32, #tpu.memory_space<vmem>>
      %get3A_2701 = arith.index_cast %add3A_2696 : i32 to index
      %get3A_2702 = arith.constant 16 : index
      %get3A_2703 = tpu.vector_load %get3A_2700[%get3A_2701, %get3A_2702] {strides = array<i32>} : memref<128x128xf32, #tpu.memory_space<vmem>>, vector<16xf32>,
      %mul3A_2704 = arith.constant 2 : i32
      %mul3A_2705 = arith.muli %mul3A_2704, %scan3A_2652 : i32
      %add3A_2706 = arith.constant 0 : i32
      %add3A_2707 = arith.addi %mul3A_2705, %add3A_2706 : i32
      %get3A_2708 = arith.constant 0 : i32
      %get3A_2709 = arith.constant 0 : i32
      %get3A_2710 = tpu.memref_slice %arg11[%scan3A_2590, %get3A_2708, %get3A_2709] : memref<3x128x128xf32, #tpu.memory_space<vmem>> -> memref<1x128x128xf32, #tpu.memory_space<vmem>>
      %get3A_2711 = tpu.memref_squeeze %get3A_2710 : memref<1x128x128xf32, #tpu.memory_space<vmem>> -> memref<128x128xf32, #tpu.memory_space<vmem>>
      %get3A_2712 = arith.index_cast %add3A_2707 : i32 to index
      %get3A_2713 = arith.constant 16 : index
      %get3A_2714 = tpu.vector_load %get3A_2711[%get3A_2712, %get3A_2713] {strides = array<i32>} : memref<128x128xf32, #tpu.memory_space<vmem>>, vector<16xf32>,
      %mul3A_2715 = arith.mulf %get3A_2703, %get3A_2714 : vector<16xf32>
      %add3A_2716 = arith.addf %scan3A_2654, %mul3A_2715 : vector<16xf32>
      %mul3A_2717 = arith.constant 2 : i32
      %mul3A_2718 = arith.muli %mul3A_2717, %scan3A_2652 : i32
      %add3A_2719 = arith.constant 0 : i32
      %add3A_2720 = arith.addi %mul3A_2718, %add3A_2719 : i32
      %get3A_2721 = arith.constant 0 : i32
      %get3A_2722 = arith.constant 0 : i32
      %get3A_2723 = tpu.memref_slice %arg10[%scan3A_2589, %get3A_2721, %get3A_2722] : memref<3x128x128xf32, #tpu.memory_space<vmem>> -> memref<1x128x128xf32, #tpu.memory_space<vmem>>
      %get3A_2724 = tpu.memref_squeeze %get3A_2723 : memref<1x128x128xf32, #tpu.memory_space<vmem>> -> memref<128x128xf32, #tpu.memory_space<vmem>>
      %get3A_2725 = arith.index_cast %add3A_2720 : i32 to index
      %get3A_2726 = arith.constant 32 : index
      %get3A_2727 = tpu.vector_load %get3A_2724[%get3A_2725, %get3A_2726] {strides = array<i32>} : memref<128x128xf32, #tpu.memory_space<vmem>>, vector<16xf32>,
      %mul3A_2728 = arith.constant 2 : i32
      %mul3A_2729 = arith.muli %mul3A_2728, %scan3A_2652 : i32
      %add3A_2730 = arith.constant 0 : i32
      %add3A_2731 = arith.addi %mul3A_2729, %add3A_2730 : i32
      %get3A_2732 = arith.constant 0 : i32
      %get3A_2733 = arith.constant 0 : i32
      %get3A_2734 = tpu.memref_slice %arg11[%scan3A_2590, %get3A_2732, %get3A_2733] : memref<3x128x128xf32, #tpu.memory_space<vmem>> -> memref<1x128x128xf32, #tpu.memory_space<vmem>>
      %get3A_2735 = tpu.memref_squeeze %get3A_2734 : memref<1x128x128xf32, #tpu.memory_space<vmem>> -> memref<128x128xf32, #tpu.memory_space<vmem>>
      %get3A_2736 = arith.index_cast %add3A_2731 : i32 to index
      %get3A_2737 = arith.constant 32 : index
      %get3A_2738 = tpu.vector_load %get3A_2735[%get3A_2736, %get3A_2737] {strides = array<i32>} : memref<128x128xf32, #tpu.memory_space<vmem>>, vector<16xf32>,
      %mul3A_2739 = arith.mulf %get3A_2727, %get3A_2738 : vector<16xf32>
      %add3A_2740 = arith.addf %scan3A_2655, %mul3A_2739 : vector<16xf32>
      %mul3A_2741 = arith.constant 2 : i32
      %mul3A_2742 = arith.muli %mul3A_2741, %scan3A_2652 : i32
      %add3A_2743 = arith.constant 0 : i32
      %add3A_2744 = arith.addi %mul3A_2742, %add3A_2743 : i32
      %get3A_2745 = arith.constant 0 : i32
      %get3A_2746 = arith.constant 0 : i32
      %get3A_2747 = tpu.memref_slice %arg10[%scan3A_2589, %get3A_2745, %get3A_2746] : memref<3x128x128xf32, #tpu.memory_space<vmem>> -> memref<1x128x128xf32, #tpu.memory_space<vmem>>
      %get3A_2748 = tpu.memref_squeeze %get3A_2747 : memref<1x128x128xf32, #tpu.memory_space<vmem>> -> memref<128x128xf32, #tpu.memory_space<vmem>>
      %get3A_2749 = arith.index_cast %add3A_2744 : i32 to index
      %get3A_2750 = arith.constant 48 : index
      %get3A_2751 = tpu.vector_load %get3A_2748[%get3A_2749, %get3A_2750] {strides = array<i32>} : memref<128x128xf32, #tpu.memory_space<vmem>>, vector<16xf32>,
      %mul3A_2752 = arith.constant 2 : i32
      %mul3A_2753 = arith.muli %mul3A_2752, %scan3A_2652 : i32
      %add3A_2754 = arith.constant 0 : i32
      %add3A_2755 = arith.addi %mul3A_2753, %add3A_2754 : i32
      %get3A_2756 = arith.constant 0 : i32
      %get3A_2757 = arith.constant 0 : i32
      %get3A_2758 = tpu.memref_slice %arg11[%scan3A_2590, %get3A_2756, %get3A_2757] : memref<3x128x128xf32, #tpu.memory_space<vmem>> -> memref<1x128x128xf32, #tpu.memory_space<vmem>>
      %get3A_2759 = tpu.memref_squeeze %get3A_2758 : memref<1x128x128xf32, #tpu.memory_space<vmem>> -> memref<128x128xf32, #tpu.memory_space<vmem>>
      %get3A_2760 = arith.index_cast %add3A_2755 : i32 to index
      %get3A_2761 = arith.constant 48 : index
      %get3A_2762 = tpu.vector_load %get3A_2759[%get3A_2760, %get3A_2761] {strides = array<i32>} : memref<128x128xf32, #tpu.memory_space<vmem>>, vector<16xf32>,
      %mul3A_2763 = arith.mulf %get3A_2751, %get3A_2762 : vector<16xf32>
      %add3A_2764 = arith.addf %scan3A_2656, %mul3A_2763 : vector<16xf32>
      %mul3A_2765 = arith.constant 2 : i32
      %mul3A_2766 = arith.muli %mul3A_2765, %scan3A_2652 : i32
      %add3A_2767 = arith.constant 0 : i32
      %add3A_2768 = arith.addi %mul3A_2766, %add3A_2767 : i32
      %get3A_2769 = arith.constant 0 : i32
      %get3A_2770 = arith.constant 0 : i32
      %get3A_2771 = tpu.memref_slice %arg10[%scan3A_2589, %get3A_2769, %get3A_2770] : memref<3x128x128xf32, #tpu.memory_space<vmem>> -> memref<1x128x128xf32, #tpu.memory_space<vmem>>
      %get3A_2772 = tpu.memref_squeeze %get3A_2771 : memref<1x128x128xf32, #tpu.memory_space<vmem>> -> memref<128x128xf32, #tpu.memory_space<vmem>>
      %get3A_2773 = arith.index_cast %add3A_2768 : i32 to index
      %get3A_2774 = arith.constant 64 : index
      %get3A_2775 = tpu.vector_load %get3A_2772[%get3A_2773, %get3A_2774] {strides = array<i32>} : memref<128x128xf32, #tpu.memory_space<vmem>>, vector<16xf32>,
      %mul3A_2776 = arith.constant 2 : i32
      %mul3A_2777 = arith.muli %mul3A_2776, %scan3A_2652 : i32
      %add3A_2778 = arith.constant 0 : i32
      %add3A_2779 = arith.addi %mul3A_2777, %add3A_2778 : i32
      %get3A_2780 = arith.constant 0 : i32
      %get3A_2781 = arith.constant 0 : i32
      %get3A_2782 = tpu.memref_slice %arg11[%scan3A_2590, %get3A_2780, %get3A_2781] : memref<3x128x128xf32, #tpu.memory_space<vmem>> -> memref<1x128x128xf32, #tpu.memory_space<vmem>>
      %get3A_2783 = tpu.memref_squeeze %get3A_2782 : memref<1x128x128xf32, #tpu.memory_space<vmem>> -> memref<128x128xf32, #tpu.memory_space<vmem>>
      %get3A_2784 = arith.index_cast %add3A_2779 : i32 to index
      %get3A_2785 = arith.constant 64 : index
      %get3A_2786 = tpu.vector_load %get3A_2783[%get3A_2784, %get3A_2785] {strides = array<i32>} : memref<128x128xf32, #tpu.memory_space<vmem>>, vector<16xf32>,
      %mul3A_2787 = arith.mulf %get3A_2775, %get3A_2786 : vector<16xf32>
      %add3A_2788 = arith.addf %scan3A_2657, %mul3A_2787 : vector<16xf32>
      %mul3A_2789 = arith.constant 2 : i32
      %mul3A_2790 = arith.muli %mul3A_2789, %scan3A_2652 : i32
      %add3A_2791 = arith.constant 0 : i32
      %add3A_2792 = arith.addi %mul3A_2790, %add3A_2791 : i32
      %get3A_2793 = arith.constant 0 : i32
      %get3A_2794 = arith.constant 0 : i32
      %get3A_2795 = tpu.memref_slice %arg10[%scan3A_2589, %get3A_2793, %get3A_2794] : memref<3x128x128xf32, #tpu.memory_space<vmem>> -> memref<1x128x128xf32, #tpu.memory_space<vmem>>
      %get3A_2796 = tpu.memref_squeeze %get3A_2795 : memref<1x128x128xf32, #tpu.memory_space<vmem>> -> memref<128x128xf32, #tpu.memory_space<vmem>>
      %get3A_2797 = arith.index_cast %add3A_2792 : i32 to index
      %get3A_2798 = arith.constant 80 : index
      %get3A_2799 = tpu.vector_load %get3A_2796[%get3A_2797, %get3A_2798] {strides = array<i32>} : memref<128x128xf32, #tpu.memory_space<vmem>>, vector<16xf32>,
      %mul3A_2800 = arith.constant 2 : i32
      %mul3A_2801 = arith.muli %mul3A_2800, %scan3A_2652 : i32
      %add3A_2802 = arith.constant 0 : i32
      %add3A_2803 = arith.addi %mul3A_2801, %add3A_2802 : i32
      %get3A_2804 = arith.constant 0 : i32
      %get3A_2805 = arith.constant 0 : i32
      %get3A_2806 = tpu.memref_slice %arg11[%scan3A_2590, %get3A_2804, %get3A_2805] : memref<3x128x128xf32, #tpu.memory_space<vmem>> -> memref<1x128x128xf32, #tpu.memory_space<vmem>>
      %get3A_2807 = tpu.memref_squeeze %get3A_2806 : memref<1x128x128xf32, #tpu.memory_space<vmem>> -> memref<128x128xf32, #tpu.memory_space<vmem>>
      %get3A_2808 = arith.index_cast %add3A_2803 : i32 to index
      %get3A_2809 = arith.constant 80 : index
      %get3A_2810 = tpu.vector_load %get3A_2807[%get3A_2808, %get3A_2809] {strides = array<i32>} : memref<128x128xf32, #tpu.memory_space<vmem>>, vector<16xf32>,
      %mul3A_2811 = arith.mulf %get3A_2799, %get3A_2810 : vector<16xf32>
      %add3A_2812 = arith.addf %scan3A_2658, %mul3A_2811 : vector<16xf32>
      %mul3A_2813 = arith.constant 2 : i32
      %mul3A_2814 = arith.muli %mul3A_2813, %scan3A_2652 : i32
      %add3A_2815 = arith.constant 0 : i32
      %add3A_2816 = arith.addi %mul3A_2814, %add3A_2815 : i32
      %get3A_2817 = arith.constant 0 : i32
      %get3A_2818 = arith.constant 0 : i32
      %get3A_2819 = tpu.memref_slice %arg10[%scan3A_2589, %get3A_2817, %get3A_2818] : memref<3x128x128xf32, #tpu.memory_space<vmem>> -> memref<1x128x128xf32, #tpu.memory_space<vmem>>
      %get3A_2820 = tpu.memref_squeeze %get3A_2819 : memref<1x128x128xf32, #tpu.memory_space<vmem>> -> memref<128x128xf32, #tpu.memory_space<vmem>>
      %get3A_2821 = arith.index_cast %add3A_2816 : i32 to index
      %get3A_2822 = arith.constant 96 : index
      %get3A_2823 = tpu.vector_load %get3A_2820[%get3A_2821, %get3A_2822] {strides = array<i32>} : memref<128x128xf32, #tpu.memory_space<vmem>>, vector<16xf32>,
      %mul3A_2824 = arith.constant 2 : i32
      %mul3A_2825 = arith.muli %mul3A_2824, %scan3A_2652 : i32
      %add3A_2826 = arith.constant 0 : i32
      %add3A_2827 = arith.addi %mul3A_2825, %add3A_2826 : i32
      %get3A_2828 = arith.constant 0 : i32
      %get3A_2829 = arith.constant 0 : i32
      %get3A_2830 = tpu.memref_slice %arg11[%scan3A_2590, %get3A_2828, %get3A_2829] : memref<3x128x128xf32, #tpu.memory_space<vmem>> -> memref<1x128x128xf32, #tpu.memory_space<vmem>>
      %get3A_2831 = tpu.memref_squeeze %get3A_2830 : memref<1x128x128xf32, #tpu.memory_space<vmem>> -> memref<128x128xf32, #tpu.memory_space<vmem>>
      %get3A_2832 = arith.index_cast %add3A_2827 : i32 to index
      %get3A_2833 = arith.constant 96 : index
      %get3A_2834 = tpu.vector_load %get3A_2831[%get3A_2832, %get3A_2833] {strides = array<i32>} : memref<128x128xf32, #tpu.memory_space<vmem>>, vector<16xf32>,
      %mul3A_2835 = arith.mulf %get3A_2823, %get3A_2834 : vector<16xf32>
      %add3A_2836 = arith.addf %scan3A_2659, %mul3A_2835 : vector<16xf32>
      %mul3A_2837 = arith.constant 2 : i32
      %mul3A_2838 = arith.muli %mul3A_2837, %scan3A_2652 : i32
      %add3A_2839 = arith.constant 0 : i32
      %add3A_2840 = arith.addi %mul3A_2838, %add3A_2839 : i32
      %get3A_2841 = arith.constant 0 : i32
      %get3A_2842 = arith.constant 0 : i32
      %get3A_2843 = tpu.memref_slice %arg10[%scan3A_2589, %get3A_2841, %get3A_2842] : memref<3x128x128xf32, #tpu.memory_space<vmem>> -> memref<1x128x128xf32, #tpu.memory_space<vmem>>
      %get3A_2844 = tpu.memref_squeeze %get3A_2843 : memref<1x128x128xf32, #tpu.memory_space<vmem>> -> memref<128x128xf32, #tpu.memory_space<vmem>>
      %get3A_2845 = arith.index_cast %add3A_2840 : i32 to index
      %get3A_2846 = arith.constant 112 : index
      %get3A_2847 = tpu.vector_load %get3A_2844[%get3A_2845, %get3A_2846] {strides = array<i32>} : memref<128x128xf32, #tpu.memory_space<vmem>>, vector<16xf32>,
      %mul3A_2848 = arith.constant 2 : i32
      %mul3A_2849 = arith.muli %mul3A_2848, %scan3A_2652 : i32
      %add3A_2850 = arith.constant 0 : i32
      %add3A_2851 = arith.addi %mul3A_2849, %add3A_2850 : i32
      %get3A_2852 = arith.constant 0 : i32
      %get3A_2853 = arith.constant 0 : i32
      %get3A_2854 = tpu.memref_slice %arg11[%scan3A_2590, %get3A_2852, %get3A_2853] : memref<3x128x128xf32, #tpu.memory_space<vmem>> -> memref<1x128x128xf32, #tpu.memory_space<vmem>>
      %get3A_2855 = tpu.memref_squeeze %get3A_2854 : memref<1x128x128xf32, #tpu.memory_space<vmem>> -> memref<128x128xf32, #tpu.memory_space<vmem>>
      %get3A_2856 = arith.index_cast %add3A_2851 : i32 to index
      %get3A_2857 = arith.constant 112 : index
      %get3A_2858 = tpu.vector_load %get3A_2855[%get3A_2856, %get3A_2857] {strides = array<i32>} : memref<128x128xf32, #tpu.memory_space<vmem>>, vector<16xf32>,
      %mul3A_2859 = arith.mulf %get3A_2847, %get3A_2858 : vector<16xf32>
      %add3A_2860 = arith.addf %scan3A_2660, %mul3A_2859 : vector<16xf32>
      %mul3A_2861 = arith.constant 2 : i32
      %mul3A_2862 = arith.muli %mul3A_2861, %scan3A_2652 : i32
      %add3A_2863 = arith.constant 1 : i32
      %add3A_2864 = arith.addi %mul3A_2862, %add3A_2863 : i32
      %get3A_2865 = arith.constant 0 : i32
      %get3A_2866 = arith.constant 0 : i32
      %get3A_2867 = tpu.memref_slice %arg10[%scan3A_2589, %get3A_2865, %get3A_2866] : memref<3x128x128xf32, #tpu.memory_space<vmem>> -> memref<1x128x128xf32, #tpu.memory_space<vmem>>
      %get3A_2868 = tpu.memref_squeeze %get3A_2867 : memref<1x128x128xf32, #tpu.memory_space<vmem>> -> memref<128x128xf32, #tpu.memory_space<vmem>>
      %get3A_2869 = arith.index_cast %add3A_2864 : i32 to index
      %get3A_2870 = arith.constant 0 : index
      %get3A_2871 = tpu.vector_load %get3A_2868[%get3A_2869, %get3A_2870] {strides = array<i32>} : memref<128x128xf32, #tpu.memory_space<vmem>>, vector<16xf32>,
      %mul3A_2872 = arith.constant 2 : i32
      %mul3A_2873 = arith.muli %mul3A_2872, %scan3A_2652 : i32
      %add3A_2874 = arith.constant 1 : i32
      %add3A_2875 = arith.addi %mul3A_2873, %add3A_2874 : i32
      %get3A_2876 = arith.constant 0 : i32
      %get3A_2877 = arith.constant 0 : i32
      %get3A_2878 = tpu.memref_slice %arg11[%scan3A_2590, %get3A_2876, %get3A_2877] : memref<3x128x128xf32, #tpu.memory_space<vmem>> -> memref<1x128x128xf32, #tpu.memory_space<vmem>>
      %get3A_2879 = tpu.memref_squeeze %get3A_2878 : memref<1x128x128xf32, #tpu.memory_space<vmem>> -> memref<128x128xf32, #tpu.memory_space<vmem>>
      %get3A_2880 = arith.index_cast %add3A_2875 : i32 to index
      %get3A_2881 = arith.constant 0 : index
      %get3A_2882 = tpu.vector_load %get3A_2879[%get3A_2880, %get3A_2881] {strides = array<i32>} : memref<128x128xf32, #tpu.memory_space<vmem>>, vector<16xf32>,
      %mul3A_2883 = arith.mulf %get3A_2871, %get3A_2882 : vector<16xf32>
      %add3A_2884 = arith.addf %scan3A_2661, %mul3A_2883 : vector<16xf32>
      %mul3A_2885 = arith.constant 2 : i32
      %mul3A_2886 = arith.muli %mul3A_2885, %scan3A_2652 : i32
      %add3A_2887 = arith.constant 1 : i32
      %add3A_2888 = arith.addi %mul3A_2886, %add3A_2887 : i32
      %get3A_2889 = arith.constant 0 : i32
      %get3A_2890 = arith.constant 0 : i32
      %get3A_2891 = tpu.memref_slice %arg10[%scan3A_2589, %get3A_2889, %get3A_2890] : memref<3x128x128xf32, #tpu.memory_space<vmem>> -> memref<1x128x128xf32, #tpu.memory_space<vmem>>
      %get3A_2892 = tpu.memref_squeeze %get3A_2891 : memref<1x128x128xf32, #tpu.memory_space<vmem>> -> memref<128x128xf32, #tpu.memory_space<vmem>>
      %get3A_2893 = arith.index_cast %add3A_2888 : i32 to index
      %get3A_2894 = arith.constant 16 : index
      %get3A_2895 = tpu.vector_load %get3A_2892[%get3A_2893, %get3A_2894] {strides = array<i32>} : memref<128x128xf32, #tpu.memory_space<vmem>>, vector<16xf32>,
      %mul3A_2896 = arith.constant 2 : i32
      %mul3A_2897 = arith.muli %mul3A_2896, %scan3A_2652 : i32
      %add3A_2898 = arith.constant 1 : i32
      %add3A_2899 = arith.addi %mul3A_2897, %add3A_2898 : i32
      %get3A_2900 = arith.constant 0 : i32
      %get3A_2901 = arith.constant 0 : i32
      %get3A_2902 = tpu.memref_slice %arg11[%scan3A_2590, %get3A_2900, %get3A_2901] : memref<3x128x128xf32, #tpu.memory_space<vmem>> -> memref<1x128x128xf32, #tpu.memory_space<vmem>>
      %get3A_2903 = tpu.memref_squeeze %get3A_2902 : memref<1x128x128xf32, #tpu.memory_space<vmem>> -> memref<128x128xf32, #tpu.memory_space<vmem>>
      %get3A_2904 = arith.index_cast %add3A_2899 : i32 to index
      %get3A_2905 = arith.constant 16 : index
      %get3A_2906 = tpu.vector_load %get3A_2903[%get3A_2904, %get3A_2905] {strides = array<i32>} : memref<128x128xf32, #tpu.memory_space<vmem>>, vector<16xf32>,
      %mul3A_2907 = arith.mulf %get3A_2895, %get3A_2906 : vector<16xf32>
      %add3A_2908 = arith.addf %scan3A_2662, %mul3A_2907 : vector<16xf32>
      %mul3A_2909 = arith.constant 2 : i32
      %mul3A_2910 = arith.muli %mul3A_2909, %scan3A_2652 : i32
      %add3A_2911 = arith.constant 1 : i32
      %add3A_2912 = arith.addi %mul3A_2910, %add3A_2911 : i32
      %get3A_2913 = arith.constant 0 : i32
      %get3A_2914 = arith.constant 0 : i32
      %get3A_2915 = tpu.memref_slice %arg10[%scan3A_2589, %get3A_2913, %get3A_2914] : memref<3x128x128xf32, #tpu.memory_space<vmem>> -> memref<1x128x128xf32, #tpu.memory_space<vmem>>
      %get3A_2916 = tpu.memref_squeeze %get3A_2915 : memref<1x128x128xf32, #tpu.memory_space<vmem>> -> memref<128x128xf32, #tpu.memory_space<vmem>>
      %get3A_2917 = arith.index_cast %add3A_2912 : i32 to index
      %get3A_2918 = arith.constant 32 : index
      %get3A_2919 = tpu.vector_load %get3A_2916[%get3A_2917, %get3A_2918] {strides = array<i32>} : memref<128x128xf32, #tpu.memory_space<vmem>>, vector<16xf32>,
      %mul3A_2920 = arith.constant 2 : i32
      %mul3A_2921 = arith.muli %mul3A_2920, %scan3A_2652 : i32
      %add3A_2922 = arith.constant 1 : i32
      %add3A_2923 = arith.addi %mul3A_2921, %add3A_2922 : i32
      %get3A_2924 = arith.constant 0 : i32
      %get3A_2925 = arith.constant 0 : i32
      %get3A_2926 = tpu.memref_slice %arg11[%scan3A_2590, %get3A_2924, %get3A_2925] : memref<3x128x128xf32, #tpu.memory_space<vmem>> -> memref<1x128x128xf32, #tpu.memory_space<vmem>>
      %get3A_2927 = tpu.memref_squeeze %get3A_2926 : memref<1x128x128xf32, #tpu.memory_space<vmem>> -> memref<128x128xf32, #tpu.memory_space<vmem>>
      %get3A_2928 = arith.index_cast %add3A_2923 : i32 to index
      %get3A_2929 = arith.constant 32 : index
      %get3A_2930 = tpu.vector_load %get3A_2927[%get3A_2928, %get3A_2929] {strides = array<i32>} : memref<128x128xf32, #tpu.memory_space<vmem>>, vector<16xf32>,
      %mul3A_2931 = arith.mulf %get3A_2919, %get3A_2930 : vector<16xf32>
      %add3A_2932 = arith.addf %scan3A_2663, %mul3A_2931 : vector<16xf32>
      %mul3A_2933 = arith.constant 2 : i32
      %mul3A_2934 = arith.muli %mul3A_2933, %scan3A_2652 : i32
      %add3A_2935 = arith.constant 1 : i32
      %add3A_2936 = arith.addi %mul3A_2934, %add3A_2935 : i32
      %get3A_2937 = arith.constant 0 : i32
      %get3A_2938 = arith.constant 0 : i32
      %get3A_2939 = tpu.memref_slice %arg10[%scan3A_2589, %get3A_2937, %get3A_2938] : memref<3x128x128xf32, #tpu.memory_space<vmem>> -> memref<1x128x128xf32, #tpu.memory_space<vmem>>
      %get3A_2940 = tpu.memref_squeeze %get3A_2939 : memref<1x128x128xf32, #tpu.memory_space<vmem>> -> memref<128x128xf32, #tpu.memory_space<vmem>>
      %get3A_2941 = arith.index_cast %add3A_2936 : i32 to index
      %get3A_2942 = arith.constant 48 : index
      %get3A_2943 = tpu.vector_load %get3A_2940[%get3A_2941, %get3A_2942] {strides = array<i32>} : memref<128x128xf32, #tpu.memory_space<vmem>>, vector<16xf32>,
      %mul3A_2944 = arith.constant 2 : i32
      %mul3A_2945 = arith.muli %mul3A_2944, %scan3A_2652 : i32
      %add3A_2946 = arith.constant 1 : i32
      %add3A_2947 = arith.addi %mul3A_2945, %add3A_2946 : i32
      %get3A_2948 = arith.constant 0 : i32
      %get3A_2949 = arith.constant 0 : i32
      %get3A_2950 = tpu.memref_slice %arg11[%scan3A_2590, %get3A_2948, %get3A_2949] : memref<3x128x128xf32, #tpu.memory_space<vmem>> -> memref<1x128x128xf32, #tpu.memory_space<vmem>>
      %get3A_2951 = tpu.memref_squeeze %get3A_2950 : memref<1x128x128xf32, #tpu.memory_space<vmem>> -> memref<128x128xf32, #tpu.memory_space<vmem>>
      %get3A_2952 = arith.index_cast %add3A_2947 : i32 to index
      %get3A_2953 = arith.constant 48 : index
      %get3A_2954 = tpu.vector_load %get3A_2951[%get3A_2952, %get3A_2953] {strides = array<i32>} : memref<128x128xf32, #tpu.memory_space<vmem>>, vector<16xf32>,
      %mul3A_2955 = arith.mulf %get3A_2943, %get3A_2954 : vector<16xf32>
      %add3A_2956 = arith.addf %scan3A_2664, %mul3A_2955 : vector<16xf32>
      %mul3A_2957 = arith.constant 2 : i32
      %mul3A_2958 = arith.muli %mul3A_2957, %scan3A_2652 : i32
      %add3A_2959 = arith.constant 1 : i32
      %add3A_2960 = arith.addi %mul3A_2958, %add3A_2959 : i32
      %get3A_2961 = arith.constant 0 : i32
      %get3A_2962 = arith.constant 0 : i32
      %get3A_2963 = tpu.memref_slice %arg10[%scan3A_2589, %get3A_2961, %get3A_2962] : memref<3x128x128xf32, #tpu.memory_space<vmem>> -> memref<1x128x128xf32, #tpu.memory_space<vmem>>
      %get3A_2964 = tpu.memref_squeeze %get3A_2963 : memref<1x128x128xf32, #tpu.memory_space<vmem>> -> memref<128x128xf32, #tpu.memory_space<vmem>>
      %get3A_2965 = arith.index_cast %add3A_2960 : i32 to index
      %get3A_2966 = arith.constant 64 : index
      %get3A_2967 = tpu.vector_load %get3A_2964[%get3A_2965, %get3A_2966] {strides = array<i32>} : memref<128x128xf32, #tpu.memory_space<vmem>>, vector<16xf32>,
      %mul3A_2968 = arith.constant 2 : i32
      %mul3A_2969 = arith.muli %mul3A_2968, %scan3A_2652 : i32
      %add3A_2970 = arith.constant 1 : i32
      %add3A_2971 = arith.addi %mul3A_2969, %add3A_2970 : i32
      %get3A_2972 = arith.constant 0 : i32
      %get3A_2973 = arith.constant 0 : i32
      %get3A_2974 = tpu.memref_slice %arg11[%scan3A_2590, %get3A_2972, %get3A_2973] : memref<3x128x128xf32, #tpu.memory_space<vmem>> -> memref<1x128x128xf32, #tpu.memory_space<vmem>>
      %get3A_2975 = tpu.memref_squeeze %get3A_2974 : memref<1x128x128xf32, #tpu.memory_space<vmem>> -> memref<128x128xf32, #tpu.memory_space<vmem>>
      %get3A_2976 = arith.index_cast %add3A_2971 : i32 to index
      %get3A_2977 = arith.constant 64 : index
      %get3A_2978 = tpu.vector_load %get3A_2975[%get3A_2976, %get3A_2977] {strides = array<i32>} : memref<128x128xf32, #tpu.memory_space<vmem>>, vector<16xf32>,
      %mul3A_2979 = arith.mulf %get3A_2967, %get3A_2978 : vector<16xf32>
      %add3A_2980 = arith.addf %scan3A_2665, %mul3A_2979 : vector<16xf32>
      %mul3A_2981 = arith.constant 2 : i32
      %mul3A_2982 = arith.muli %mul3A_2981, %scan3A_2652 : i32
      %add3A_2983 = arith.constant 1 : i32
      %add3A_2984 = arith.addi %mul3A_2982, %add3A_2983 : i32
      %get3A_2985 = arith.constant 0 : i32
      %get3A_2986 = arith.constant 0 : i32
      %get3A_2987 = tpu.memref_slice %arg10[%scan3A_2589, %get3A_2985, %get3A_2986] : memref<3x128x128xf32, #tpu.memory_space<vmem>> -> memref<1x128x128xf32, #tpu.memory_space<vmem>>
      %get3A_2988 = tpu.memref_squeeze %get3A_2987 : memref<1x128x128xf32, #tpu.memory_space<vmem>> -> memref<128x128xf32, #tpu.memory_space<vmem>>
      %get3A_2989 = arith.index_cast %add3A_2984 : i32 to index
      %get3A_2990 = arith.constant 80 : index
      %get3A_2991 = tpu.vector_load %get3A_2988[%get3A_2989, %get3A_2990] {strides = array<i32>} : memref<128x128xf32, #tpu.memory_space<vmem>>, vector<16xf32>,
      %mul3A_2992 = arith.constant 2 : i32
      %mul3A_2993 = arith.muli %mul3A_2992, %scan3A_2652 : i32
      %add3A_2994 = arith.constant 1 : i32
      %add3A_2995 = arith.addi %mul3A_2993, %add3A_2994 : i32
      %get3A_2996 = arith.constant 0 : i32
      %get3A_2997 = arith.constant 0 : i32
      %get3A_2998 = tpu.memref_slice %arg11[%scan3A_2590, %get3A_2996, %get3A_2997] : memref<3x128x128xf32, #tpu.memory_space<vmem>> -> memref<1x128x128xf32, #tpu.memory_space<vmem>>
      %get3A_2999 = tpu.memref_squeeze %get3A_2998 : memref<1x128x128xf32, #tpu.memory_space<vmem>> -> memref<128x128xf32, #tpu.memory_space<vmem>>
      %get3A_3000 = arith.index_cast %add3A_2995 : i32 to index
      %get3A_3001 = arith.constant 80 : index
      %get3A_3002 = tpu.vector_load %get3A_2999[%get3A_3000, %get3A_3001] {strides = array<i32>} : memref<128x128xf32, #tpu.memory_space<vmem>>, vector<16xf32>,
      %mul3A_3003 = arith.mulf %get3A_2991, %get3A_3002 : vector<16xf32>
      %add3A_3004 = arith.addf %scan3A_2666, %mul3A_3003 : vector<16xf32>
      %mul3A_3005 = arith.constant 2 : i32
      %mul3A_3006 = arith.muli %mul3A_3005, %scan3A_2652 : i32
      %add3A_3007 = arith.constant 1 : i32
      %add3A_3008 = arith.addi %mul3A_3006, %add3A_3007 : i32
      %get3A_3009 = arith.constant 0 : i32
      %get3A_3010 = arith.constant 0 : i32
      %get3A_3011 = tpu.memref_slice %arg10[%scan3A_2589, %get3A_3009, %get3A_3010] : memref<3x128x128xf32, #tpu.memory_space<vmem>> -> memref<1x128x128xf32, #tpu.memory_space<vmem>>
      %get3A_3012 = tpu.memref_squeeze %get3A_3011 : memref<1x128x128xf32, #tpu.memory_space<vmem>> -> memref<128x128xf32, #tpu.memory_space<vmem>>
      %get3A_3013 = arith.index_cast %add3A_3008 : i32 to index
      %get3A_3014 = arith.constant 96 : index
      %get3A_3015 = tpu.vector_load %get3A_3012[%get3A_3013, %get3A_3014] {strides = array<i32>} : memref<128x128xf32, #tpu.memory_space<vmem>>, vector<16xf32>,
      %mul3A_3016 = arith.constant 2 : i32
      %mul3A_3017 = arith.muli %mul3A_3016, %scan3A_2652 : i32
      %add3A_3018 = arith.constant 1 : i32
      %add3A_3019 = arith.addi %mul3A_3017, %add3A_3018 : i32
      %get3A_3020 = arith.constant 0 : i32
      %get3A_3021 = arith.constant 0 : i32
      %get3A_3022 = tpu.memref_slice %arg11[%scan3A_2590, %get3A_3020, %get3A_3021] : memref<3x128x128xf32, #tpu.memory_space<vmem>> -> memref<1x128x128xf32, #tpu.memory_space<vmem>>
      %get3A_3023 = tpu.memref_squeeze %get3A_3022 : memref<1x128x128xf32, #tpu.memory_space<vmem>> -> memref<128x128xf32, #tpu.memory_space<vmem>>
      %get3A_3024 = arith.index_cast %add3A_3019 : i32 to index
      %get3A_3025 = arith.constant 96 : index
      %get3A_3026 = tpu.vector_load %get3A_3023[%get3A_3024, %get3A_3025] {strides = array<i32>} : memref<128x128xf32, #tpu.memory_space<vmem>>, vector<16xf32>,
      %mul3A_3027 = arith.mulf %get3A_3015, %get3A_3026 : vector<16xf32>
      %add3A_3028 = arith.addf %scan3A_2667, %mul3A_3027 : vector<16xf32>
      %mul3A_3029 = arith.constant 2 : i32
      %mul3A_3030 = arith.muli %mul3A_3029, %scan3A_2652 : i32
      %add3A_3031 = arith.constant 1 : i32
      %add3A_3032 = arith.addi %mul3A_3030, %add3A_3031 : i32
      %get3A_3033 = arith.constant 0 : i32
      %get3A_3034 = arith.constant 0 : i32
      %get3A_3035 = tpu.memref_slice %arg10[%scan3A_2589, %get3A_3033, %get3A_3034] : memref<3x128x128xf32, #tpu.memory_space<vmem>> -> memref<1x128x128xf32, #tpu.memory_space<vmem>>
      %get3A_3036 = tpu.memref_squeeze %get3A_3035 : memref<1x128x128xf32, #tpu.memory_space<vmem>> -> memref<128x128xf32, #tpu.memory_space<vmem>>
      %get3A_3037 = arith.index_cast %add3A_3032 : i32 to index
      %get3A_3038 = arith.constant 112 : index
      %get3A_3039 = tpu.vector_load %get3A_3036[%get3A_3037, %get3A_3038] {strides = array<i32>} : memref<128x128xf32, #tpu.memory_space<vmem>>, vector<16xf32>,
      %mul3A_3040 = arith.constant 2 : i32
      %mul3A_3041 = arith.muli %mul3A_3040, %scan3A_2652 : i32
      %add3A_3042 = arith.constant 1 : i32
      %add3A_3043 = arith.addi %mul3A_3041, %add3A_3042 : i32
      %get3A_3044 = arith.constant 0 : i32
      %get3A_3045 = arith.constant 0 : i32
      %get3A_3046 = tpu.memref_slice %arg11[%scan3A_2590, %get3A_3044, %get3A_3045] : memref<3x128x128xf32, #tpu.memory_space<vmem>> -> memref<1x128x128xf32, #tpu.memory_space<vmem>>
      %get3A_3047 = tpu.memref_squeeze %get3A_3046 : memref<1x128x128xf32, #tpu.memory_space<vmem>> -> memref<128x128xf32, #tpu.memory_space<vmem>>
      %get3A_3048 = arith.index_cast %add3A_3043 : i32 to index
      %get3A_3049 = arith.constant 112 : index
      %get3A_3050 = tpu.vector_load %get3A_3047[%get3A_3048, %get3A_3049] {strides = array<i32>} : memref<128x128xf32, #tpu.memory_space<vmem>>, vector<16xf32>,
      %mul3A_3051 = arith.mulf %get3A_3039, %get3A_3050 : vector<16xf32>
      %add3A_3052 = arith.addf %scan3A_2668, %mul3A_3051 : vector<16xf32>
      scf.yield %add3A_2692, %add3A_2716, %add3A_2740, %add3A_2764, %add3A_2788, %add3A_2812, %add3A_2836, %add3A_2860, %add3A_2884, %add3A_2908, %add3A_2932, %add3A_2956, %add3A_2980, %add3A_3004, %add3A_3028, %add3A_3052 : vector<16xf32>, vector<16xf32>, vector<16xf32>, vector<16xf32>, vector<16xf32>, vector<16xf32>, vector<16xf32>, vector<16xf32>, vector<16xf32>, vector<16xf32>, vector<16xf32>, vector<16xf32>, vector<16xf32>, vector<16xf32>, vector<16xf32>, vector<16xf32>
    }
    %scan3A_2596 = arith.constant 64 : i32
    %add3A_2597 = arith.addf %scan3A_2595#0, %scan3A_2595#1 : vector<16xf32>
    %add3A_2598 = arith.addf %add3A_2597, %scan3A_2595#2 : vector<16xf32>
    %add3A_2599 = arith.addf %add3A_2598, %scan3A_2595#3 : vector<16xf32>
    %add3A_2600 = arith.addf %add3A_2599, %scan3A_2595#4 : vector<16xf32>
    %add3A_2601 = arith.addf %add3A_2600, %scan3A_2595#5 : vector<16xf32>
    %add3A_2602 = arith.addf %add3A_2601, %scan3A_2595#6 : vector<16xf32>
    %add3A_2603 = arith.addf %add3A_2602, %scan3A_2595#7 : vector<16xf32>
    %add3A_2604 = arith.addf %add3A_2603, %scan3A_2595#8 : vector<16xf32>
    %add3A_2605 = arith.addf %add3A_2604, %scan3A_2595#9 : vector<16xf32>
    %add3A_2606 = arith.addf %add3A_2605, %scan3A_2595#10 : vector<16xf32>
    %add3A_2607 = arith.addf %add3A_2606, %scan3A_2595#11 : vector<16xf32>
    %add3A_2608 = arith.addf %add3A_2607, %scan3A_2595#12 : vector<16xf32>
    %add3A_2609 = arith.addf %add3A_2608, %scan3A_2595#13 : vector<16xf32>
    %add3A_2610 = arith.addf %add3A_2609, %scan3A_2595#14 : vector<16xf32>
    %add3A_2611 = arith.addf %add3A_2610, %scan3A_2595#15 : vector<16xf32>
    %swap3A_2612 = arith.constant 0 : index
    %swap3A_2613 = tpu.vector_load %arg15[%swap3A_2612] {strides = array<i32>} : memref<16xf32, #tpu.memory_space<vmem>>, vector<16xf32>,
    tpu.vector_store %arg15[%swap3A_2612], %add3A_2611 {strides = array<i32>} : memref<16xf32, #tpu.memory_space<vmem>>, vector<16xf32>,
    %dma_wait3A_2614 = arith.constant 0 : i32
    %dma_wait3A_2615 = arith.constant 0 : i32
    %dma_wait3A_2616 = tpu.memref_slice %arg14[%dma_wait3A_2614, %dma_wait3A_2615] : memref<3x128xf32, #tpu.memory_space<vmem>> -> memref<1x128xf32, #tpu.memory_space<vmem>>
    %dma_wait3A_2617 = tpu.memref_squeeze %dma_wait3A_2616 : memref<1x128xf32, #tpu.memory_space<vmem>> -> memref<128xf32, #tpu.memory_space<vmem>>
    %dma_wait3A_2618 = tpu.memref_slice %arg7[%add3A_1413] : memref<16384xf32, #tpu.memory_space<hbm>> -> memref<128xf32, #tpu.memory_space<hbm>>
    %dma_wait3A_2619 = tpu.memref_slice %arg7[%add3A_1413] : memref<16384xf32, #tpu.memory_space<hbm>> -> memref<128xf32, #tpu.memory_space<hbm>>
    %dma_wait3A_2620 = arith.constant 0 : i32
    %dma_wait3A_2621 = tpu.memref_slice %arg14[%dma_wait3A_2614, %dma_wait3A_2620] : memref<3x128xf32, #tpu.memory_space<vmem>> -> memref<1x128xf32, #tpu.memory_space<vmem>>
    %dma_wait3A_2622 = tpu.memref_squeeze %dma_wait3A_2621 : memref<1x128xf32, #tpu.memory_space<vmem>> -> memref<128xf32, #tpu.memory_space<vmem>>
    tpu.wait_dma2 semaphore(%arg18 : memref<!tpu.dma_semaphore, #tpu.memory_space<semaphore_mem>>) src(%dma_wait3A_2622 : memref<128xf32, #tpu.memory_space<vmem>>) dst(%dma_wait3A_2619 : memref<128xf32, #tpu.memory_space<hbm>>)
    %dma_wait3A_2623 = arith.constant 1 : i32
    %dma_wait3A_2624 = arith.constant 0 : i32
    %dma_wait3A_2625 = tpu.memref_slice %arg14[%dma_wait3A_2623, %dma_wait3A_2624] : memref<3x128xf32, #tpu.memory_space<vmem>> -> memref<1x128xf32, #tpu.memory_space<vmem>>
    %dma_wait3A_2626 = tpu.memref_squeeze %dma_wait3A_2625 : memref<1x128xf32, #tpu.memory_space<vmem>> -> memref<128xf32, #tpu.memory_space<vmem>>
    %dma_wait3A_2627 = tpu.memref_slice %arg7[%add3A_1831] : memref<16384xf32, #tpu.memory_space<hbm>> -> memref<128xf32, #tpu.memory_space<hbm>>
    %dma_wait3A_2628 = tpu.memref_slice %arg7[%add3A_1831] : memref<16384xf32, #tpu.memory_space<hbm>> -> memref<128xf32, #tpu.memory_space<hbm>>
    %dma_wait3A_2629 = arith.constant 0 : i32
    %dma_wait3A_2630 = tpu.memref_slice %arg14[%dma_wait3A_2623, %dma_wait3A_2629] : memref<3x128xf32, #tpu.memory_space<vmem>> -> memref<1x128xf32, #tpu.memory_space<vmem>>
    %dma_wait3A_2631 = tpu.memref_squeeze %dma_wait3A_2630 : memref<1x128xf32, #tpu.memory_space<vmem>> -> memref<128xf32, #tpu.memory_space<vmem>>
    tpu.wait_dma2 semaphore(%arg18 : memref<!tpu.dma_semaphore, #tpu.memory_space<semaphore_mem>>) src(%dma_wait3A_2631 : memref<128xf32, #tpu.memory_space<vmem>>) dst(%dma_wait3A_2628 : memref<128xf32, #tpu.memory_space<hbm>>)
    %dma_wait3A_2632 = arith.constant 2 : i32
    %dma_wait3A_2633 = arith.constant 0 : i32
    %dma_wait3A_2634 = tpu.memref_slice %arg14[%dma_wait3A_2632, %dma_wait3A_2633] : memref<3x128xf32, #tpu.memory_space<vmem>> -> memref<1x128xf32, #tpu.memory_space<vmem>>
    %dma_wait3A_2635 = tpu.memref_squeeze %dma_wait3A_2634 : memref<1x128xf32, #tpu.memory_space<vmem>> -> memref<128xf32, #tpu.memory_space<vmem>>
    %dma_wait3A_2636 = tpu.memref_slice %arg7[%add3A_2190] : memref<16384xf32, #tpu.memory_space<hbm>> -> memref<128xf32, #tpu.memory_space<hbm>>
    %dma_wait3A_2637 = tpu.memref_slice %arg7[%add3A_2190] : memref<16384xf32, #tpu.memory_space<hbm>> -> memref<128xf32, #tpu.memory_space<hbm>>
    %dma_wait3A_2638 = arith.constant 0 : i32
    %dma_wait3A_2639 = tpu.memref_slice %arg14[%dma_wait3A_2632, %dma_wait3A_2638] : memref<3x128xf32, #tpu.memory_space<vmem>> -> memref<1x128xf32, #tpu.memory_space<vmem>>
    %dma_wait3A_2640 = tpu.memref_squeeze %dma_wait3A_2639 : memref<1x128xf32, #tpu.memory_space<vmem>> -> memref<128xf32, #tpu.memory_space<vmem>>
    tpu.wait_dma2 semaphore(%arg18 : memref<!tpu.dma_semaphore, #tpu.memory_space<semaphore_mem>>) src(%dma_wait3A_2640 : memref<128xf32, #tpu.memory_space<vmem>>) dst(%dma_wait3A_2637 : memref<128xf32, #tpu.memory_space<hbm>>)
    %dma_wait3A_2641 = arith.constant 0 : i32
    %dma_wait3A_2642 = arith.constant 0 : i32
    %dma_wait3A_2643 = tpu.memref_slice %arg14[%dma_wait3A_2641, %dma_wait3A_2642] : memref<3x128xf32, #tpu.memory_space<vmem>> -> memref<1x128xf32, #tpu.memory_space<vmem>>
    %dma_wait3A_2644 = tpu.memref_squeeze %dma_wait3A_2643 : memref<1x128xf32, #tpu.memory_space<vmem>> -> memref<128xf32, #tpu.memory_space<vmem>>
    %dma_wait3A_2645 = tpu.memref_slice %arg7[%add3A_2549] : memref<16384xf32, #tpu.memory_space<hbm>> -> memref<128xf32, #tpu.memory_space<hbm>>
    %dma_wait3A_2646 = tpu.memref_slice %arg7[%add3A_2549] : memref<16384xf32, #tpu.memory_space<hbm>> -> memref<128xf32, #tpu.memory_space<hbm>>
    %dma_wait3A_2647 = arith.constant 0 : i32
    %dma_wait3A_2648 = tpu.memref_slice %arg14[%dma_wait3A_2641, %dma_wait3A_2647] : memref<3x128xf32, #tpu.memory_space<vmem>> -> memref<1x128xf32, #tpu.memory_space<vmem>>
    %dma_wait3A_2649 = tpu.memref_squeeze %dma_wait3A_2648 : memref<1x128xf32, #tpu.memory_space<vmem>> -> memref<128xf32, #tpu.memory_space<vmem>>
    tpu.wait_dma2 semaphore(%arg18 : memref<!tpu.dma_semaphore, #tpu.memory_space<semaphore_mem>>) src(%dma_wait3A_2649 : memref<128xf32, #tpu.memory_space<vmem>>) dst(%dma_wait3A_2646 : memref<128xf32, #tpu.memory_space<hbm>>)
    %mul3A_2650 = arith.constant 16 : i32
    %mul3A_2651 = arith.muli %add3A, %mul3A_2650 : i32
    "tpu.region"() ({
      %run_scoped3A = tpu.sem_alloc : memref<!tpu.dma_semaphore, #tpu.memory_space<semaphore_mem>>
      %dma_start3A_2652 = tpu.memref_slice %arg6[%mul3A_2651] : memref<512xf32, #tpu.memory_space<hbm>> -> memref<16xf32, #tpu.memory_space<hbm>>
      %dma_start3A_2653 = tpu.memref_slice %arg6[%mul3A_2651] : memref<512xf32, #tpu.memory_space<hbm>> -> memref<16xf32, #tpu.memory_space<hbm>>
      tpu.enqueue_dma source(%arg15 : memref<16xf32, #tpu.memory_space<vmem>>) target(%dma_start3A_2653 : memref<16xf32, #tpu.memory_space<hbm>>) target_semaphore(%run_scoped3A : memref<!tpu.dma_semaphore, #tpu.memory_space<semaphore_mem>>)
      %dma_wait3A_2654 = tpu.memref_slice %arg6[%mul3A_2651] : memref<512xf32, #tpu.memory_space<hbm>> -> memref<16xf32, #tpu.memory_space<hbm>>
      %dma_wait3A_2655 = tpu.memref_slice %arg6[%mul3A_2651] : memref<512xf32, #tpu.memory_space<hbm>> -> memref<16xf32, #tpu.memory_space<hbm>>
      tpu.wait_dma2 semaphore(%run_scoped3A : memref<!tpu.dma_semaphore, #tpu.memory_space<semaphore_mem>>) src(%arg15 : memref<16xf32, #tpu.memory_space<vmem>>) dst(%dma_wait3A_2655 : memref<16xf32, #tpu.memory_space<hbm>>)
      tpu.yield
    }) : () -> ()
    return
  }
}

module attributes {stable_mosaic.version = 14 : i64} {
  func.func @_tc_body(%arg0: memref<4x128xf32, #tpu.memory_space<vmem>>, %arg1: memref<128x128xf32, #tpu.memory_space<vmem>>, %arg2: memref<128x128xf32, #tpu.memory_space<vmem>>) attributes {dimension_semantics = [], scalar_prefetch = 0 : i64, scratch_operands = 0 : i64, tpu.core_type = #tpu.core_type<tc>} {
    %get3A = arith.constant 0 : index
    %get3A_0 = arith.constant 0 : index
    %get3A_1 = vector.load %arg0[%get3A, %get3A_0] : memref<4x128xf32, #tpu.memory_space<vmem>>, vector<4x128xf32>
    %reduce_sum3A = vector.shape_cast %get3A_1 : vector<4x128xf32> to vector<1x4x128xf32>
    %reduce_sum3A_2 = arith.constant dense<0.000000e+00> : vector<1xf32>
    %reduce_sum3A_3 = vector.multi_reduction <add>, %reduce_sum3A, %reduce_sum3A_2 [1, 2] : vector<1x4x128xf32> to vector<1xf32>
    %reduce_sum3A_4 = vector.shape_cast %reduce_sum3A_3 : vector<1xf32> to vector<1x1x1xf32>
    %reduce_sum3A_5 = vector.extract %reduce_sum3A_4[0, 0, 0] : f32 from vector<1x1x1xf32>
    %get3A_6 = arith.constant 0 : index
    %get3A_7 = arith.constant 0 : index
    %get3A_8 = vector.load %arg1[%get3A_6, %get3A_7] : memref<128x128xf32, #tpu.memory_space<vmem>>, vector<128x128xf32>
    %add3A = vector.broadcast %reduce_sum3A_5 : f32 to vector<128x128xf32>
    %add3A_9 = arith.addf %add3A, %get3A_8 : vector<128x128xf32>
    %logistic3A = arith.negf %add3A_9 : vector<128x128xf32>
    %logistic3A_10 = math.exp %logistic3A : vector<128x128xf32>
    %logistic3A_11 = arith.constant 1.000000e+00 : f32
    %logistic3A_12 = vector.broadcast %logistic3A_11 : f32 to vector<128x128xf32>
    %logistic3A_13 = arith.addf %logistic3A_12, %logistic3A_10 : vector<128x128xf32>
    %logistic3A_14 = arith.divf %logistic3A_12, %logistic3A_13 : vector<128x128xf32>
    %swap3A = arith.constant 0 : index
    %swap3A_15 = arith.constant 0 : index
    %swap3A_16 = vector.load %arg2[%swap3A, %swap3A_15] : memref<128x128xf32, #tpu.memory_space<vmem>>, vector<128x128xf32>
    tpu.vector_store %arg2[%swap3A, %swap3A_15], %logistic3A_14 {strides = array<i32>} : memref<128x128xf32, #tpu.memory_space<vmem>>, vector<128x128xf32>,
    return
  }
}

</mosaic_0001>

<sc_bundles>
// kernel: kernel.4.cloned.1.call-start
scs
__scs_entry_jumppad:
0x0: {  	(pc) =	sbr.rel $0x88, $3  }
0x1: {  	(tag) =	ssettag $0x0;
	lr =	simm.s32 $0x1  }
0x2: {  	[smem:$0x3F9C] =	sst lr;
	_ =	strace $0xD0000000  }
0x3: {  	_ = 	snop  }
0x4: {  	_ = 	snop  }
0x5: {  	_ = 	snop  }
0x6: {  	_ = 	snop  }
0x7: {  	_ = 	snop  }
__scs_overlays_trampoline_lowered:
0x8: {  	[smem:$0x3FAB] =	sst s0  }
0x9: {  	[smem:$0x3FAC] =	sst s1  }
0xa: {  	[smem:$0x3FAD] =	sst s2  }
0xb: {  	[smem:$0x3FAE] =	sst s3  }
0xc: {  	[smem:$0x3FAF] =	sst s4  }
0xd: {  	[smem:$0x3FB0] =	sst s5  }
0xe: {  	[smem:$0x3FB1] =	sst s6  }
0xf: {  	[smem:$0x3FB2] =	sst s7  }
0x10: {  	[smem:$0x3FB3] =	sst s8  }
0x11: {  	[smem:$0x3FB4] =	sst s9;
	s0 =	simm.s32 @!p0 $0x0  }
0x12: {  	s1 =	sld [smem:$0x3F9A];
	s0 =	simm.s32 @p0 $0x1  }
0x13: {  	[smem:$0x3FB5] =	sst s0;
	s0 =	simm.s32 @!p1 $0x0  }
0x14: {  	s2 =	sld [smem:$0x3F99];
	s0 =	simm.s32 @p1 $0x1  }
0x15: {  	[smem:$0x3FB6] =	sst s0;
	s0 =	simm.s32 @!p2 $0x0  }
0x16: {  	s3 =	sld [smem:$0x3FDB];
	s0 =	simm.s32 @p2 $0x1  }
0x17: {  	s4 =	simm.s32 $0x1BF5;
	[smem:$0x3FB8] =	sst s0  }
0x18: {  	s0 =	sld [smem:$0x3F9B];
	_ =	swait.ge [sflag:s4], $0x0  }
0x19: {  	s7 =	sld [smem:$0x3F9C]  }
0x1a: {  	s8 =	sadd.s32 $0xFFFFE003, lr  }
0x1b: {  	s9 =	sadd.s32 $0xFFFFFEF7, lr;
	s5 =	simm.s32 $0xFFFFFFFF;
	p2 =	slt.u32 s8, $0xFFFFF086  }
0x1c: {  	p1 =	slt.u32 s9, $0xF7A;
	s5 =	simm.s32 @!p2 $0x0  }
0x1d: {  	s5 =	simm.s32 @p1 $0x1;
	p0 =	seq.s32 s7, s2  }
0x1e: {  	s7 =	smul.u32 @!p0 $0xF7A, s2;
	p2 =	seq.s32 @!p0 s5, $0x0  }
0x1f: {  	s9 =	smul.u32 $0xF7A, s1;
	s8 =	simm.s32 @!p0 $0x1BF5;
	p2 =	por !p2, p0  }
0x20: {  	[sflag:s8] =	ssyncset.s32 @!p0 $0xFFFFF086;
	s6 =	sadd.s32 @!p0 s3, s7;
	s7 =	simm.s32 @!p0 $0x108  }
0x21: {  	s3 =	sadd.s32 s3, s9;
	s6 =	sadd.s32 @!p0 $0x88, s6;
	s7 =	simm.s32 @p2 $0x1082  }
0x22: {  	[simem:s7], [sflag:s8] =	dma.local @!p0 [hbm:s6], $0xF7A  }
0x23: {  	s9 =	sor.u32 $0xD0000000, s2;
	s6 =	simm.s32 $0x108;
	_ =	swait.ge @!p0 [sflag:s8], $0x0  }
0x24: {  	s3 =	sadd.s32 $0x88, s3;
	s6 =	simm.s32 @!p1 $0x1082;
	[sflag:s4] =	ssyncset.s32 $0xFFFFF086  }
0x25: {  	[simem:s6], [sflag:s4] =	dma.local [hbm:s3], $0xF7A  }
0x26: {  	[smem:$0x3F9C] =	sst s1;
	(tag) =	ssettag s2;
	_ =	strace s9  }
0x27: {  	s1 =	sld [smem:$0x3FAC]  }
0x28: {  	s2 =	sld [smem:$0x3FAD]  }
0x29: {  	s4 =	sld [smem:$0x3FAF]  }
0x2a: {  	p0 =	seq.s32 s5, $0x0;
	s5 =	sld [smem:$0x3FB0]  }
0x2b: {  	s6 =	sld [smem:$0x3FB1]  }
0x2c: {  	s7 =	sld [smem:$0x3FB2]  }
0x2d: {  	s3 =	simm.s32 $0x108;
	s8 =	sld [smem:$0x3FB3]  }
0x2e: {  	s3 =	simm.s32 @!p0 $0x1082;
	s9 =	sld [smem:$0x3FB4]  }
0x2f: {  	lr =	sadd.s32 s0, s3;
	s0 =	sld [smem:$0x3FAB]  }
0x30: {  	s3 =	sld [smem:$0x3FAE]  }
0x31: {  	[smem:$0x3FB7] =	sst s10  }
0x32: {  	s10 =	sld [smem:$0x3FB5];
	_ =	sdelay $0x3  }
0x33: {  	p0 =	seq.s32 s10, $0x1;
	s10 =	sld [smem:$0x3FB7];
	_ =	sdelay $0x3  }
0x34: {  	[smem:$0x3FB7] =	sst s10  }
0x35: {  	s10 =	sld [smem:$0x3FB6];
	_ =	sdelay $0x3  }
0x36: {  	p1 =	seq.s32 s10, $0x1;
	s10 =	sld [smem:$0x3FB7];
	_ =	sdelay $0x3  }
0x37: {  	[smem:$0x3FB7] =	sst s10  }
0x38: {  	s10 =	sld [smem:$0x3FB8]  }
0x39: {  	_ = 	snop;
	(pc) =	sbr.ind lr, $3  }
0x3a: {  	_ = 	snop  }
0x3b: {  	_ = 	snop  }
0x3c: {  	p2 =	seq.s32 s10, $0x1;
	s10 =	sld [smem:$0x3FB7]  }
0x3d: {  	_ =	shalt  }
0x3e: {  	_ =	shalt  }
0x3f: {  	_ =	shalt  }
0x40: {  	_ =	shalt  }
0x41: {  	_ =	shalt  }
0x42: {  	_ =	shalt  }
0x43: {  	_ =	shalt  }
0x44: {  	_ =	shalt  }
0x45: {  	_ =	shalt  }
0x46: {  	_ =	shalt  }
0x47: {  	_ =	shalt  }
0x48: {  	_ =	shalt  }
0x49: {  	_ =	shalt  }
0x4a: {  	_ =	shalt  }
0x4b: {  	_ =	shalt  }
0x4c: {  	_ =	shalt  }
0x4d: {  	_ =	shalt  }
0x4e: {  	_ =	shalt  }
0x4f: {  	_ =	shalt  }
0x50: {  	_ =	shalt  }
0x51: {  	_ =	shalt  }
0x52: {  	_ =	shalt  }
0x53: {  	_ =	shalt  }
0x54: {  	_ =	shalt  }
0x55: {  	_ =	shalt  }
0x56: {  	_ =	shalt  }
0x57: {  	_ =	shalt  }
0x58: {  	_ =	shalt  }
0x59: {  	_ =	shalt  }
0x5a: {  	_ =	shalt  }
0x5b: {  	_ =	shalt  }
0x5c: {  	_ =	shalt  }
0x5d: {  	_ =	shalt  }
0x5e: {  	_ =	shalt  }
0x5f: {  	_ =	shalt  }
0x60: {  	_ =	shalt  }
0x61: {  	_ =	shalt  }
0x62: {  	_ =	shalt  }
0x63: {  	_ =	shalt  }
0x64: {  	_ =	shalt  }
0x65: {  	_ =	shalt  }
0x66: {  	_ =	shalt  }
0x67: {  	_ =	shalt  }
0x68: {  	_ =	shalt  }
0x69: {  	_ =	shalt  }
0x6a: {  	_ =	shalt  }
0x6b: {  	_ =	shalt  }
0x6c: {  	_ =	shalt  }
0x6d: {  	_ =	shalt  }
0x6e: {  	_ =	shalt  }
0x6f: {  	_ =	shalt  }
0x70: {  	_ =	shalt  }
0x71: {  	_ =	shalt  }
0x72: {  	_ =	shalt  }
0x73: {  	_ =	shalt  }
0x74: {  	_ =	shalt  }
0x75: {  	_ =	shalt  }
0x76: {  	_ =	shalt  }
0x77: {  	_ =	shalt  }
0x78: {  	_ =	shalt  }
0x79: {  	_ =	shalt  }
0x7a: {  	_ =	shalt  }
0x7b: {  	_ =	shalt  }
0x7c: {  	_ =	shalt  }
0x7d: {  	_ =	shalt  }
0x7e: {  	_ =	shalt  }
0x7f: {  	_ =	shalt  }
0x80: {  	_ =	shalt  }
0x81: {  	_ =	shalt  }
0x82: {  	_ =	shalt  }
0x83: {  	_ =	shalt  }
0x84: {  	_ =	shalt  }
0x85: {  	_ =	shalt  }
0x86: {  	_ =	shalt  }
0x87: {  	_ =	shalt  }
.Lfunc_end0:
.L_simem_size_0:
called_computation_lowered:
.L_overlay_start_0:
0x88: {  	s2 =	sld [smem:$0x3FD9]  }
0x89: {  	s3 =	sld [smem:$0x3FFE];
	_ =	sdelay $0x1  }
0x8a: {  	s1 =	srdreg.scid  }
0x8b: {  	s0 =	sand.u32 $0x1, s1  }
0x8c: {  	s17 =	sshll.u32 s0, $0xA;
	s2 =	sadd.s32 s3, s2  }
0x8d: {  	s2 =	sadd.s32 s2, s17  }
0x8e: {  	[smem:$0x3FC3] =	sst s2  }
0x8f: {  	_ = 	snop  }
0x90: {  	s2 =	sld [smem:$0x3FC8]  }
0x91: {  	s18 =	sld [smem:$0x3FC6]  }
0x92: {  	s4 =	sld [smem:$0x3FD0];
	(tm) =	ssettm $0x1  }
0x93: {  	s5 =	sld [smem:$0x3FFB];
	_ =	sdelay $0x3  }
0x94: {  	_ =	strace s5  }
0x95: {  	s5 =	sld [smem:$0x3FFC];
	_ =	sdelay $0x3  }
0x96: {  	_ =	strace s5  }
0x97: {  	s5 =	sld [smem:$0x3FFD];
	_ =	sdelay $0x3  }
0x98: {  	_ =	strace s5  }
0x99: {  	_ =	strace $0x8FFFFFFF  }
0x9a: {  	s19 =	sld [smem:$0x3FDB];
	_ =	sdelay $0x1  }
0x9b: {  	s6 =	simm.s32 $_scs_section_size  }
0x9c: {  	s7 =	simm.s32 $_size__tile_overlayer_lowered;
	s8 =	simm.s32 $_tile_overlayer_lowered  }
0x9d: {  	s22 =	simm.s32 $0x1BFF;
	s21 =	sshll.u32 s8, $0x1;
	s5 =	sadd.s32 s6, s19  }
0x9e: {  	s9 =	simm.s32 $0x0;
	s20 =	sshll.u32 s7, $0x1;
	s7 =	sadd.s32 s21, s5  }
0x9f: {  	[timem:s9], [sflag:s22] =	dma.local [hbm:s7], s20  }
0xa0: {  	_ =	swait.ge [sflag:s22], s20  }
0xa1: {  	s6 =	ssub.s32 $0x0, s20;
	[sflag:s22] =	ssyncset.done $0x0  }
0xa2: {  	[sflag:s22] =	ssyncadd.s32 s6;
	_ =	sdelay $0x1  }
0xa3: {  	s23 =	simm.s32 $0x1B8B  }
0xa4: {  	_ =	swait.ge [sflag:s23], $0x1  }
0xa5: {  	[sflag:s23] =	ssyncset.done $0x0  }
0xa6: {  	s25 =	simm.s32 $0x1B8E;
	s24 =	sld [smem:$0x3FFE];
	[sflag:s23] =	ssyncadd.s32 $0xFFFFFFFF  }
0xa7: {  	s26 =	simm.s32 $execute0_lowered;
	[smem:$0x3FD2] =	sst s25  }
0xa8: {  	s7 =	sshll.u32 s26, $0x1;
	_ =	strace $0x80000046;
	[dreg:$0x1] =	wrdreg $0xFFFFFFFF  }
0xa9: {  	s28 =	simm.s32 $_size_execute0_lowered;
	s5 =	sadd.s32 s5, s7;
	[dreg:$0x0] =	wrdreg $0x0  }
0xaa: {  	s7 =	sshll.u32 s28, $0x1;
	[dreg:$0x2] =	wrdreg s5  }
0xab: {  	[dreg:$0x3] =	wrdreg s7  }
0xac: {  	[dreg:$0x4] =	wrdreg $0xC0  }
0xad: {  	_ =	task [dreg:s9], $0x5FFFF  }
0xae: {  	[dreg:$0x1] =	wrdreg $0xFFFFFFFF  }
0xaf: {  	[dreg:$0x0] =	wrdreg $0x60  }
0xb0: {  	[dreg:$0x2] =	wrdreg s24  }
0xb1: {  	[dreg:$0x3] =	wrdreg s2  }
0xb2: {  	[dreg:$0x4] =	wrdreg s18  }
0xb3: {  	[dreg:$0x5] =	wrdreg s4  }
0xb4: {  	[dreg:$0x6] =	wrdreg $0x9  }
0xb5: {  	_ =	task.clear_ibuf [dreg:s9], $0x7FFFF;
	_ =	strace $0x90000046  }
0xb6: {  	s29 =	simm.s32 $0x9;
	_ =	strace $0x80000048  }
0xb7: {  	_ =	swait.ge [sflag:s29], $0x1  }
0xb8: {  	[sflag:s29] =	ssyncadd.s32 $0xFFFFFFFF  }
0xb9: {  	_ =	strace $0x90000048  }
0xba: {  	_ =	sfence  }
0xbb: {  	s30 =	sld [smem:$0x0];
	_ =	sdelay $0x2  }
0xbc: {  	s31 =	sshll.u32 s1, $0xD;
	s1 =	sshrl.u32 s1, $0x2  }
0xbd: {  	s3 =	sand.u32 $0x4000, s31;
	s1 =	sadd.s32 s1, s30  }
0xbe: {  	s0 =	sor.u32 s3, s0;
	s1 =	sshll.u32 s1, $0x11  }
0xbf: {  	s0 =	sor.u32 s1, s0  }
0xc0: {  	s0 =	sadd.s32 $0x8F2B, s0  }
0xc1: {  	[sflag:s0] =	ssyncadd.remote.s32 $0x1  }
0xc2: {  	_ =	sfence.sel $0xFFFF  }
0xc3: {  	[dreg:$0x0] =	wrdreg $0xFFFFFFFF;
	(pc) =	sbr.abs _section_cstart, $3  }
0xc4: {  	[dreg:$0x1] =	wrdreg $0xFFFFFFFF  }
0xc5: {  	_ =	task.clear_ibuf [dreg:s9], $0x2FFFF;
	_ =	strace $0x9FFFFFFF  }
0xc6: {  	(tm) =	ssettm $0x7FFFFFFF  }
0xc7: {  	_ =	shalt  }
tec
execute0_lowered:
.L_overlay_start_1:
0x0: {  	(tag) =	ssettag $0x1  }
0x1: {  	s0 =	rddreg [dreg:$0x0]  }
0x2: {  	s1 =	rddreg [dreg:$0x1]  }
0x3: {  	s3 =	rddreg [dreg:$0x2];
	s2 =	srdreg.scid  }
0x4: {  	s4 =	stileid.u32;
	s7 =	rddreg [dreg:$0x3];
	s13 =	simm.s32 $0x8  }
0x5: {  	s14 =	simm.s32 $0x80;
	s17 =	simm.s32 $0xC800;
	s19 =	simm.s32 $0x18800  }
0x6: {  	s21 =	simm.s32 $0x19400;
	s29 =	simm.s32 $0x19800;
	s18 =	simm.s32 $0x19000  }
0x7: {  	v0 =	vlaneseq.u32;
	s22 =	simm.s32 $0x19C00;
	s23 =	simm.s32 $0x4;
	s24 =	simm.s32 $0x1A000  }
0x8: {  	s25 =	simm.s32 $0x1;
	s20 =	simm.s32 $0x2;
	s28 =	simm.s32 $0x6;
	v0 =	vmul.u32 $0x8, v0  }
0x9: {  	s31 =	simm.s32 $0x3;
	s5 =	sshll.u32 s4, $0x1;
	s4 =	simm.s32 $0x0  }
0xa: {  	s30 =	simm.s32 $0x0;
	s2 =	sand.u32 $0x1, s2;
	[smem:$0x7FF] =	sst s4;
	v1 =	vor.u32 $0x80, v0  }
0xb: {  	s6 =	sor.u32 s2, s5;
	s2 =	ssub.s32 $0x2, s2;
	_ =	strace $0x80000047;
	[tilespmem:$0x1FF90] =	vst v1;
	v1 =	vor.u32 $0x100, v0  }
0xc: {  	s5 =	sshll.u32 s6, $0x7;
	s9 =	sshll.u32 s6, $0x1;
	s26 =	sshrl.u32 s2, $0x1;
	[tilespmem:$0x1FFA0] =	vst v1;
	v1 =	vor.u32 $0x180, v0  }
0xd: {  	s10 =	sshll.u32 s6, $0x6;
	s8 =	sadd.s32 s5, s0;
	s5 =	sadd.s32 $0xE00, s0;
	[tilespmem:$0x1FFB0] =	vst v1;
	v1 =	vor.u32 $0x200, v0  }
0xe: {  	s0 =	sadd.s32 s9, s0;
	s2 =	ssub.s32 s2, s26;
	s7 =	sadd.s32 s7, s10;
	[tilespmem:$0x1FFC0] =	vst v1;
	v1 =	vor.u32 $0x280, v0  }
0xf: {  	s26 =	simm.s32 $0x18C00;
	s6 =	sadd.s32 $0x7000, s8;
	s8 =	sadd.s32 $0x10, s7;
	[tilespmem:$0x1FFD0] =	vst v1;
	v1 =	vor.u32 $0x300, v0  }
0x10: {  	s9 =	sadd.s32 $0x20, s7;
	s10 =	sadd.s32 $0x30, s7;
	s11 =	sadd.s32 $0x8000, s0;
	[tilespmem:$0x1FFE0] =	vst v1;
	v1 =	vor.u32 $0x380, v0  }
0x11: {  	s12 =	smax.u32 s2, $0x1;
	s0 =	simm.s32 $0x5;
	s2 =	simm.s32 $0x7;
	[tilespmem:$0x1FFF0] =	vst v1  }
.LBB2_1:
0x12: {  	[tilespmem:s4], [sflag:$0x8] =	stream.linear.gather [hbm4b:s6+s4], $0x400, $0x38;
	[tilespmem:$0x1A190] =	vst v63  }
0x13: {  	_ =	swait.ge [sflag:s13], $0x400  }
0x14: {  	[sflag:s13] =	ssyncset.done $0x0  }
0x15: {  	[sflag:s13] =	ssyncadd.s32 $0xFFFFFC00  }
0x16: {  	v8 =	vld [tilespmem:$0x0]  }
0x17: {  	v9 =	vld [tilespmem:$0x10]  }
0x18: {  	v10 =	vld [tilespmem:$0x20]  }
0x19: {  	v11 =	vld [tilespmem:$0x30]  }
0x1a: {  	v12 =	vld [tilespmem:$0x40]  }
0x1b: {  	v13 =	vld [tilespmem:$0x50]  }
0x1c: {  	v14 =	vld [tilespmem:$0x60];
	v8 =	vshrl.u32 v8, $0x3  }
0x1d: {  	[tilespmem:$0x400] =	vst v8;
	v8 =	vshrl.u32 v9, $0x3;
	v9 =	vld [tilespmem:$0x70]  }
0x1e: {  	[tilespmem:$0x410] =	vst v8;
	v8 =	vshrl.u32 v10, $0x3;
	v10 =	vld [tilespmem:$0x80]  }
0x1f: {  	[tilespmem:$0x420] =	vst v8;
	v8 =	vshrl.u32 v11, $0x3;
	v11 =	vld [tilespmem:$0x90]  }
0x20: {  	[tilespmem:$0x430] =	vst v8;
	v8 =	vshrl.u32 v12, $0x3;
	v12 =	vld [tilespmem:$0xA0]  }
0x21: {  	[tilespmem:$0x440] =	vst v8;
	v8 =	vshrl.u32 v13, $0x3;
	v13 =	vld [tilespmem:$0xB0]  }
0x22: {  	[tilespmem:$0x450] =	vst v8;
	v8 =	vshrl.u32 v14, $0x3;
	v14 =	vld [tilespmem:$0xC0]  }
0x23: {  	[tilespmem:$0x460] =	vst v8;
	v8 =	vshrl.u32 v9, $0x3;
	v9 =	vld [tilespmem:$0xD0]  }
0x24: {  	[tilespmem:$0x470] =	vst v8;
	v8 =	vshrl.u32 v10, $0x3;
	v10 =	vld [tilespmem:$0xE0]  }
0x25: {  	[tilespmem:$0x480] =	vst v8;
	v8 =	vshrl.u32 v11, $0x3;
	v11 =	vld [tilespmem:$0xF0]  }
0x26: {  	[tilespmem:$0x490] =	vst v8;
	v8 =	vshrl.u32 v12, $0x3;
	v12 =	vld [tilespmem:$0x100]  }
0x27: {  	[tilespmem:$0x4A0] =	vst v8;
	v8 =	vshrl.u32 v13, $0x3;
	v13 =	vld [tilespmem:$0x110]  }
0x28: {  	[tilespmem:$0x4B0] =	vst v8;
	v8 =	vshrl.u32 v14, $0x3;
	v14 =	vld [tilespmem:$0x120]  }
0x29: {  	[tilespmem:$0x4C0] =	vst v8;
	v8 =	vshrl.u32 v9, $0x3;
	v9 =	vld [tilespmem:$0x130]  }
0x2a: {  	[tilespmem:$0x4D0] =	vst v8;
	v8 =	vshrl.u32 v10, $0x3;
	v10 =	vld [tilespmem:$0x140]  }
0x2b: {  	[tilespmem:$0x4E0] =	vst v8;
	v8 =	vshrl.u32 v11, $0x3;
	v11 =	vld [tilespmem:$0x150]  }
0x2c: {  	[tilespmem:$0x4F0] =	vst v8;
	v8 =	vshrl.u32 v12, $0x3;
	v12 =	vld [tilespmem:$0x160]  }
0x2d: {  	[tilespmem:$0x500] =	vst v8;
	v8 =	vshrl.u32 v13, $0x3;
	v13 =	vld [tilespmem:$0x170]  }
0x2e: {  	[tilespmem:$0x510] =	vst v8;
	v8 =	vshrl.u32 v14, $0x3;
	v14 =	vld [tilespmem:$0x180]  }
0x2f: {  	[tilespmem:$0x520] =	vst v8;
	v8 =	vshrl.u32 v9, $0x3;
	v9 =	vld [tilespmem:$0x190]  }
0x30: {  	[tilespmem:$0x530] =	vst v8;
	v8 =	vshrl.u32 v10, $0x3;
	v10 =	vld [tilespmem:$0x1A0]  }
0x31: {  	[tilespmem:$0x540] =	vst v8;
	v8 =	vshrl.u32 v11, $0x3;
	v11 =	vld [tilespmem:$0x1B0]  }
0x32: {  	[tilespmem:$0x550] =	vst v8;
	v8 =	vshrl.u32 v12, $0x3;
	v12 =	vld [tilespmem:$0x1C0]  }
0x33: {  	[tilespmem:$0x560] =	vst v8;
	v8 =	vshrl.u32 v13, $0x3;
	v13 =	vld [tilespmem:$0x1D0]  }
0x34: {  	[tilespmem:$0x570] =	vst v8;
	v8 =	vshrl.u32 v14, $0x3;
	v14 =	vld [tilespmem:$0x1E0]  }
0x35: {  	[tilespmem:$0x580] =	vst v8;
	v8 =	vshrl.u32 v9, $0x3;
	v9 =	vld [tilespmem:$0x1F0]  }
0x36: {  	[tilespmem:$0x590] =	vst v8;
	v8 =	vshrl.u32 v10, $0x3;
	v10 =	vld [tilespmem:$0x200]  }
0x37: {  	[tilespmem:$0x5A0] =	vst v8;
	v8 =	vshrl.u32 v11, $0x3;
	v11 =	vld [tilespmem:$0x210]  }
0x38: {  	[tilespmem:$0x5B0] =	vst v8;
	v8 =	vshrl.u32 v12, $0x3;
	v12 =	vld [tilespmem:$0x220]  }
0x39: {  	[tilespmem:$0x5C0] =	vst v8;
	v8 =	vshrl.u32 v13, $0x3;
	v13 =	vld [tilespmem:$0x230]  }
0x3a: {  	[tilespmem:$0x5D0] =	vst v8;
	v8 =	vshrl.u32 v14, $0x3;
	v14 =	vld [tilespmem:$0x240]  }
0x3b: {  	[tilespmem:$0x5E0] =	vst v8;
	v8 =	vshrl.u32 v9, $0x3;
	v9 =	vshrl.u32 v10, $0x3;
	v10 =	vld [tilespmem:$0x250]  }
0x3c: {  	[tilespmem:$0x5F0] =	vst v8;
	v8 =	vadd.s32 $0x30D4, v9;
	v9 =	vshrl.u32 v11, $0x3;
	v11 =	vld [tilespmem:$0x260]  }
0x3d: {  	[tilespmem:$0x600] =	vst v8;
	v8 =	vadd.s32 $0x30D4, v9;
	v9 =	vshrl.u32 v12, $0x3;
	v12 =	vld [tilespmem:$0x270]  }
0x3e: {  	[tilespmem:$0x610] =	vst v8;
	v8 =	vadd.s32 $0x30D4, v9;
	v9 =	vshrl.u32 v13, $0x3;
	v13 =	vld [tilespmem:$0x280]  }
0x3f: {  	[tilespmem:$0x620] =	vst v8;
	v8 =	vadd.s32 $0x30D4, v9;
	v9 =	vshrl.u32 v14, $0x3;
	v14 =	vld [tilespmem:$0x290]  }
0x40: {  	[tilespmem:$0x630] =	vst v8;
	v8 =	vadd.s32 $0x30D4, v9;
	v9 =	vshrl.u32 v10, $0x3;
	v10 =	vld [tilespmem:$0x2A0]  }
0x41: {  	[tilespmem:$0x640] =	vst v8;
	v8 =	vadd.s32 $0x30D4, v9;
	v9 =	vshrl.u32 v11, $0x3;
	v11 =	vld [tilespmem:$0x2B0]  }
0x42: {  	[tilespmem:$0x650] =	vst v8;
	v8 =	vadd.s32 $0x30D4, v9;
	v9 =	vshrl.u32 v12, $0x3;
	v12 =	vld [tilespmem:$0x2C0]  }
0x43: {  	[tilespmem:$0x660] =	vst v8;
	v8 =	vadd.s32 $0x30D4, v9;
	v9 =	vshrl.u32 v13, $0x3;
	v13 =	vld [tilespmem:$0x2D0]  }
0x44: {  	[tilespmem:$0x670] =	vst v8;
	v8 =	vadd.s32 $0x30D4, v9;
	v9 =	vshrl.u32 v14, $0x3;
	v14 =	vld [tilespmem:$0x2E0]  }
0x45: {  	[tilespmem:$0x680] =	vst v8;
	v8 =	vadd.s32 $0x30D4, v9;
	v9 =	vshrl.u32 v10, $0x3;
	v10 =	vld [tilespmem:$0x2F0]  }
0x46: {  	[tilespmem:$0x690] =	vst v8;
	v8 =	vadd.s32 $0x30D4, v9;
	v9 =	vshrl.u32 v11, $0x3;
	v11 =	vld [tilespmem:$0x300]  }
0x47: {  	[tilespmem:$0x6A0] =	vst v8;
	v8 =	vadd.s32 $0x30D4, v9;
	v9 =	vshrl.u32 v12, $0x3;
	v12 =	vld [tilespmem:$0x310]  }
0x48: {  	[tilespmem:$0x6B0] =	vst v8;
	v8 =	vadd.s32 $0x30D4, v9;
	v9 =	vshrl.u32 v13, $0x3;
	v13 =	vld [tilespmem:$0x320]  }
0x49: {  	[tilespmem:$0x6C0] =	vst v8;
	v8 =	vadd.s32 $0x30D4, v9;
	v9 =	vshrl.u32 v14, $0x3;
	v14 =	vld [tilespmem:$0x330]  }
0x4a: {  	[tilespmem:$0x6D0] =	vst v8;
	v8 =	vadd.s32 $0x30D4, v9;
	v9 =	vshrl.u32 v10, $0x3;
	v10 =	vld [tilespmem:$0x340]  }
0x4b: {  	[tilespmem:$0x6E0] =	vst v8;
	v8 =	vadd.s32 $0x30D4, v9;
	v9 =	vshrl.u32 v11, $0x3;
	v11 =	vld [tilespmem:$0x350]  }
0x4c: {  	[tilespmem:$0x6F0] =	vst v8;
	v8 =	vadd.s32 $0x30D4, v9;
	v9 =	vshrl.u32 v12, $0x3;
	v12 =	vld [tilespmem:$0x360]  }
0x4d: {  	[tilespmem:$0x700] =	vst v8;
	v8 =	vadd.s32 $0x30D4, v9;
	v9 =	vshrl.u32 v13, $0x3;
	v13 =	vld [tilespmem:$0x370]  }
0x4e: {  	[tilespmem:$0x710] =	vst v8;
	v8 =	vadd.s32 $0x30D4, v9;
	v9 =	vshrl.u32 v14, $0x3;
	v14 =	vld [tilespmem:$0x380]  }
0x4f: {  	[tilespmem:$0x720] =	vst v8;
	v8 =	vadd.s32 $0x30D4, v9;
	v9 =	vshrl.u32 v10, $0x3;
	v10 =	vld [tilespmem:$0x390]  }
0x50: {  	[tilespmem:$0x730] =	vst v8;
	v8 =	vadd.s32 $0x30D4, v9;
	v9 =	vshrl.u32 v11, $0x3;
	v11 =	vld [tilespmem:$0x3A0]  }
0x51: {  	[tilespmem:$0x740] =	vst v8;
	v8 =	vadd.s32 $0x30D4, v9;
	v9 =	vshrl.u32 v12, $0x3;
	v12 =	vld [tilespmem:$0x3B0]  }
0x52: {  	[tilespmem:$0x750] =	vst v8;
	v8 =	vadd.s32 $0x30D4, v9;
	v9 =	vshrl.u32 v13, $0x3;
	v13 =	vld [tilespmem:$0x3C0]  }
0x53: {  	[tilespmem:$0x760] =	vst v8;
	v8 =	vadd.s32 $0x30D4, v9;
	v9 =	vshrl.u32 v14, $0x3;
	v14 =	vld [tilespmem:$0x3D0]  }
0x54: {  	[tilespmem:$0x770] =	vst v8;
	v8 =	vadd.s32 $0x30D4, v9;
	v9 =	vshrl.u32 v10, $0x3;
	v10 =	vld [tilespmem:$0x3E0]  }
0x55: {  	[tilespmem:$0x780] =	vst v8;
	v8 =	vadd.s32 $0x30D4, v9;
	v9 =	vshrl.u32 v11, $0x3;
	v11 =	vld [tilespmem:$0x3F0]  }
0x56: {  	[tilespmem:$0x790] =	vst v8;
	v8 =	vadd.s32 $0x30D4, v9;
	v9 =	vshrl.u32 v12, $0x3  }
0x57: {  	[tilespmem:$0x7A0] =	vst v8;
	v8 =	vadd.s32 $0x30D4, v9;
	v9 =	vshrl.u32 v13, $0x3  }
0x58: {  	[tilespmem:$0x7B0] =	vst v8;
	v8 =	vadd.s32 $0x30D4, v9;
	v9 =	vshrl.u32 v14, $0x3  }
0x59: {  	[tilespmem:$0x7C0] =	vst v8;
	v8 =	vadd.s32 $0x30D4, v9;
	v9 =	vshrl.u32 v10, $0x3  }
0x5a: {  	[tilespmem:$0x7D0] =	vst v8;
	v8 =	vadd.s32 $0x30D4, v9;
	v9 =	vshrl.u32 v11, $0x3  }
0x5b: {  	[tilespmem:$0x7E0] =	vst v8;
	v8 =	vadd.s32 $0x30D4, v9  }
0x5c: {  	s15 =	simm.s32 $0x800;
	[tilespmem:$0x7F0] =	vst v8  }
0x5d: {  	[tilespmem:s15], [sflag:$0x1] =	stream.indirect.gather [hbm4b:s1+s14], $0x80, s4, s14, $0xb8;
	[tilespmem:$0x1A190] =	vst v63  }
0x5e: {  	s16 =	simm.s32 $0x200  }
0x5f: {  	[tilespmem:s17], [sflag:$0x1] =	stream.indirect.gather [hbm4b:s3+s14], $0x80, s16, s14, $0xb8;
	[tilespmem:$0x1A190] =	vst v63  }
0x60: {  	s16 =	simm.s32 $0x400  }
0x61: {  	[tilespmem:s19], [sflag:$0x4] =	stream.indirect.gather [hbm4b:s5+s14], $0x8, s16, s14, $0xb8;
	[tilespmem:$0x1A190] =	vst v63  }
0x62: {  	s16 =	simm.s32 $0x600  }
0x63: {  	[tilespmem:s21], [sflag:$0x4] =	stream.indirect.gather [hbm4b:s5+s14], $0x8, s16, s14, $0xb8;
	[tilespmem:$0x1A190] =	vst v63  }
0x64: {  	s16 =	simm.s32 $0x4800  }
0x65: {  	[tilespmem:s16], [sflag:$0x2] =	stream.indirect.gather [hbm4b:s1+s14], $0x80, s14, s14, $0xb8;
	[tilespmem:$0x1A190] =	vst v63  }
0x66: {  	s15 =	simm.s32 $0x280;
	s16 =	simm.s32 $0x10800  }
0x67: {  	[tilespmem:s16], [sflag:$0x2] =	stream.indirect.gather [hbm4b:s3+s14], $0x80, s15, s14, $0xb8;
	[tilespmem:$0x1A190] =	vst v63  }
0x68: {  	s16 =	simm.s32 $0x480  }
0x69: {  	[tilespmem:s26], [sflag:$0x5] =	stream.indirect.gather [hbm4b:s5+s14], $0x8, s16, s14, $0xb8;
	[tilespmem:$0x1A190] =	vst v63  }
0x6a: {  	s16 =	simm.s32 $0x680  }
0x6b: {  	[tilespmem:s29], [sflag:$0x5] =	stream.indirect.gather [hbm4b:s5+s14], $0x8, s16, s14, $0xb8;
	[tilespmem:$0x1A190] =	vst v63  }
0x6c: {  	s15 =	simm.s32 $0x100;
	s16 =	simm.s32 $0x8800  }
0x6d: {  	[tilespmem:s16], [sflag:$0x3] =	stream.indirect.gather [hbm4b:s1+s14], $0x80, s15, s14, $0xb8;
	[tilespmem:$0x1A190] =	vst v63  }
0x6e: {  	s15 =	simm.s32 $0x300;
	s16 =	simm.s32 $0x14800  }
0x6f: {  	[tilespmem:s16], [sflag:$0x3] =	stream.indirect.gather [hbm4b:s3+s14], $0x80, s15, s14, $0xb8;
	[tilespmem:$0x1A190] =	vst v63  }
0x70: {  	s16 =	simm.s32 $0x500  }
0x71: {  	[tilespmem:s18], [sflag:$0x6] =	stream.indirect.gather [hbm4b:s5+s14], $0x8, s16, s14, $0xb8;
	[tilespmem:$0x1A190] =	vst v63  }
0x72: {  	s16 =	simm.s32 $0x700  }
0x73: {  	[tilespmem:s22], [sflag:$0x6] =	stream.indirect.gather [hbm4b:s5+s14], $0x8, s16, s14, $0xb8;
	[tilespmem:$0x1A190] =	vst v63  }
0x74: {  	_ =	swait.ge [sflag:s23], $0x400  }
0x75: {  	[sflag:s23] =	ssyncset.done $0x0  }
0x76: {  	[sflag:s23] =	ssyncadd.s32 $0xFFFFFC00  }
0x77: {  	_ =	swait.ge [sflag:s23], $0x400  }
0x78: {  	[sflag:s23] =	ssyncset.done $0x0  }
0x79: {  	[sflag:s23] =	ssyncadd.s32 $0xFFFFFC00  }
0x7a: {  	v8 =	vld [tilespmem:$0x0]  }
0x7b: {  	v9 =	vld [tilespmem:$0x200];
	_ =	sdelay $0x3  }
0x7c: {  	v8 =	vand.u32 $0x7, v8  }
0x7d: {  	v9 =	vand.u32 $0x7, v9;
	v8 =	vor.u32 v0, v8  }
0x7e: {  	v9 =	vor.u32 v0, v9  }
0x7f: {  	v1 =	vld [tilespmem:$0x1FF90]  }
0x80: {  	v10 =	vld [tilespmem:$0x10]  }
0x81: {  	v11 =	vld [tilespmem:$0x210]  }
0x82: {  	v8 =	vld.idx.msk [tilespmem:v8+s19+$0x0], $0xffff  }
0x83: {  	v9 =	vld.idx.msk [tilespmem:v9+s21+$0x0], $0xffff;
	_ =	sdelay $0x1  }
0x84: {  	v10 =	vand.u32 $0x7, v10  }
0x85: {  	v11 =	vand.u32 $0x7, v11;
	v10 =	vor.u32 v1, v10  }
0x86: {  	v11 =	vor.u32 v1, v11  }
0x87: {  	v1 =	vld [tilespmem:$0x1FFA0];
	v8 =	vadd.f32 v9, v8  }
0x88: {  	v9 =	vld [tilespmem:$0x20]  }
0x89: {  	[tilespmem:$0x1A000] =	vst v8;
	v8 =	vld [tilespmem:$0x220]  }
0x8a: {  	v10 =	vld.idx.msk [tilespmem:v10+s19+$0x0], $0xffff  }
0x8b: {  	v11 =	vld.idx.msk [tilespmem:v11+s21+$0x0], $0xffff;
	_ =	sdelay $0x1  }
0x8c: {  	v9 =	vand.u32 $0x7, v9  }
0x8d: {  	v9 =	vor.u32 v1, v9;
	v8 =	vand.u32 $0x7, v8  }
0x8e: {  	v8 =	vor.u32 v1, v8  }
0x8f: {  	v10 =	vadd.f32 v11, v10;
	v11 =	vld [tilespmem:$0x30]  }
0x90: {  	v1 =	vld [tilespmem:$0x1FFB0]  }
0x91: {  	[tilespmem:$0x1A010] =	vst v10;
	v10 =	vld [tilespmem:$0x230]  }
0x92: {  	v9 =	vld.idx.msk [tilespmem:v9+s19+$0x0], $0xffff  }
0x93: {  	v8 =	vld.idx.msk [tilespmem:v8+s21+$0x0], $0xffff;
	_ =	sdelay $0x1  }
0x94: {  	v11 =	vand.u32 $0x7, v11  }
0x95: {  	v11 =	vor.u32 v1, v11;
	v10 =	vand.u32 $0x7, v10  }
0x96: {  	v10 =	vor.u32 v1, v10  }
0x97: {  	v1 =	vld [tilespmem:$0x1FFC0];
	v8 =	vadd.f32 v8, v9  }
0x98: {  	v9 =	vld [tilespmem:$0x40]  }
0x99: {  	[tilespmem:$0x1A020] =	vst v8;
	v8 =	vld [tilespmem:$0x240]  }
0x9a: {  	v11 =	vld.idx.msk [tilespmem:v11+s19+$0x0], $0xffff  }
0x9b: {  	v10 =	vld.idx.msk [tilespmem:v10+s21+$0x0], $0xffff;
	_ =	sdelay $0x1  }
0x9c: {  	v9 =	vand.u32 $0x7, v9  }
0x9d: {  	v9 =	vor.u32 v1, v9;
	v8 =	vand.u32 $0x7, v8  }
0x9e: {  	v8 =	vor.u32 v1, v8  }
0x9f: {  	v10 =	vadd.f32 v10, v11;
	v11 =	vld [tilespmem:$0x50]  }
0xa0: {  	v1 =	vld [tilespmem:$0x1FFD0]  }
0xa1: {  	[tilespmem:$0x1A030] =	vst v10;
	v10 =	vld [tilespmem:$0x250]  }
0xa2: {  	v9 =	vld.idx.msk [tilespmem:v9+s19+$0x0], $0xffff  }
0xa3: {  	v8 =	vld.idx.msk [tilespmem:v8+s21+$0x0], $0xffff;
	_ =	sdelay $0x1  }
0xa4: {  	v11 =	vand.u32 $0x7, v11  }
0xa5: {  	v11 =	vor.u32 v1, v11;
	v10 =	vand.u32 $0x7, v10  }
0xa6: {  	v10 =	vor.u32 v1, v10  }
0xa7: {  	v1 =	vld [tilespmem:$0x1FFE0];
	v8 =	vadd.f32 v8, v9  }
0xa8: {  	v9 =	vld [tilespmem:$0x60]  }
0xa9: {  	[tilespmem:$0x1A040] =	vst v8;
	v8 =	vld [tilespmem:$0x260]  }
0xaa: {  	v11 =	vld.idx.msk [tilespmem:v11+s19+$0x0], $0xffff  }
0xab: {  	v10 =	vld.idx.msk [tilespmem:v10+s21+$0x0], $0xffff;
	_ =	sdelay $0x1  }
0xac: {  	v9 =	vand.u32 $0x7, v9  }
0xad: {  	v9 =	vor.u32 v1, v9;
	v8 =	vand.u32 $0x7, v8  }
0xae: {  	v8 =	vor.u32 v1, v8  }
0xaf: {  	v10 =	vadd.f32 v10, v11;
	v11 =	vld [tilespmem:$0x70]  }
0xb0: {  	v1 =	vld [tilespmem:$0x1FFF0]  }
0xb1: {  	[tilespmem:$0x1A050] =	vst v10;
	v10 =	vld [tilespmem:$0x270]  }
0xb2: {  	v9 =	vld.idx.msk [tilespmem:v9+s19+$0x0], $0xffff  }
0xb3: {  	v8 =	vld.idx.msk [tilespmem:v8+s21+$0x0], $0xffff;
	_ =	sdelay $0x1  }
0xb4: {  	v11 =	vand.u32 $0x7, v11  }
0xb5: {  	v11 =	vor.u32 v1, v11;
	v10 =	vand.u32 $0x7, v10  }
0xb6: {  	v10 =	vor.u32 v1, v10  }
0xb7: {  	v8 =	vadd.f32 v8, v9;
	_ =	sdelay $0x1  }
0xb8: {  	[tilespmem:$0x1A060] =	vst v8  }
0xb9: {  	v8 =	vld.idx.msk [tilespmem:v11+s19+$0x0], $0xffff  }
0xba: {  	v9 =	vld.idx.msk [tilespmem:v10+s21+$0x0], $0xffff;
	_ =	sdelay $0x4  }
0xbb: {  	v8 =	vadd.f32 v9, v8;
	_ =	sdelay $0x1  }
0xbc: {  	[tilespmem:$0x1A070] =	vst v8  }
0xbd: {  	[hbm4b:s7+s4] =	stream.linear.scatter [tilespmem:s24], [sflag:$0x7], $0x80, $0x38;
	[tilespmem:$0x1A190] =	vst v63  }
0xbe: {  	_ =	swait.ge [sflag:s25], $0x4000  }
0xbf: {  	[sflag:s25] =	ssyncset.done $0x0  }
0xc0: {  	[sflag:s25] =	ssyncadd.s32 $0xFFFFC000  }
0xc1: {  	_ =	swait.ge [sflag:s25], $0x4000  }
0xc2: {  	[sflag:s25] =	ssyncset.done $0x0  }
0xc3: {  	s15 =	simm.s32 $0x0;
	[sflag:s25] =	ssyncadd.s32 $0xFFFFC000  }
0xc4: {  	v8 =	vld [tilespmem:s15+$0x8F0]  }
0xc5: {  	v9 =	vld [tilespmem:s15+$0xC8F0]  }
0xc6: {  	v10 =	vld [tilespmem:s15+$0x800]  }
0xc7: {  	v11 =	vld [tilespmem:s15+$0xC800]  }
0xc8: {  	v12 =	vld [tilespmem:s15+$0x810]  }
0xc9: {  	v13 =	vld [tilespmem:s15+$0xC810]  }
0xca: {  	v14 =	vld [tilespmem:s15+$0x820]  }
0xcb: {  	v15 =	vld [tilespmem:s15+$0xC820]  }
0xcc: {  	v16 =	vld [tilespmem:s15+$0x830]  }
0xcd: {  	v17 =	vld [tilespmem:s15+$0xC830]  }
0xce: {  	v18 =	vld [tilespmem:s15+$0x840]  }
0xcf: {  	v19 =	vld [tilespmem:s15+$0xC840]  }
0xd0: {  	v22 =	vld [tilespmem:s15+$0x850]  }
0xd1: {  	v23 =	vld [tilespmem:s15+$0xC850]  }
0xd2: {  	v24 =	vld [tilespmem:s15+$0x860]  }
0xd3: {  	v25 =	vld [tilespmem:s15+$0xC860]  }
0xd4: {  	v26 =	vld [tilespmem:s15+$0x870]  }
0xd5: {  	v27 =	vld [tilespmem:s15+$0xC870]  }
0xd6: {  	v28 =	vld [tilespmem:s15+$0x880]  }
0xd7: {  	v29 =	vld [tilespmem:s15+$0xC880]  }
0xd8: {  	v30 =	vld [tilespmem:s15+$0x890]  }
0xd9: {  	v31 =	vld [tilespmem:s15+$0xC890]  }
0xda: {  	v32 =	vld [tilespmem:s15+$0x8A0]  }
0xdb: {  	v33 =	vld [tilespmem:s15+$0x8B0];
	v8 =	vmul.f32 v9, v8;
	v9 =	vmul.f32 v11, v10  }
0xdc: {  	v21 =	vimm.f32 $0.0e+00;
	v34 =	vld [tilespmem:s15+$0xC8B0];
	v12 =	vmul.f32 v13, v12;
	v13 =	vmul.f32 v15, v14  }
0xdd: {  	v11 =	vld [tilespmem:s15+$0xC8A0];
	v20 =	vadd.f32 v8, v21;
	v10 =	vadd.f32 v9, v21;
	v8 =	vmul.f32 v17, v16  }
0xde: {  	v14 =	vadd.f32 v12, v21;
	v9 =	vmul.f32 v19, v18;
	v12 =	vmul.f32 v23, v22  }
0xdf: {  	v15 =	vadd.f32 v13, v21;
	v22 =	vld [tilespmem:s15+$0x8C0];
	v13 =	vmul.f32 v29, v28;
	v19 =	vmul.f32 v31, v30  }
0xe0: {  	v23 =	vld [tilespmem:s15+$0xC8C0];
	v16 =	vadd.f32 v8, v21;
	v8 =	vmul.f32 v25, v24;
	v17 =	vadd.f32 v9, v21  }
0xe1: {  	v9 =	vadd.f32 v12, v21;
	v12 =	vmul.f32 v27, v26;
	v24 =	vld [tilespmem:s15+$0x8D0];
	v27 =	vmul.f32 v34, v33  }
0xe2: {  	v25 =	vld [tilespmem:s15+$0xC8D0];
	v18 =	vadd.f32 v13, v21;
	v19 =	vadd.f32 v19, v21;
	v11 =	vmul.f32 v11, v32  }
0xe3: {  	v28 =	vld [tilespmem:s15+$0xC8E0];
	v8 =	vadd.f32 v8, v21;
	v12 =	vadd.f32 v12, v21  }
0xe4: {  	s16 =	simm.s32 $0x100;
	v26 =	vld [tilespmem:s15+$0x8E0];
	v13 =	vadd.f32 v11, v21;
	v11 =	vadd.f32 v27, v21  }
0xe5: {  	s15 =	simm.s32 $0x800;
	v27 =	vld [tilespmem:s16+$0x8F0];
	v29 =	vmul.f32 v23, v22;
	v23 =	vimm.f32 $0.0e+00;
	v22 =	vimm.f32 $0.0e+00  }
.LBB2_2:
0xe6: {  	p0 =	sne.s32 s15, $0xFC00;
	v30 =	vld [tilespmem:s16+$0xC8F0]  }
0xe7: {  	v31 =	vld [tilespmem:s16+$0x800];
	v21 =	vadd.f32 v29, v21;
	v24 =	vmul.f32 v25, v24  }
0xe8: {  	v25 =	vld [tilespmem:s16+$0xC800]  }
0xe9: {  	v29 =	vld [tilespmem:s16+$0x810];
	v23 =	vadd.f32 v24, v23;
	v24 =	vmul.f32 v28, v26  }
0xea: {  	v26 =	vld [tilespmem:s16+$0xC810]  }
0xeb: {  	v28 =	vld [tilespmem:s16+$0x820];
	v27 =	vmul.f32 v30, v27;
	v22 =	vadd.f32 v24, v22  }
0xec: {  	v24 =	vld [tilespmem:s16+$0xC820]  }
0xed: {  	v25 =	vmul.f32 v25, v31;
	v30 =	vld [tilespmem:s16+$0x830];
	v20 =	vadd.f32 v27, v20  }
0xee: {  	v27 =	vld [tilespmem:s16+$0xC830]  }
0xef: {  	v10 =	vadd.f32 v25, v10;
	v25 =	vmul.f32 v26, v29;
	v26 =	vld [tilespmem:s16+$0x840]  }
0xf0: {  	v29 =	vld [tilespmem:s16+$0xC840]  }
0xf1: {  	v14 =	vadd.f32 v25, v14;
	v24 =	vmul.f32 v24, v28;
	v25 =	vld [tilespmem:s16+$0x850]  }
0xf2: {  	v28 =	vld [tilespmem:s16+$0xC850]  }
0xf3: {  	v15 =	vadd.f32 v24, v15;
	v24 =	vmul.f32 v27, v30;
	v27 =	vld [tilespmem:s16+$0x860]  }
0xf4: {  	v30 =	vld [tilespmem:s16+$0xC860]  }
0xf5: {  	v16 =	vadd.f32 v24, v16;
	v24 =	vmul.f32 v29, v26;
	v26 =	vld [tilespmem:s16+$0x870]  }
0xf6: {  	v29 =	vld [tilespmem:s16+$0xC870]  }
0xf7: {  	v17 =	vadd.f32 v24, v17;
	v24 =	vmul.f32 v28, v25;
	v25 =	vld [tilespmem:s16+$0x880]  }
0xf8: {  	v28 =	vld [tilespmem:s16+$0xC880]  }
0xf9: {  	v9 =	vadd.f32 v24, v9;
	v24 =	vmul.f32 v30, v27;
	v27 =	vld [tilespmem:s16+$0x890]  }
0xfa: {  	v30 =	vld [tilespmem:s16+$0xC890]  }
0xfb: {  	v8 =	vadd.f32 v24, v8;
	v24 =	vmul.f32 v29, v26;
	v26 =	vld [tilespmem:s16+$0x8A0]  }
0xfc: {  	v29 =	vld [tilespmem:s16+$0xC8A0]  }
0xfd: {  	v12 =	vadd.f32 v24, v12;
	v24 =	vmul.f32 v28, v25;
	v28 =	vld [tilespmem:s16+$0x8B0]  }
0xfe: {  	v31 =	vld [tilespmem:s16+$0xC8B0]  }
0xff: {  	v18 =	vadd.f32 v24, v18;
	v24 =	vmul.f32 v30, v27;
	v30 =	vld [tilespmem:s16+$0x8C0]  }
0x100: {  	v32 =	vld [tilespmem:s16+$0xC8C0]  }
.Ltmp0:
0x101: {  	v19 =	vadd.f32 v24, v19;
	v26 =	vmul.f32 v29, v26;
	v24 =	vld [tilespmem:s16+$0x8D0];
	(pc) =	sbr.rel @p0 .LBB2_2-.Ltmp0, $4  }
0x102: {  	v25 =	vld [tilespmem:s16+$0xC8D0]  }
0x103: {  	v13 =	vadd.f32 v26, v13;
	v29 =	vmul.f32 v31, v28;
	v26 =	vld [tilespmem:s16+$0x8E0]  }
0x104: {  	v28 =	vld [tilespmem:s16+$0xC8E0];
	s16 =	sshra.s32 s15, $0x2  }
0x105: {  	s15 =	sadd.s32 $0x400, s15;
	v27 =	vld [tilespmem:s16+$0x8F0];
	v11 =	vadd.f32 v29, v11;
	v29 =	vmul.f32 v32, v30  }
0x106: {  	v58 =	vld [tilespmem:s16+$0xC8F0]  }
0x107: {  	v51 =	vld [tilespmem:s16+$0x800]  }
0x108: {  	v54 =	vld [tilespmem:s16+$0xC800]  }
0x109: {  	v55 =	vld [tilespmem:s16+$0x810]  }
0x10a: {  	v59 =	vld [tilespmem:s16+$0xC810]  }
0x10b: {  	v52 =	vld [tilespmem:s16+$0x820]  }
0x10c: {  	v56 =	vld [tilespmem:s16+$0xC820]  }
0x10d: {  	v57 =	vld [tilespmem:s16+$0x830]  }
0x10e: {  	v60 =	vld [tilespmem:s16+$0xC830]  }
0x10f: {  	v50 =	vld [tilespmem:s16+$0x840]  }
0x110: {  	v53 =	vld [tilespmem:s16+$0xC840]  }
0x111: {  	v42 =	vld [tilespmem:s16+$0x850]  }
0x112: {  	v47 =	vld [tilespmem:s16+$0xC850]  }
0x113: {  	v39 =	vld [tilespmem:s16+$0x860]  }
0x114: {  	v43 =	vld [tilespmem:s16+$0xC860]  }
0x115: {  	v44 =	vld [tilespmem:s16+$0x870]  }
0x116: {  	v48 =	vld [tilespmem:s16+$0xC870]  }
0x117: {  	v40 =	vld [tilespmem:s16+$0x880]  }
0x118: {  	v45 =	vld [tilespmem:s16+$0xC880]  }
0x119: {  	v46 =	vld [tilespmem:s16+$0x890]  }
0x11a: {  	v49 =	vld [tilespmem:s16+$0xC890]  }
0x11b: {  	v38 =	vld [tilespmem:s16+$0x8A0]  }
0x11c: {  	v41 =	vld [tilespmem:s16+$0xC8A0]  }
0x11d: {  	v32 =	vld [tilespmem:s16+$0x8B0]  }
0x11e: {  	v36 =	vld [tilespmem:s16+$0xC8B0]  }
0x11f: {  	v30 =	vld [tilespmem:s16+$0x8C0]  }
0x120: {  	v33 =	vld [tilespmem:s16+$0xC8C0]  }
0x121: {  	v34 =	vld [tilespmem:s16+$0x8D0]  }
0x122: {  	v37 =	vld [tilespmem:s16+$0xC8D0]  }
0x123: {  	v31 =	vld [tilespmem:s16+$0x8E0]  }
0x124: {  	v35 =	vld [tilespmem:s16+$0xC8E0];
	s15 =	simm.s32 $0x800;
	s16 =	simm.s32 $0x180  }
0x125: {  	[tilespmem:s15], [sflag:$0x1] =	stream.indirect.gather [hbm4b:s1+s14], $0x80, s16, s14, $0xb8;
	[tilespmem:$0x1A190] =	vst v63  }
0x126: {  	s16 =	simm.s32 $0x380  }
0x127: {  	[tilespmem:s17], [sflag:$0x1] =	stream.indirect.gather [hbm4b:s3+s14], $0x80, s16, s14, $0xb8;
	[tilespmem:$0x1A190] =	vst v63  }
0x128: {  	s16 =	simm.s32 $0x580  }
0x129: {  	[tilespmem:s19], [sflag:$0x4] =	stream.indirect.gather [hbm4b:s5+s14], $0x8, s16, s14, $0xb8;
	[tilespmem:$0x1A190] =	vst v63  }
0x12a: {  	s16 =	simm.s32 $0x780  }
0x12b: {  	[tilespmem:s21], [sflag:$0x4] =	stream.indirect.gather [hbm4b:s5+s14], $0x8, s16, s14, $0xb8;
	[tilespmem:$0x1A190] =	vst v63  }
0x12c: {  	_ =	swait.ge [sflag:s0], $0x400  }
0x12d: {  	[sflag:s0] =	ssyncset.done $0x0  }
0x12e: {  	[sflag:s0] =	ssyncadd.s32 $0xFFFFFC00  }
0x12f: {  	_ =	swait.ge [sflag:s0], $0x400  }
0x130: {  	[sflag:s0] =	ssyncset.done $0x0  }
0x131: {  	[sflag:s0] =	ssyncadd.s32 $0xFFFFFC00  }
0x132: {  	v61 =	vld [tilespmem:$0x80]  }
0x133: {  	v62 =	vld [tilespmem:$0x280];
	_ =	sdelay $0x3  }
0x134: {  	v61 =	vand.u32 $0x7, v61  }
0x135: {  	v62 =	vand.u32 $0x7, v62;
	v61 =	vor.u32 v0, v61  }
0x136: {  	v62 =	vor.u32 v0, v62  }
0x137: {  	v2 =	vld [tilespmem:$0x1FF90]  }
0x138: {  	v63 =	vld [tilespmem:$0x90]  }
0x139: {  	v1 =	vld [tilespmem:$0x290]  }
0x13a: {  	v61 =	vld.idx.msk [tilespmem:v61+s26+$0x0], $0xffff  }
0x13b: {  	v62 =	vld.idx.msk [tilespmem:v62+s29+$0x0], $0xffff;
	_ =	sdelay $0x1  }
0x13c: {  	v63 =	vand.u32 $0x7, v63  }
0x13d: {  	v1 =	vand.u32 $0x7, v1;
	v63 =	vor.u32 v2, v63  }
0x13e: {  	v1 =	vor.u32 v2, v1  }
0x13f: {  	v5 =	vld [tilespmem:$0xA0];
	v61 =	vadd.f32 v62, v61  }
0x140: {  	v4 =	vld [tilespmem:$0x2A0]  }
0x141: {  	v2 =	vld [tilespmem:$0x1FFA0];
	[tilespmem:$0x1A080] =	vst v61  }
0x142: {  	v63 =	vld.idx.msk [tilespmem:v63+s26+$0x0], $0xffff  }
0x143: {  	v1 =	vld.idx.msk [tilespmem:v1+s29+$0x0], $0xffff;
	_ =	sdelay $0x1  }
0x144: {  	v62 =	vand.u32 $0x7, v5  }
0x145: {  	v62 =	vor.u32 v2, v62;
	v61 =	vand.u32 $0x7, v4  }
0x146: {  	v61 =	vor.u32 v2, v61  }
0x147: {  	v5 =	vld [tilespmem:$0xB0];
	v1 =	vadd.f32 v1, v63  }
0x148: {  	v2 =	vld [tilespmem:$0x1FFB0]  }
0x149: {  	[tilespmem:$0x1A090] =	vst v1;
	v1 =	vld [tilespmem:$0x2B0]  }
0x14a: {  	v62 =	vld.idx.msk [tilespmem:v62+s26+$0x0], $0xffff  }
0x14b: {  	v61 =	vld.idx.msk [tilespmem:v61+s29+$0x0], $0xffff;
	_ =	sdelay $0x1  }
0x14c: {  	v63 =	vand.u32 $0x7, v5  }
0x14d: {  	v63 =	vor.u32 v2, v63;
	v1 =	vand.u32 $0x7, v1  }
0x14e: {  	v1 =	vor.u32 v2, v1  }
0x14f: {  	v4 =	vld [tilespmem:$0xC0];
	v61 =	vadd.f32 v61, v62  }
0x150: {  	v5 =	vld [tilespmem:$0x2C0]  }
0x151: {  	v2 =	vld [tilespmem:$0x1FFC0];
	[tilespmem:$0x1A0A0] =	vst v61  }
0x152: {  	v63 =	vld.idx.msk [tilespmem:v63+s26+$0x0], $0xffff  }
0x153: {  	v1 =	vld.idx.msk [tilespmem:v1+s29+$0x0], $0xffff;
	_ =	sdelay $0x1  }
0x154: {  	v62 =	vand.u32 $0x7, v4  }
0x155: {  	v61 =	vand.u32 $0x7, v5;
	v62 =	vor.u32 v2, v62  }
0x156: {  	v61 =	vor.u32 v2, v61  }
0x157: {  	v4 =	vld [tilespmem:$0xD0];
	v1 =	vadd.f32 v1, v63  }
0x158: {  	v2 =	vld [tilespmem:$0x1FFD0]  }
0x159: {  	[tilespmem:$0x1A0B0] =	vst v1;
	v1 =	vld [tilespmem:$0x2D0]  }
0x15a: {  	v62 =	vld.idx.msk [tilespmem:v62+s26+$0x0], $0xffff  }
0x15b: {  	v61 =	vld.idx.msk [tilespmem:v61+s29+$0x0], $0xffff;
	_ =	sdelay $0x1  }
0x15c: {  	v63 =	vand.u32 $0x7, v4  }
0x15d: {  	v63 =	vor.u32 v2, v63;
	v1 =	vand.u32 $0x7, v1  }
0x15e: {  	v1 =	vor.u32 v2, v1  }
0x15f: {  	v5 =	vld [tilespmem:$0xE0];
	v61 =	vadd.f32 v61, v62  }
0x160: {  	v4 =	vld [tilespmem:$0x2E0]  }
0x161: {  	v2 =	vld [tilespmem:$0x1FFE0];
	[tilespmem:$0x1A0C0] =	vst v61  }
0x162: {  	v63 =	vld.idx.msk [tilespmem:v63+s26+$0x0], $0xffff  }
0x163: {  	v1 =	vld.idx.msk [tilespmem:v1+s29+$0x0], $0xffff;
	_ =	sdelay $0x1  }
0x164: {  	v62 =	vand.u32 $0x7, v5  }
0x165: {  	v61 =	vand.u32 $0x7, v4;
	v62 =	vor.u32 v2, v62  }
0x166: {  	v61 =	vor.u32 v2, v61  }
0x167: {  	v5 =	vld [tilespmem:$0xF0];
	v1 =	vadd.f32 v1, v63  }
0x168: {  	v2 =	vld [tilespmem:$0x1FFF0]  }
0x169: {  	[tilespmem:$0x1A0D0] =	vst v1;
	v1 =	vld [tilespmem:$0x2F0]  }
0x16a: {  	v62 =	vld.idx.msk [tilespmem:v62+s26+$0x0], $0xffff  }
0x16b: {  	v61 =	vld.idx.msk [tilespmem:v61+s29+$0x0], $0xffff;
	_ =	sdelay $0x1  }
0x16c: {  	v63 =	vand.u32 $0x7, v5  }
0x16d: {  	v63 =	vor.u32 v2, v63;
	v1 =	vand.u32 $0x7, v1  }
0x16e: {  	v1 =	vor.u32 v2, v1  }
0x16f: {  	v61 =	vadd.f32 v61, v62;
	_ =	sdelay $0x1  }
0x170: {  	[tilespmem:$0x1A0E0] =	vst v61  }
0x171: {  	v61 =	vld.idx.msk [tilespmem:v63+s26+$0x0], $0xffff  }
0x172: {  	v1 =	vld.idx.msk [tilespmem:v1+s29+$0x0], $0xffff;
	_ =	sdelay $0x4  }
0x173: {  	v1 =	vadd.f32 v1, v61;
	_ =	sdelay $0x1  }
0x174: {  	s15 =	simm.s32 $0x0;
	s16 =	simm.s32 $0x1A080;
	[tilespmem:$0x1A0F0] =	vst v1  }
0x175: {  	[hbm4b:s8+s15] =	stream.linear.scatter [tilespmem:s16], [sflag:$0x7], $0x80, $0x38;
	[tilespmem:$0x1A190] =	vst v63  }
0x176: {  	_ =	swait.ge [sflag:s20], $0x4000  }
0x177: {  	[sflag:s20] =	ssyncset.done $0x0  }
0x178: {  	[sflag:s20] =	ssyncadd.s32 $0xFFFFC000  }
0x179: {  	_ =	swait.ge [sflag:s20], $0x4000  }
0x17a: {  	[sflag:s20] =	ssyncset.done $0x0  }
0x17b: {  	s15 =	simm.s32 $0x0;
	[sflag:s20] =	ssyncadd.s32 $0xFFFFC000  }
0x17c: {  	v1 =	vld [tilespmem:s15+$0x48F0]  }
0x17d: {  	v61 =	vld [tilespmem:s15+$0x108F0]  }
0x17e: {  	v62 =	vld [tilespmem:s15+$0x4800]  }
0x17f: {  	v63 =	vld [tilespmem:s15+$0x10800]  }
0x180: {  	v2 =	vld [tilespmem:s15+$0x4810]  }
0x181: {  	v3 =	vld [tilespmem:s15+$0x10810]  }
0x182: {  	v4 =	vld [tilespmem:s15+$0x4820]  }
0x183: {  	v5 =	vld [tilespmem:s15+$0x10820]  }
0x184: {  	v6 =	vld [tilespmem:s15+$0x4830]  }
0x185: {  	v24 =	vmul.f32 v25, v24;
	v7 =	vld [tilespmem:s15+$0x10830]  }
0x186: {  	v26 =	vmul.f32 v28, v26;
	v25 =	vld [tilespmem:s15+$0x4840]  }
0x187: {  	v23 =	vadd.f32 v24, v23;
	v24 =	vmul.f32 v58, v27;
	v28 =	vld [tilespmem:s15+$0x10840]  }
0x188: {  	v21 =	vadd.f32 v29, v21;
	v22 =	vadd.f32 v26, v22;
	v26 =	vmul.f32 v54, v51;
	v27 =	vld [tilespmem:s15+$0x4850]  }
0x189: {  	v29 =	vmul.f32 v59, v55;
	v20 =	vadd.f32 v24, v20;
	v24 =	vmul.f32 v56, v52;
	v51 =	vld [tilespmem:s15+$0x10850]  }
0x18a: {  	v26 =	vadd.f32 v26, v10;
	v10 =	vmul.f32 v53, v50;
	v54 =	vld [tilespmem:s15+$0x4860]  }
0x18b: {  	v60 =	vmul.f32 v60, v57;
	v14 =	vadd.f32 v29, v14;
	v24 =	vadd.f32 v24, v15;
	v29 =	vld [tilespmem:s15+$0x10860]  }
0x18c: {  	v15 =	vmul.f32 v47, v42;
	v52 =	vadd.f32 v10, v17;
	v10 =	vmul.f32 v43, v39;
	v42 =	vld [tilespmem:s15+$0x4870]  }
0x18d: {  	v50 =	vadd.f32 v60, v16;
	v16 =	vmul.f32 v48, v44;
	v53 =	vld [tilespmem:s15+$0x10870]  }
0x18e: {  	v17 =	vmul.f32 v49, v46;
	v43 =	vadd.f32 v10, v8;
	v8 =	vmul.f32 v41, v38;
	v55 =	vld [tilespmem:s15+$0x4880]  }
0x18f: {  	v44 =	vadd.f32 v16, v12;
	v12 =	vmul.f32 v37, v34;
	v10 =	vmul.f32 v36, v32;
	v56 =	vld [tilespmem:s15+$0x10880]  }
0x190: {  	v9 =	vadd.f32 v15, v9;
	v15 =	vmul.f32 v45, v40;
	v60 =	vadd.f32 v8, v13;
	v59 =	vld [tilespmem:s15+$0x4890]  }
0x191: {  	v8 =	vmul.f32 v33, v30;
	v30 =	vadd.f32 v10, v11;
	v10 =	vmul.f32 v35, v31;
	v13 =	vld [tilespmem:s15+$0x10890]  }
0x192: {  	v58 =	vadd.f32 v17, v19;
	v57 =	vadd.f32 v15, v18;
	v31 =	vld [tilespmem:s15+$0x48A0];
	v1 =	vmul.f32 v61, v1  }
0x193: {  	v15 =	vadd.f32 v8, v21;
	v17 =	vadd.f32 v10, v22;
	v21 =	vld [tilespmem:s15+$0x108A0];
	v8 =	vmul.f32 v63, v62  }
0x194: {  	v61 =	vmul.f32 v7, v6;
	v62 =	vld [tilespmem:s15+$0x108B0];
	v10 =	vadd.f32 v1, v20;
	v1 =	vmul.f32 v3, v2  }
0x195: {  	v16 =	vadd.f32 v12, v23;
	v6 =	vmul.f32 v51, v27;
	v2 =	vld [tilespmem:s15+$0x48B0];
	v3 =	vmul.f32 v5, v4  }
0x196: {  	v7 =	vld [tilespmem:s15+$0x48C0];
	v8 =	vadd.f32 v8, v26;
	v12 =	vadd.f32 v1, v14;
	v1 =	vmul.f32 v28, v25  }
0x197: {  	v63 =	vld [tilespmem:s15+$0x108C0];
	v19 =	vadd.f32 v61, v50;
	v18 =	vadd.f32 v3, v24;
	v3 =	vmul.f32 v29, v54  }
0x198: {  	v11 =	vadd.f32 v6, v9;
	v24 =	vld [tilespmem:s15+$0x48D0];
	v20 =	vadd.f32 v1, v52;
	v1 =	vmul.f32 v53, v42  }
0x199: {  	v6 =	vmul.f32 v13, v59;
	v25 =	vld [tilespmem:s15+$0x108D0];
	v9 =	vadd.f32 v3, v43;
	v3 =	vmul.f32 v56, v55  }
0x19a: {  	v26 =	vld [tilespmem:s15+$0x48E0];
	v2 =	vmul.f32 v62, v2;
	v13 =	vadd.f32 v1, v44;
	v1 =	vmul.f32 v21, v31  }
0x19b: {  	s16 =	simm.s32 $0x100;
	v22 =	vadd.f32 v6, v58;
	v28 =	vld [tilespmem:s15+$0x108E0];
	v21 =	vadd.f32 v3, v57  }
0x19c: {  	v27 =	vld [tilespmem:s16+$0x48F0];
	s15 =	simm.s32 $0x800;
	v35 =	vmul.f32 v63, v7;
	v14 =	vadd.f32 v2, v30;
	v23 =	vadd.f32 v1, v60  }
.LBB2_4:
0x19d: {  	p0 =	sne.s32 s15, $0xFC00;
	v1 =	vld [tilespmem:s16+$0x108F0]  }
0x19e: {  	v2 =	vld [tilespmem:s16+$0x4800];
	v15 =	vadd.f32 v35, v15;
	v3 =	vmul.f32 v25, v24  }
0x19f: {  	v4 =	vld [tilespmem:s16+$0x10800]  }
0x1a0: {  	v5 =	vld [tilespmem:s16+$0x4810];
	v16 =	vadd.f32 v3, v16;
	v3 =	vmul.f32 v28, v26  }
0x1a1: {  	v6 =	vld [tilespmem:s16+$0x10810]  }
0x1a2: {  	v7 =	vld [tilespmem:s16+$0x4820];
	v1 =	vmul.f32 v1, v27;
	v17 =	vadd.f32 v3, v17  }
0x1a3: {  	v3 =	vld [tilespmem:s16+$0x10820]  }
0x1a4: {  	v2 =	vmul.f32 v4, v2;
	v4 =	vld [tilespmem:s16+$0x4830];
	v10 =	vadd.f32 v1, v10  }
0x1a5: {  	v1 =	vld [tilespmem:s16+$0x10830]  }
0x1a6: {  	v8 =	vadd.f32 v2, v8;
	v2 =	vmul.f32 v6, v5;
	v5 =	vld [tilespmem:s16+$0x4840]  }
0x1a7: {  	v6 =	vld [tilespmem:s16+$0x10840]  }
0x1a8: {  	v12 =	vadd.f32 v2, v12;
	v2 =	vmul.f32 v3, v7;
	v3 =	vld [tilespmem:s16+$0x4850]  }
0x1a9: {  	v7 =	vld [tilespmem:s16+$0x10850]  }
0x1aa: {  	v18 =	vadd.f32 v2, v18;
	v1 =	vmul.f32 v1, v4;
	v2 =	vld [tilespmem:s16+$0x4860]  }
0x1ab: {  	v4 =	vld [tilespmem:s16+$0x10860]  }
0x1ac: {  	v19 =	vadd.f32 v1, v19;
	v1 =	vmul.f32 v6, v5;
	v5 =	vld [tilespmem:s16+$0x4870]  }
0x1ad: {  	v6 =	vld [tilespmem:s16+$0x10870]  }
0x1ae: {  	v20 =	vadd.f32 v1, v20;
	v1 =	vmul.f32 v7, v3;
	v3 =	vld [tilespmem:s16+$0x4880]  }
0x1af: {  	v7 =	vld [tilespmem:s16+$0x10880]  }
0x1b0: {  	v11 =	vadd.f32 v1, v11;
	v1 =	vmul.f32 v4, v2;
	v2 =	vld [tilespmem:s16+$0x4890]  }
0x1b1: {  	v4 =	vld [tilespmem:s16+$0x10890]  }
0x1b2: {  	v9 =	vadd.f32 v1, v9;
	v1 =	vmul.f32 v6, v5;
	v5 =	vld [tilespmem:s16+$0x48A0]  }
0x1b3: {  	v6 =	vld [tilespmem:s16+$0x108A0]  }
0x1b4: {  	v13 =	vadd.f32 v1, v13;
	v1 =	vmul.f32 v7, v3;
	v3 =	vld [tilespmem:s16+$0x48B0]  }
0x1b5: {  	v7 =	vld [tilespmem:s16+$0x108B0]  }
0x1b6: {  	v21 =	vadd.f32 v1, v21;
	v1 =	vmul.f32 v4, v2;
	v2 =	vld [tilespmem:s16+$0x48C0]  }
0x1b7: {  	v4 =	vld [tilespmem:s16+$0x108C0]  }
.Ltmp1:
0x1b8: {  	v22 =	vadd.f32 v1, v22;
	v1 =	vmul.f32 v6, v5;
	v24 =	vld [tilespmem:s16+$0x48D0];
	(pc) =	sbr.rel @p0 .LBB2_4-.Ltmp1, $4  }
0x1b9: {  	v25 =	vld [tilespmem:s16+$0x108D0]  }
0x1ba: {  	v23 =	vadd.f32 v1, v23;
	v1 =	vmul.f32 v7, v3;
	v26 =	vld [tilespmem:s16+$0x48E0]  }
0x1bb: {  	v28 =	vld [tilespmem:s16+$0x108E0];
	s16 =	sshra.s32 s15, $0x2  }
0x1bc: {  	s15 =	sadd.s32 $0x400, s15;
	v27 =	vld [tilespmem:s16+$0x48F0];
	v14 =	vadd.f32 v1, v14;
	v35 =	vmul.f32 v4, v2  }
0x1bd: {  	v58 =	vld [tilespmem:s16+$0x108F0]  }
0x1be: {  	v51 =	vld [tilespmem:s16+$0x4800]  }
0x1bf: {  	v54 =	vld [tilespmem:s16+$0x10800]  }
0x1c0: {  	v55 =	vld [tilespmem:s16+$0x4810]  }
0x1c1: {  	v59 =	vld [tilespmem:s16+$0x10810]  }
0x1c2: {  	v52 =	vld [tilespmem:s16+$0x4820]  }
0x1c3: {  	v56 =	vld [tilespmem:s16+$0x10820]  }
0x1c4: {  	v57 =	vld [tilespmem:s16+$0x4830]  }
0x1c5: {  	v60 =	vld [tilespmem:s16+$0x10830]  }
0x1c6: {  	v50 =	vld [tilespmem:s16+$0x4840]  }
0x1c7: {  	v53 =	vld [tilespmem:s16+$0x10840]  }
0x1c8: {  	v42 =	vld [tilespmem:s16+$0x4850]  }
0x1c9: {  	v47 =	vld [tilespmem:s16+$0x10850]  }
0x1ca: {  	v39 =	vld [tilespmem:s16+$0x4860]  }
0x1cb: {  	v43 =	vld [tilespmem:s16+$0x10860]  }
0x1cc: {  	v44 =	vld [tilespmem:s16+$0x4870]  }
0x1cd: {  	v48 =	vld [tilespmem:s16+$0x10870]  }
0x1ce: {  	v40 =	vld [tilespmem:s16+$0x4880]  }
0x1cf: {  	v45 =	vld [tilespmem:s16+$0x10880]  }
0x1d0: {  	v46 =	vld [tilespmem:s16+$0x4890]  }
0x1d1: {  	v49 =	vld [tilespmem:s16+$0x10890]  }
0x1d2: {  	v38 =	vld [tilespmem:s16+$0x48A0]  }
0x1d3: {  	v41 =	vld [tilespmem:s16+$0x108A0]  }
0x1d4: {  	v31 =	vld [tilespmem:s16+$0x48B0]  }
0x1d5: {  	v36 =	vld [tilespmem:s16+$0x108B0]  }
0x1d6: {  	v29 =	vld [tilespmem:s16+$0x48C0]  }
0x1d7: {  	v32 =	vld [tilespmem:s16+$0x108C0]  }
0x1d8: {  	v33 =	vld [tilespmem:s16+$0x48D0]  }
0x1d9: {  	v37 =	vld [tilespmem:s16+$0x108D0]  }
0x1da: {  	v30 =	vld [tilespmem:s16+$0x48E0]  }
0x1db: {  	v34 =	vld [tilespmem:s16+$0x108E0];
	_ =	swait.ge [sflag:s28], $0x400  }
0x1dc: {  	[sflag:s28] =	ssyncset.done $0x0  }
0x1dd: {  	[sflag:s28] =	ssyncadd.s32 $0xFFFFFC00  }
0x1de: {  	_ =	swait.ge [sflag:s28], $0x400  }
0x1df: {  	[sflag:s28] =	ssyncset.done $0x0  }
0x1e0: {  	[sflag:s28] =	ssyncadd.s32 $0xFFFFFC00  }
0x1e1: {  	v1 =	vld [tilespmem:$0x100]  }
0x1e2: {  	v2 =	vld [tilespmem:$0x300];
	_ =	sdelay $0x3  }
0x1e3: {  	v1 =	vand.u32 $0x7, v1  }
0x1e4: {  	v2 =	vand.u32 $0x7, v2;
	v1 =	vor.u32 v0, v1  }
0x1e5: {  	v2 =	vor.u32 v0, v2  }
0x1e6: {  	v5 =	vld [tilespmem:$0x1FF90]  }
0x1e7: {  	v3 =	vld [tilespmem:$0x110]  }
0x1e8: {  	v4 =	vld [tilespmem:$0x310]  }
0x1e9: {  	v1 =	vld.idx.msk [tilespmem:v1+s18+$0x0], $0xffff  }
0x1ea: {  	v2 =	vld.idx.msk [tilespmem:v2+s22+$0x0], $0xffff;
	_ =	sdelay $0x1  }
0x1eb: {  	v3 =	vand.u32 $0x7, v3  }
0x1ec: {  	v4 =	vand.u32 $0x7, v4;
	v3 =	vor.u32 v5, v3  }
0x1ed: {  	v4 =	vor.u32 v5, v4  }
0x1ee: {  	v61 =	vld [tilespmem:$0x1FFA0];
	v1 =	vadd.f32 v2, v1  }
0x1ef: {  	v2 =	vld [tilespmem:$0x120]  }
0x1f0: {  	[tilespmem:$0x1A100] =	vst v1;
	v1 =	vld [tilespmem:$0x320]  }
0x1f1: {  	v3 =	vld.idx.msk [tilespmem:v3+s18+$0x0], $0xffff  }
0x1f2: {  	v4 =	vld.idx.msk [tilespmem:v4+s22+$0x0], $0xffff;
	_ =	sdelay $0x1  }
0x1f3: {  	v2 =	vand.u32 $0x7, v2  }
0x1f4: {  	v2 =	vor.u32 v61, v2;
	v1 =	vand.u32 $0x7, v1  }
0x1f5: {  	v1 =	vor.u32 v61, v1  }
0x1f6: {  	v63 =	vld [tilespmem:$0x1FFB0];
	v3 =	vadd.f32 v4, v3  }
0x1f7: {  	v62 =	vld [tilespmem:$0x130]  }
0x1f8: {  	[tilespmem:$0x1A110] =	vst v3;
	v3 =	vld [tilespmem:$0x330]  }
0x1f9: {  	v2 =	vld.idx.msk [tilespmem:v2+s18+$0x0], $0xffff  }
0x1fa: {  	v1 =	vld.idx.msk [tilespmem:v1+s22+$0x0], $0xffff;
	_ =	sdelay $0x1  }
0x1fb: {  	v4 =	vand.u32 $0x7, v62  }
0x1fc: {  	v4 =	vor.u32 v63, v4;
	v3 =	vand.u32 $0x7, v3  }
0x1fd: {  	v3 =	vor.u32 v63, v3  }
0x1fe: {  	v61 =	vld [tilespmem:$0x1FFC0];
	v1 =	vadd.f32 v1, v2  }
0x1ff: {  	v2 =	vld [tilespmem:$0x140]  }
0x200: {  	[tilespmem:$0x1A120] =	vst v1;
	v1 =	vld [tilespmem:$0x340]  }
0x201: {  	v4 =	vld.idx.msk [tilespmem:v4+s18+$0x0], $0xffff  }
0x202: {  	v3 =	vld.idx.msk [tilespmem:v3+s22+$0x0], $0xffff;
	_ =	sdelay $0x1  }
0x203: {  	v2 =	vand.u32 $0x7, v2  }
0x204: {  	v2 =	vor.u32 v61, v2;
	v1 =	vand.u32 $0x7, v1  }
0x205: {  	v1 =	vor.u32 v61, v1  }
0x206: {  	v62 =	vld [tilespmem:$0x150];
	v3 =	vadd.f32 v3, v4  }
0x207: {  	v63 =	vld [tilespmem:$0x1FFD0]  }
0x208: {  	[tilespmem:$0x1A130] =	vst v3;
	v3 =	vld [tilespmem:$0x350]  }
0x209: {  	v2 =	vld.idx.msk [tilespmem:v2+s18+$0x0], $0xffff  }
0x20a: {  	v1 =	vld.idx.msk [tilespmem:v1+s22+$0x0], $0xffff;
	_ =	sdelay $0x1  }
0x20b: {  	v4 =	vand.u32 $0x7, v62  }
0x20c: {  	v4 =	vor.u32 v63, v4;
	v3 =	vand.u32 $0x7, v3  }
0x20d: {  	v3 =	vor.u32 v63, v3  }
0x20e: {  	v61 =	vld [tilespmem:$0x1FFE0];
	v1 =	vadd.f32 v1, v2  }
0x20f: {  	v2 =	vld [tilespmem:$0x160]  }
0x210: {  	[tilespmem:$0x1A140] =	vst v1;
	v1 =	vld [tilespmem:$0x360]  }
0x211: {  	v4 =	vld.idx.msk [tilespmem:v4+s18+$0x0], $0xffff  }
0x212: {  	v3 =	vld.idx.msk [tilespmem:v3+s22+$0x0], $0xffff;
	_ =	sdelay $0x1  }
0x213: {  	v2 =	vand.u32 $0x7, v2  }
0x214: {  	v2 =	vor.u32 v61, v2;
	v1 =	vand.u32 $0x7, v1  }
0x215: {  	v1 =	vor.u32 v61, v1  }
0x216: {  	v62 =	vld [tilespmem:$0x170];
	v3 =	vadd.f32 v3, v4  }
0x217: {  	v63 =	vld [tilespmem:$0x1FFF0]  }
0x218: {  	[tilespmem:$0x1A150] =	vst v3;
	v3 =	vld [tilespmem:$0x370]  }
0x219: {  	v2 =	vld.idx.msk [tilespmem:v2+s18+$0x0], $0xffff  }
0x21a: {  	v1 =	vld.idx.msk [tilespmem:v1+s22+$0x0], $0xffff;
	_ =	sdelay $0x1  }
0x21b: {  	v4 =	vand.u32 $0x7, v62  }
0x21c: {  	v4 =	vor.u32 v63, v4;
	v3 =	vand.u32 $0x7, v3  }
0x21d: {  	v3 =	vor.u32 v63, v3  }
0x21e: {  	v1 =	vadd.f32 v1, v2;
	_ =	sdelay $0x1  }
0x21f: {  	[tilespmem:$0x1A160] =	vst v1  }
0x220: {  	v1 =	vld.idx.msk [tilespmem:v4+s18+$0x0], $0xffff  }
0x221: {  	v2 =	vld.idx.msk [tilespmem:v3+s22+$0x0], $0xffff;
	_ =	sdelay $0x4  }
0x222: {  	v1 =	vadd.f32 v2, v1;
	_ =	sdelay $0x1  }
0x223: {  	s15 =	simm.s32 $0x0;
	s16 =	simm.s32 $0x1A100;
	[tilespmem:$0x1A170] =	vst v1  }
0x224: {  	[hbm4b:s9+s15] =	stream.linear.scatter [tilespmem:s16], [sflag:$0x7], $0x80, $0x38;
	[tilespmem:$0x1A190] =	vst v63  }
0x225: {  	_ =	swait.ge [sflag:s31], $0x4000  }
0x226: {  	[sflag:s31] =	ssyncset.done $0x0  }
0x227: {  	[sflag:s31] =	ssyncadd.s32 $0xFFFFC000  }
0x228: {  	_ =	swait.ge [sflag:s31], $0x4000  }
0x229: {  	[sflag:s31] =	ssyncset.done $0x0  }
0x22a: {  	s15 =	simm.s32 $0x0;
	[sflag:s31] =	ssyncadd.s32 $0xFFFFC000  }
0x22b: {  	v1 =	vld [tilespmem:s15+$0x88F0]  }
0x22c: {  	v2 =	vld [tilespmem:s15+$0x148F0]  }
0x22d: {  	v3 =	vld [tilespmem:s15+$0x8800]  }
0x22e: {  	v4 =	vld [tilespmem:s15+$0x14800]  }
0x22f: {  	v5 =	vld [tilespmem:s15+$0x8810]  }
0x230: {  	v6 =	vld [tilespmem:s15+$0x14810]  }
0x231: {  	v7 =	vld [tilespmem:s15+$0x8820]  }
0x232: {  	v61 =	vld [tilespmem:s15+$0x14820]  }
0x233: {  	v62 =	vld [tilespmem:s15+$0x8830]  }
0x234: {  	v63 =	vld [tilespmem:s15+$0x14830]  }
0x235: {  	v24 =	vmul.f32 v25, v24;
	v25 =	vld [tilespmem:s15+$0x8840]  }
0x236: {  	v26 =	vmul.f32 v28, v26;
	v28 =	vld [tilespmem:s15+$0x14840]  }
0x237: {  	v15 =	vadd.f32 v35, v15;
	v16 =	vadd.f32 v24, v16;
	v24 =	vmul.f32 v58, v27;
	v27 =	vld [tilespmem:s15+$0x8850]  }
0x238: {  	v17 =	vadd.f32 v26, v17;
	v26 =	vmul.f32 v54, v51;
	v59 =	vmul.f32 v59, v55;
	v51 =	vld [tilespmem:s15+$0x14850]  }
0x239: {  	v60 =	vmul.f32 v60, v57;
	v10 =	vadd.f32 v24, v10;
	v24 =	vmul.f32 v56, v52;
	v54 =	vld [tilespmem:s15+$0x8860]  }
0x23a: {  	v55 =	vmul.f32 v49, v46;
	v8 =	vadd.f32 v26, v8;
	v26 =	vmul.f32 v53, v50;
	v35 =	vld [tilespmem:s15+$0x14860]  }
0x23b: {  	v12 =	vadd.f32 v59, v12;
	v18 =	vadd.f32 v24, v18;
	v24 =	vmul.f32 v47, v42;
	v50 =	vld [tilespmem:s15+$0x8870]  }
0x23c: {  	v19 =	vadd.f32 v60, v19;
	v20 =	vadd.f32 v26, v20;
	v26 =	vmul.f32 v43, v39;
	v53 =	vld [tilespmem:s15+$0x14870]  }
0x23d: {  	v52 =	vmul.f32 v48, v44;
	v11 =	vadd.f32 v24, v11;
	v24 =	vmul.f32 v45, v40;
	v56 =	vld [tilespmem:s15+$0x8880]  }
0x23e: {  	v22 =	vadd.f32 v55, v22;
	v9 =	vadd.f32 v26, v9;
	v26 =	vmul.f32 v41, v38;
	v57 =	vld [tilespmem:s15+$0x14880]  }
0x23f: {  	v13 =	vadd.f32 v52, v13;
	v21 =	vadd.f32 v24, v21;
	v24 =	vmul.f32 v36, v31;
	v31 =	vld [tilespmem:s15+$0x8890]  }
0x240: {  	v23 =	vadd.f32 v26, v23;
	v26 =	vmul.f32 v32, v29;
	v29 =	vmul.f32 v37, v33;
	v58 =	vld [tilespmem:s15+$0x14890]  }
0x241: {  	v14 =	vadd.f32 v24, v14;
	v24 =	vmul.f32 v34, v30;
	v59 =	vld [tilespmem:s15+$0x148A0];
	v1 =	vmul.f32 v2, v1  }
0x242: {  	v15 =	vadd.f32 v26, v15;
	v16 =	vadd.f32 v29, v16;
	v60 =	vld [tilespmem:s15+$0x88B0];
	v3 =	vmul.f32 v4, v3  }
0x243: {  	v17 =	vadd.f32 v24, v17;
	v2 =	vld [tilespmem:s15+$0x88A0];
	v10 =	vadd.f32 v1, v10;
	v1 =	vmul.f32 v6, v5  }
0x244: {  	v8 =	vadd.f32 v3, v8;
	v3 =	vmul.f32 v61, v7;
	v6 =	vmul.f32 v63, v62;
	v7 =	vld [tilespmem:s15+$0x148B0]  }
0x245: {  	v29 =	vld [tilespmem:s15+$0x88C0];
	v24 =	vmul.f32 v51, v27;
	v12 =	vadd.f32 v1, v12;
	v1 =	vmul.f32 v28, v25  }
0x246: {  	v18 =	vadd.f32 v3, v18;
	v19 =	vadd.f32 v6, v19;
	v3 =	vmul.f32 v35, v54;
	v6 =	vld [tilespmem:s15+$0x148C0]  }
0x247: {  	v11 =	vadd.f32 v24, v11;
	v24 =	vld [tilespmem:s15+$0x88D0];
	v20 =	vadd.f32 v1, v20;
	v1 =	vmul.f32 v53, v50  }
0x248: {  	v27 =	vmul.f32 v58, v31;
	v25 =	vld [tilespmem:s15+$0x148D0];
	v9 =	vadd.f32 v3, v9;
	v3 =	vmul.f32 v57, v56  }
0x249: {  	v26 =	vld [tilespmem:s15+$0x88E0];
	v13 =	vadd.f32 v1, v13;
	v1 =	vmul.f32 v59, v2;
	v2 =	vmul.f32 v7, v60  }
0x24a: {  	s16 =	simm.s32 $0x100;
	v22 =	vadd.f32 v27, v22;
	v28 =	vld [tilespmem:s15+$0x148E0];
	v21 =	vadd.f32 v3, v21  }
0x24b: {  	v27 =	vld [tilespmem:s16+$0x88F0];
	s15 =	simm.s32 $0x800;
	v35 =	vmul.f32 v6, v29;
	v23 =	vadd.f32 v1, v23;
	v14 =	vadd.f32 v2, v14  }
.LBB2_6:
0x24c: {  	p0 =	sne.s32 s15, $0xFC00;
	v1 =	vld [tilespmem:s16+$0x148F0]  }
0x24d: {  	v2 =	vld [tilespmem:s16+$0x8800];
	v15 =	vadd.f32 v35, v15;
	v3 =	vmul.f32 v25, v24  }
0x24e: {  	v4 =	vld [tilespmem:s16+$0x14800]  }
0x24f: {  	v5 =	vld [tilespmem:s16+$0x8810];
	v16 =	vadd.f32 v3, v16;
	v3 =	vmul.f32 v28, v26  }
0x250: {  	v6 =	vld [tilespmem:s16+$0x14810]  }
0x251: {  	v7 =	vld [tilespmem:s16+$0x8820];
	v1 =	vmul.f32 v1, v27;
	v17 =	vadd.f32 v3, v17  }
0x252: {  	v3 =	vld [tilespmem:s16+$0x14820]  }
0x253: {  	v2 =	vmul.f32 v4, v2;
	v4 =	vld [tilespmem:s16+$0x8830];
	v10 =	vadd.f32 v1, v10  }
0x254: {  	v1 =	vld [tilespmem:s16+$0x14830]  }
0x255: {  	v8 =	vadd.f32 v2, v8;
	v2 =	vmul.f32 v6, v5;
	v5 =	vld [tilespmem:s16+$0x8840]  }
0x256: {  	v6 =	vld [tilespmem:s16+$0x14840]  }
0x257: {  	v12 =	vadd.f32 v2, v12;
	v2 =	vmul.f32 v3, v7;
	v3 =	vld [tilespmem:s16+$0x8850]  }
0x258: {  	v7 =	vld [tilespmem:s16+$0x14850]  }
0x259: {  	v18 =	vadd.f32 v2, v18;
	v1 =	vmul.f32 v1, v4;
	v2 =	vld [tilespmem:s16+$0x8860]  }
0x25a: {  	v4 =	vld [tilespmem:s16+$0x14860]  }
0x25b: {  	v19 =	vadd.f32 v1, v19;
	v1 =	vmul.f32 v6, v5;
	v5 =	vld [tilespmem:s16+$0x8870]  }
0x25c: {  	v6 =	vld [tilespmem:s16+$0x14870]  }
0x25d: {  	v20 =	vadd.f32 v1, v20;
	v1 =	vmul.f32 v7, v3;
	v3 =	vld [tilespmem:s16+$0x8880]  }
0x25e: {  	v7 =	vld [tilespmem:s16+$0x14880]  }
0x25f: {  	v11 =	vadd.f32 v1, v11;
	v1 =	vmul.f32 v4, v2;
	v2 =	vld [tilespmem:s16+$0x8890]  }
0x260: {  	v4 =	vld [tilespmem:s16+$0x14890]  }
0x261: {  	v9 =	vadd.f32 v1, v9;
	v1 =	vmul.f32 v6, v5;
	v5 =	vld [tilespmem:s16+$0x88A0]  }
0x262: {  	v6 =	vld [tilespmem:s16+$0x148A0]  }
0x263: {  	v13 =	vadd.f32 v1, v13;
	v1 =	vmul.f32 v7, v3;
	v3 =	vld [tilespmem:s16+$0x88B0]  }
0x264: {  	v7 =	vld [tilespmem:s16+$0x148B0]  }
0x265: {  	v21 =	vadd.f32 v1, v21;
	v1 =	vmul.f32 v4, v2;
	v2 =	vld [tilespmem:s16+$0x88C0]  }
0x266: {  	v4 =	vld [tilespmem:s16+$0x148C0]  }
.Ltmp2:
0x267: {  	v22 =	vadd.f32 v1, v22;
	v1 =	vmul.f32 v6, v5;
	v24 =	vld [tilespmem:s16+$0x88D0];
	(pc) =	sbr.rel @p0 .LBB2_6-.Ltmp2, $4  }
0x268: {  	v25 =	vld [tilespmem:s16+$0x148D0]  }
0x269: {  	v23 =	vadd.f32 v1, v23;
	v1 =	vmul.f32 v7, v3;
	v26 =	vld [tilespmem:s16+$0x88E0]  }
0x26a: {  	v28 =	vld [tilespmem:s16+$0x148E0];
	s16 =	sshra.s32 s15, $0x2  }
0x26b: {  	s15 =	sadd.s32 $0x400, s15;
	v27 =	vld [tilespmem:s16+$0x88F0];
	v14 =	vadd.f32 v1, v14;
	v35 =	vmul.f32 v4, v2  }
0x26c: {  	v58 =	vld [tilespmem:s16+$0x148F0]  }
0x26d: {  	v51 =	vld [tilespmem:s16+$0x8800]  }
0x26e: {  	v54 =	vld [tilespmem:s16+$0x14800]  }
0x26f: {  	v55 =	vld [tilespmem:s16+$0x8810]  }
0x270: {  	v59 =	vld [tilespmem:s16+$0x14810]  }
0x271: {  	v52 =	vld [tilespmem:s16+$0x8820]  }
0x272: {  	v56 =	vld [tilespmem:s16+$0x14820]  }
0x273: {  	v57 =	vld [tilespmem:s16+$0x8830]  }
0x274: {  	v60 =	vld [tilespmem:s16+$0x14830]  }
0x275: {  	v50 =	vld [tilespmem:s16+$0x8840]  }
0x276: {  	v53 =	vld [tilespmem:s16+$0x14840]  }
0x277: {  	v42 =	vld [tilespmem:s16+$0x8850]  }
0x278: {  	v47 =	vld [tilespmem:s16+$0x14850]  }
0x279: {  	v39 =	vld [tilespmem:s16+$0x8860]  }
0x27a: {  	v43 =	vld [tilespmem:s16+$0x14860]  }
0x27b: {  	v44 =	vld [tilespmem:s16+$0x8870]  }
0x27c: {  	v48 =	vld [tilespmem:s16+$0x14870]  }
0x27d: {  	v40 =	vld [tilespmem:s16+$0x8880]  }
0x27e: {  	v45 =	vld [tilespmem:s16+$0x14880]  }
0x27f: {  	v46 =	vld [tilespmem:s16+$0x8890]  }
0x280: {  	v49 =	vld [tilespmem:s16+$0x14890]  }
0x281: {  	v38 =	vld [tilespmem:s16+$0x88A0]  }
0x282: {  	v41 =	vld [tilespmem:s16+$0x148A0]  }
0x283: {  	v31 =	vld [tilespmem:s16+$0x88B0]  }
0x284: {  	v36 =	vld [tilespmem:s16+$0x148B0]  }
0x285: {  	v29 =	vld [tilespmem:s16+$0x88C0]  }
0x286: {  	v32 =	vld [tilespmem:s16+$0x148C0]  }
0x287: {  	v33 =	vld [tilespmem:s16+$0x88D0]  }
0x288: {  	v37 =	vld [tilespmem:s16+$0x148D0]  }
0x289: {  	v30 =	vld [tilespmem:s16+$0x88E0]  }
0x28a: {  	v34 =	vld [tilespmem:s16+$0x148E0];
	_ =	swait.ge [sflag:s23], $0x400  }
0x28b: {  	[sflag:s23] =	ssyncset.done $0x0  }
0x28c: {  	[sflag:s23] =	ssyncadd.s32 $0xFFFFFC00  }
0x28d: {  	_ =	swait.ge [sflag:s23], $0x400  }
0x28e: {  	[sflag:s23] =	ssyncset.done $0x0  }
0x28f: {  	[sflag:s23] =	ssyncadd.s32 $0xFFFFFC00  }
0x290: {  	v1 =	vld [tilespmem:$0x180]  }
0x291: {  	v2 =	vld [tilespmem:$0x380];
	_ =	sdelay $0x3  }
0x292: {  	v1 =	vand.u32 $0x7, v1  }
0x293: {  	v2 =	vand.u32 $0x7, v2;
	v1 =	vor.u32 v0, v1  }
0x294: {  	v2 =	vor.u32 v0, v2  }
0x295: {  	v5 =	vld [tilespmem:$0x1FF90]  }
0x296: {  	v3 =	vld [tilespmem:$0x190]  }
0x297: {  	v4 =	vld [tilespmem:$0x390]  }
0x298: {  	v1 =	vld.idx.msk [tilespmem:v1+s19+$0x0], $0xffff  }
0x299: {  	v2 =	vld.idx.msk [tilespmem:v2+s21+$0x0], $0xffff;
	_ =	sdelay $0x1  }
0x29a: {  	v3 =	vand.u32 $0x7, v3  }
0x29b: {  	v4 =	vand.u32 $0x7, v4;
	v3 =	vor.u32 v5, v3  }
0x29c: {  	v4 =	vor.u32 v5, v4  }
0x29d: {  	v61 =	vld [tilespmem:$0x1FFA0];
	v1 =	vadd.f32 v2, v1  }
0x29e: {  	v2 =	vld [tilespmem:$0x1A0]  }
0x29f: {  	[tilespmem:$0x1A000] =	vst v1;
	v1 =	vld [tilespmem:$0x3A0]  }
0x2a0: {  	v3 =	vld.idx.msk [tilespmem:v3+s19+$0x0], $0xffff  }
0x2a1: {  	v4 =	vld.idx.msk [tilespmem:v4+s21+$0x0], $0xffff;
	_ =	sdelay $0x1  }
0x2a2: {  	v2 =	vand.u32 $0x7, v2  }
0x2a3: {  	v2 =	vor.u32 v61, v2;
	v1 =	vand.u32 $0x7, v1  }
0x2a4: {  	v1 =	vor.u32 v61, v1  }
0x2a5: {  	v63 =	vld [tilespmem:$0x1FFB0];
	v3 =	vadd.f32 v4, v3  }
0x2a6: {  	v62 =	vld [tilespmem:$0x1B0]  }
0x2a7: {  	[tilespmem:$0x1A010] =	vst v3;
	v3 =	vld [tilespmem:$0x3B0]  }
0x2a8: {  	v2 =	vld.idx.msk [tilespmem:v2+s19+$0x0], $0xffff  }
0x2a9: {  	v1 =	vld.idx.msk [tilespmem:v1+s21+$0x0], $0xffff;
	_ =	sdelay $0x1  }
0x2aa: {  	v4 =	vand.u32 $0x7, v62  }
0x2ab: {  	v4 =	vor.u32 v63, v4;
	v3 =	vand.u32 $0x7, v3  }
0x2ac: {  	v3 =	vor.u32 v63, v3  }
0x2ad: {  	v61 =	vld [tilespmem:$0x1FFC0];
	v1 =	vadd.f32 v1, v2  }
0x2ae: {  	v2 =	vld [tilespmem:$0x1C0]  }
0x2af: {  	[tilespmem:$0x1A020] =	vst v1;
	v1 =	vld [tilespmem:$0x3C0]  }
0x2b0: {  	v4 =	vld.idx.msk [tilespmem:v4+s19+$0x0], $0xffff  }
0x2b1: {  	v3 =	vld.idx.msk [tilespmem:v3+s21+$0x0], $0xffff;
	_ =	sdelay $0x1  }
0x2b2: {  	v2 =	vand.u32 $0x7, v2  }
0x2b3: {  	v2 =	vor.u32 v61, v2;
	v1 =	vand.u32 $0x7, v1  }
0x2b4: {  	v1 =	vor.u32 v61, v1  }
0x2b5: {  	v62 =	vld [tilespmem:$0x1D0];
	v3 =	vadd.f32 v3, v4  }
0x2b6: {  	v63 =	vld [tilespmem:$0x1FFD0]  }
0x2b7: {  	[tilespmem:$0x1A030] =	vst v3;
	v3 =	vld [tilespmem:$0x3D0]  }
0x2b8: {  	v2 =	vld.idx.msk [tilespmem:v2+s19+$0x0], $0xffff  }
0x2b9: {  	v1 =	vld.idx.msk [tilespmem:v1+s21+$0x0], $0xffff;
	_ =	sdelay $0x1  }
0x2ba: {  	v4 =	vand.u32 $0x7, v62  }
0x2bb: {  	v4 =	vor.u32 v63, v4;
	v3 =	vand.u32 $0x7, v3  }
0x2bc: {  	v3 =	vor.u32 v63, v3  }
0x2bd: {  	v61 =	vld [tilespmem:$0x1FFE0];
	v1 =	vadd.f32 v1, v2  }
0x2be: {  	v2 =	vld [tilespmem:$0x1E0]  }
0x2bf: {  	[tilespmem:$0x1A040] =	vst v1;
	v1 =	vld [tilespmem:$0x3E0]  }
0x2c0: {  	v4 =	vld.idx.msk [tilespmem:v4+s19+$0x0], $0xffff  }
0x2c1: {  	v3 =	vld.idx.msk [tilespmem:v3+s21+$0x0], $0xffff;
	_ =	sdelay $0x1  }
0x2c2: {  	v2 =	vand.u32 $0x7, v2  }
0x2c3: {  	v2 =	vor.u32 v61, v2;
	v1 =	vand.u32 $0x7, v1  }
0x2c4: {  	v1 =	vor.u32 v61, v1  }
0x2c5: {  	v62 =	vld [tilespmem:$0x1F0];
	v3 =	vadd.f32 v3, v4  }
0x2c6: {  	v63 =	vld [tilespmem:$0x1FFF0]  }
0x2c7: {  	[tilespmem:$0x1A050] =	vst v3;
	v3 =	vld [tilespmem:$0x3F0]  }
0x2c8: {  	v2 =	vld.idx.msk [tilespmem:v2+s19+$0x0], $0xffff  }
0x2c9: {  	v1 =	vld.idx.msk [tilespmem:v1+s21+$0x0], $0xffff;
	_ =	sdelay $0x1  }
0x2ca: {  	v4 =	vand.u32 $0x7, v62  }
0x2cb: {  	v4 =	vor.u32 v63, v4;
	v3 =	vand.u32 $0x7, v3  }
0x2cc: {  	v3 =	vor.u32 v63, v3  }
0x2cd: {  	v1 =	vadd.f32 v1, v2;
	_ =	sdelay $0x1  }
0x2ce: {  	[tilespmem:$0x1A060] =	vst v1  }
0x2cf: {  	v1 =	vld.idx.msk [tilespmem:v4+s19+$0x0], $0xffff  }
0x2d0: {  	v2 =	vld.idx.msk [tilespmem:v3+s21+$0x0], $0xffff;
	_ =	sdelay $0x4  }
0x2d1: {  	v1 =	vadd.f32 v2, v1;
	_ =	sdelay $0x1  }
0x2d2: {  	s15 =	simm.s32 $0x0;
	[tilespmem:$0x1A070] =	vst v1  }
0x2d3: {  	[hbm4b:s10+s15] =	stream.linear.scatter [tilespmem:s24], [sflag:$0x7], $0x80, $0x38;
	[tilespmem:$0x1A190] =	vst v63  }
0x2d4: {  	_ =	swait.ge [sflag:s25], $0x4000  }
0x2d5: {  	[sflag:s25] =	ssyncset.done $0x0  }
0x2d6: {  	[sflag:s25] =	ssyncadd.s32 $0xFFFFC000  }
0x2d7: {  	_ =	swait.ge [sflag:s25], $0x4000  }
0x2d8: {  	[sflag:s25] =	ssyncset.done $0x0  }
0x2d9: {  	s15 =	simm.s32 $0x0;
	[sflag:s25] =	ssyncadd.s32 $0xFFFFC000  }
0x2da: {  	v1 =	vld [tilespmem:s15+$0x8F0]  }
0x2db: {  	v2 =	vld [tilespmem:s15+$0xC8F0]  }
0x2dc: {  	v3 =	vld [tilespmem:s15+$0x800]  }
0x2dd: {  	v4 =	vld [tilespmem:s15+$0xC800]  }
0x2de: {  	v5 =	vld [tilespmem:s15+$0x810]  }
0x2df: {  	v6 =	vld [tilespmem:s15+$0xC810]  }
0x2e0: {  	v7 =	vld [tilespmem:s15+$0x820]  }
0x2e1: {  	v61 =	vld [tilespmem:s15+$0xC820]  }
0x2e2: {  	v62 =	vld [tilespmem:s15+$0x830]  }
0x2e3: {  	v63 =	vld [tilespmem:s15+$0xC830]  }
0x2e4: {  	v24 =	vmul.f32 v25, v24;
	v25 =	vld [tilespmem:s15+$0x840]  }
0x2e5: {  	v26 =	vmul.f32 v28, v26;
	v28 =	vld [tilespmem:s15+$0xC840]  }
0x2e6: {  	v15 =	vadd.f32 v35, v15;
	v16 =	vadd.f32 v24, v16;
	v24 =	vmul.f32 v58, v27;
	v27 =	vld [tilespmem:s15+$0x850]  }
0x2e7: {  	v17 =	vadd.f32 v26, v17;
	v26 =	vmul.f32 v54, v51;
	v59 =	vmul.f32 v59, v55;
	v51 =	vld [tilespmem:s15+$0xC850]  }
0x2e8: {  	v60 =	vmul.f32 v60, v57;
	v24 =	vadd.f32 v24, v10;
	v10 =	vmul.f32 v56, v52;
	v54 =	vld [tilespmem:s15+$0x860]  }
0x2e9: {  	v26 =	vadd.f32 v26, v8;
	v12 =	vadd.f32 v59, v12;
	v8 =	vmul.f32 v53, v50;
	v35 =	vld [tilespmem:s15+$0xC860]  }
0x2ea: {  	v19 =	vadd.f32 v60, v19;
	v18 =	vadd.f32 v10, v18;
	v10 =	vmul.f32 v47, v42;
	v42 =	vld [tilespmem:s15+$0x870]  }
0x2eb: {  	v47 =	vadd.f32 v8, v20;
	v8 =	vmul.f32 v43, v39;
	v20 =	vmul.f32 v48, v44;
	v39 =	vld [tilespmem:s15+$0xC870]  }
0x2ec: {  	v48 =	vadd.f32 v10, v11;
	v10 =	vmul.f32 v45, v40;
	v11 =	vmul.f32 v49, v46;
	v50 =	vld [tilespmem:s15+$0x880]  }
0x2ed: {  	v52 =	vadd.f32 v8, v9;
	v13 =	vadd.f32 v20, v13;
	v8 =	vmul.f32 v41, v38;
	v53 =	vld [tilespmem:s15+$0xC880]  }
0x2ee: {  	v9 =	vmul.f32 v36, v31;
	v55 =	vadd.f32 v10, v21;
	v56 =	vadd.f32 v11, v22;
	v31 =	vld [tilespmem:s15+$0x890]  }
0x2ef: {  	v57 =	vadd.f32 v8, v23;
	v8 =	vmul.f32 v32, v29;
	v10 =	vmul.f32 v37, v33;
	v29 =	vld [tilespmem:s15+$0xC890]  }
0x2f0: {  	v58 =	vadd.f32 v9, v14;
	v9 =	vmul.f32 v34, v30;
	v59 =	vld [tilespmem:s15+$0xC8A0];
	v1 =	vmul.f32 v2, v1  }
0x2f1: {  	v11 =	vadd.f32 v8, v15;
	v10 =	vadd.f32 v10, v16;
	v60 =	vld [tilespmem:s15+$0x8B0];
	v3 =	vmul.f32 v4, v3  }
0x2f2: {  	v9 =	vadd.f32 v9, v17;
	v2 =	vld [tilespmem:s15+$0x8A0];
	v8 =	vadd.f32 v1, v24;
	v1 =	vmul.f32 v6, v5  }
0x2f3: {  	v21 =	vadd.f32 v3, v26;
	v3 =	vmul.f32 v61, v7;
	v6 =	vmul.f32 v63, v62;
	v7 =	vld [tilespmem:s15+$0xC8B0]  }
0x2f4: {  	v30 =	vld [tilespmem:s15+$0x8C0];
	v22 =	vadd.f32 v1, v12;
	v1 =	vmul.f32 v28, v25;
	v12 =	vmul.f32 v51, v27  }
0x2f5: {  	v23 =	vadd.f32 v3, v18;
	v20 =	vadd.f32 v6, v19;
	v3 =	vmul.f32 v35, v54;
	v6 =	vld [tilespmem:s15+$0xC8C0]  }
0x2f6: {  	v25 =	vld [tilespmem:s15+$0x8D0];
	v19 =	vadd.f32 v1, v47;
	v18 =	vadd.f32 v12, v48;
	v1 =	vmul.f32 v39, v42  }
0x2f7: {  	v27 =	vld [tilespmem:s15+$0xC8D0];
	v17 =	vadd.f32 v3, v52;
	v3 =	vmul.f32 v53, v50;
	v12 =	vmul.f32 v29, v31  }
0x2f8: {  	v26 =	vld [tilespmem:s15+$0x8E0];
	v16 =	vadd.f32 v1, v13;
	v1 =	vmul.f32 v59, v2;
	v2 =	vmul.f32 v7, v60  }
0x2f9: {  	s16 =	simm.s32 $0x100;
	v28 =	vld [tilespmem:s15+$0xC8E0];
	v15 =	vadd.f32 v3, v55;
	v14 =	vadd.f32 v12, v56  }
0x2fa: {  	v24 =	vld [tilespmem:s16+$0x8F0];
	s15 =	simm.s32 $0x800;
	v29 =	vmul.f32 v6, v30;
	v13 =	vadd.f32 v1, v57;
	v12 =	vadd.f32 v2, v58  }
.LBB2_8:
0x2fb: {  	p0 =	sne.s32 s15, $0xFC00;
	v1 =	vld [tilespmem:s16+$0xC8F0]  }
0x2fc: {  	v2 =	vld [tilespmem:s16+$0x800];
	v11 =	vadd.f32 v29, v11;
	v3 =	vmul.f32 v27, v25  }
0x2fd: {  	v4 =	vld [tilespmem:s16+$0xC800]  }
0x2fe: {  	v5 =	vld [tilespmem:s16+$0x810];
	v10 =	vadd.f32 v3, v10;
	v3 =	vmul.f32 v28, v26  }
0x2ff: {  	v6 =	vld [tilespmem:s16+$0xC810]  }
0x300: {  	v7 =	vld [tilespmem:s16+$0x820];
	v1 =	vmul.f32 v1, v24;
	v9 =	vadd.f32 v3, v9  }
0x301: {  	v3 =	vld [tilespmem:s16+$0xC820]  }
0x302: {  	v2 =	vmul.f32 v4, v2;
	v4 =	vld [tilespmem:s16+$0x830];
	v8 =	vadd.f32 v1, v8  }
0x303: {  	v1 =	vld [tilespmem:s16+$0xC830]  }
0x304: {  	v21 =	vadd.f32 v2, v21;
	v2 =	vmul.f32 v6, v5;
	v5 =	vld [tilespmem:s16+$0x840]  }
0x305: {  	v6 =	vld [tilespmem:s16+$0xC840]  }
0x306: {  	v22 =	vadd.f32 v2, v22;
	v2 =	vmul.f32 v3, v7;
	v3 =	vld [tilespmem:s16+$0x850]  }
0x307: {  	v7 =	vld [tilespmem:s16+$0xC850]  }
0x308: {  	v23 =	vadd.f32 v2, v23;
	v1 =	vmul.f32 v1, v4;
	v2 =	vld [tilespmem:s16+$0x860]  }
0x309: {  	v4 =	vld [tilespmem:s16+$0xC860]  }
0x30a: {  	v20 =	vadd.f32 v1, v20;
	v1 =	vmul.f32 v6, v5;
	v5 =	vld [tilespmem:s16+$0x870]  }
0x30b: {  	v6 =	vld [tilespmem:s16+$0xC870]  }
0x30c: {  	v19 =	vadd.f32 v1, v19;
	v1 =	vmul.f32 v7, v3;
	v3 =	vld [tilespmem:s16+$0x880]  }
0x30d: {  	v7 =	vld [tilespmem:s16+$0xC880]  }
0x30e: {  	v18 =	vadd.f32 v1, v18;
	v1 =	vmul.f32 v4, v2;
	v2 =	vld [tilespmem:s16+$0x890]  }
0x30f: {  	v4 =	vld [tilespmem:s16+$0xC890]  }
0x310: {  	v17 =	vadd.f32 v1, v17;
	v1 =	vmul.f32 v6, v5;
	v5 =	vld [tilespmem:s16+$0x8A0]  }
0x311: {  	v6 =	vld [tilespmem:s16+$0xC8A0]  }
0x312: {  	v16 =	vadd.f32 v1, v16;
	v1 =	vmul.f32 v7, v3;
	v3 =	vld [tilespmem:s16+$0x8B0]  }
0x313: {  	v7 =	vld [tilespmem:s16+$0xC8B0]  }
0x314: {  	v15 =	vadd.f32 v1, v15;
	v1 =	vmul.f32 v4, v2;
	v2 =	vld [tilespmem:s16+$0x8C0]  }
0x315: {  	v4 =	vld [tilespmem:s16+$0xC8C0]  }
.Ltmp3:
0x316: {  	v14 =	vadd.f32 v1, v14;
	v1 =	vmul.f32 v6, v5;
	v25 =	vld [tilespmem:s16+$0x8D0];
	(pc) =	sbr.rel @p0 .LBB2_8-.Ltmp3, $4  }
0x317: {  	v27 =	vld [tilespmem:s16+$0xC8D0]  }
0x318: {  	v13 =	vadd.f32 v1, v13;
	v1 =	vmul.f32 v7, v3;
	v26 =	vld [tilespmem:s16+$0x8E0]  }
0x319: {  	v28 =	vld [tilespmem:s16+$0xC8E0];
	s16 =	sshra.s32 s15, $0x2  }
0x31a: {  	s15 =	sadd.s32 $0x400, s15;
	v24 =	vld [tilespmem:s16+$0x8F0];
	v12 =	vadd.f32 v1, v12;
	v29 =	vmul.f32 v4, v2  }
0x31b: {  	v1 =	vld [tilespmem:s16+$0x800]  }
0x31c: {  	v2 =	vld [tilespmem:s16+$0xC800]  }
0x31d: {  	v3 =	vld [tilespmem:s16+$0x810]  }
0x31e: {  	v4 =	vld [tilespmem:s16+$0xC810]  }
0x31f: {  	v5 =	vld [tilespmem:s16+$0x820]  }
0x320: {  	v6 =	vld [tilespmem:s16+$0xC820]  }
0x321: {  	v7 =	vld [tilespmem:s16+$0x830]  }
0x322: {  	v30 =	vld [tilespmem:s16+$0xC830]  }
0x323: {  	v41 =	vld [tilespmem:s16+$0xC840]  }
0x324: {  	v42 =	vld [tilespmem:s16+$0x850];
	v1 =	vmul.f32 v2, v1;
	v2 =	vmul.f32 v4, v3  }
0x325: {  	v3 =	vld [tilespmem:s16+$0x840]  }
0x326: {  	v43 =	vld [tilespmem:s16+$0xC850];
	v5 =	vmul.f32 v6, v5;
	v1 =	vadd.f32 v1, v21;
	v2 =	vadd.f32 v2, v22  }
0x327: {  	v44 =	vld [tilespmem:s16+$0x860]  }
0x328: {  	v45 =	vld [tilespmem:s16+$0x870];
	v7 =	vmul.f32 v30, v7;
	v5 =	vadd.f32 v5, v23;
	v1 =	vadd.f32 v2, v1  }
0x329: {  	v2 =	vld [tilespmem:s16+$0xC860]  }
0x32a: {  	v46 =	vld [tilespmem:s16+$0xC870];
	v7 =	vadd.f32 v7, v20;
	v3 =	vmul.f32 v41, v3;
	v1 =	vadd.f32 v5, v1  }
0x32b: {  	v47 =	vld [tilespmem:s16+$0x880]  }
0x32c: {  	v48 =	vld [tilespmem:s16+$0xC880];
	v6 =	vmul.f32 v43, v42;
	v3 =	vadd.f32 v3, v19;
	v1 =	vadd.f32 v7, v1  }
0x32d: {  	v49 =	vld [tilespmem:s16+$0x890]  }
0x32e: {  	v50 =	vld [tilespmem:s16+$0x8A0];
	v6 =	vadd.f32 v6, v18;
	v2 =	vmul.f32 v2, v44;
	v1 =	vadd.f32 v3, v1  }
0x32f: {  	v3 =	vld [tilespmem:s16+$0xC890]  }
0x330: {  	v51 =	vld [tilespmem:s16+$0xC8A0];
	v4 =	vmul.f32 v46, v45;
	v2 =	vadd.f32 v2, v17;
	v1 =	vadd.f32 v6, v1  }
0x331: {  	v52 =	vld [tilespmem:s16+$0x8B0]  }
0x332: {  	v53 =	vld [tilespmem:s16+$0x8C0];
	v4 =	vadd.f32 v4, v16;
	v7 =	vmul.f32 v48, v47;
	v1 =	vadd.f32 v2, v1  }
0x333: {  	v2 =	vld [tilespmem:s16+$0xC8B0]  }
0x334: {  	v54 =	vld [tilespmem:s16+$0xC8C0];
	v7 =	vadd.f32 v7, v15;
	v3 =	vmul.f32 v3, v49;
	v1 =	vadd.f32 v4, v1  }
0x335: {  	v55 =	vld [tilespmem:s16+$0x8D0]  }
0x336: {  	v56 =	vld [tilespmem:s16+$0xC8D0];
	v5 =	vmul.f32 v51, v50;
	v3 =	vadd.f32 v3, v14;
	v1 =	vadd.f32 v7, v1;
	_ =	sdelay $0x1  }
0x337: {  	v57 =	vld [tilespmem:s16+$0x8E0];
	v5 =	vadd.f32 v5, v13;
	v2 =	vmul.f32 v2, v52;
	v1 =	vadd.f32 v3, v1  }
0x338: {  	v59 =	vld [tilespmem:s16+$0xC8E0];
	v58 =	vmul.f32 v27, v25;
	v3 =	vadd.f32 v29, v11  }
0x339: {  	v4 =	vmul.f32 v54, v53;
	v2 =	vadd.f32 v2, v12;
	v1 =	vadd.f32 v5, v1  }
0x33a: {  	v60 =	vld [tilespmem:s16+$0xC8F0];
	v10 =	vadd.f32 v58, v10;
	v62 =	vmul.f32 v56, v55  }
0x33b: {  	v61 =	vmul.f32 v28, v26;
	v3 =	vadd.f32 v4, v3;
	v1 =	vadd.f32 v2, v1  }
0x33c: {  	v4 =	vadd.f32 v62, v10  }
0x33d: {  	v63 =	vmul.f32 v59, v57;
	v2 =	vadd.f32 v61, v9;
	v1 =	vadd.f32 v3, v1;
	_ =	sdelay $0x1  }
0x33e: {  	v3 =	vmul.f32 v60, v24;
	v2 =	vadd.f32 v63, v2;
	v1 =	vadd.f32 v4, v1;
	_ =	sdelay $0x1  }
0x33f: {  	v3 =	vadd.f32 v3, v8;
	v1 =	vadd.f32 v2, v1;
	_ =	sdelay $0x1  }
0x340: {  	v1 =	vadd.f32 v3, v1;
	_ =	sdelay $0x1  }
0x341: {  	[tilespmem:$0x1A180] =	vst v1  }
0x342: {  	_ =	swait.ge [sflag:s2], $0x80  }
0x343: {  	[sflag:s2] =	ssyncset.done $0x0  }
0x344: {  	[sflag:s2] =	ssyncadd.s32 $0xFFFFFF80  }
0x345: {  	_ =	swait.ge [sflag:s2], $0x80  }
0x346: {  	[sflag:s2] =	ssyncset.done $0x0  }
0x347: {  	[sflag:s2] =	ssyncadd.s32 $0xFFFFFF80  }
0x348: {  	_ =	swait.ge [sflag:s2], $0x80  }
0x349: {  	[sflag:s2] =	ssyncset.done $0x0  }
0x34a: {  	[sflag:s2] =	ssyncadd.s32 $0xFFFFFF80  }
0x34b: {  	s30 =	sadd.s32 $0x1, s30;
	_ =	swait.ge [sflag:s2], $0x80  }
0x34c: {  	p0 =	sne.s32 s30, s12;
	[sflag:s2] =	ssyncset.done $0x0  }
.Ltmp4:
0x34d: {  	s15 =	simm.s32 $0x1A180;
	[sflag:s2] =	ssyncadd.s32 $0xFFFFFF80;
	(pc) =	sbr.rel @p0 .LBB2_1-.Ltmp4, $4  }
0x34e: {  	[hbm4b:s11+s4] =	stream.linear.scatter [tilespmem:s15], [sflag:$0x8], $0x10, $0x38;
	[tilespmem:$0x1A190] =	vst v63  }
0x34f: {  	_ =	swait.ge [sflag:s13], $0x10  }
0x350: {  	[sflag:s13] =	ssyncset.done $0x0  }
0x351: {  	[sflag:s13] =	ssyncadd.s32 $0xFFFFFFF0  }
0x352: {  	_ =	sfence.sel $0x180000  }
0x353: {  	[bflag:$0x0] =	sbarrier.arrive $0xFFFF  }
0x354: {  	_ =	strace $0x90000047  }
0x355: {  	s0 =	stileid.u32;
	[bflag:$0x2] =	sbarrier.arrive $0xFFFF  }
0x356: {  	p0 =	sne.s32 s0, $0x0;
	s0 =	rddreg [dreg:$0x4]  }
0x357: {  	s0 =	sadd.s32 @!p0 $0x100000, s0  }
0x358: {  	[sflag:s0] =	ssyncadd.tile.s32 @!p0 $0x1;
	_ =	shalt  }
.Lfunc_end2:
_tile_overlayer_lowered:
.L_overlay_start_2:
0x359: {  	(tag) =	ssettag $0x2  }
0x35a: {  	s0 =	rddreg [dreg:$0x0];
	s2 =	stileid.u32  }
0x35b: {  	s1 =	rddreg [dreg:$0x1];
	p0 =	sne.s32 s2, $0x0  }
0x35c: {  	s3 =	rddreg [dreg:$0x2];
	[bflag:$0x3] =	sbarrier.arrive $0xFFFF;
	s2 =	simm.s32 @!p0 $0x1C08  }
0x35d: {  	[timem:s3], [sflag:s2] =	dma.local @!p0 [hbm:s0], s1  }
0x35e: {  	s0 =	simm.s32 @!p0 $0x8  }
0x35f: {  	_ =	swait.ge @!p0 [sflag:s0], s1  }
0x360: {  	s1 =	ssub.s32 @!p0 $0x0, s1;
	[sflag:s0] =	ssyncset.done @!p0 $0x0  }
0x361: {  	[sflag:s0] =	ssyncadd.s32 @!p0 s1  }
0x362: {  	[bflag:$0x3] =	sbarrier.arrive $0xFFFF  }
0x363: {  	_ =	shalt  }

</sc_bundles>
